<compile_context>
chip_gen: v7x
topology: tpu7x:2x2x1
jax: 0.10.2.dev20260603
libtpu: 0.0.44.dev20260713+nightly
codegen_flags: <defaults>
</compile_context>

<pallas_src>
import functools

import jax
import jax.numpy as jnp
from jax import lax
from jax.experimental import pallas as pl
from jax.experimental.pallas import tpu as pltpu
from jax.experimental.pallas import tpu_sc as plsc

V = 65
B, T = 64, 2048
N = B * T

NC, NS, L = 2, 16, 16
NW = NC * NS
BG, TG = 8, 4
BB, TB = B // BG, T // TG
VC = 13
NSL = V // VC


def _prep_body(table_ref, nll_ref, tabt_ref):
    x = table_ref[...]
    m = jnp.max(x, axis=-1, keepdims=True)
    lse = m + jnp.log(jnp.sum(jnp.exp(x - m), axis=-1, keepdims=True))
    nll_ref[...] = lse - x
    tabt_ref[...] = x.T


_prep = pl.pallas_call(
    _prep_body,
    out_shape=(
        jax.ShapeDtypeStruct((V, V), jnp.float32),
        jax.ShapeDtypeStruct((V, V), jnp.float32),
    ),
)


_sc_mesh = plsc.VectorSubcoreMesh(
    core_axis_name="c", subcore_axis_name="s", num_cores=NC, num_subcores=NS
)


@functools.partial(
    pl.kernel,
    out_type=(
        jax.ShapeDtypeStruct((V, B, T), jnp.float32),
        jax.ShapeDtypeStruct((NW, L), jnp.float32),
    ),
    mesh=_sc_mesh,
    compiler_params=pltpu.CompilerParams(
        needs_layout_passes=False, use_tc_tiling_on_sc=True,
        disable_bounds_checks=True,
    ),
    scratch_types=[
        pltpu.VMEM((BB, TB), jnp.int32),
        pltpu.VMEM((BB, TB), jnp.int32),
        pltpu.VMEM((VC, BB, TB), jnp.float32),
        pltpu.VMEM((VC, BB, TB), jnp.float32),
        pltpu.VMEM((V * V,), jnp.float32),
        pltpu.VMEM((V * V,), jnp.float32),
        pltpu.VMEM((L,), jnp.float32),
        pltpu.SemaphoreType.DMA,
        pltpu.SemaphoreType.DMA,
        pltpu.SemaphoreType.DMA,
        pltpu.SemaphoreType.DMA,
    ],
)
def _sc_body(inp_hbm, tgt_hbm, tabt_hbm, nll_hbm, out_hbm, part_hbm,
             idx_v, tgt_v, slab_a, slab_b, tabt_v, nll_v, part_v,
             sem_a, sem_b, sem_c, sem_d):
    wid = lax.axis_index("s") * NC + lax.axis_index("c")
    bg = wid // TG
    tg = wid - bg * TG
    b0 = bg * BB
    t0 = tg * TB

    tab_dma = pltpu.async_copy(tabt_hbm, tabt_v, sem_a)
    idx_dma = pltpu.async_copy(
        inp_hbm.at[pl.ds(b0, BB), pl.ds(t0, TB)], idx_v, sem_b
    )
    tgt_dma = pltpu.async_copy(
        tgt_hbm.at[pl.ds(b0, BB), pl.ds(t0, TB)], tgt_v, sem_c
    )
    nll_dma = pltpu.async_copy(nll_hbm, nll_v, sem_d)
    tab_dma.wait()
    idx_dma.wait()

    bufs = (slab_a, slab_b)
    sems = (sem_a, sem_b)
    pending = [None, None]
    for s in range(NSL):
        slot = s % 2
        buf = bufs[slot]
        if pending[slot] is not None:
            pending[slot].wait()

        def row(bq, carry, _s=s, _buf=buf):
            def build(tq):
                iv = idx_v[bq, pl.ds(tq * L, L)]
                for vi in range(VC):
                    _buf[vi, bq, pl.ds(tq * L, L)] = plsc.load_gather(
                        tabt_v, [iv + (_s * VC + vi) * V]
                    )

            plsc.parallel_loop(0, TB // L, unroll=16)(build)
            return carry

        lax.fori_loop(0, BB, row, 0)
        pending[slot] = pltpu.async_copy(
            buf,
            out_hbm.at[pl.ds(s * VC, VC), pl.ds(b0, BB), pl.ds(t0, TB)],
            sems[slot],
        )

    tgt_dma.wait()
    nll_dma.wait()
    total = jnp.zeros((L,), jnp.float32)
    for bq in range(BB):
        def loss_group(tq, acc, _bq=bq):
            iv = idx_v[_bq, pl.ds(tq * L, L)]
            tv = tgt_v[_bq, pl.ds(tq * L, L)]
            return acc + plsc.load_gather(nll_v, [iv * V + tv])

        total = plsc.parallel_loop(0, TB // L, unroll=8, carry=total)(
            loss_group
        )
    part_v[...] = total * (1.0 / N)
    pltpu.sync_copy(part_v, part_hbm.at[wid])

    pending[0].wait()
    pending[1].wait()


def kernel(input, target, table):
    nll, tabt = _prep(table)
    logits_vbt, parts = _sc_body(
        input, target, tabt.reshape(V * V), nll.reshape(V * V)
    )
    return jnp.transpose(logits_vbt, (1, 2, 0)), jnp.sum(parts)

# --- scband reference (transcript-rebuilt; emitter-appended) ---
"""Pipeline reference for scband-bigram-model-17746804867407 (READ-ONLY COPY).

The authoritative reference and input builder live on the scoring server;
editing this copy changes nothing except your own understanding.
"""

import jax, jax.numpy as jnp
import numpy as np

VOCAB_SIZE = 65


def setup_inputs(seed: int = 0) -> dict:
    key = jax.random.key(seed)
    k1, k2, k3 = jax.random.split(key, 3)
    inp = jax.random.randint(k1, (64, 2048), 0, VOCAB_SIZE, dtype=jnp.int32)
    target = jax.random.randint(k2, (64, 2048), 0, VOCAB_SIZE, dtype=jnp.int32)
    # Learned parameter: nn.Embedding(VOCAB_SIZE, VOCAB_SIZE) weight
    table = jax.random.normal(k3, (VOCAB_SIZE, VOCAB_SIZE), dtype=jnp.float32)
    return {"input": inp, "target": target, "table": table}


def reference(input, target, table):
    # logits = self.embedding(input)  -> gather rows of table
    logits = jnp.take(table, input, axis=0)  # [B, T, V]
    # CrossEntropyLoss(permute(logits,(0,2,1)), target) with mean reduction
    logp = jax.nn.log_softmax(logits, axis=-1)
    nll = -jnp.take_along_axis(logp, target[..., None], axis=-1)[..., 0]  # [B, T]
    loss = jnp.mean(nll)
    return (logits, loss)

if __name__ == "__main__":
    import jax
    _d = setup_inputs()
    print(jax.jit(kernel)(*tuple(_d.values())))

</pallas_src>

<mosaic_0001>
#map = affine_map<(d0, d1) -> (0, 0)>
#map1 = affine_map<(d0, d1) -> (0)>
#map2 = affine_map<(d0, d1) -> (0, 0, 0)>
module attributes {stable_mosaic.version = 14 : i64} {
  func.func @_sc_body(%arg0: i32, %arg1: i32, %arg2: memref<64x2048xi32, #tpu.memory_space<hbm>>, %arg3: memref<64x2048xi32, #tpu.memory_space<hbm>>, %arg4: memref<4225xf32, #tpu.memory_space<hbm>>, %arg5: memref<4225xf32, #tpu.memory_space<hbm>>, %arg6: memref<65x64x2048xf32, #tpu.memory_space<hbm>>, %arg7: memref<32x16xf32, #tpu.memory_space<hbm>>, %arg8: memref<8x512xi32, #tpu.memory_space<vmem>>, %arg9: memref<8x512xi32, #tpu.memory_space<vmem>>, %arg10: memref<13x8x512xf32, #tpu.memory_space<vmem>>, %arg11: memref<13x8x512xf32, #tpu.memory_space<vmem>>, %arg12: memref<4225xf32, #tpu.memory_space<vmem>>, %arg13: memref<4225xf32, #tpu.memory_space<vmem>>, %arg14: memref<16xf32, #tpu.memory_space<vmem>>, %arg15: memref<!tpu.dma_semaphore, #tpu.memory_space<semaphore_mem>>, %arg16: memref<!tpu.dma_semaphore, #tpu.memory_space<semaphore_mem>>, %arg17: memref<!tpu.dma_semaphore, #tpu.memory_space<semaphore_mem>>, %arg18: memref<!tpu.dma_semaphore, #tpu.memory_space<semaphore_mem>>) attributes {dimension_semantics = [#tpu.dimension_semantics<core_parallel>, #tpu.dimension_semantics<subcore_parallel>], iteration_bounds = array<i64: 2, 16>, scalar_prefetch = 0 : i64, scratch_operands = 11 : i64, tpu.core_type = #tpu.core_type<sc_vector_subcore>, window_params = [{transform_indices = #map}, {transform_indices = #map}, {transform_indices = #map1}, {transform_indices = #map1}, {transform_indices = #map2}, {transform_indices = #map}]} {
    %mul3A = arith.constant 2 : i32
    %mul3A_0 = arith.muli %arg1, %mul3A : i32
    %add3A = arith.addi %mul3A_0, %arg0 : i32
    %jit3A = arith.constant 4 : i32
    %div3A = arith.divsi %add3A, %jit3A : i32
    %sign3A = arith.constant 0 : i32
    %sign3A_1 = arith.cmpi sgt, %add3A, %sign3A : i32
    %sign3A_2 = arith.extui %sign3A_1 : i1 to i32
    %sign3A_3 = arith.constant 0 : i32
    %sign3A_4 = arith.cmpi slt, %add3A, %sign3A_3 : i32
    %sign3A_5 = arith.extui %sign3A_4 : i1 to i32
    %sign3A_6 = arith.subi %sign3A_2, %sign3A_5 : i32
    %sign3A_7 = arith.constant 0 : i32
    %sign3A_8 = arith.cmpi sgt, %jit3A, %sign3A_7 : i32
    %sign3A_9 = arith.extui %sign3A_8 : i1 to i32
    %sign3A_10 = arith.constant 0 : i32
    %sign3A_11 = arith.cmpi slt, %jit3A, %sign3A_10 : i32
    %sign3A_12 = arith.extui %sign3A_11 : i1 to i32
    %sign3A_13 = arith.subi %sign3A_9, %sign3A_12 : i32
    %ne3A = arith.cmpi ne, %sign3A_6, %sign3A_13 : i32
    %rem3A = arith.remsi %add3A, %jit3A : i32
    %ne3A_14 = arith.constant 0 : i32
    %ne3A_15 = arith.cmpi ne, %rem3A, %ne3A_14 : i32
    %and3A = arith.andi %ne3A, %ne3A_15 : i1
    %sub3A = arith.constant 1 : i32
    %sub3A_16 = arith.subi %div3A, %sub3A : i32
    %select_n3A = arith.select %and3A, %sub3A_16, %div3A : i32
    %mul3A_17 = arith.constant 4 : i32
    %mul3A_18 = arith.muli %select_n3A, %mul3A_17 : i32
    %sub3A_19 = arith.subi %add3A, %mul3A_18 : i32
    %mul3A_20 = arith.constant 8 : i32
    %mul3A_21 = arith.muli %select_n3A, %mul3A_20 : i32
    %mul3A_22 = arith.constant 512 : i32
    %mul3A_23 = arith.muli %sub3A_19, %mul3A_22 : i32
    tpu.enqueue_dma source(%arg4 : memref<4225xf32, #tpu.memory_space<hbm>>) target(%arg12 : memref<4225xf32, #tpu.memory_space<vmem>>) target_semaphore(%arg15 : memref<!tpu.dma_semaphore, #tpu.memory_space<semaphore_mem>>)
    %dma_start3A = tpu.memref_slice %arg2[%mul3A_21, %mul3A_23] : memref<64x2048xi32, #tpu.memory_space<hbm>> -> memref<8x512xi32, #tpu.memory_space<hbm>>
    %dma_start3A_24 = tpu.memref_slice %arg2[%mul3A_21, %mul3A_23] : memref<64x2048xi32, #tpu.memory_space<hbm>> -> memref<8x512xi32, #tpu.memory_space<hbm>>
    tpu.enqueue_dma source(%dma_start3A_24 : memref<8x512xi32, #tpu.memory_space<hbm>>) target(%arg8 : memref<8x512xi32, #tpu.memory_space<vmem>>) target_semaphore(%arg16 : memref<!tpu.dma_semaphore, #tpu.memory_space<semaphore_mem>>)
    %dma_start3A_25 = tpu.memref_slice %arg3[%mul3A_21, %mul3A_23] : memref<64x2048xi32, #tpu.memory_space<hbm>> -> memref<8x512xi32, #tpu.memory_space<hbm>>
    %dma_start3A_26 = tpu.memref_slice %arg3[%mul3A_21, %mul3A_23] : memref<64x2048xi32, #tpu.memory_space<hbm>> -> memref<8x512xi32, #tpu.memory_space<hbm>>
    tpu.enqueue_dma source(%dma_start3A_26 : memref<8x512xi32, #tpu.memory_space<hbm>>) target(%arg9 : memref<8x512xi32, #tpu.memory_space<vmem>>) target_semaphore(%arg17 : memref<!tpu.dma_semaphore, #tpu.memory_space<semaphore_mem>>)
    tpu.enqueue_dma source(%arg5 : memref<4225xf32, #tpu.memory_space<hbm>>) target(%arg13 : memref<4225xf32, #tpu.memory_space<vmem>>) target_semaphore(%arg18 : memref<!tpu.dma_semaphore, #tpu.memory_space<semaphore_mem>>)
    tpu.wait_dma2 semaphore(%arg15 : memref<!tpu.dma_semaphore, #tpu.memory_space<semaphore_mem>>) src(%arg4 : memref<4225xf32, #tpu.memory_space<hbm>>) dst(%arg12 : memref<4225xf32, #tpu.memory_space<vmem>>)
    %dma_wait3A = tpu.memref_slice %arg2[%mul3A_21, %mul3A_23] : memref<64x2048xi32, #tpu.memory_space<hbm>> -> memref<8x512xi32, #tpu.memory_space<hbm>>
    %dma_wait3A_27 = tpu.memref_slice %arg2[%mul3A_21, %mul3A_23] : memref<64x2048xi32, #tpu.memory_space<hbm>> -> memref<8x512xi32, #tpu.memory_space<hbm>>
    tpu.wait_dma2 semaphore(%arg16 : memref<!tpu.dma_semaphore, #tpu.memory_space<semaphore_mem>>) src(%dma_wait3A_27 : memref<8x512xi32, #tpu.memory_space<hbm>>) dst(%arg8 : memref<8x512xi32, #tpu.memory_space<vmem>>)
    %scan3A = arith.constant 0 : i32
    %scan3A_28 = arith.constant 0 : i32
    %scan3A_29 = arith.constant 8 : i32
    %scan3A_30 = arith.addi %scan3A_28, %scan3A_29 : i32
    %scan3A_31 = arith.constant 1 : i32
    scf.for %scan3A_135 = %scan3A_28 to %scan3A_30 step %scan3A_31  : i32 {
      %parallel_loop3A_136 = arith.constant 0 : i32
      %parallel_loop3A_137 = arith.constant 32 : i32
      %parallel_loop3A_138 = arith.constant 1 : i32
      scf.for %parallel_loop3A_139 = %parallel_loop3A_136 to %parallel_loop3A_137 step %parallel_loop3A_138  : i32 {
        %parallel_loop3A_140 = arith.constant 16 : i32
        %parallel_loop3A_141 = arith.muli %parallel_loop3A_139, %parallel_loop3A_140 : i32
        %parallel_loop3A_142 = arith.index_cast %scan3A_135 : i32 to index
        %parallel_loop3A_143 = arith.index_cast %parallel_loop3A_141 : i32 to index
        %parallel_loop3A_144 = tpu.vector_load %arg8[%parallel_loop3A_142, %parallel_loop3A_143] {strides = array<i32>} : memref<8x512xi32, #tpu.memory_space<vmem>>, vector<16xi32>,
        %parallel_loop3A_145 = arith.constant 0 : i32
        %parallel_loop3A_146 = vector.broadcast %parallel_loop3A_145 : i32 to vector<16xi32>
        %parallel_loop3A_147 = arith.addi %parallel_loop3A_144, %parallel_loop3A_146 : vector<16xi32>
        %parallel_loop3A_148 = tpu.vector_load_idx %arg12[%parallel_loop3A_147] : memref<4225xf32, #tpu.memory_space<vmem>>[vector<16xi32>], vector<16xf32>,
        %parallel_loop3A_149 = arith.constant 16 : i32
        %parallel_loop3A_150 = arith.muli %parallel_loop3A_139, %parallel_loop3A_149 : i32
        %parallel_loop3A_151 = arith.constant 0 : i32
        %parallel_loop3A_152 = arith.index_cast %parallel_loop3A_151 : i32 to index
        %parallel_loop3A_153 = arith.index_cast %scan3A_135 : i32 to index
        %parallel_loop3A_154 = arith.index_cast %parallel_loop3A_150 : i32 to index
        %parallel_loop3A_155 = tpu.vector_load %arg10[%parallel_loop3A_152, %parallel_loop3A_153, %parallel_loop3A_154] {strides = array<i32>} : memref<13x8x512xf32, #tpu.memory_space<vmem>>, vector<16xf32>,
        tpu.vector_store %arg10[%parallel_loop3A_152, %parallel_loop3A_153, %parallel_loop3A_154], %parallel_loop3A_148 {strides = array<i32>} : memref<13x8x512xf32, #tpu.memory_space<vmem>>, vector<16xf32>,
        %parallel_loop3A_156 = arith.constant 65 : i32
        %parallel_loop3A_157 = vector.broadcast %parallel_loop3A_156 : i32 to vector<16xi32>
        %parallel_loop3A_158 = arith.addi %parallel_loop3A_144, %parallel_loop3A_157 : vector<16xi32>
        %parallel_loop3A_159 = tpu.vector_load_idx %arg12[%parallel_loop3A_158] : memref<4225xf32, #tpu.memory_space<vmem>>[vector<16xi32>], vector<16xf32>,
        %parallel_loop3A_160 = arith.constant 16 : i32
        %parallel_loop3A_161 = arith.muli %parallel_loop3A_139, %parallel_loop3A_160 : i32
        %parallel_loop3A_162 = arith.constant 1 : i32
        %parallel_loop3A_163 = arith.index_cast %parallel_loop3A_162 : i32 to index
        %parallel_loop3A_164 = arith.index_cast %scan3A_135 : i32 to index
        %parallel_loop3A_165 = arith.index_cast %parallel_loop3A_161 : i32 to index
        %parallel_loop3A_166 = tpu.vector_load %arg10[%parallel_loop3A_163, %parallel_loop3A_164, %parallel_loop3A_165] {strides = array<i32>} : memref<13x8x512xf32, #tpu.memory_space<vmem>>, vector<16xf32>,
        tpu.vector_store %arg10[%parallel_loop3A_163, %parallel_loop3A_164, %parallel_loop3A_165], %parallel_loop3A_159 {strides = array<i32>} : memref<13x8x512xf32, #tpu.memory_space<vmem>>, vector<16xf32>,
        %parallel_loop3A_167 = arith.constant 130 : i32
        %parallel_loop3A_168 = vector.broadcast %parallel_loop3A_167 : i32 to vector<16xi32>
        %parallel_loop3A_169 = arith.addi %parallel_loop3A_144, %parallel_loop3A_168 : vector<16xi32>
        %parallel_loop3A_170 = tpu.vector_load_idx %arg12[%parallel_loop3A_169] : memref<4225xf32, #tpu.memory_space<vmem>>[vector<16xi32>], vector<16xf32>,
        %parallel_loop3A_171 = arith.constant 16 : i32
        %parallel_loop3A_172 = arith.muli %parallel_loop3A_139, %parallel_loop3A_171 : i32
        %parallel_loop3A_173 = arith.constant 2 : i32
        %parallel_loop3A_174 = arith.index_cast %parallel_loop3A_173 : i32 to index
        %parallel_loop3A_175 = arith.index_cast %scan3A_135 : i32 to index
        %parallel_loop3A_176 = arith.index_cast %parallel_loop3A_172 : i32 to index
        %parallel_loop3A_177 = tpu.vector_load %arg10[%parallel_loop3A_174, %parallel_loop3A_175, %parallel_loop3A_176] {strides = array<i32>} : memref<13x8x512xf32, #tpu.memory_space<vmem>>, vector<16xf32>,
        tpu.vector_store %arg10[%parallel_loop3A_174, %parallel_loop3A_175, %parallel_loop3A_176], %parallel_loop3A_170 {strides = array<i32>} : memref<13x8x512xf32, #tpu.memory_space<vmem>>, vector<16xf32>,
        %parallel_loop3A_178 = arith.constant 195 : i32
        %parallel_loop3A_179 = vector.broadcast %parallel_loop3A_178 : i32 to vector<16xi32>
        %parallel_loop3A_180 = arith.addi %parallel_loop3A_144, %parallel_loop3A_179 : vector<16xi32>
        %parallel_loop3A_181 = tpu.vector_load_idx %arg12[%parallel_loop3A_180] : memref<4225xf32, #tpu.memory_space<vmem>>[vector<16xi32>], vector<16xf32>,
        %parallel_loop3A_182 = arith.constant 16 : i32
        %parallel_loop3A_183 = arith.muli %parallel_loop3A_139, %parallel_loop3A_182 : i32
        %parallel_loop3A_184 = arith.constant 3 : i32
        %parallel_loop3A_185 = arith.index_cast %parallel_loop3A_184 : i32 to index
        %parallel_loop3A_186 = arith.index_cast %scan3A_135 : i32 to index
        %parallel_loop3A_187 = arith.index_cast %parallel_loop3A_183 : i32 to index
        %parallel_loop3A_188 = tpu.vector_load %arg10[%parallel_loop3A_185, %parallel_loop3A_186, %parallel_loop3A_187] {strides = array<i32>} : memref<13x8x512xf32, #tpu.memory_space<vmem>>, vector<16xf32>,
        tpu.vector_store %arg10[%parallel_loop3A_185, %parallel_loop3A_186, %parallel_loop3A_187], %parallel_loop3A_181 {strides = array<i32>} : memref<13x8x512xf32, #tpu.memory_space<vmem>>, vector<16xf32>,
        %parallel_loop3A_189 = arith.constant 260 : i32
        %parallel_loop3A_190 = vector.broadcast %parallel_loop3A_189 : i32 to vector<16xi32>
        %parallel_loop3A_191 = arith.addi %parallel_loop3A_144, %parallel_loop3A_190 : vector<16xi32>
        %parallel_loop3A_192 = tpu.vector_load_idx %arg12[%parallel_loop3A_191] : memref<4225xf32, #tpu.memory_space<vmem>>[vector<16xi32>], vector<16xf32>,
        %parallel_loop3A_193 = arith.constant 16 : i32
        %parallel_loop3A_194 = arith.muli %parallel_loop3A_139, %parallel_loop3A_193 : i32
        %parallel_loop3A_195 = arith.constant 4 : i32
        %parallel_loop3A_196 = arith.index_cast %parallel_loop3A_195 : i32 to index
        %parallel_loop3A_197 = arith.index_cast %scan3A_135 : i32 to index
        %parallel_loop3A_198 = arith.index_cast %parallel_loop3A_194 : i32 to index
        %parallel_loop3A_199 = tpu.vector_load %arg10[%parallel_loop3A_196, %parallel_loop3A_197, %parallel_loop3A_198] {strides = array<i32>} : memref<13x8x512xf32, #tpu.memory_space<vmem>>, vector<16xf32>,
        tpu.vector_store %arg10[%parallel_loop3A_196, %parallel_loop3A_197, %parallel_loop3A_198], %parallel_loop3A_192 {strides = array<i32>} : memref<13x8x512xf32, #tpu.memory_space<vmem>>, vector<16xf32>,
        %parallel_loop3A_200 = arith.constant 325 : i32
        %parallel_loop3A_201 = vector.broadcast %parallel_loop3A_200 : i32 to vector<16xi32>
        %parallel_loop3A_202 = arith.addi %parallel_loop3A_144, %parallel_loop3A_201 : vector<16xi32>
        %parallel_loop3A_203 = tpu.vector_load_idx %arg12[%parallel_loop3A_202] : memref<4225xf32, #tpu.memory_space<vmem>>[vector<16xi32>], vector<16xf32>,
        %parallel_loop3A_204 = arith.constant 16 : i32
        %parallel_loop3A_205 = arith.muli %parallel_loop3A_139, %parallel_loop3A_204 : i32
        %parallel_loop3A_206 = arith.constant 5 : i32
        %parallel_loop3A_207 = arith.index_cast %parallel_loop3A_206 : i32 to index
        %parallel_loop3A_208 = arith.index_cast %scan3A_135 : i32 to index
        %parallel_loop3A_209 = arith.index_cast %parallel_loop3A_205 : i32 to index
        %parallel_loop3A_210 = tpu.vector_load %arg10[%parallel_loop3A_207, %parallel_loop3A_208, %parallel_loop3A_209] {strides = array<i32>} : memref<13x8x512xf32, #tpu.memory_space<vmem>>, vector<16xf32>,
        tpu.vector_store %arg10[%parallel_loop3A_207, %parallel_loop3A_208, %parallel_loop3A_209], %parallel_loop3A_203 {strides = array<i32>} : memref<13x8x512xf32, #tpu.memory_space<vmem>>, vector<16xf32>,
        %parallel_loop3A_211 = arith.constant 390 : i32
        %parallel_loop3A_212 = vector.broadcast %parallel_loop3A_211 : i32 to vector<16xi32>
        %parallel_loop3A_213 = arith.addi %parallel_loop3A_144, %parallel_loop3A_212 : vector<16xi32>
        %parallel_loop3A_214 = tpu.vector_load_idx %arg12[%parallel_loop3A_213] : memref<4225xf32, #tpu.memory_space<vmem>>[vector<16xi32>], vector<16xf32>,
        %parallel_loop3A_215 = arith.constant 16 : i32
        %parallel_loop3A_216 = arith.muli %parallel_loop3A_139, %parallel_loop3A_215 : i32
        %parallel_loop3A_217 = arith.constant 6 : i32
        %parallel_loop3A_218 = arith.index_cast %parallel_loop3A_217 : i32 to index
        %parallel_loop3A_219 = arith.index_cast %scan3A_135 : i32 to index
        %parallel_loop3A_220 = arith.index_cast %parallel_loop3A_216 : i32 to index
        %parallel_loop3A_221 = tpu.vector_load %arg10[%parallel_loop3A_218, %parallel_loop3A_219, %parallel_loop3A_220] {strides = array<i32>} : memref<13x8x512xf32, #tpu.memory_space<vmem>>, vector<16xf32>,
        tpu.vector_store %arg10[%parallel_loop3A_218, %parallel_loop3A_219, %parallel_loop3A_220], %parallel_loop3A_214 {strides = array<i32>} : memref<13x8x512xf32, #tpu.memory_space<vmem>>, vector<16xf32>,
        %parallel_loop3A_222 = arith.constant 455 : i32
        %parallel_loop3A_223 = vector.broadcast %parallel_loop3A_222 : i32 to vector<16xi32>
        %parallel_loop3A_224 = arith.addi %parallel_loop3A_144, %parallel_loop3A_223 : vector<16xi32>
        %parallel_loop3A_225 = tpu.vector_load_idx %arg12[%parallel_loop3A_224] : memref<4225xf32, #tpu.memory_space<vmem>>[vector<16xi32>], vector<16xf32>,
        %parallel_loop3A_226 = arith.constant 16 : i32
        %parallel_loop3A_227 = arith.muli %parallel_loop3A_139, %parallel_loop3A_226 : i32
        %parallel_loop3A_228 = arith.constant 7 : i32
        %parallel_loop3A_229 = arith.index_cast %parallel_loop3A_228 : i32 to index
        %parallel_loop3A_230 = arith.index_cast %scan3A_135 : i32 to index
        %parallel_loop3A_231 = arith.index_cast %parallel_loop3A_227 : i32 to index
        %parallel_loop3A_232 = tpu.vector_load %arg10[%parallel_loop3A_229, %parallel_loop3A_230, %parallel_loop3A_231] {strides = array<i32>} : memref<13x8x512xf32, #tpu.memory_space<vmem>>, vector<16xf32>,
        tpu.vector_store %arg10[%parallel_loop3A_229, %parallel_loop3A_230, %parallel_loop3A_231], %parallel_loop3A_225 {strides = array<i32>} : memref<13x8x512xf32, #tpu.memory_space<vmem>>, vector<16xf32>,
        %parallel_loop3A_233 = arith.constant 520 : i32
        %parallel_loop3A_234 = vector.broadcast %parallel_loop3A_233 : i32 to vector<16xi32>
        %parallel_loop3A_235 = arith.addi %parallel_loop3A_144, %parallel_loop3A_234 : vector<16xi32>
        %parallel_loop3A_236 = tpu.vector_load_idx %arg12[%parallel_loop3A_235] : memref<4225xf32, #tpu.memory_space<vmem>>[vector<16xi32>], vector<16xf32>,
        %parallel_loop3A_237 = arith.constant 16 : i32
        %parallel_loop3A_238 = arith.muli %parallel_loop3A_139, %parallel_loop3A_237 : i32
        %parallel_loop3A_239 = arith.constant 8 : i32
        %parallel_loop3A_240 = arith.index_cast %parallel_loop3A_239 : i32 to index
        %parallel_loop3A_241 = arith.index_cast %scan3A_135 : i32 to index
        %parallel_loop3A_242 = arith.index_cast %parallel_loop3A_238 : i32 to index
        %parallel_loop3A_243 = tpu.vector_load %arg10[%parallel_loop3A_240, %parallel_loop3A_241, %parallel_loop3A_242] {strides = array<i32>} : memref<13x8x512xf32, #tpu.memory_space<vmem>>, vector<16xf32>,
        tpu.vector_store %arg10[%parallel_loop3A_240, %parallel_loop3A_241, %parallel_loop3A_242], %parallel_loop3A_236 {strides = array<i32>} : memref<13x8x512xf32, #tpu.memory_space<vmem>>, vector<16xf32>,
        %parallel_loop3A_244 = arith.constant 585 : i32
        %parallel_loop3A_245 = vector.broadcast %parallel_loop3A_244 : i32 to vector<16xi32>
        %parallel_loop3A_246 = arith.addi %parallel_loop3A_144, %parallel_loop3A_245 : vector<16xi32>
        %parallel_loop3A_247 = tpu.vector_load_idx %arg12[%parallel_loop3A_246] : memref<4225xf32, #tpu.memory_space<vmem>>[vector<16xi32>], vector<16xf32>,
        %parallel_loop3A_248 = arith.constant 16 : i32
        %parallel_loop3A_249 = arith.muli %parallel_loop3A_139, %parallel_loop3A_248 : i32
        %parallel_loop3A_250 = arith.constant 9 : i32
        %parallel_loop3A_251 = arith.index_cast %parallel_loop3A_250 : i32 to index
        %parallel_loop3A_252 = arith.index_cast %scan3A_135 : i32 to index
        %parallel_loop3A_253 = arith.index_cast %parallel_loop3A_249 : i32 to index
        %parallel_loop3A_254 = tpu.vector_load %arg10[%parallel_loop3A_251, %parallel_loop3A_252, %parallel_loop3A_253] {strides = array<i32>} : memref<13x8x512xf32, #tpu.memory_space<vmem>>, vector<16xf32>,
        tpu.vector_store %arg10[%parallel_loop3A_251, %parallel_loop3A_252, %parallel_loop3A_253], %parallel_loop3A_247 {strides = array<i32>} : memref<13x8x512xf32, #tpu.memory_space<vmem>>, vector<16xf32>,
        %parallel_loop3A_255 = arith.constant 650 : i32
        %parallel_loop3A_256 = vector.broadcast %parallel_loop3A_255 : i32 to vector<16xi32>
        %parallel_loop3A_257 = arith.addi %parallel_loop3A_144, %parallel_loop3A_256 : vector<16xi32>
        %parallel_loop3A_258 = tpu.vector_load_idx %arg12[%parallel_loop3A_257] : memref<4225xf32, #tpu.memory_space<vmem>>[vector<16xi32>], vector<16xf32>,
        %parallel_loop3A_259 = arith.constant 16 : i32
        %parallel_loop3A_260 = arith.muli %parallel_loop3A_139, %parallel_loop3A_259 : i32
        %parallel_loop3A_261 = arith.constant 10 : i32
        %parallel_loop3A_262 = arith.index_cast %parallel_loop3A_261 : i32 to index
        %parallel_loop3A_263 = arith.index_cast %scan3A_135 : i32 to index
        %parallel_loop3A_264 = arith.index_cast %parallel_loop3A_260 : i32 to index
        %parallel_loop3A_265 = tpu.vector_load %arg10[%parallel_loop3A_262, %parallel_loop3A_263, %parallel_loop3A_264] {strides = array<i32>} : memref<13x8x512xf32, #tpu.memory_space<vmem>>, vector<16xf32>,
        tpu.vector_store %arg10[%parallel_loop3A_262, %parallel_loop3A_263, %parallel_loop3A_264], %parallel_loop3A_258 {strides = array<i32>} : memref<13x8x512xf32, #tpu.memory_space<vmem>>, vector<16xf32>,
        %parallel_loop3A_266 = arith.constant 715 : i32
        %parallel_loop3A_267 = vector.broadcast %parallel_loop3A_266 : i32 to vector<16xi32>
        %parallel_loop3A_268 = arith.addi %parallel_loop3A_144, %parallel_loop3A_267 : vector<16xi32>
        %parallel_loop3A_269 = tpu.vector_load_idx %arg12[%parallel_loop3A_268] : memref<4225xf32, #tpu.memory_space<vmem>>[vector<16xi32>], vector<16xf32>,
        %parallel_loop3A_270 = arith.constant 16 : i32
        %parallel_loop3A_271 = arith.muli %parallel_loop3A_139, %parallel_loop3A_270 : i32
        %parallel_loop3A_272 = arith.constant 11 : i32
        %parallel_loop3A_273 = arith.index_cast %parallel_loop3A_272 : i32 to index
        %parallel_loop3A_274 = arith.index_cast %scan3A_135 : i32 to index
        %parallel_loop3A_275 = arith.index_cast %parallel_loop3A_271 : i32 to index
        %parallel_loop3A_276 = tpu.vector_load %arg10[%parallel_loop3A_273, %parallel_loop3A_274, %parallel_loop3A_275] {strides = array<i32>} : memref<13x8x512xf32, #tpu.memory_space<vmem>>, vector<16xf32>,
        tpu.vector_store %arg10[%parallel_loop3A_273, %parallel_loop3A_274, %parallel_loop3A_275], %parallel_loop3A_269 {strides = array<i32>} : memref<13x8x512xf32, #tpu.memory_space<vmem>>, vector<16xf32>,
        %parallel_loop3A_277 = arith.constant 780 : i32
        %parallel_loop3A_278 = vector.broadcast %parallel_loop3A_277 : i32 to vector<16xi32>
        %parallel_loop3A_279 = arith.addi %parallel_loop3A_144, %parallel_loop3A_278 : vector<16xi32>
        %parallel_loop3A_280 = tpu.vector_load_idx %arg12[%parallel_loop3A_279] : memref<4225xf32, #tpu.memory_space<vmem>>[vector<16xi32>], vector<16xf32>,
        %parallel_loop3A_281 = arith.constant 16 : i32
        %parallel_loop3A_282 = arith.muli %parallel_loop3A_139, %parallel_loop3A_281 : i32
        %parallel_loop3A_283 = arith.constant 12 : i32
        %parallel_loop3A_284 = arith.index_cast %parallel_loop3A_283 : i32 to index
        %parallel_loop3A_285 = arith.index_cast %scan3A_135 : i32 to index
        %parallel_loop3A_286 = arith.index_cast %parallel_loop3A_282 : i32 to index
        %parallel_loop3A_287 = tpu.vector_load %arg10[%parallel_loop3A_284, %parallel_loop3A_285, %parallel_loop3A_286] {strides = array<i32>} : memref<13x8x512xf32, #tpu.memory_space<vmem>>, vector<16xf32>,
        tpu.vector_store %arg10[%parallel_loop3A_284, %parallel_loop3A_285, %parallel_loop3A_286], %parallel_loop3A_280 {strides = array<i32>} : memref<13x8x512xf32, #tpu.memory_space<vmem>>, vector<16xf32>,
      } {sc.loop_unroll_factor = 16 : i64, sc.parallel_access}
    }
    %scan3A_32 = arith.constant 8 : i32
    %dma_start3A_33 = arith.constant 0 : i32
    %dma_start3A_34 = tpu.memref_slice %arg6[%dma_start3A_33, %mul3A_21, %mul3A_23] : memref<65x64x2048xf32, #tpu.memory_space<hbm>> -> memref<13x8x512xf32, #tpu.memory_space<hbm>>
    %dma_start3A_35 = arith.constant 0 : i32
    %dma_start3A_36 = tpu.memref_slice %arg6[%dma_start3A_35, %mul3A_21, %mul3A_23] : memref<65x64x2048xf32, #tpu.memory_space<hbm>> -> memref<13x8x512xf32, #tpu.memory_space<hbm>>
    tpu.enqueue_dma source(%arg10 : memref<13x8x512xf32, #tpu.memory_space<vmem>>) target(%dma_start3A_36 : memref<13x8x512xf32, #tpu.memory_space<hbm>>) target_semaphore(%arg15 : memref<!tpu.dma_semaphore, #tpu.memory_space<semaphore_mem>>)
    %scan3A_37 = arith.constant 0 : i32
    %scan3A_38 = arith.constant 0 : i32
    %scan3A_39 = arith.constant 8 : i32
    %scan3A_40 = arith.addi %scan3A_38, %scan3A_39 : i32
    %scan3A_41 = arith.constant 1 : i32
    scf.for %scan3A_135 = %scan3A_38 to %scan3A_40 step %scan3A_41  : i32 {
      %parallel_loop3A_136 = arith.constant 0 : i32
      %parallel_loop3A_137 = arith.constant 32 : i32
      %parallel_loop3A_138 = arith.constant 1 : i32
      scf.for %parallel_loop3A_139 = %parallel_loop3A_136 to %parallel_loop3A_137 step %parallel_loop3A_138  : i32 {
        %parallel_loop3A_140 = arith.constant 16 : i32
        %parallel_loop3A_141 = arith.muli %parallel_loop3A_139, %parallel_loop3A_140 : i32
        %parallel_loop3A_142 = arith.index_cast %scan3A_135 : i32 to index
        %parallel_loop3A_143 = arith.index_cast %parallel_loop3A_141 : i32 to index
        %parallel_loop3A_144 = tpu.vector_load %arg8[%parallel_loop3A_142, %parallel_loop3A_143] {strides = array<i32>} : memref<8x512xi32, #tpu.memory_space<vmem>>, vector<16xi32>,
        %parallel_loop3A_145 = arith.constant 845 : i32
        %parallel_loop3A_146 = vector.broadcast %parallel_loop3A_145 : i32 to vector<16xi32>
        %parallel_loop3A_147 = arith.addi %parallel_loop3A_144, %parallel_loop3A_146 : vector<16xi32>
        %parallel_loop3A_148 = tpu.vector_load_idx %arg12[%parallel_loop3A_147] : memref<4225xf32, #tpu.memory_space<vmem>>[vector<16xi32>], vector<16xf32>,
        %parallel_loop3A_149 = arith.constant 16 : i32
        %parallel_loop3A_150 = arith.muli %parallel_loop3A_139, %parallel_loop3A_149 : i32
        %parallel_loop3A_151 = arith.constant 0 : i32
        %parallel_loop3A_152 = arith.index_cast %parallel_loop3A_151 : i32 to index
        %parallel_loop3A_153 = arith.index_cast %scan3A_135 : i32 to index
        %parallel_loop3A_154 = arith.index_cast %parallel_loop3A_150 : i32 to index
        %parallel_loop3A_155 = tpu.vector_load %arg11[%parallel_loop3A_152, %parallel_loop3A_153, %parallel_loop3A_154] {strides = array<i32>} : memref<13x8x512xf32, #tpu.memory_space<vmem>>, vector<16xf32>,
        tpu.vector_store %arg11[%parallel_loop3A_152, %parallel_loop3A_153, %parallel_loop3A_154], %parallel_loop3A_148 {strides = array<i32>} : memref<13x8x512xf32, #tpu.memory_space<vmem>>, vector<16xf32>,
        %parallel_loop3A_156 = arith.constant 910 : i32
        %parallel_loop3A_157 = vector.broadcast %parallel_loop3A_156 : i32 to vector<16xi32>
        %parallel_loop3A_158 = arith.addi %parallel_loop3A_144, %parallel_loop3A_157 : vector<16xi32>
        %parallel_loop3A_159 = tpu.vector_load_idx %arg12[%parallel_loop3A_158] : memref<4225xf32, #tpu.memory_space<vmem>>[vector<16xi32>], vector<16xf32>,
        %parallel_loop3A_160 = arith.constant 16 : i32
        %parallel_loop3A_161 = arith.muli %parallel_loop3A_139, %parallel_loop3A_160 : i32
        %parallel_loop3A_162 = arith.constant 1 : i32
        %parallel_loop3A_163 = arith.index_cast %parallel_loop3A_162 : i32 to index
        %parallel_loop3A_164 = arith.index_cast %scan3A_135 : i32 to index
        %parallel_loop3A_165 = arith.index_cast %parallel_loop3A_161 : i32 to index
        %parallel_loop3A_166 = tpu.vector_load %arg11[%parallel_loop3A_163, %parallel_loop3A_164, %parallel_loop3A_165] {strides = array<i32>} : memref<13x8x512xf32, #tpu.memory_space<vmem>>, vector<16xf32>,
        tpu.vector_store %arg11[%parallel_loop3A_163, %parallel_loop3A_164, %parallel_loop3A_165], %parallel_loop3A_159 {strides = array<i32>} : memref<13x8x512xf32, #tpu.memory_space<vmem>>, vector<16xf32>,
        %parallel_loop3A_167 = arith.constant 975 : i32
        %parallel_loop3A_168 = vector.broadcast %parallel_loop3A_167 : i32 to vector<16xi32>
        %parallel_loop3A_169 = arith.addi %parallel_loop3A_144, %parallel_loop3A_168 : vector<16xi32>
        %parallel_loop3A_170 = tpu.vector_load_idx %arg12[%parallel_loop3A_169] : memref<4225xf32, #tpu.memory_space<vmem>>[vector<16xi32>], vector<16xf32>,
        %parallel_loop3A_171 = arith.constant 16 : i32
        %parallel_loop3A_172 = arith.muli %parallel_loop3A_139, %parallel_loop3A_171 : i32
        %parallel_loop3A_173 = arith.constant 2 : i32
        %parallel_loop3A_174 = arith.index_cast %parallel_loop3A_173 : i32 to index
        %parallel_loop3A_175 = arith.index_cast %scan3A_135 : i32 to index
        %parallel_loop3A_176 = arith.index_cast %parallel_loop3A_172 : i32 to index
        %parallel_loop3A_177 = tpu.vector_load %arg11[%parallel_loop3A_174, %parallel_loop3A_175, %parallel_loop3A_176] {strides = array<i32>} : memref<13x8x512xf32, #tpu.memory_space<vmem>>, vector<16xf32>,
        tpu.vector_store %arg11[%parallel_loop3A_174, %parallel_loop3A_175, %parallel_loop3A_176], %parallel_loop3A_170 {strides = array<i32>} : memref<13x8x512xf32, #tpu.memory_space<vmem>>, vector<16xf32>,
        %parallel_loop3A_178 = arith.constant 1040 : i32
        %parallel_loop3A_179 = vector.broadcast %parallel_loop3A_178 : i32 to vector<16xi32>
        %parallel_loop3A_180 = arith.addi %parallel_loop3A_144, %parallel_loop3A_179 : vector<16xi32>
        %parallel_loop3A_181 = tpu.vector_load_idx %arg12[%parallel_loop3A_180] : memref<4225xf32, #tpu.memory_space<vmem>>[vector<16xi32>], vector<16xf32>,
        %parallel_loop3A_182 = arith.constant 16 : i32
        %parallel_loop3A_183 = arith.muli %parallel_loop3A_139, %parallel_loop3A_182 : i32
        %parallel_loop3A_184 = arith.constant 3 : i32
        %parallel_loop3A_185 = arith.index_cast %parallel_loop3A_184 : i32 to index
        %parallel_loop3A_186 = arith.index_cast %scan3A_135 : i32 to index
        %parallel_loop3A_187 = arith.index_cast %parallel_loop3A_183 : i32 to index
        %parallel_loop3A_188 = tpu.vector_load %arg11[%parallel_loop3A_185, %parallel_loop3A_186, %parallel_loop3A_187] {strides = array<i32>} : memref<13x8x512xf32, #tpu.memory_space<vmem>>, vector<16xf32>,
        tpu.vector_store %arg11[%parallel_loop3A_185, %parallel_loop3A_186, %parallel_loop3A_187], %parallel_loop3A_181 {strides = array<i32>} : memref<13x8x512xf32, #tpu.memory_space<vmem>>, vector<16xf32>,
        %parallel_loop3A_189 = arith.constant 1105 : i32
        %parallel_loop3A_190 = vector.broadcast %parallel_loop3A_189 : i32 to vector<16xi32>
        %parallel_loop3A_191 = arith.addi %parallel_loop3A_144, %parallel_loop3A_190 : vector<16xi32>
        %parallel_loop3A_192 = tpu.vector_load_idx %arg12[%parallel_loop3A_191] : memref<4225xf32, #tpu.memory_space<vmem>>[vector<16xi32>], vector<16xf32>,
        %parallel_loop3A_193 = arith.constant 16 : i32
        %parallel_loop3A_194 = arith.muli %parallel_loop3A_139, %parallel_loop3A_193 : i32
        %parallel_loop3A_195 = arith.constant 4 : i32
        %parallel_loop3A_196 = arith.index_cast %parallel_loop3A_195 : i32 to index
        %parallel_loop3A_197 = arith.index_cast %scan3A_135 : i32 to index
        %parallel_loop3A_198 = arith.index_cast %parallel_loop3A_194 : i32 to index
        %parallel_loop3A_199 = tpu.vector_load %arg11[%parallel_loop3A_196, %parallel_loop3A_197, %parallel_loop3A_198] {strides = array<i32>} : memref<13x8x512xf32, #tpu.memory_space<vmem>>, vector<16xf32>,
        tpu.vector_store %arg11[%parallel_loop3A_196, %parallel_loop3A_197, %parallel_loop3A_198], %parallel_loop3A_192 {strides = array<i32>} : memref<13x8x512xf32, #tpu.memory_space<vmem>>, vector<16xf32>,
        %parallel_loop3A_200 = arith.constant 1170 : i32
        %parallel_loop3A_201 = vector.broadcast %parallel_loop3A_200 : i32 to vector<16xi32>
        %parallel_loop3A_202 = arith.addi %parallel_loop3A_144, %parallel_loop3A_201 : vector<16xi32>
        %parallel_loop3A_203 = tpu.vector_load_idx %arg12[%parallel_loop3A_202] : memref<4225xf32, #tpu.memory_space<vmem>>[vector<16xi32>], vector<16xf32>,
        %parallel_loop3A_204 = arith.constant 16 : i32
        %parallel_loop3A_205 = arith.muli %parallel_loop3A_139, %parallel_loop3A_204 : i32
        %parallel_loop3A_206 = arith.constant 5 : i32
        %parallel_loop3A_207 = arith.index_cast %parallel_loop3A_206 : i32 to index
        %parallel_loop3A_208 = arith.index_cast %scan3A_135 : i32 to index
        %parallel_loop3A_209 = arith.index_cast %parallel_loop3A_205 : i32 to index
        %parallel_loop3A_210 = tpu.vector_load %arg11[%parallel_loop3A_207, %parallel_loop3A_208, %parallel_loop3A_209] {strides = array<i32>} : memref<13x8x512xf32, #tpu.memory_space<vmem>>, vector<16xf32>,
        tpu.vector_store %arg11[%parallel_loop3A_207, %parallel_loop3A_208, %parallel_loop3A_209], %parallel_loop3A_203 {strides = array<i32>} : memref<13x8x512xf32, #tpu.memory_space<vmem>>, vector<16xf32>,
        %parallel_loop3A_211 = arith.constant 1235 : i32
        %parallel_loop3A_212 = vector.broadcast %parallel_loop3A_211 : i32 to vector<16xi32>
        %parallel_loop3A_213 = arith.addi %parallel_loop3A_144, %parallel_loop3A_212 : vector<16xi32>
        %parallel_loop3A_214 = tpu.vector_load_idx %arg12[%parallel_loop3A_213] : memref<4225xf32, #tpu.memory_space<vmem>>[vector<16xi32>], vector<16xf32>,
        %parallel_loop3A_215 = arith.constant 16 : i32
        %parallel_loop3A_216 = arith.muli %parallel_loop3A_139, %parallel_loop3A_215 : i32
        %parallel_loop3A_217 = arith.constant 6 : i32
        %parallel_loop3A_218 = arith.index_cast %parallel_loop3A_217 : i32 to index
        %parallel_loop3A_219 = arith.index_cast %scan3A_135 : i32 to index
        %parallel_loop3A_220 = arith.index_cast %parallel_loop3A_216 : i32 to index
        %parallel_loop3A_221 = tpu.vector_load %arg11[%parallel_loop3A_218, %parallel_loop3A_219, %parallel_loop3A_220] {strides = array<i32>} : memref<13x8x512xf32, #tpu.memory_space<vmem>>, vector<16xf32>,
        tpu.vector_store %arg11[%parallel_loop3A_218, %parallel_loop3A_219, %parallel_loop3A_220], %parallel_loop3A_214 {strides = array<i32>} : memref<13x8x512xf32, #tpu.memory_space<vmem>>, vector<16xf32>,
        %parallel_loop3A_222 = arith.constant 1300 : i32
        %parallel_loop3A_223 = vector.broadcast %parallel_loop3A_222 : i32 to vector<16xi32>
        %parallel_loop3A_224 = arith.addi %parallel_loop3A_144, %parallel_loop3A_223 : vector<16xi32>
        %parallel_loop3A_225 = tpu.vector_load_idx %arg12[%parallel_loop3A_224] : memref<4225xf32, #tpu.memory_space<vmem>>[vector<16xi32>], vector<16xf32>,
        %parallel_loop3A_226 = arith.constant 16 : i32
        %parallel_loop3A_227 = arith.muli %parallel_loop3A_139, %parallel_loop3A_226 : i32
        %parallel_loop3A_228 = arith.constant 7 : i32
        %parallel_loop3A_229 = arith.index_cast %parallel_loop3A_228 : i32 to index
        %parallel_loop3A_230 = arith.index_cast %scan3A_135 : i32 to index
        %parallel_loop3A_231 = arith.index_cast %parallel_loop3A_227 : i32 to index
        %parallel_loop3A_232 = tpu.vector_load %arg11[%parallel_loop3A_229, %parallel_loop3A_230, %parallel_loop3A_231] {strides = array<i32>} : memref<13x8x512xf32, #tpu.memory_space<vmem>>, vector<16xf32>,
        tpu.vector_store %arg11[%parallel_loop3A_229, %parallel_loop3A_230, %parallel_loop3A_231], %parallel_loop3A_225 {strides = array<i32>} : memref<13x8x512xf32, #tpu.memory_space<vmem>>, vector<16xf32>,
        %parallel_loop3A_233 = arith.constant 1365 : i32
        %parallel_loop3A_234 = vector.broadcast %parallel_loop3A_233 : i32 to vector<16xi32>
        %parallel_loop3A_235 = arith.addi %parallel_loop3A_144, %parallel_loop3A_234 : vector<16xi32>
        %parallel_loop3A_236 = tpu.vector_load_idx %arg12[%parallel_loop3A_235] : memref<4225xf32, #tpu.memory_space<vmem>>[vector<16xi32>], vector<16xf32>,
        %parallel_loop3A_237 = arith.constant 16 : i32
        %parallel_loop3A_238 = arith.muli %parallel_loop3A_139, %parallel_loop3A_237 : i32
        %parallel_loop3A_239 = arith.constant 8 : i32
        %parallel_loop3A_240 = arith.index_cast %parallel_loop3A_239 : i32 to index
        %parallel_loop3A_241 = arith.index_cast %scan3A_135 : i32 to index
        %parallel_loop3A_242 = arith.index_cast %parallel_loop3A_238 : i32 to index
        %parallel_loop3A_243 = tpu.vector_load %arg11[%parallel_loop3A_240, %parallel_loop3A_241, %parallel_loop3A_242] {strides = array<i32>} : memref<13x8x512xf32, #tpu.memory_space<vmem>>, vector<16xf32>,
        tpu.vector_store %arg11[%parallel_loop3A_240, %parallel_loop3A_241, %parallel_loop3A_242], %parallel_loop3A_236 {strides = array<i32>} : memref<13x8x512xf32, #tpu.memory_space<vmem>>, vector<16xf32>,
        %parallel_loop3A_244 = arith.constant 1430 : i32
        %parallel_loop3A_245 = vector.broadcast %parallel_loop3A_244 : i32 to vector<16xi32>
        %parallel_loop3A_246 = arith.addi %parallel_loop3A_144, %parallel_loop3A_245 : vector<16xi32>
        %parallel_loop3A_247 = tpu.vector_load_idx %arg12[%parallel_loop3A_246] : memref<4225xf32, #tpu.memory_space<vmem>>[vector<16xi32>], vector<16xf32>,
        %parallel_loop3A_248 = arith.constant 16 : i32
        %parallel_loop3A_249 = arith.muli %parallel_loop3A_139, %parallel_loop3A_248 : i32
        %parallel_loop3A_250 = arith.constant 9 : i32
        %parallel_loop3A_251 = arith.index_cast %parallel_loop3A_250 : i32 to index
        %parallel_loop3A_252 = arith.index_cast %scan3A_135 : i32 to index
        %parallel_loop3A_253 = arith.index_cast %parallel_loop3A_249 : i32 to index
        %parallel_loop3A_254 = tpu.vector_load %arg11[%parallel_loop3A_251, %parallel_loop3A_252, %parallel_loop3A_253] {strides = array<i32>} : memref<13x8x512xf32, #tpu.memory_space<vmem>>, vector<16xf32>,
        tpu.vector_store %arg11[%parallel_loop3A_251, %parallel_loop3A_252, %parallel_loop3A_253], %parallel_loop3A_247 {strides = array<i32>} : memref<13x8x512xf32, #tpu.memory_space<vmem>>, vector<16xf32>,
        %parallel_loop3A_255 = arith.constant 1495 : i32
        %parallel_loop3A_256 = vector.broadcast %parallel_loop3A_255 : i32 to vector<16xi32>
        %parallel_loop3A_257 = arith.addi %parallel_loop3A_144, %parallel_loop3A_256 : vector<16xi32>
        %parallel_loop3A_258 = tpu.vector_load_idx %arg12[%parallel_loop3A_257] : memref<4225xf32, #tpu.memory_space<vmem>>[vector<16xi32>], vector<16xf32>,
        %parallel_loop3A_259 = arith.constant 16 : i32
        %parallel_loop3A_260 = arith.muli %parallel_loop3A_139, %parallel_loop3A_259 : i32
        %parallel_loop3A_261 = arith.constant 10 : i32
        %parallel_loop3A_262 = arith.index_cast %parallel_loop3A_261 : i32 to index
        %parallel_loop3A_263 = arith.index_cast %scan3A_135 : i32 to index
        %parallel_loop3A_264 = arith.index_cast %parallel_loop3A_260 : i32 to index
        %parallel_loop3A_265 = tpu.vector_load %arg11[%parallel_loop3A_262, %parallel_loop3A_263, %parallel_loop3A_264] {strides = array<i32>} : memref<13x8x512xf32, #tpu.memory_space<vmem>>, vector<16xf32>,
        tpu.vector_store %arg11[%parallel_loop3A_262, %parallel_loop3A_263, %parallel_loop3A_264], %parallel_loop3A_258 {strides = array<i32>} : memref<13x8x512xf32, #tpu.memory_space<vmem>>, vector<16xf32>,
        %parallel_loop3A_266 = arith.constant 1560 : i32
        %parallel_loop3A_267 = vector.broadcast %parallel_loop3A_266 : i32 to vector<16xi32>
        %parallel_loop3A_268 = arith.addi %parallel_loop3A_144, %parallel_loop3A_267 : vector<16xi32>
        %parallel_loop3A_269 = tpu.vector_load_idx %arg12[%parallel_loop3A_268] : memref<4225xf32, #tpu.memory_space<vmem>>[vector<16xi32>], vector<16xf32>,
        %parallel_loop3A_270 = arith.constant 16 : i32
        %parallel_loop3A_271 = arith.muli %parallel_loop3A_139, %parallel_loop3A_270 : i32
        %parallel_loop3A_272 = arith.constant 11 : i32
        %parallel_loop3A_273 = arith.index_cast %parallel_loop3A_272 : i32 to index
        %parallel_loop3A_274 = arith.index_cast %scan3A_135 : i32 to index
        %parallel_loop3A_275 = arith.index_cast %parallel_loop3A_271 : i32 to index
        %parallel_loop3A_276 = tpu.vector_load %arg11[%parallel_loop3A_273, %parallel_loop3A_274, %parallel_loop3A_275] {strides = array<i32>} : memref<13x8x512xf32, #tpu.memory_space<vmem>>, vector<16xf32>,
        tpu.vector_store %arg11[%parallel_loop3A_273, %parallel_loop3A_274, %parallel_loop3A_275], %parallel_loop3A_269 {strides = array<i32>} : memref<13x8x512xf32, #tpu.memory_space<vmem>>, vector<16xf32>,
        %parallel_loop3A_277 = arith.constant 1625 : i32
        %parallel_loop3A_278 = vector.broadcast %parallel_loop3A_277 : i32 to vector<16xi32>
        %parallel_loop3A_279 = arith.addi %parallel_loop3A_144, %parallel_loop3A_278 : vector<16xi32>
        %parallel_loop3A_280 = tpu.vector_load_idx %arg12[%parallel_loop3A_279] : memref<4225xf32, #tpu.memory_space<vmem>>[vector<16xi32>], vector<16xf32>,
        %parallel_loop3A_281 = arith.constant 16 : i32
        %parallel_loop3A_282 = arith.muli %parallel_loop3A_139, %parallel_loop3A_281 : i32
        %parallel_loop3A_283 = arith.constant 12 : i32
        %parallel_loop3A_284 = arith.index_cast %parallel_loop3A_283 : i32 to index
        %parallel_loop3A_285 = arith.index_cast %scan3A_135 : i32 to index
        %parallel_loop3A_286 = arith.index_cast %parallel_loop3A_282 : i32 to index
        %parallel_loop3A_287 = tpu.vector_load %arg11[%parallel_loop3A_284, %parallel_loop3A_285, %parallel_loop3A_286] {strides = array<i32>} : memref<13x8x512xf32, #tpu.memory_space<vmem>>, vector<16xf32>,
        tpu.vector_store %arg11[%parallel_loop3A_284, %parallel_loop3A_285, %parallel_loop3A_286], %parallel_loop3A_280 {strides = array<i32>} : memref<13x8x512xf32, #tpu.memory_space<vmem>>, vector<16xf32>,
      } {sc.loop_unroll_factor = 16 : i64, sc.parallel_access}
    }
    %scan3A_42 = arith.constant 8 : i32
    %dma_start3A_43 = arith.constant 13 : i32
    %dma_start3A_44 = tpu.memref_slice %arg6[%dma_start3A_43, %mul3A_21, %mul3A_23] : memref<65x64x2048xf32, #tpu.memory_space<hbm>> -> memref<13x8x512xf32, #tpu.memory_space<hbm>>
    %dma_start3A_45 = arith.constant 13 : i32
    %dma_start3A_46 = tpu.memref_slice %arg6[%dma_start3A_45, %mul3A_21, %mul3A_23] : memref<65x64x2048xf32, #tpu.memory_space<hbm>> -> memref<13x8x512xf32, #tpu.memory_space<hbm>>
    tpu.enqueue_dma source(%arg11 : memref<13x8x512xf32, #tpu.memory_space<vmem>>) target(%dma_start3A_46 : memref<13x8x512xf32, #tpu.memory_space<hbm>>) target_semaphore(%arg16 : memref<!tpu.dma_semaphore, #tpu.memory_space<semaphore_mem>>)
    %dma_wait3A_47 = arith.constant 0 : i32
    %dma_wait3A_48 = tpu.memref_slice %arg6[%dma_wait3A_47, %mul3A_21, %mul3A_23] : memref<65x64x2048xf32, #tpu.memory_space<hbm>> -> memref<13x8x512xf32, #tpu.memory_space<hbm>>
    %dma_wait3A_49 = arith.constant 0 : i32
    %dma_wait3A_50 = tpu.memref_slice %arg6[%dma_wait3A_49, %mul3A_21, %mul3A_23] : memref<65x64x2048xf32, #tpu.memory_space<hbm>> -> memref<13x8x512xf32, #tpu.memory_space<hbm>>
    tpu.wait_dma2 semaphore(%arg15 : memref<!tpu.dma_semaphore, #tpu.memory_space<semaphore_mem>>) src(%arg10 : memref<13x8x512xf32, #tpu.memory_space<vmem>>) dst(%dma_wait3A_50 : memref<13x8x512xf32, #tpu.memory_space<hbm>>)
    %scan3A_51 = arith.constant 0 : i32
    %scan3A_52 = arith.constant 0 : i32
    %scan3A_53 = arith.constant 8 : i32
    %scan3A_54 = arith.addi %scan3A_52, %scan3A_53 : i32
    %scan3A_55 = arith.constant 1 : i32
    scf.for %scan3A_135 = %scan3A_52 to %scan3A_54 step %scan3A_55  : i32 {
      %parallel_loop3A_136 = arith.constant 0 : i32
      %parallel_loop3A_137 = arith.constant 32 : i32
      %parallel_loop3A_138 = arith.constant 1 : i32
      scf.for %parallel_loop3A_139 = %parallel_loop3A_136 to %parallel_loop3A_137 step %parallel_loop3A_138  : i32 {
        %parallel_loop3A_140 = arith.constant 16 : i32
        %parallel_loop3A_141 = arith.muli %parallel_loop3A_139, %parallel_loop3A_140 : i32
        %parallel_loop3A_142 = arith.index_cast %scan3A_135 : i32 to index
        %parallel_loop3A_143 = arith.index_cast %parallel_loop3A_141 : i32 to index
        %parallel_loop3A_144 = tpu.vector_load %arg8[%parallel_loop3A_142, %parallel_loop3A_143] {strides = array<i32>} : memref<8x512xi32, #tpu.memory_space<vmem>>, vector<16xi32>,
        %parallel_loop3A_145 = arith.constant 1690 : i32
        %parallel_loop3A_146 = vector.broadcast %parallel_loop3A_145 : i32 to vector<16xi32>
        %parallel_loop3A_147 = arith.addi %parallel_loop3A_144, %parallel_loop3A_146 : vector<16xi32>
        %parallel_loop3A_148 = tpu.vector_load_idx %arg12[%parallel_loop3A_147] : memref<4225xf32, #tpu.memory_space<vmem>>[vector<16xi32>], vector<16xf32>,
        %parallel_loop3A_149 = arith.constant 16 : i32
        %parallel_loop3A_150 = arith.muli %parallel_loop3A_139, %parallel_loop3A_149 : i32
        %parallel_loop3A_151 = arith.constant 0 : i32
        %parallel_loop3A_152 = arith.index_cast %parallel_loop3A_151 : i32 to index
        %parallel_loop3A_153 = arith.index_cast %scan3A_135 : i32 to index
        %parallel_loop3A_154 = arith.index_cast %parallel_loop3A_150 : i32 to index
        %parallel_loop3A_155 = tpu.vector_load %arg10[%parallel_loop3A_152, %parallel_loop3A_153, %parallel_loop3A_154] {strides = array<i32>} : memref<13x8x512xf32, #tpu.memory_space<vmem>>, vector<16xf32>,
        tpu.vector_store %arg10[%parallel_loop3A_152, %parallel_loop3A_153, %parallel_loop3A_154], %parallel_loop3A_148 {strides = array<i32>} : memref<13x8x512xf32, #tpu.memory_space<vmem>>, vector<16xf32>,
        %parallel_loop3A_156 = arith.constant 1755 : i32
        %parallel_loop3A_157 = vector.broadcast %parallel_loop3A_156 : i32 to vector<16xi32>
        %parallel_loop3A_158 = arith.addi %parallel_loop3A_144, %parallel_loop3A_157 : vector<16xi32>
        %parallel_loop3A_159 = tpu.vector_load_idx %arg12[%parallel_loop3A_158] : memref<4225xf32, #tpu.memory_space<vmem>>[vector<16xi32>], vector<16xf32>,
        %parallel_loop3A_160 = arith.constant 16 : i32
        %parallel_loop3A_161 = arith.muli %parallel_loop3A_139, %parallel_loop3A_160 : i32
        %parallel_loop3A_162 = arith.constant 1 : i32
        %parallel_loop3A_163 = arith.index_cast %parallel_loop3A_162 : i32 to index
        %parallel_loop3A_164 = arith.index_cast %scan3A_135 : i32 to index
        %parallel_loop3A_165 = arith.index_cast %parallel_loop3A_161 : i32 to index
        %parallel_loop3A_166 = tpu.vector_load %arg10[%parallel_loop3A_163, %parallel_loop3A_164, %parallel_loop3A_165] {strides = array<i32>} : memref<13x8x512xf32, #tpu.memory_space<vmem>>, vector<16xf32>,
        tpu.vector_store %arg10[%parallel_loop3A_163, %parallel_loop3A_164, %parallel_loop3A_165], %parallel_loop3A_159 {strides = array<i32>} : memref<13x8x512xf32, #tpu.memory_space<vmem>>, vector<16xf32>,
        %parallel_loop3A_167 = arith.constant 1820 : i32
        %parallel_loop3A_168 = vector.broadcast %parallel_loop3A_167 : i32 to vector<16xi32>
        %parallel_loop3A_169 = arith.addi %parallel_loop3A_144, %parallel_loop3A_168 : vector<16xi32>
        %parallel_loop3A_170 = tpu.vector_load_idx %arg12[%parallel_loop3A_169] : memref<4225xf32, #tpu.memory_space<vmem>>[vector<16xi32>], vector<16xf32>,
        %parallel_loop3A_171 = arith.constant 16 : i32
        %parallel_loop3A_172 = arith.muli %parallel_loop3A_139, %parallel_loop3A_171 : i32
        %parallel_loop3A_173 = arith.constant 2 : i32
        %parallel_loop3A_174 = arith.index_cast %parallel_loop3A_173 : i32 to index
        %parallel_loop3A_175 = arith.index_cast %scan3A_135 : i32 to index
        %parallel_loop3A_176 = arith.index_cast %parallel_loop3A_172 : i32 to index
        %parallel_loop3A_177 = tpu.vector_load %arg10[%parallel_loop3A_174, %parallel_loop3A_175, %parallel_loop3A_176] {strides = array<i32>} : memref<13x8x512xf32, #tpu.memory_space<vmem>>, vector<16xf32>,
        tpu.vector_store %arg10[%parallel_loop3A_174, %parallel_loop3A_175, %parallel_loop3A_176], %parallel_loop3A_170 {strides = array<i32>} : memref<13x8x512xf32, #tpu.memory_space<vmem>>, vector<16xf32>,
        %parallel_loop3A_178 = arith.constant 1885 : i32
        %parallel_loop3A_179 = vector.broadcast %parallel_loop3A_178 : i32 to vector<16xi32>
        %parallel_loop3A_180 = arith.addi %parallel_loop3A_144, %parallel_loop3A_179 : vector<16xi32>
        %parallel_loop3A_181 = tpu.vector_load_idx %arg12[%parallel_loop3A_180] : memref<4225xf32, #tpu.memory_space<vmem>>[vector<16xi32>], vector<16xf32>,
        %parallel_loop3A_182 = arith.constant 16 : i32
        %parallel_loop3A_183 = arith.muli %parallel_loop3A_139, %parallel_loop3A_182 : i32
        %parallel_loop3A_184 = arith.constant 3 : i32
        %parallel_loop3A_185 = arith.index_cast %parallel_loop3A_184 : i32 to index
        %parallel_loop3A_186 = arith.index_cast %scan3A_135 : i32 to index
        %parallel_loop3A_187 = arith.index_cast %parallel_loop3A_183 : i32 to index
        %parallel_loop3A_188 = tpu.vector_load %arg10[%parallel_loop3A_185, %parallel_loop3A_186, %parallel_loop3A_187] {strides = array<i32>} : memref<13x8x512xf32, #tpu.memory_space<vmem>>, vector<16xf32>,
        tpu.vector_store %arg10[%parallel_loop3A_185, %parallel_loop3A_186, %parallel_loop3A_187], %parallel_loop3A_181 {strides = array<i32>} : memref<13x8x512xf32, #tpu.memory_space<vmem>>, vector<16xf32>,
        %parallel_loop3A_189 = arith.constant 1950 : i32
        %parallel_loop3A_190 = vector.broadcast %parallel_loop3A_189 : i32 to vector<16xi32>
        %parallel_loop3A_191 = arith.addi %parallel_loop3A_144, %parallel_loop3A_190 : vector<16xi32>
        %parallel_loop3A_192 = tpu.vector_load_idx %arg12[%parallel_loop3A_191] : memref<4225xf32, #tpu.memory_space<vmem>>[vector<16xi32>], vector<16xf32>,
        %parallel_loop3A_193 = arith.constant 16 : i32
        %parallel_loop3A_194 = arith.muli %parallel_loop3A_139, %parallel_loop3A_193 : i32
        %parallel_loop3A_195 = arith.constant 4 : i32
        %parallel_loop3A_196 = arith.index_cast %parallel_loop3A_195 : i32 to index
        %parallel_loop3A_197 = arith.index_cast %scan3A_135 : i32 to index
        %parallel_loop3A_198 = arith.index_cast %parallel_loop3A_194 : i32 to index
        %parallel_loop3A_199 = tpu.vector_load %arg10[%parallel_loop3A_196, %parallel_loop3A_197, %parallel_loop3A_198] {strides = array<i32>} : memref<13x8x512xf32, #tpu.memory_space<vmem>>, vector<16xf32>,
        tpu.vector_store %arg10[%parallel_loop3A_196, %parallel_loop3A_197, %parallel_loop3A_198], %parallel_loop3A_192 {strides = array<i32>} : memref<13x8x512xf32, #tpu.memory_space<vmem>>, vector<16xf32>,
        %parallel_loop3A_200 = arith.constant 2015 : i32
        %parallel_loop3A_201 = vector.broadcast %parallel_loop3A_200 : i32 to vector<16xi32>
        %parallel_loop3A_202 = arith.addi %parallel_loop3A_144, %parallel_loop3A_201 : vector<16xi32>
        %parallel_loop3A_203 = tpu.vector_load_idx %arg12[%parallel_loop3A_202] : memref<4225xf32, #tpu.memory_space<vmem>>[vector<16xi32>], vector<16xf32>,
        %parallel_loop3A_204 = arith.constant 16 : i32
        %parallel_loop3A_205 = arith.muli %parallel_loop3A_139, %parallel_loop3A_204 : i32
        %parallel_loop3A_206 = arith.constant 5 : i32
        %parallel_loop3A_207 = arith.index_cast %parallel_loop3A_206 : i32 to index
        %parallel_loop3A_208 = arith.index_cast %scan3A_135 : i32 to index
        %parallel_loop3A_209 = arith.index_cast %parallel_loop3A_205 : i32 to index
        %parallel_loop3A_210 = tpu.vector_load %arg10[%parallel_loop3A_207, %parallel_loop3A_208, %parallel_loop3A_209] {strides = array<i32>} : memref<13x8x512xf32, #tpu.memory_space<vmem>>, vector<16xf32>,
        tpu.vector_store %arg10[%parallel_loop3A_207, %parallel_loop3A_208, %parallel_loop3A_209], %parallel_loop3A_203 {strides = array<i32>} : memref<13x8x512xf32, #tpu.memory_space<vmem>>, vector<16xf32>,
        %parallel_loop3A_211 = arith.constant 2080 : i32
        %parallel_loop3A_212 = vector.broadcast %parallel_loop3A_211 : i32 to vector<16xi32>
        %parallel_loop3A_213 = arith.addi %parallel_loop3A_144, %parallel_loop3A_212 : vector<16xi32>
        %parallel_loop3A_214 = tpu.vector_load_idx %arg12[%parallel_loop3A_213] : memref<4225xf32, #tpu.memory_space<vmem>>[vector<16xi32>], vector<16xf32>,
        %parallel_loop3A_215 = arith.constant 16 : i32
        %parallel_loop3A_216 = arith.muli %parallel_loop3A_139, %parallel_loop3A_215 : i32
        %parallel_loop3A_217 = arith.constant 6 : i32
        %parallel_loop3A_218 = arith.index_cast %parallel_loop3A_217 : i32 to index
        %parallel_loop3A_219 = arith.index_cast %scan3A_135 : i32 to index
        %parallel_loop3A_220 = arith.index_cast %parallel_loop3A_216 : i32 to index
        %parallel_loop3A_221 = tpu.vector_load %arg10[%parallel_loop3A_218, %parallel_loop3A_219, %parallel_loop3A_220] {strides = array<i32>} : memref<13x8x512xf32, #tpu.memory_space<vmem>>, vector<16xf32>,
        tpu.vector_store %arg10[%parallel_loop3A_218, %parallel_loop3A_219, %parallel_loop3A_220], %parallel_loop3A_214 {strides = array<i32>} : memref<13x8x512xf32, #tpu.memory_space<vmem>>, vector<16xf32>,
        %parallel_loop3A_222 = arith.constant 2145 : i32
        %parallel_loop3A_223 = vector.broadcast %parallel_loop3A_222 : i32 to vector<16xi32>
        %parallel_loop3A_224 = arith.addi %parallel_loop3A_144, %parallel_loop3A_223 : vector<16xi32>
        %parallel_loop3A_225 = tpu.vector_load_idx %arg12[%parallel_loop3A_224] : memref<4225xf32, #tpu.memory_space<vmem>>[vector<16xi32>], vector<16xf32>,
        %parallel_loop3A_226 = arith.constant 16 : i32
        %parallel_loop3A_227 = arith.muli %parallel_loop3A_139, %parallel_loop3A_226 : i32
        %parallel_loop3A_228 = arith.constant 7 : i32
        %parallel_loop3A_229 = arith.index_cast %parallel_loop3A_228 : i32 to index
        %parallel_loop3A_230 = arith.index_cast %scan3A_135 : i32 to index
        %parallel_loop3A_231 = arith.index_cast %parallel_loop3A_227 : i32 to index
        %parallel_loop3A_232 = tpu.vector_load %arg10[%parallel_loop3A_229, %parallel_loop3A_230, %parallel_loop3A_231] {strides = array<i32>} : memref<13x8x512xf32, #tpu.memory_space<vmem>>, vector<16xf32>,
        tpu.vector_store %arg10[%parallel_loop3A_229, %parallel_loop3A_230, %parallel_loop3A_231], %parallel_loop3A_225 {strides = array<i32>} : memref<13x8x512xf32, #tpu.memory_space<vmem>>, vector<16xf32>,
        %parallel_loop3A_233 = arith.constant 2210 : i32
        %parallel_loop3A_234 = vector.broadcast %parallel_loop3A_233 : i32 to vector<16xi32>
        %parallel_loop3A_235 = arith.addi %parallel_loop3A_144, %parallel_loop3A_234 : vector<16xi32>
        %parallel_loop3A_236 = tpu.vector_load_idx %arg12[%parallel_loop3A_235] : memref<4225xf32, #tpu.memory_space<vmem>>[vector<16xi32>], vector<16xf32>,
        %parallel_loop3A_237 = arith.constant 16 : i32
        %parallel_loop3A_238 = arith.muli %parallel_loop3A_139, %parallel_loop3A_237 : i32
        %parallel_loop3A_239 = arith.constant 8 : i32
        %parallel_loop3A_240 = arith.index_cast %parallel_loop3A_239 : i32 to index
        %parallel_loop3A_241 = arith.index_cast %scan3A_135 : i32 to index
        %parallel_loop3A_242 = arith.index_cast %parallel_loop3A_238 : i32 to index
        %parallel_loop3A_243 = tpu.vector_load %arg10[%parallel_loop3A_240, %parallel_loop3A_241, %parallel_loop3A_242] {strides = array<i32>} : memref<13x8x512xf32, #tpu.memory_space<vmem>>, vector<16xf32>,
        tpu.vector_store %arg10[%parallel_loop3A_240, %parallel_loop3A_241, %parallel_loop3A_242], %parallel_loop3A_236 {strides = array<i32>} : memref<13x8x512xf32, #tpu.memory_space<vmem>>, vector<16xf32>,
        %parallel_loop3A_244 = arith.constant 2275 : i32
        %parallel_loop3A_245 = vector.broadcast %parallel_loop3A_244 : i32 to vector<16xi32>
        %parallel_loop3A_246 = arith.addi %parallel_loop3A_144, %parallel_loop3A_245 : vector<16xi32>
        %parallel_loop3A_247 = tpu.vector_load_idx %arg12[%parallel_loop3A_246] : memref<4225xf32, #tpu.memory_space<vmem>>[vector<16xi32>], vector<16xf32>,
        %parallel_loop3A_248 = arith.constant 16 : i32
        %parallel_loop3A_249 = arith.muli %parallel_loop3A_139, %parallel_loop3A_248 : i32
        %parallel_loop3A_250 = arith.constant 9 : i32
        %parallel_loop3A_251 = arith.index_cast %parallel_loop3A_250 : i32 to index
        %parallel_loop3A_252 = arith.index_cast %scan3A_135 : i32 to index
        %parallel_loop3A_253 = arith.index_cast %parallel_loop3A_249 : i32 to index
        %parallel_loop3A_254 = tpu.vector_load %arg10[%parallel_loop3A_251, %parallel_loop3A_252, %parallel_loop3A_253] {strides = array<i32>} : memref<13x8x512xf32, #tpu.memory_space<vmem>>, vector<16xf32>,
        tpu.vector_store %arg10[%parallel_loop3A_251, %parallel_loop3A_252, %parallel_loop3A_253], %parallel_loop3A_247 {strides = array<i32>} : memref<13x8x512xf32, #tpu.memory_space<vmem>>, vector<16xf32>,
        %parallel_loop3A_255 = arith.constant 2340 : i32
        %parallel_loop3A_256 = vector.broadcast %parallel_loop3A_255 : i32 to vector<16xi32>
        %parallel_loop3A_257 = arith.addi %parallel_loop3A_144, %parallel_loop3A_256 : vector<16xi32>
        %parallel_loop3A_258 = tpu.vector_load_idx %arg12[%parallel_loop3A_257] : memref<4225xf32, #tpu.memory_space<vmem>>[vector<16xi32>], vector<16xf32>,
        %parallel_loop3A_259 = arith.constant 16 : i32
        %parallel_loop3A_260 = arith.muli %parallel_loop3A_139, %parallel_loop3A_259 : i32
        %parallel_loop3A_261 = arith.constant 10 : i32
        %parallel_loop3A_262 = arith.index_cast %parallel_loop3A_261 : i32 to index
        %parallel_loop3A_263 = arith.index_cast %scan3A_135 : i32 to index
        %parallel_loop3A_264 = arith.index_cast %parallel_loop3A_260 : i32 to index
        %parallel_loop3A_265 = tpu.vector_load %arg10[%parallel_loop3A_262, %parallel_loop3A_263, %parallel_loop3A_264] {strides = array<i32>} : memref<13x8x512xf32, #tpu.memory_space<vmem>>, vector<16xf32>,
        tpu.vector_store %arg10[%parallel_loop3A_262, %parallel_loop3A_263, %parallel_loop3A_264], %parallel_loop3A_258 {strides = array<i32>} : memref<13x8x512xf32, #tpu.memory_space<vmem>>, vector<16xf32>,
        %parallel_loop3A_266 = arith.constant 2405 : i32
        %parallel_loop3A_267 = vector.broadcast %parallel_loop3A_266 : i32 to vector<16xi32>
        %parallel_loop3A_268 = arith.addi %parallel_loop3A_144, %parallel_loop3A_267 : vector<16xi32>
        %parallel_loop3A_269 = tpu.vector_load_idx %arg12[%parallel_loop3A_268] : memref<4225xf32, #tpu.memory_space<vmem>>[vector<16xi32>], vector<16xf32>,
        %parallel_loop3A_270 = arith.constant 16 : i32
        %parallel_loop3A_271 = arith.muli %parallel_loop3A_139, %parallel_loop3A_270 : i32
        %parallel_loop3A_272 = arith.constant 11 : i32
        %parallel_loop3A_273 = arith.index_cast %parallel_loop3A_272 : i32 to index
        %parallel_loop3A_274 = arith.index_cast %scan3A_135 : i32 to index
        %parallel_loop3A_275 = arith.index_cast %parallel_loop3A_271 : i32 to index
        %parallel_loop3A_276 = tpu.vector_load %arg10[%parallel_loop3A_273, %parallel_loop3A_274, %parallel_loop3A_275] {strides = array<i32>} : memref<13x8x512xf32, #tpu.memory_space<vmem>>, vector<16xf32>,
        tpu.vector_store %arg10[%parallel_loop3A_273, %parallel_loop3A_274, %parallel_loop3A_275], %parallel_loop3A_269 {strides = array<i32>} : memref<13x8x512xf32, #tpu.memory_space<vmem>>, vector<16xf32>,
        %parallel_loop3A_277 = arith.constant 2470 : i32
        %parallel_loop3A_278 = vector.broadcast %parallel_loop3A_277 : i32 to vector<16xi32>
        %parallel_loop3A_279 = arith.addi %parallel_loop3A_144, %parallel_loop3A_278 : vector<16xi32>
        %parallel_loop3A_280 = tpu.vector_load_idx %arg12[%parallel_loop3A_279] : memref<4225xf32, #tpu.memory_space<vmem>>[vector<16xi32>], vector<16xf32>,
        %parallel_loop3A_281 = arith.constant 16 : i32
        %parallel_loop3A_282 = arith.muli %parallel_loop3A_139, %parallel_loop3A_281 : i32
        %parallel_loop3A_283 = arith.constant 12 : i32
        %parallel_loop3A_284 = arith.index_cast %parallel_loop3A_283 : i32 to index
        %parallel_loop3A_285 = arith.index_cast %scan3A_135 : i32 to index
        %parallel_loop3A_286 = arith.index_cast %parallel_loop3A_282 : i32 to index
        %parallel_loop3A_287 = tpu.vector_load %arg10[%parallel_loop3A_284, %parallel_loop3A_285, %parallel_loop3A_286] {strides = array<i32>} : memref<13x8x512xf32, #tpu.memory_space<vmem>>, vector<16xf32>,
        tpu.vector_store %arg10[%parallel_loop3A_284, %parallel_loop3A_285, %parallel_loop3A_286], %parallel_loop3A_280 {strides = array<i32>} : memref<13x8x512xf32, #tpu.memory_space<vmem>>, vector<16xf32>,
      } {sc.loop_unroll_factor = 16 : i64, sc.parallel_access}
    }
    %scan3A_56 = arith.constant 8 : i32
    %dma_start3A_57 = arith.constant 26 : i32
    %dma_start3A_58 = tpu.memref_slice %arg6[%dma_start3A_57, %mul3A_21, %mul3A_23] : memref<65x64x2048xf32, #tpu.memory_space<hbm>> -> memref<13x8x512xf32, #tpu.memory_space<hbm>>
    %dma_start3A_59 = arith.constant 26 : i32
    %dma_start3A_60 = tpu.memref_slice %arg6[%dma_start3A_59, %mul3A_21, %mul3A_23] : memref<65x64x2048xf32, #tpu.memory_space<hbm>> -> memref<13x8x512xf32, #tpu.memory_space<hbm>>
    tpu.enqueue_dma source(%arg10 : memref<13x8x512xf32, #tpu.memory_space<vmem>>) target(%dma_start3A_60 : memref<13x8x512xf32, #tpu.memory_space<hbm>>) target_semaphore(%arg15 : memref<!tpu.dma_semaphore, #tpu.memory_space<semaphore_mem>>)
    %dma_wait3A_61 = arith.constant 13 : i32
    %dma_wait3A_62 = tpu.memref_slice %arg6[%dma_wait3A_61, %mul3A_21, %mul3A_23] : memref<65x64x2048xf32, #tpu.memory_space<hbm>> -> memref<13x8x512xf32, #tpu.memory_space<hbm>>
    %dma_wait3A_63 = arith.constant 13 : i32
    %dma_wait3A_64 = tpu.memref_slice %arg6[%dma_wait3A_63, %mul3A_21, %mul3A_23] : memref<65x64x2048xf32, #tpu.memory_space<hbm>> -> memref<13x8x512xf32, #tpu.memory_space<hbm>>
    tpu.wait_dma2 semaphore(%arg16 : memref<!tpu.dma_semaphore, #tpu.memory_space<semaphore_mem>>) src(%arg11 : memref<13x8x512xf32, #tpu.memory_space<vmem>>) dst(%dma_wait3A_64 : memref<13x8x512xf32, #tpu.memory_space<hbm>>)
    %scan3A_65 = arith.constant 0 : i32
    %scan3A_66 = arith.constant 0 : i32
    %scan3A_67 = arith.constant 8 : i32
    %scan3A_68 = arith.addi %scan3A_66, %scan3A_67 : i32
    %scan3A_69 = arith.constant 1 : i32
    scf.for %scan3A_135 = %scan3A_66 to %scan3A_68 step %scan3A_69  : i32 {
      %parallel_loop3A_136 = arith.constant 0 : i32
      %parallel_loop3A_137 = arith.constant 32 : i32
      %parallel_loop3A_138 = arith.constant 1 : i32
      scf.for %parallel_loop3A_139 = %parallel_loop3A_136 to %parallel_loop3A_137 step %parallel_loop3A_138  : i32 {
        %parallel_loop3A_140 = arith.constant 16 : i32
        %parallel_loop3A_141 = arith.muli %parallel_loop3A_139, %parallel_loop3A_140 : i32
        %parallel_loop3A_142 = arith.index_cast %scan3A_135 : i32 to index
        %parallel_loop3A_143 = arith.index_cast %parallel_loop3A_141 : i32 to index
        %parallel_loop3A_144 = tpu.vector_load %arg8[%parallel_loop3A_142, %parallel_loop3A_143] {strides = array<i32>} : memref<8x512xi32, #tpu.memory_space<vmem>>, vector<16xi32>,
        %parallel_loop3A_145 = arith.constant 2535 : i32
        %parallel_loop3A_146 = vector.broadcast %parallel_loop3A_145 : i32 to vector<16xi32>
        %parallel_loop3A_147 = arith.addi %parallel_loop3A_144, %parallel_loop3A_146 : vector<16xi32>
        %parallel_loop3A_148 = tpu.vector_load_idx %arg12[%parallel_loop3A_147] : memref<4225xf32, #tpu.memory_space<vmem>>[vector<16xi32>], vector<16xf32>,
        %parallel_loop3A_149 = arith.constant 16 : i32
        %parallel_loop3A_150 = arith.muli %parallel_loop3A_139, %parallel_loop3A_149 : i32
        %parallel_loop3A_151 = arith.constant 0 : i32
        %parallel_loop3A_152 = arith.index_cast %parallel_loop3A_151 : i32 to index
        %parallel_loop3A_153 = arith.index_cast %scan3A_135 : i32 to index
        %parallel_loop3A_154 = arith.index_cast %parallel_loop3A_150 : i32 to index
        %parallel_loop3A_155 = tpu.vector_load %arg11[%parallel_loop3A_152, %parallel_loop3A_153, %parallel_loop3A_154] {strides = array<i32>} : memref<13x8x512xf32, #tpu.memory_space<vmem>>, vector<16xf32>,
        tpu.vector_store %arg11[%parallel_loop3A_152, %parallel_loop3A_153, %parallel_loop3A_154], %parallel_loop3A_148 {strides = array<i32>} : memref<13x8x512xf32, #tpu.memory_space<vmem>>, vector<16xf32>,
        %parallel_loop3A_156 = arith.constant 2600 : i32
        %parallel_loop3A_157 = vector.broadcast %parallel_loop3A_156 : i32 to vector<16xi32>
        %parallel_loop3A_158 = arith.addi %parallel_loop3A_144, %parallel_loop3A_157 : vector<16xi32>
        %parallel_loop3A_159 = tpu.vector_load_idx %arg12[%parallel_loop3A_158] : memref<4225xf32, #tpu.memory_space<vmem>>[vector<16xi32>], vector<16xf32>,
        %parallel_loop3A_160 = arith.constant 16 : i32
        %parallel_loop3A_161 = arith.muli %parallel_loop3A_139, %parallel_loop3A_160 : i32
        %parallel_loop3A_162 = arith.constant 1 : i32
        %parallel_loop3A_163 = arith.index_cast %parallel_loop3A_162 : i32 to index
        %parallel_loop3A_164 = arith.index_cast %scan3A_135 : i32 to index
        %parallel_loop3A_165 = arith.index_cast %parallel_loop3A_161 : i32 to index
        %parallel_loop3A_166 = tpu.vector_load %arg11[%parallel_loop3A_163, %parallel_loop3A_164, %parallel_loop3A_165] {strides = array<i32>} : memref<13x8x512xf32, #tpu.memory_space<vmem>>, vector<16xf32>,
        tpu.vector_store %arg11[%parallel_loop3A_163, %parallel_loop3A_164, %parallel_loop3A_165], %parallel_loop3A_159 {strides = array<i32>} : memref<13x8x512xf32, #tpu.memory_space<vmem>>, vector<16xf32>,
        %parallel_loop3A_167 = arith.constant 2665 : i32
        %parallel_loop3A_168 = vector.broadcast %parallel_loop3A_167 : i32 to vector<16xi32>
        %parallel_loop3A_169 = arith.addi %parallel_loop3A_144, %parallel_loop3A_168 : vector<16xi32>
        %parallel_loop3A_170 = tpu.vector_load_idx %arg12[%parallel_loop3A_169] : memref<4225xf32, #tpu.memory_space<vmem>>[vector<16xi32>], vector<16xf32>,
        %parallel_loop3A_171 = arith.constant 16 : i32
        %parallel_loop3A_172 = arith.muli %parallel_loop3A_139, %parallel_loop3A_171 : i32
        %parallel_loop3A_173 = arith.constant 2 : i32
        %parallel_loop3A_174 = arith.index_cast %parallel_loop3A_173 : i32 to index
        %parallel_loop3A_175 = arith.index_cast %scan3A_135 : i32 to index
        %parallel_loop3A_176 = arith.index_cast %parallel_loop3A_172 : i32 to index
        %parallel_loop3A_177 = tpu.vector_load %arg11[%parallel_loop3A_174, %parallel_loop3A_175, %parallel_loop3A_176] {strides = array<i32>} : memref<13x8x512xf32, #tpu.memory_space<vmem>>, vector<16xf32>,
        tpu.vector_store %arg11[%parallel_loop3A_174, %parallel_loop3A_175, %parallel_loop3A_176], %parallel_loop3A_170 {strides = array<i32>} : memref<13x8x512xf32, #tpu.memory_space<vmem>>, vector<16xf32>,
        %parallel_loop3A_178 = arith.constant 2730 : i32
        %parallel_loop3A_179 = vector.broadcast %parallel_loop3A_178 : i32 to vector<16xi32>
        %parallel_loop3A_180 = arith.addi %parallel_loop3A_144, %parallel_loop3A_179 : vector<16xi32>
        %parallel_loop3A_181 = tpu.vector_load_idx %arg12[%parallel_loop3A_180] : memref<4225xf32, #tpu.memory_space<vmem>>[vector<16xi32>], vector<16xf32>,
        %parallel_loop3A_182 = arith.constant 16 : i32
        %parallel_loop3A_183 = arith.muli %parallel_loop3A_139, %parallel_loop3A_182 : i32
        %parallel_loop3A_184 = arith.constant 3 : i32
        %parallel_loop3A_185 = arith.index_cast %parallel_loop3A_184 : i32 to index
        %parallel_loop3A_186 = arith.index_cast %scan3A_135 : i32 to index
        %parallel_loop3A_187 = arith.index_cast %parallel_loop3A_183 : i32 to index
        %parallel_loop3A_188 = tpu.vector_load %arg11[%parallel_loop3A_185, %parallel_loop3A_186, %parallel_loop3A_187] {strides = array<i32>} : memref<13x8x512xf32, #tpu.memory_space<vmem>>, vector<16xf32>,
        tpu.vector_store %arg11[%parallel_loop3A_185, %parallel_loop3A_186, %parallel_loop3A_187], %parallel_loop3A_181 {strides = array<i32>} : memref<13x8x512xf32, #tpu.memory_space<vmem>>, vector<16xf32>,
        %parallel_loop3A_189 = arith.constant 2795 : i32
        %parallel_loop3A_190 = vector.broadcast %parallel_loop3A_189 : i32 to vector<16xi32>
        %parallel_loop3A_191 = arith.addi %parallel_loop3A_144, %parallel_loop3A_190 : vector<16xi32>
        %parallel_loop3A_192 = tpu.vector_load_idx %arg12[%parallel_loop3A_191] : memref<4225xf32, #tpu.memory_space<vmem>>[vector<16xi32>], vector<16xf32>,
        %parallel_loop3A_193 = arith.constant 16 : i32
        %parallel_loop3A_194 = arith.muli %parallel_loop3A_139, %parallel_loop3A_193 : i32
        %parallel_loop3A_195 = arith.constant 4 : i32
        %parallel_loop3A_196 = arith.index_cast %parallel_loop3A_195 : i32 to index
        %parallel_loop3A_197 = arith.index_cast %scan3A_135 : i32 to index
        %parallel_loop3A_198 = arith.index_cast %parallel_loop3A_194 : i32 to index
        %parallel_loop3A_199 = tpu.vector_load %arg11[%parallel_loop3A_196, %parallel_loop3A_197, %parallel_loop3A_198] {strides = array<i32>} : memref<13x8x512xf32, #tpu.memory_space<vmem>>, vector<16xf32>,
        tpu.vector_store %arg11[%parallel_loop3A_196, %parallel_loop3A_197, %parallel_loop3A_198], %parallel_loop3A_192 {strides = array<i32>} : memref<13x8x512xf32, #tpu.memory_space<vmem>>, vector<16xf32>,
        %parallel_loop3A_200 = arith.constant 2860 : i32
        %parallel_loop3A_201 = vector.broadcast %parallel_loop3A_200 : i32 to vector<16xi32>
        %parallel_loop3A_202 = arith.addi %parallel_loop3A_144, %parallel_loop3A_201 : vector<16xi32>
        %parallel_loop3A_203 = tpu.vector_load_idx %arg12[%parallel_loop3A_202] : memref<4225xf32, #tpu.memory_space<vmem>>[vector<16xi32>], vector<16xf32>,
        %parallel_loop3A_204 = arith.constant 16 : i32
        %parallel_loop3A_205 = arith.muli %parallel_loop3A_139, %parallel_loop3A_204 : i32
        %parallel_loop3A_206 = arith.constant 5 : i32
        %parallel_loop3A_207 = arith.index_cast %parallel_loop3A_206 : i32 to index
        %parallel_loop3A_208 = arith.index_cast %scan3A_135 : i32 to index
        %parallel_loop3A_209 = arith.index_cast %parallel_loop3A_205 : i32 to index
        %parallel_loop3A_210 = tpu.vector_load %arg11[%parallel_loop3A_207, %parallel_loop3A_208, %parallel_loop3A_209] {strides = array<i32>} : memref<13x8x512xf32, #tpu.memory_space<vmem>>, vector<16xf32>,
        tpu.vector_store %arg11[%parallel_loop3A_207, %parallel_loop3A_208, %parallel_loop3A_209], %parallel_loop3A_203 {strides = array<i32>} : memref<13x8x512xf32, #tpu.memory_space<vmem>>, vector<16xf32>,
        %parallel_loop3A_211 = arith.constant 2925 : i32
        %parallel_loop3A_212 = vector.broadcast %parallel_loop3A_211 : i32 to vector<16xi32>
        %parallel_loop3A_213 = arith.addi %parallel_loop3A_144, %parallel_loop3A_212 : vector<16xi32>
        %parallel_loop3A_214 = tpu.vector_load_idx %arg12[%parallel_loop3A_213] : memref<4225xf32, #tpu.memory_space<vmem>>[vector<16xi32>], vector<16xf32>,
        %parallel_loop3A_215 = arith.constant 16 : i32
        %parallel_loop3A_216 = arith.muli %parallel_loop3A_139, %parallel_loop3A_215 : i32
        %parallel_loop3A_217 = arith.constant 6 : i32
        %parallel_loop3A_218 = arith.index_cast %parallel_loop3A_217 : i32 to index
        %parallel_loop3A_219 = arith.index_cast %scan3A_135 : i32 to index
        %parallel_loop3A_220 = arith.index_cast %parallel_loop3A_216 : i32 to index
        %parallel_loop3A_221 = tpu.vector_load %arg11[%parallel_loop3A_218, %parallel_loop3A_219, %parallel_loop3A_220] {strides = array<i32>} : memref<13x8x512xf32, #tpu.memory_space<vmem>>, vector<16xf32>,
        tpu.vector_store %arg11[%parallel_loop3A_218, %parallel_loop3A_219, %parallel_loop3A_220], %parallel_loop3A_214 {strides = array<i32>} : memref<13x8x512xf32, #tpu.memory_space<vmem>>, vector<16xf32>,
        %parallel_loop3A_222 = arith.constant 2990 : i32
        %parallel_loop3A_223 = vector.broadcast %parallel_loop3A_222 : i32 to vector<16xi32>
        %parallel_loop3A_224 = arith.addi %parallel_loop3A_144, %parallel_loop3A_223 : vector<16xi32>
        %parallel_loop3A_225 = tpu.vector_load_idx %arg12[%parallel_loop3A_224] : memref<4225xf32, #tpu.memory_space<vmem>>[vector<16xi32>], vector<16xf32>,
        %parallel_loop3A_226 = arith.constant 16 : i32
        %parallel_loop3A_227 = arith.muli %parallel_loop3A_139, %parallel_loop3A_226 : i32
        %parallel_loop3A_228 = arith.constant 7 : i32
        %parallel_loop3A_229 = arith.index_cast %parallel_loop3A_228 : i32 to index
        %parallel_loop3A_230 = arith.index_cast %scan3A_135 : i32 to index
        %parallel_loop3A_231 = arith.index_cast %parallel_loop3A_227 : i32 to index
        %parallel_loop3A_232 = tpu.vector_load %arg11[%parallel_loop3A_229, %parallel_loop3A_230, %parallel_loop3A_231] {strides = array<i32>} : memref<13x8x512xf32, #tpu.memory_space<vmem>>, vector<16xf32>,
        tpu.vector_store %arg11[%parallel_loop3A_229, %parallel_loop3A_230, %parallel_loop3A_231], %parallel_loop3A_225 {strides = array<i32>} : memref<13x8x512xf32, #tpu.memory_space<vmem>>, vector<16xf32>,
        %parallel_loop3A_233 = arith.constant 3055 : i32
        %parallel_loop3A_234 = vector.broadcast %parallel_loop3A_233 : i32 to vector<16xi32>
        %parallel_loop3A_235 = arith.addi %parallel_loop3A_144, %parallel_loop3A_234 : vector<16xi32>
        %parallel_loop3A_236 = tpu.vector_load_idx %arg12[%parallel_loop3A_235] : memref<4225xf32, #tpu.memory_space<vmem>>[vector<16xi32>], vector<16xf32>,
        %parallel_loop3A_237 = arith.constant 16 : i32
        %parallel_loop3A_238 = arith.muli %parallel_loop3A_139, %parallel_loop3A_237 : i32
        %parallel_loop3A_239 = arith.constant 8 : i32
        %parallel_loop3A_240 = arith.index_cast %parallel_loop3A_239 : i32 to index
        %parallel_loop3A_241 = arith.index_cast %scan3A_135 : i32 to index
        %parallel_loop3A_242 = arith.index_cast %parallel_loop3A_238 : i32 to index
        %parallel_loop3A_243 = tpu.vector_load %arg11[%parallel_loop3A_240, %parallel_loop3A_241, %parallel_loop3A_242] {strides = array<i32>} : memref<13x8x512xf32, #tpu.memory_space<vmem>>, vector<16xf32>,
        tpu.vector_store %arg11[%parallel_loop3A_240, %parallel_loop3A_241, %parallel_loop3A_242], %parallel_loop3A_236 {strides = array<i32>} : memref<13x8x512xf32, #tpu.memory_space<vmem>>, vector<16xf32>,
        %parallel_loop3A_244 = arith.constant 3120 : i32
        %parallel_loop3A_245 = vector.broadcast %parallel_loop3A_244 : i32 to vector<16xi32>
        %parallel_loop3A_246 = arith.addi %parallel_loop3A_144, %parallel_loop3A_245 : vector<16xi32>
        %parallel_loop3A_247 = tpu.vector_load_idx %arg12[%parallel_loop3A_246] : memref<4225xf32, #tpu.memory_space<vmem>>[vector<16xi32>], vector<16xf32>,
        %parallel_loop3A_248 = arith.constant 16 : i32
        %parallel_loop3A_249 = arith.muli %parallel_loop3A_139, %parallel_loop3A_248 : i32
        %parallel_loop3A_250 = arith.constant 9 : i32
        %parallel_loop3A_251 = arith.index_cast %parallel_loop3A_250 : i32 to index
        %parallel_loop3A_252 = arith.index_cast %scan3A_135 : i32 to index
        %parallel_loop3A_253 = arith.index_cast %parallel_loop3A_249 : i32 to index
        %parallel_loop3A_254 = tpu.vector_load %arg11[%parallel_loop3A_251, %parallel_loop3A_252, %parallel_loop3A_253] {strides = array<i32>} : memref<13x8x512xf32, #tpu.memory_space<vmem>>, vector<16xf32>,
        tpu.vector_store %arg11[%parallel_loop3A_251, %parallel_loop3A_252, %parallel_loop3A_253], %parallel_loop3A_247 {strides = array<i32>} : memref<13x8x512xf32, #tpu.memory_space<vmem>>, vector<16xf32>,
        %parallel_loop3A_255 = arith.constant 3185 : i32
        %parallel_loop3A_256 = vector.broadcast %parallel_loop3A_255 : i32 to vector<16xi32>
        %parallel_loop3A_257 = arith.addi %parallel_loop3A_144, %parallel_loop3A_256 : vector<16xi32>
        %parallel_loop3A_258 = tpu.vector_load_idx %arg12[%parallel_loop3A_257] : memref<4225xf32, #tpu.memory_space<vmem>>[vector<16xi32>], vector<16xf32>,
        %parallel_loop3A_259 = arith.constant 16 : i32
        %parallel_loop3A_260 = arith.muli %parallel_loop3A_139, %parallel_loop3A_259 : i32
        %parallel_loop3A_261 = arith.constant 10 : i32
        %parallel_loop3A_262 = arith.index_cast %parallel_loop3A_261 : i32 to index
        %parallel_loop3A_263 = arith.index_cast %scan3A_135 : i32 to index
        %parallel_loop3A_264 = arith.index_cast %parallel_loop3A_260 : i32 to index
        %parallel_loop3A_265 = tpu.vector_load %arg11[%parallel_loop3A_262, %parallel_loop3A_263, %parallel_loop3A_264] {strides = array<i32>} : memref<13x8x512xf32, #tpu.memory_space<vmem>>, vector<16xf32>,
        tpu.vector_store %arg11[%parallel_loop3A_262, %parallel_loop3A_263, %parallel_loop3A_264], %parallel_loop3A_258 {strides = array<i32>} : memref<13x8x512xf32, #tpu.memory_space<vmem>>, vector<16xf32>,
        %parallel_loop3A_266 = arith.constant 3250 : i32
        %parallel_loop3A_267 = vector.broadcast %parallel_loop3A_266 : i32 to vector<16xi32>
        %parallel_loop3A_268 = arith.addi %parallel_loop3A_144, %parallel_loop3A_267 : vector<16xi32>
        %parallel_loop3A_269 = tpu.vector_load_idx %arg12[%parallel_loop3A_268] : memref<4225xf32, #tpu.memory_space<vmem>>[vector<16xi32>], vector<16xf32>,
        %parallel_loop3A_270 = arith.constant 16 : i32
        %parallel_loop3A_271 = arith.muli %parallel_loop3A_139, %parallel_loop3A_270 : i32
        %parallel_loop3A_272 = arith.constant 11 : i32
        %parallel_loop3A_273 = arith.index_cast %parallel_loop3A_272 : i32 to index
        %parallel_loop3A_274 = arith.index_cast %scan3A_135 : i32 to index
        %parallel_loop3A_275 = arith.index_cast %parallel_loop3A_271 : i32 to index
        %parallel_loop3A_276 = tpu.vector_load %arg11[%parallel_loop3A_273, %parallel_loop3A_274, %parallel_loop3A_275] {strides = array<i32>} : memref<13x8x512xf32, #tpu.memory_space<vmem>>, vector<16xf32>,
        tpu.vector_store %arg11[%parallel_loop3A_273, %parallel_loop3A_274, %parallel_loop3A_275], %parallel_loop3A_269 {strides = array<i32>} : memref<13x8x512xf32, #tpu.memory_space<vmem>>, vector<16xf32>,
        %parallel_loop3A_277 = arith.constant 3315 : i32
        %parallel_loop3A_278 = vector.broadcast %parallel_loop3A_277 : i32 to vector<16xi32>
        %parallel_loop3A_279 = arith.addi %parallel_loop3A_144, %parallel_loop3A_278 : vector<16xi32>
        %parallel_loop3A_280 = tpu.vector_load_idx %arg12[%parallel_loop3A_279] : memref<4225xf32, #tpu.memory_space<vmem>>[vector<16xi32>], vector<16xf32>,
        %parallel_loop3A_281 = arith.constant 16 : i32
        %parallel_loop3A_282 = arith.muli %parallel_loop3A_139, %parallel_loop3A_281 : i32
        %parallel_loop3A_283 = arith.constant 12 : i32
        %parallel_loop3A_284 = arith.index_cast %parallel_loop3A_283 : i32 to index
        %parallel_loop3A_285 = arith.index_cast %scan3A_135 : i32 to index
        %parallel_loop3A_286 = arith.index_cast %parallel_loop3A_282 : i32 to index
        %parallel_loop3A_287 = tpu.vector_load %arg11[%parallel_loop3A_284, %parallel_loop3A_285, %parallel_loop3A_286] {strides = array<i32>} : memref<13x8x512xf32, #tpu.memory_space<vmem>>, vector<16xf32>,
        tpu.vector_store %arg11[%parallel_loop3A_284, %parallel_loop3A_285, %parallel_loop3A_286], %parallel_loop3A_280 {strides = array<i32>} : memref<13x8x512xf32, #tpu.memory_space<vmem>>, vector<16xf32>,
      } {sc.loop_unroll_factor = 16 : i64, sc.parallel_access}
    }
    %scan3A_70 = arith.constant 8 : i32
    %dma_start3A_71 = arith.constant 39 : i32
    %dma_start3A_72 = tpu.memref_slice %arg6[%dma_start3A_71, %mul3A_21, %mul3A_23] : memref<65x64x2048xf32, #tpu.memory_space<hbm>> -> memref<13x8x512xf32, #tpu.memory_space<hbm>>
    %dma_start3A_73 = arith.constant 39 : i32
    %dma_start3A_74 = tpu.memref_slice %arg6[%dma_start3A_73, %mul3A_21, %mul3A_23] : memref<65x64x2048xf32, #tpu.memory_space<hbm>> -> memref<13x8x512xf32, #tpu.memory_space<hbm>>
    tpu.enqueue_dma source(%arg11 : memref<13x8x512xf32, #tpu.memory_space<vmem>>) target(%dma_start3A_74 : memref<13x8x512xf32, #tpu.memory_space<hbm>>) target_semaphore(%arg16 : memref<!tpu.dma_semaphore, #tpu.memory_space<semaphore_mem>>)
    %dma_wait3A_75 = arith.constant 26 : i32
    %dma_wait3A_76 = tpu.memref_slice %arg6[%dma_wait3A_75, %mul3A_21, %mul3A_23] : memref<65x64x2048xf32, #tpu.memory_space<hbm>> -> memref<13x8x512xf32, #tpu.memory_space<hbm>>
    %dma_wait3A_77 = arith.constant 26 : i32
    %dma_wait3A_78 = tpu.memref_slice %arg6[%dma_wait3A_77, %mul3A_21, %mul3A_23] : memref<65x64x2048xf32, #tpu.memory_space<hbm>> -> memref<13x8x512xf32, #tpu.memory_space<hbm>>
    tpu.wait_dma2 semaphore(%arg15 : memref<!tpu.dma_semaphore, #tpu.memory_space<semaphore_mem>>) src(%arg10 : memref<13x8x512xf32, #tpu.memory_space<vmem>>) dst(%dma_wait3A_78 : memref<13x8x512xf32, #tpu.memory_space<hbm>>)
    %scan3A_79 = arith.constant 0 : i32
    %scan3A_80 = arith.constant 0 : i32
    %scan3A_81 = arith.constant 8 : i32
    %scan3A_82 = arith.addi %scan3A_80, %scan3A_81 : i32
    %scan3A_83 = arith.constant 1 : i32
    scf.for %scan3A_135 = %scan3A_80 to %scan3A_82 step %scan3A_83  : i32 {
      %parallel_loop3A_136 = arith.constant 0 : i32
      %parallel_loop3A_137 = arith.constant 32 : i32
      %parallel_loop3A_138 = arith.constant 1 : i32
      scf.for %parallel_loop3A_139 = %parallel_loop3A_136 to %parallel_loop3A_137 step %parallel_loop3A_138  : i32 {
        %parallel_loop3A_140 = arith.constant 16 : i32
        %parallel_loop3A_141 = arith.muli %parallel_loop3A_139, %parallel_loop3A_140 : i32
        %parallel_loop3A_142 = arith.index_cast %scan3A_135 : i32 to index
        %parallel_loop3A_143 = arith.index_cast %parallel_loop3A_141 : i32 to index
        %parallel_loop3A_144 = tpu.vector_load %arg8[%parallel_loop3A_142, %parallel_loop3A_143] {strides = array<i32>} : memref<8x512xi32, #tpu.memory_space<vmem>>, vector<16xi32>,
        %parallel_loop3A_145 = arith.constant 3380 : i32
        %parallel_loop3A_146 = vector.broadcast %parallel_loop3A_145 : i32 to vector<16xi32>
        %parallel_loop3A_147 = arith.addi %parallel_loop3A_144, %parallel_loop3A_146 : vector<16xi32>
        %parallel_loop3A_148 = tpu.vector_load_idx %arg12[%parallel_loop3A_147] : memref<4225xf32, #tpu.memory_space<vmem>>[vector<16xi32>], vector<16xf32>,
        %parallel_loop3A_149 = arith.constant 16 : i32
        %parallel_loop3A_150 = arith.muli %parallel_loop3A_139, %parallel_loop3A_149 : i32
        %parallel_loop3A_151 = arith.constant 0 : i32
        %parallel_loop3A_152 = arith.index_cast %parallel_loop3A_151 : i32 to index
        %parallel_loop3A_153 = arith.index_cast %scan3A_135 : i32 to index
        %parallel_loop3A_154 = arith.index_cast %parallel_loop3A_150 : i32 to index
        %parallel_loop3A_155 = tpu.vector_load %arg10[%parallel_loop3A_152, %parallel_loop3A_153, %parallel_loop3A_154] {strides = array<i32>} : memref<13x8x512xf32, #tpu.memory_space<vmem>>, vector<16xf32>,
        tpu.vector_store %arg10[%parallel_loop3A_152, %parallel_loop3A_153, %parallel_loop3A_154], %parallel_loop3A_148 {strides = array<i32>} : memref<13x8x512xf32, #tpu.memory_space<vmem>>, vector<16xf32>,
        %parallel_loop3A_156 = arith.constant 3445 : i32
        %parallel_loop3A_157 = vector.broadcast %parallel_loop3A_156 : i32 to vector<16xi32>
        %parallel_loop3A_158 = arith.addi %parallel_loop3A_144, %parallel_loop3A_157 : vector<16xi32>
        %parallel_loop3A_159 = tpu.vector_load_idx %arg12[%parallel_loop3A_158] : memref<4225xf32, #tpu.memory_space<vmem>>[vector<16xi32>], vector<16xf32>,
        %parallel_loop3A_160 = arith.constant 16 : i32
        %parallel_loop3A_161 = arith.muli %parallel_loop3A_139, %parallel_loop3A_160 : i32
        %parallel_loop3A_162 = arith.constant 1 : i32
        %parallel_loop3A_163 = arith.index_cast %parallel_loop3A_162 : i32 to index
        %parallel_loop3A_164 = arith.index_cast %scan3A_135 : i32 to index
        %parallel_loop3A_165 = arith.index_cast %parallel_loop3A_161 : i32 to index
        %parallel_loop3A_166 = tpu.vector_load %arg10[%parallel_loop3A_163, %parallel_loop3A_164, %parallel_loop3A_165] {strides = array<i32>} : memref<13x8x512xf32, #tpu.memory_space<vmem>>, vector<16xf32>,
        tpu.vector_store %arg10[%parallel_loop3A_163, %parallel_loop3A_164, %parallel_loop3A_165], %parallel_loop3A_159 {strides = array<i32>} : memref<13x8x512xf32, #tpu.memory_space<vmem>>, vector<16xf32>,
        %parallel_loop3A_167 = arith.constant 3510 : i32
        %parallel_loop3A_168 = vector.broadcast %parallel_loop3A_167 : i32 to vector<16xi32>
        %parallel_loop3A_169 = arith.addi %parallel_loop3A_144, %parallel_loop3A_168 : vector<16xi32>
        %parallel_loop3A_170 = tpu.vector_load_idx %arg12[%parallel_loop3A_169] : memref<4225xf32, #tpu.memory_space<vmem>>[vector<16xi32>], vector<16xf32>,
        %parallel_loop3A_171 = arith.constant 16 : i32
        %parallel_loop3A_172 = arith.muli %parallel_loop3A_139, %parallel_loop3A_171 : i32
        %parallel_loop3A_173 = arith.constant 2 : i32
        %parallel_loop3A_174 = arith.index_cast %parallel_loop3A_173 : i32 to index
        %parallel_loop3A_175 = arith.index_cast %scan3A_135 : i32 to index
        %parallel_loop3A_176 = arith.index_cast %parallel_loop3A_172 : i32 to index
        %parallel_loop3A_177 = tpu.vector_load %arg10[%parallel_loop3A_174, %parallel_loop3A_175, %parallel_loop3A_176] {strides = array<i32>} : memref<13x8x512xf32, #tpu.memory_space<vmem>>, vector<16xf32>,
        tpu.vector_store %arg10[%parallel_loop3A_174, %parallel_loop3A_175, %parallel_loop3A_176], %parallel_loop3A_170 {strides = array<i32>} : memref<13x8x512xf32, #tpu.memory_space<vmem>>, vector<16xf32>,
        %parallel_loop3A_178 = arith.constant 3575 : i32
        %parallel_loop3A_179 = vector.broadcast %parallel_loop3A_178 : i32 to vector<16xi32>
        %parallel_loop3A_180 = arith.addi %parallel_loop3A_144, %parallel_loop3A_179 : vector<16xi32>
        %parallel_loop3A_181 = tpu.vector_load_idx %arg12[%parallel_loop3A_180] : memref<4225xf32, #tpu.memory_space<vmem>>[vector<16xi32>], vector<16xf32>,
        %parallel_loop3A_182 = arith.constant 16 : i32
        %parallel_loop3A_183 = arith.muli %parallel_loop3A_139, %parallel_loop3A_182 : i32
        %parallel_loop3A_184 = arith.constant 3 : i32
        %parallel_loop3A_185 = arith.index_cast %parallel_loop3A_184 : i32 to index
        %parallel_loop3A_186 = arith.index_cast %scan3A_135 : i32 to index
        %parallel_loop3A_187 = arith.index_cast %parallel_loop3A_183 : i32 to index
        %parallel_loop3A_188 = tpu.vector_load %arg10[%parallel_loop3A_185, %parallel_loop3A_186, %parallel_loop3A_187] {strides = array<i32>} : memref<13x8x512xf32, #tpu.memory_space<vmem>>, vector<16xf32>,
        tpu.vector_store %arg10[%parallel_loop3A_185, %parallel_loop3A_186, %parallel_loop3A_187], %parallel_loop3A_181 {strides = array<i32>} : memref<13x8x512xf32, #tpu.memory_space<vmem>>, vector<16xf32>,
        %parallel_loop3A_189 = arith.constant 3640 : i32
        %parallel_loop3A_190 = vector.broadcast %parallel_loop3A_189 : i32 to vector<16xi32>
        %parallel_loop3A_191 = arith.addi %parallel_loop3A_144, %parallel_loop3A_190 : vector<16xi32>
        %parallel_loop3A_192 = tpu.vector_load_idx %arg12[%parallel_loop3A_191] : memref<4225xf32, #tpu.memory_space<vmem>>[vector<16xi32>], vector<16xf32>,
        %parallel_loop3A_193 = arith.constant 16 : i32
        %parallel_loop3A_194 = arith.muli %parallel_loop3A_139, %parallel_loop3A_193 : i32
        %parallel_loop3A_195 = arith.constant 4 : i32
        %parallel_loop3A_196 = arith.index_cast %parallel_loop3A_195 : i32 to index
        %parallel_loop3A_197 = arith.index_cast %scan3A_135 : i32 to index
        %parallel_loop3A_198 = arith.index_cast %parallel_loop3A_194 : i32 to index
        %parallel_loop3A_199 = tpu.vector_load %arg10[%parallel_loop3A_196, %parallel_loop3A_197, %parallel_loop3A_198] {strides = array<i32>} : memref<13x8x512xf32, #tpu.memory_space<vmem>>, vector<16xf32>,
        tpu.vector_store %arg10[%parallel_loop3A_196, %parallel_loop3A_197, %parallel_loop3A_198], %parallel_loop3A_192 {strides = array<i32>} : memref<13x8x512xf32, #tpu.memory_space<vmem>>, vector<16xf32>,
        %parallel_loop3A_200 = arith.constant 3705 : i32
        %parallel_loop3A_201 = vector.broadcast %parallel_loop3A_200 : i32 to vector<16xi32>
        %parallel_loop3A_202 = arith.addi %parallel_loop3A_144, %parallel_loop3A_201 : vector<16xi32>
        %parallel_loop3A_203 = tpu.vector_load_idx %arg12[%parallel_loop3A_202] : memref<4225xf32, #tpu.memory_space<vmem>>[vector<16xi32>], vector<16xf32>,
        %parallel_loop3A_204 = arith.constant 16 : i32
        %parallel_loop3A_205 = arith.muli %parallel_loop3A_139, %parallel_loop3A_204 : i32
        %parallel_loop3A_206 = arith.constant 5 : i32
        %parallel_loop3A_207 = arith.index_cast %parallel_loop3A_206 : i32 to index
        %parallel_loop3A_208 = arith.index_cast %scan3A_135 : i32 to index
        %parallel_loop3A_209 = arith.index_cast %parallel_loop3A_205 : i32 to index
        %parallel_loop3A_210 = tpu.vector_load %arg10[%parallel_loop3A_207, %parallel_loop3A_208, %parallel_loop3A_209] {strides = array<i32>} : memref<13x8x512xf32, #tpu.memory_space<vmem>>, vector<16xf32>,
        tpu.vector_store %arg10[%parallel_loop3A_207, %parallel_loop3A_208, %parallel_loop3A_209], %parallel_loop3A_203 {strides = array<i32>} : memref<13x8x512xf32, #tpu.memory_space<vmem>>, vector<16xf32>,
        %parallel_loop3A_211 = arith.constant 3770 : i32
        %parallel_loop3A_212 = vector.broadcast %parallel_loop3A_211 : i32 to vector<16xi32>
        %parallel_loop3A_213 = arith.addi %parallel_loop3A_144, %parallel_loop3A_212 : vector<16xi32>
        %parallel_loop3A_214 = tpu.vector_load_idx %arg12[%parallel_loop3A_213] : memref<4225xf32, #tpu.memory_space<vmem>>[vector<16xi32>], vector<16xf32>,
        %parallel_loop3A_215 = arith.constant 16 : i32
        %parallel_loop3A_216 = arith.muli %parallel_loop3A_139, %parallel_loop3A_215 : i32
        %parallel_loop3A_217 = arith.constant 6 : i32
        %parallel_loop3A_218 = arith.index_cast %parallel_loop3A_217 : i32 to index
        %parallel_loop3A_219 = arith.index_cast %scan3A_135 : i32 to index
        %parallel_loop3A_220 = arith.index_cast %parallel_loop3A_216 : i32 to index
        %parallel_loop3A_221 = tpu.vector_load %arg10[%parallel_loop3A_218, %parallel_loop3A_219, %parallel_loop3A_220] {strides = array<i32>} : memref<13x8x512xf32, #tpu.memory_space<vmem>>, vector<16xf32>,
        tpu.vector_store %arg10[%parallel_loop3A_218, %parallel_loop3A_219, %parallel_loop3A_220], %parallel_loop3A_214 {strides = array<i32>} : memref<13x8x512xf32, #tpu.memory_space<vmem>>, vector<16xf32>,
        %parallel_loop3A_222 = arith.constant 3835 : i32
        %parallel_loop3A_223 = vector.broadcast %parallel_loop3A_222 : i32 to vector<16xi32>
        %parallel_loop3A_224 = arith.addi %parallel_loop3A_144, %parallel_loop3A_223 : vector<16xi32>
        %parallel_loop3A_225 = tpu.vector_load_idx %arg12[%parallel_loop3A_224] : memref<4225xf32, #tpu.memory_space<vmem>>[vector<16xi32>], vector<16xf32>,
        %parallel_loop3A_226 = arith.constant 16 : i32
        %parallel_loop3A_227 = arith.muli %parallel_loop3A_139, %parallel_loop3A_226 : i32
        %parallel_loop3A_228 = arith.constant 7 : i32
        %parallel_loop3A_229 = arith.index_cast %parallel_loop3A_228 : i32 to index
        %parallel_loop3A_230 = arith.index_cast %scan3A_135 : i32 to index
        %parallel_loop3A_231 = arith.index_cast %parallel_loop3A_227 : i32 to index
        %parallel_loop3A_232 = tpu.vector_load %arg10[%parallel_loop3A_229, %parallel_loop3A_230, %parallel_loop3A_231] {strides = array<i32>} : memref<13x8x512xf32, #tpu.memory_space<vmem>>, vector<16xf32>,
        tpu.vector_store %arg10[%parallel_loop3A_229, %parallel_loop3A_230, %parallel_loop3A_231], %parallel_loop3A_225 {strides = array<i32>} : memref<13x8x512xf32, #tpu.memory_space<vmem>>, vector<16xf32>,
        %parallel_loop3A_233 = arith.constant 3900 : i32
        %parallel_loop3A_234 = vector.broadcast %parallel_loop3A_233 : i32 to vector<16xi32>
        %parallel_loop3A_235 = arith.addi %parallel_loop3A_144, %parallel_loop3A_234 : vector<16xi32>
        %parallel_loop3A_236 = tpu.vector_load_idx %arg12[%parallel_loop3A_235] : memref<4225xf32, #tpu.memory_space<vmem>>[vector<16xi32>], vector<16xf32>,
        %parallel_loop3A_237 = arith.constant 16 : i32
        %parallel_loop3A_238 = arith.muli %parallel_loop3A_139, %parallel_loop3A_237 : i32
        %parallel_loop3A_239 = arith.constant 8 : i32
        %parallel_loop3A_240 = arith.index_cast %parallel_loop3A_239 : i32 to index
        %parallel_loop3A_241 = arith.index_cast %scan3A_135 : i32 to index
        %parallel_loop3A_242 = arith.index_cast %parallel_loop3A_238 : i32 to index
        %parallel_loop3A_243 = tpu.vector_load %arg10[%parallel_loop3A_240, %parallel_loop3A_241, %parallel_loop3A_242] {strides = array<i32>} : memref<13x8x512xf32, #tpu.memory_space<vmem>>, vector<16xf32>,
        tpu.vector_store %arg10[%parallel_loop3A_240, %parallel_loop3A_241, %parallel_loop3A_242], %parallel_loop3A_236 {strides = array<i32>} : memref<13x8x512xf32, #tpu.memory_space<vmem>>, vector<16xf32>,
        %parallel_loop3A_244 = arith.constant 3965 : i32
        %parallel_loop3A_245 = vector.broadcast %parallel_loop3A_244 : i32 to vector<16xi32>
        %parallel_loop3A_246 = arith.addi %parallel_loop3A_144, %parallel_loop3A_245 : vector<16xi32>
        %parallel_loop3A_247 = tpu.vector_load_idx %arg12[%parallel_loop3A_246] : memref<4225xf32, #tpu.memory_space<vmem>>[vector<16xi32>], vector<16xf32>,
        %parallel_loop3A_248 = arith.constant 16 : i32
        %parallel_loop3A_249 = arith.muli %parallel_loop3A_139, %parallel_loop3A_248 : i32
        %parallel_loop3A_250 = arith.constant 9 : i32
        %parallel_loop3A_251 = arith.index_cast %parallel_loop3A_250 : i32 to index
        %parallel_loop3A_252 = arith.index_cast %scan3A_135 : i32 to index
        %parallel_loop3A_253 = arith.index_cast %parallel_loop3A_249 : i32 to index
        %parallel_loop3A_254 = tpu.vector_load %arg10[%parallel_loop3A_251, %parallel_loop3A_252, %parallel_loop3A_253] {strides = array<i32>} : memref<13x8x512xf32, #tpu.memory_space<vmem>>, vector<16xf32>,
        tpu.vector_store %arg10[%parallel_loop3A_251, %parallel_loop3A_252, %parallel_loop3A_253], %parallel_loop3A_247 {strides = array<i32>} : memref<13x8x512xf32, #tpu.memory_space<vmem>>, vector<16xf32>,
        %parallel_loop3A_255 = arith.constant 4030 : i32
        %parallel_loop3A_256 = vector.broadcast %parallel_loop3A_255 : i32 to vector<16xi32>
        %parallel_loop3A_257 = arith.addi %parallel_loop3A_144, %parallel_loop3A_256 : vector<16xi32>
        %parallel_loop3A_258 = tpu.vector_load_idx %arg12[%parallel_loop3A_257] : memref<4225xf32, #tpu.memory_space<vmem>>[vector<16xi32>], vector<16xf32>,
        %parallel_loop3A_259 = arith.constant 16 : i32
        %parallel_loop3A_260 = arith.muli %parallel_loop3A_139, %parallel_loop3A_259 : i32
        %parallel_loop3A_261 = arith.constant 10 : i32
        %parallel_loop3A_262 = arith.index_cast %parallel_loop3A_261 : i32 to index
        %parallel_loop3A_263 = arith.index_cast %scan3A_135 : i32 to index
        %parallel_loop3A_264 = arith.index_cast %parallel_loop3A_260 : i32 to index
        %parallel_loop3A_265 = tpu.vector_load %arg10[%parallel_loop3A_262, %parallel_loop3A_263, %parallel_loop3A_264] {strides = array<i32>} : memref<13x8x512xf32, #tpu.memory_space<vmem>>, vector<16xf32>,
        tpu.vector_store %arg10[%parallel_loop3A_262, %parallel_loop3A_263, %parallel_loop3A_264], %parallel_loop3A_258 {strides = array<i32>} : memref<13x8x512xf32, #tpu.memory_space<vmem>>, vector<16xf32>,
        %parallel_loop3A_266 = arith.constant 4095 : i32
        %parallel_loop3A_267 = vector.broadcast %parallel_loop3A_266 : i32 to vector<16xi32>
        %parallel_loop3A_268 = arith.addi %parallel_loop3A_144, %parallel_loop3A_267 : vector<16xi32>
        %parallel_loop3A_269 = tpu.vector_load_idx %arg12[%parallel_loop3A_268] : memref<4225xf32, #tpu.memory_space<vmem>>[vector<16xi32>], vector<16xf32>,
        %parallel_loop3A_270 = arith.constant 16 : i32
        %parallel_loop3A_271 = arith.muli %parallel_loop3A_139, %parallel_loop3A_270 : i32
        %parallel_loop3A_272 = arith.constant 11 : i32
        %parallel_loop3A_273 = arith.index_cast %parallel_loop3A_272 : i32 to index
        %parallel_loop3A_274 = arith.index_cast %scan3A_135 : i32 to index
        %parallel_loop3A_275 = arith.index_cast %parallel_loop3A_271 : i32 to index
        %parallel_loop3A_276 = tpu.vector_load %arg10[%parallel_loop3A_273, %parallel_loop3A_274, %parallel_loop3A_275] {strides = array<i32>} : memref<13x8x512xf32, #tpu.memory_space<vmem>>, vector<16xf32>,
        tpu.vector_store %arg10[%parallel_loop3A_273, %parallel_loop3A_274, %parallel_loop3A_275], %parallel_loop3A_269 {strides = array<i32>} : memref<13x8x512xf32, #tpu.memory_space<vmem>>, vector<16xf32>,
        %parallel_loop3A_277 = arith.constant 4160 : i32
        %parallel_loop3A_278 = vector.broadcast %parallel_loop3A_277 : i32 to vector<16xi32>
        %parallel_loop3A_279 = arith.addi %parallel_loop3A_144, %parallel_loop3A_278 : vector<16xi32>
        %parallel_loop3A_280 = tpu.vector_load_idx %arg12[%parallel_loop3A_279] : memref<4225xf32, #tpu.memory_space<vmem>>[vector<16xi32>], vector<16xf32>,
        %parallel_loop3A_281 = arith.constant 16 : i32
        %parallel_loop3A_282 = arith.muli %parallel_loop3A_139, %parallel_loop3A_281 : i32
        %parallel_loop3A_283 = arith.constant 12 : i32
        %parallel_loop3A_284 = arith.index_cast %parallel_loop3A_283 : i32 to index
        %parallel_loop3A_285 = arith.index_cast %scan3A_135 : i32 to index
        %parallel_loop3A_286 = arith.index_cast %parallel_loop3A_282 : i32 to index
        %parallel_loop3A_287 = tpu.vector_load %arg10[%parallel_loop3A_284, %parallel_loop3A_285, %parallel_loop3A_286] {strides = array<i32>} : memref<13x8x512xf32, #tpu.memory_space<vmem>>, vector<16xf32>,
        tpu.vector_store %arg10[%parallel_loop3A_284, %parallel_loop3A_285, %parallel_loop3A_286], %parallel_loop3A_280 {strides = array<i32>} : memref<13x8x512xf32, #tpu.memory_space<vmem>>, vector<16xf32>,
      } {sc.loop_unroll_factor = 16 : i64, sc.parallel_access}
    }
    %scan3A_84 = arith.constant 8 : i32
    %dma_start3A_85 = arith.constant 52 : i32
    %dma_start3A_86 = tpu.memref_slice %arg6[%dma_start3A_85, %mul3A_21, %mul3A_23] : memref<65x64x2048xf32, #tpu.memory_space<hbm>> -> memref<13x8x512xf32, #tpu.memory_space<hbm>>
    %dma_start3A_87 = arith.constant 52 : i32
    %dma_start3A_88 = tpu.memref_slice %arg6[%dma_start3A_87, %mul3A_21, %mul3A_23] : memref<65x64x2048xf32, #tpu.memory_space<hbm>> -> memref<13x8x512xf32, #tpu.memory_space<hbm>>
    tpu.enqueue_dma source(%arg10 : memref<13x8x512xf32, #tpu.memory_space<vmem>>) target(%dma_start3A_88 : memref<13x8x512xf32, #tpu.memory_space<hbm>>) target_semaphore(%arg15 : memref<!tpu.dma_semaphore, #tpu.memory_space<semaphore_mem>>)
    %dma_wait3A_89 = tpu.memref_slice %arg3[%mul3A_21, %mul3A_23] : memref<64x2048xi32, #tpu.memory_space<hbm>> -> memref<8x512xi32, #tpu.memory_space<hbm>>
    %dma_wait3A_90 = tpu.memref_slice %arg3[%mul3A_21, %mul3A_23] : memref<64x2048xi32, #tpu.memory_space<hbm>> -> memref<8x512xi32, #tpu.memory_space<hbm>>
    tpu.wait_dma2 semaphore(%arg17 : memref<!tpu.dma_semaphore, #tpu.memory_space<semaphore_mem>>) src(%dma_wait3A_90 : memref<8x512xi32, #tpu.memory_space<hbm>>) dst(%arg9 : memref<8x512xi32, #tpu.memory_space<vmem>>)
    tpu.wait_dma2 semaphore(%arg18 : memref<!tpu.dma_semaphore, #tpu.memory_space<semaphore_mem>>) src(%arg5 : memref<4225xf32, #tpu.memory_space<hbm>>) dst(%arg13 : memref<4225xf32, #tpu.memory_space<vmem>>)
    %broadcast_in_dim3A = arith.constant 0.000000e+00 : f32
    %broadcast_in_dim3A_91 = vector.broadcast %broadcast_in_dim3A : f32 to vector<16xf32>
    %parallel_loop3A = arith.constant 0 : i32
    %parallel_loop3A_92 = arith.constant 32 : i32
    %parallel_loop3A_93 = arith.constant 1 : i32
    %parallel_loop3A_94 = scf.for %parallel_loop3A_135 = %parallel_loop3A to %parallel_loop3A_92 step %parallel_loop3A_93 iter_args(%parallel_loop3A_136 = %broadcast_in_dim3A_91) -> (vector<16xf32>)  : i32 {
      %parallel_loop3A_137 = arith.constant 16 : i32
      %parallel_loop3A_138 = arith.muli %parallel_loop3A_135, %parallel_loop3A_137 : i32
      %parallel_loop3A_139 = arith.constant 0 : i32
      %parallel_loop3A_140 = arith.index_cast %parallel_loop3A_139 : i32 to index
      %parallel_loop3A_141 = arith.index_cast %parallel_loop3A_138 : i32 to index
      %parallel_loop3A_142 = tpu.vector_load %arg8[%parallel_loop3A_140, %parallel_loop3A_141] {strides = array<i32>} : memref<8x512xi32, #tpu.memory_space<vmem>>, vector<16xi32>,
      %parallel_loop3A_143 = arith.constant 16 : i32
      %parallel_loop3A_144 = arith.muli %parallel_loop3A_135, %parallel_loop3A_143 : i32
      %parallel_loop3A_145 = arith.constant 0 : i32
      %parallel_loop3A_146 = arith.index_cast %parallel_loop3A_145 : i32 to index
      %parallel_loop3A_147 = arith.index_cast %parallel_loop3A_144 : i32 to index
      %parallel_loop3A_148 = tpu.vector_load %arg9[%parallel_loop3A_146, %parallel_loop3A_147] {strides = array<i32>} : memref<8x512xi32, #tpu.memory_space<vmem>>, vector<16xi32>,
      %parallel_loop3A_149 = arith.constant 65 : i32
      %parallel_loop3A_150 = vector.broadcast %parallel_loop3A_149 : i32 to vector<16xi32>
      %parallel_loop3A_151 = arith.muli %parallel_loop3A_142, %parallel_loop3A_150 : vector<16xi32>
      %parallel_loop3A_152 = arith.addi %parallel_loop3A_151, %parallel_loop3A_148 : vector<16xi32>
      %parallel_loop3A_153 = tpu.vector_load_idx %arg13[%parallel_loop3A_152] : memref<4225xf32, #tpu.memory_space<vmem>>[vector<16xi32>], vector<16xf32>,
      %parallel_loop3A_154 = arith.addf %parallel_loop3A_136, %parallel_loop3A_153 : vector<16xf32>
      scf.yield %parallel_loop3A_154 : vector<16xf32>
    } {sc.loop_unroll_factor = 8 : i64, sc.parallel_access}
    %parallel_loop3A_95 = arith.constant 0 : i32
    %parallel_loop3A_96 = arith.constant 32 : i32
    %parallel_loop3A_97 = arith.constant 1 : i32
    %parallel_loop3A_98 = scf.for %parallel_loop3A_135 = %parallel_loop3A_95 to %parallel_loop3A_96 step %parallel_loop3A_97 iter_args(%parallel_loop3A_136 = %parallel_loop3A_94) -> (vector<16xf32>)  : i32 {
      %parallel_loop3A_137 = arith.constant 16 : i32
      %parallel_loop3A_138 = arith.muli %parallel_loop3A_135, %parallel_loop3A_137 : i32
      %parallel_loop3A_139 = arith.constant 1 : i32
      %parallel_loop3A_140 = arith.index_cast %parallel_loop3A_139 : i32 to index
      %parallel_loop3A_141 = arith.index_cast %parallel_loop3A_138 : i32 to index
      %parallel_loop3A_142 = tpu.vector_load %arg8[%parallel_loop3A_140, %parallel_loop3A_141] {strides = array<i32>} : memref<8x512xi32, #tpu.memory_space<vmem>>, vector<16xi32>,
      %parallel_loop3A_143 = arith.constant 16 : i32
      %parallel_loop3A_144 = arith.muli %parallel_loop3A_135, %parallel_loop3A_143 : i32
      %parallel_loop3A_145 = arith.constant 1 : i32
      %parallel_loop3A_146 = arith.index_cast %parallel_loop3A_145 : i32 to index
      %parallel_loop3A_147 = arith.index_cast %parallel_loop3A_144 : i32 to index
      %parallel_loop3A_148 = tpu.vector_load %arg9[%parallel_loop3A_146, %parallel_loop3A_147] {strides = array<i32>} : memref<8x512xi32, #tpu.memory_space<vmem>>, vector<16xi32>,
      %parallel_loop3A_149 = arith.constant 65 : i32
      %parallel_loop3A_150 = vector.broadcast %parallel_loop3A_149 : i32 to vector<16xi32>
      %parallel_loop3A_151 = arith.muli %parallel_loop3A_142, %parallel_loop3A_150 : vector<16xi32>
      %parallel_loop3A_152 = arith.addi %parallel_loop3A_151, %parallel_loop3A_148 : vector<16xi32>
      %parallel_loop3A_153 = tpu.vector_load_idx %arg13[%parallel_loop3A_152] : memref<4225xf32, #tpu.memory_space<vmem>>[vector<16xi32>], vector<16xf32>,
      %parallel_loop3A_154 = arith.addf %parallel_loop3A_136, %parallel_loop3A_153 : vector<16xf32>
      scf.yield %parallel_loop3A_154 : vector<16xf32>
    } {sc.loop_unroll_factor = 8 : i64, sc.parallel_access}
    %parallel_loop3A_99 = arith.constant 0 : i32
    %parallel_loop3A_100 = arith.constant 32 : i32
    %parallel_loop3A_101 = arith.constant 1 : i32
    %parallel_loop3A_102 = scf.for %parallel_loop3A_135 = %parallel_loop3A_99 to %parallel_loop3A_100 step %parallel_loop3A_101 iter_args(%parallel_loop3A_136 = %parallel_loop3A_98) -> (vector<16xf32>)  : i32 {
      %parallel_loop3A_137 = arith.constant 16 : i32
      %parallel_loop3A_138 = arith.muli %parallel_loop3A_135, %parallel_loop3A_137 : i32
      %parallel_loop3A_139 = arith.constant 2 : i32
      %parallel_loop3A_140 = arith.index_cast %parallel_loop3A_139 : i32 to index
      %parallel_loop3A_141 = arith.index_cast %parallel_loop3A_138 : i32 to index
      %parallel_loop3A_142 = tpu.vector_load %arg8[%parallel_loop3A_140, %parallel_loop3A_141] {strides = array<i32>} : memref<8x512xi32, #tpu.memory_space<vmem>>, vector<16xi32>,
      %parallel_loop3A_143 = arith.constant 16 : i32
      %parallel_loop3A_144 = arith.muli %parallel_loop3A_135, %parallel_loop3A_143 : i32
      %parallel_loop3A_145 = arith.constant 2 : i32
      %parallel_loop3A_146 = arith.index_cast %parallel_loop3A_145 : i32 to index
      %parallel_loop3A_147 = arith.index_cast %parallel_loop3A_144 : i32 to index
      %parallel_loop3A_148 = tpu.vector_load %arg9[%parallel_loop3A_146, %parallel_loop3A_147] {strides = array<i32>} : memref<8x512xi32, #tpu.memory_space<vmem>>, vector<16xi32>,
      %parallel_loop3A_149 = arith.constant 65 : i32
      %parallel_loop3A_150 = vector.broadcast %parallel_loop3A_149 : i32 to vector<16xi32>
      %parallel_loop3A_151 = arith.muli %parallel_loop3A_142, %parallel_loop3A_150 : vector<16xi32>
      %parallel_loop3A_152 = arith.addi %parallel_loop3A_151, %parallel_loop3A_148 : vector<16xi32>
      %parallel_loop3A_153 = tpu.vector_load_idx %arg13[%parallel_loop3A_152] : memref<4225xf32, #tpu.memory_space<vmem>>[vector<16xi32>], vector<16xf32>,
      %parallel_loop3A_154 = arith.addf %parallel_loop3A_136, %parallel_loop3A_153 : vector<16xf32>
      scf.yield %parallel_loop3A_154 : vector<16xf32>
    } {sc.loop_unroll_factor = 8 : i64, sc.parallel_access}
    %parallel_loop3A_103 = arith.constant 0 : i32
    %parallel_loop3A_104 = arith.constant 32 : i32
    %parallel_loop3A_105 = arith.constant 1 : i32
    %parallel_loop3A_106 = scf.for %parallel_loop3A_135 = %parallel_loop3A_103 to %parallel_loop3A_104 step %parallel_loop3A_105 iter_args(%parallel_loop3A_136 = %parallel_loop3A_102) -> (vector<16xf32>)  : i32 {
      %parallel_loop3A_137 = arith.constant 16 : i32
      %parallel_loop3A_138 = arith.muli %parallel_loop3A_135, %parallel_loop3A_137 : i32
      %parallel_loop3A_139 = arith.constant 3 : i32
      %parallel_loop3A_140 = arith.index_cast %parallel_loop3A_139 : i32 to index
      %parallel_loop3A_141 = arith.index_cast %parallel_loop3A_138 : i32 to index
      %parallel_loop3A_142 = tpu.vector_load %arg8[%parallel_loop3A_140, %parallel_loop3A_141] {strides = array<i32>} : memref<8x512xi32, #tpu.memory_space<vmem>>, vector<16xi32>,
      %parallel_loop3A_143 = arith.constant 16 : i32
      %parallel_loop3A_144 = arith.muli %parallel_loop3A_135, %parallel_loop3A_143 : i32
      %parallel_loop3A_145 = arith.constant 3 : i32
      %parallel_loop3A_146 = arith.index_cast %parallel_loop3A_145 : i32 to index
      %parallel_loop3A_147 = arith.index_cast %parallel_loop3A_144 : i32 to index
      %parallel_loop3A_148 = tpu.vector_load %arg9[%parallel_loop3A_146, %parallel_loop3A_147] {strides = array<i32>} : memref<8x512xi32, #tpu.memory_space<vmem>>, vector<16xi32>,
      %parallel_loop3A_149 = arith.constant 65 : i32
      %parallel_loop3A_150 = vector.broadcast %parallel_loop3A_149 : i32 to vector<16xi32>
      %parallel_loop3A_151 = arith.muli %parallel_loop3A_142, %parallel_loop3A_150 : vector<16xi32>
      %parallel_loop3A_152 = arith.addi %parallel_loop3A_151, %parallel_loop3A_148 : vector<16xi32>
      %parallel_loop3A_153 = tpu.vector_load_idx %arg13[%parallel_loop3A_152] : memref<4225xf32, #tpu.memory_space<vmem>>[vector<16xi32>], vector<16xf32>,
      %parallel_loop3A_154 = arith.addf %parallel_loop3A_136, %parallel_loop3A_153 : vector<16xf32>
      scf.yield %parallel_loop3A_154 : vector<16xf32>
    } {sc.loop_unroll_factor = 8 : i64, sc.parallel_access}
    %parallel_loop3A_107 = arith.constant 0 : i32
    %parallel_loop3A_108 = arith.constant 32 : i32
    %parallel_loop3A_109 = arith.constant 1 : i32
    %parallel_loop3A_110 = scf.for %parallel_loop3A_135 = %parallel_loop3A_107 to %parallel_loop3A_108 step %parallel_loop3A_109 iter_args(%parallel_loop3A_136 = %parallel_loop3A_106) -> (vector<16xf32>)  : i32 {
      %parallel_loop3A_137 = arith.constant 16 : i32
      %parallel_loop3A_138 = arith.muli %parallel_loop3A_135, %parallel_loop3A_137 : i32
      %parallel_loop3A_139 = arith.constant 4 : i32
      %parallel_loop3A_140 = arith.index_cast %parallel_loop3A_139 : i32 to index
      %parallel_loop3A_141 = arith.index_cast %parallel_loop3A_138 : i32 to index
      %parallel_loop3A_142 = tpu.vector_load %arg8[%parallel_loop3A_140, %parallel_loop3A_141] {strides = array<i32>} : memref<8x512xi32, #tpu.memory_space<vmem>>, vector<16xi32>,
      %parallel_loop3A_143 = arith.constant 16 : i32
      %parallel_loop3A_144 = arith.muli %parallel_loop3A_135, %parallel_loop3A_143 : i32
      %parallel_loop3A_145 = arith.constant 4 : i32
      %parallel_loop3A_146 = arith.index_cast %parallel_loop3A_145 : i32 to index
      %parallel_loop3A_147 = arith.index_cast %parallel_loop3A_144 : i32 to index
      %parallel_loop3A_148 = tpu.vector_load %arg9[%parallel_loop3A_146, %parallel_loop3A_147] {strides = array<i32>} : memref<8x512xi32, #tpu.memory_space<vmem>>, vector<16xi32>,
      %parallel_loop3A_149 = arith.constant 65 : i32
      %parallel_loop3A_150 = vector.broadcast %parallel_loop3A_149 : i32 to vector<16xi32>
      %parallel_loop3A_151 = arith.muli %parallel_loop3A_142, %parallel_loop3A_150 : vector<16xi32>
      %parallel_loop3A_152 = arith.addi %parallel_loop3A_151, %parallel_loop3A_148 : vector<16xi32>
      %parallel_loop3A_153 = tpu.vector_load_idx %arg13[%parallel_loop3A_152] : memref<4225xf32, #tpu.memory_space<vmem>>[vector<16xi32>], vector<16xf32>,
      %parallel_loop3A_154 = arith.addf %parallel_loop3A_136, %parallel_loop3A_153 : vector<16xf32>
      scf.yield %parallel_loop3A_154 : vector<16xf32>
    } {sc.loop_unroll_factor = 8 : i64, sc.parallel_access}
    %parallel_loop3A_111 = arith.constant 0 : i32
    %parallel_loop3A_112 = arith.constant 32 : i32
    %parallel_loop3A_113 = arith.constant 1 : i32
    %parallel_loop3A_114 = scf.for %parallel_loop3A_135 = %parallel_loop3A_111 to %parallel_loop3A_112 step %parallel_loop3A_113 iter_args(%parallel_loop3A_136 = %parallel_loop3A_110) -> (vector<16xf32>)  : i32 {
      %parallel_loop3A_137 = arith.constant 16 : i32
      %parallel_loop3A_138 = arith.muli %parallel_loop3A_135, %parallel_loop3A_137 : i32
      %parallel_loop3A_139 = arith.constant 5 : i32
      %parallel_loop3A_140 = arith.index_cast %parallel_loop3A_139 : i32 to index
      %parallel_loop3A_141 = arith.index_cast %parallel_loop3A_138 : i32 to index
      %parallel_loop3A_142 = tpu.vector_load %arg8[%parallel_loop3A_140, %parallel_loop3A_141] {strides = array<i32>} : memref<8x512xi32, #tpu.memory_space<vmem>>, vector<16xi32>,
      %parallel_loop3A_143 = arith.constant 16 : i32
      %parallel_loop3A_144 = arith.muli %parallel_loop3A_135, %parallel_loop3A_143 : i32
      %parallel_loop3A_145 = arith.constant 5 : i32
      %parallel_loop3A_146 = arith.index_cast %parallel_loop3A_145 : i32 to index
      %parallel_loop3A_147 = arith.index_cast %parallel_loop3A_144 : i32 to index
      %parallel_loop3A_148 = tpu.vector_load %arg9[%parallel_loop3A_146, %parallel_loop3A_147] {strides = array<i32>} : memref<8x512xi32, #tpu.memory_space<vmem>>, vector<16xi32>,
      %parallel_loop3A_149 = arith.constant 65 : i32
      %parallel_loop3A_150 = vector.broadcast %parallel_loop3A_149 : i32 to vector<16xi32>
      %parallel_loop3A_151 = arith.muli %parallel_loop3A_142, %parallel_loop3A_150 : vector<16xi32>
      %parallel_loop3A_152 = arith.addi %parallel_loop3A_151, %parallel_loop3A_148 : vector<16xi32>
      %parallel_loop3A_153 = tpu.vector_load_idx %arg13[%parallel_loop3A_152] : memref<4225xf32, #tpu.memory_space<vmem>>[vector<16xi32>], vector<16xf32>,
      %parallel_loop3A_154 = arith.addf %parallel_loop3A_136, %parallel_loop3A_153 : vector<16xf32>
      scf.yield %parallel_loop3A_154 : vector<16xf32>
    } {sc.loop_unroll_factor = 8 : i64, sc.parallel_access}
    %parallel_loop3A_115 = arith.constant 0 : i32
    %parallel_loop3A_116 = arith.constant 32 : i32
    %parallel_loop3A_117 = arith.constant 1 : i32
    %parallel_loop3A_118 = scf.for %parallel_loop3A_135 = %parallel_loop3A_115 to %parallel_loop3A_116 step %parallel_loop3A_117 iter_args(%parallel_loop3A_136 = %parallel_loop3A_114) -> (vector<16xf32>)  : i32 {
      %parallel_loop3A_137 = arith.constant 16 : i32
      %parallel_loop3A_138 = arith.muli %parallel_loop3A_135, %parallel_loop3A_137 : i32
      %parallel_loop3A_139 = arith.constant 6 : i32
      %parallel_loop3A_140 = arith.index_cast %parallel_loop3A_139 : i32 to index
      %parallel_loop3A_141 = arith.index_cast %parallel_loop3A_138 : i32 to index
      %parallel_loop3A_142 = tpu.vector_load %arg8[%parallel_loop3A_140, %parallel_loop3A_141] {strides = array<i32>} : memref<8x512xi32, #tpu.memory_space<vmem>>, vector<16xi32>,
      %parallel_loop3A_143 = arith.constant 16 : i32
      %parallel_loop3A_144 = arith.muli %parallel_loop3A_135, %parallel_loop3A_143 : i32
      %parallel_loop3A_145 = arith.constant 6 : i32
      %parallel_loop3A_146 = arith.index_cast %parallel_loop3A_145 : i32 to index
      %parallel_loop3A_147 = arith.index_cast %parallel_loop3A_144 : i32 to index
      %parallel_loop3A_148 = tpu.vector_load %arg9[%parallel_loop3A_146, %parallel_loop3A_147] {strides = array<i32>} : memref<8x512xi32, #tpu.memory_space<vmem>>, vector<16xi32>,
      %parallel_loop3A_149 = arith.constant 65 : i32
      %parallel_loop3A_150 = vector.broadcast %parallel_loop3A_149 : i32 to vector<16xi32>
      %parallel_loop3A_151 = arith.muli %parallel_loop3A_142, %parallel_loop3A_150 : vector<16xi32>
      %parallel_loop3A_152 = arith.addi %parallel_loop3A_151, %parallel_loop3A_148 : vector<16xi32>
      %parallel_loop3A_153 = tpu.vector_load_idx %arg13[%parallel_loop3A_152] : memref<4225xf32, #tpu.memory_space<vmem>>[vector<16xi32>], vector<16xf32>,
      %parallel_loop3A_154 = arith.addf %parallel_loop3A_136, %parallel_loop3A_153 : vector<16xf32>
      scf.yield %parallel_loop3A_154 : vector<16xf32>
    } {sc.loop_unroll_factor = 8 : i64, sc.parallel_access}
    %parallel_loop3A_119 = arith.constant 0 : i32
    %parallel_loop3A_120 = arith.constant 32 : i32
    %parallel_loop3A_121 = arith.constant 1 : i32
    %parallel_loop3A_122 = scf.for %parallel_loop3A_135 = %parallel_loop3A_119 to %parallel_loop3A_120 step %parallel_loop3A_121 iter_args(%parallel_loop3A_136 = %parallel_loop3A_118) -> (vector<16xf32>)  : i32 {
      %parallel_loop3A_137 = arith.constant 16 : i32
      %parallel_loop3A_138 = arith.muli %parallel_loop3A_135, %parallel_loop3A_137 : i32
      %parallel_loop3A_139 = arith.constant 7 : i32
      %parallel_loop3A_140 = arith.index_cast %parallel_loop3A_139 : i32 to index
      %parallel_loop3A_141 = arith.index_cast %parallel_loop3A_138 : i32 to index
      %parallel_loop3A_142 = tpu.vector_load %arg8[%parallel_loop3A_140, %parallel_loop3A_141] {strides = array<i32>} : memref<8x512xi32, #tpu.memory_space<vmem>>, vector<16xi32>,
      %parallel_loop3A_143 = arith.constant 16 : i32
      %parallel_loop3A_144 = arith.muli %parallel_loop3A_135, %parallel_loop3A_143 : i32
      %parallel_loop3A_145 = arith.constant 7 : i32
      %parallel_loop3A_146 = arith.index_cast %parallel_loop3A_145 : i32 to index
      %parallel_loop3A_147 = arith.index_cast %parallel_loop3A_144 : i32 to index
      %parallel_loop3A_148 = tpu.vector_load %arg9[%parallel_loop3A_146, %parallel_loop3A_147] {strides = array<i32>} : memref<8x512xi32, #tpu.memory_space<vmem>>, vector<16xi32>,
      %parallel_loop3A_149 = arith.constant 65 : i32
      %parallel_loop3A_150 = vector.broadcast %parallel_loop3A_149 : i32 to vector<16xi32>
      %parallel_loop3A_151 = arith.muli %parallel_loop3A_142, %parallel_loop3A_150 : vector<16xi32>
      %parallel_loop3A_152 = arith.addi %parallel_loop3A_151, %parallel_loop3A_148 : vector<16xi32>
      %parallel_loop3A_153 = tpu.vector_load_idx %arg13[%parallel_loop3A_152] : memref<4225xf32, #tpu.memory_space<vmem>>[vector<16xi32>], vector<16xf32>,
      %parallel_loop3A_154 = arith.addf %parallel_loop3A_136, %parallel_loop3A_153 : vector<16xf32>
      scf.yield %parallel_loop3A_154 : vector<16xf32>
    } {sc.loop_unroll_factor = 8 : i64, sc.parallel_access}
    %mul3A_123 = arith.constant 7.62939453E-6 : f32
    %mul3A_124 = vector.broadcast %mul3A_123 : f32 to vector<16xf32>
    %mul3A_125 = arith.mulf %parallel_loop3A_122, %mul3A_124 : vector<16xf32>
    %swap3A = arith.constant 0 : index
    %swap3A_126 = tpu.vector_load %arg14[%swap3A] {strides = array<i32>} : memref<16xf32, #tpu.memory_space<vmem>>, vector<16xf32>,
    tpu.vector_store %arg14[%swap3A], %mul3A_125 {strides = array<i32>} : memref<16xf32, #tpu.memory_space<vmem>>, vector<16xf32>,
    "tpu.region"() ({
      %run_scoped3A = tpu.sem_alloc : memref<!tpu.dma_semaphore, #tpu.memory_space<semaphore_mem>>
      %dma_start3A_135 = arith.constant 0 : i32
      %dma_start3A_136 = tpu.memref_slice %arg7[%add3A, %dma_start3A_135] : memref<32x16xf32, #tpu.memory_space<hbm>> -> memref<1x16xf32, #tpu.memory_space<hbm>>
      %dma_start3A_137 = tpu.memref_squeeze %dma_start3A_136 : memref<1x16xf32, #tpu.memory_space<hbm>> -> memref<16xf32, #tpu.memory_space<hbm>>
      %dma_start3A_138 = arith.constant 0 : i32
      %dma_start3A_139 = tpu.memref_slice %arg7[%add3A, %dma_start3A_138] : memref<32x16xf32, #tpu.memory_space<hbm>> -> memref<1x16xf32, #tpu.memory_space<hbm>>
      %dma_start3A_140 = tpu.memref_squeeze %dma_start3A_139 : memref<1x16xf32, #tpu.memory_space<hbm>> -> memref<16xf32, #tpu.memory_space<hbm>>
      tpu.enqueue_dma source(%arg14 : memref<16xf32, #tpu.memory_space<vmem>>) target(%dma_start3A_140 : memref<16xf32, #tpu.memory_space<hbm>>) target_semaphore(%run_scoped3A : memref<!tpu.dma_semaphore, #tpu.memory_space<semaphore_mem>>)
      %dma_wait3A_141 = arith.constant 0 : i32
      %dma_wait3A_142 = tpu.memref_slice %arg7[%add3A, %dma_wait3A_141] : memref<32x16xf32, #tpu.memory_space<hbm>> -> memref<1x16xf32, #tpu.memory_space<hbm>>
      %dma_wait3A_143 = tpu.memref_squeeze %dma_wait3A_142 : memref<1x16xf32, #tpu.memory_space<hbm>> -> memref<16xf32, #tpu.memory_space<hbm>>
      %dma_wait3A_144 = arith.constant 0 : i32
      %dma_wait3A_145 = tpu.memref_slice %arg7[%add3A, %dma_wait3A_144] : memref<32x16xf32, #tpu.memory_space<hbm>> -> memref<1x16xf32, #tpu.memory_space<hbm>>
      %dma_wait3A_146 = tpu.memref_squeeze %dma_wait3A_145 : memref<1x16xf32, #tpu.memory_space<hbm>> -> memref<16xf32, #tpu.memory_space<hbm>>
      tpu.wait_dma2 semaphore(%run_scoped3A : memref<!tpu.dma_semaphore, #tpu.memory_space<semaphore_mem>>) src(%arg14 : memref<16xf32, #tpu.memory_space<vmem>>) dst(%dma_wait3A_146 : memref<16xf32, #tpu.memory_space<hbm>>)
      tpu.yield
    }) : () -> ()
    %dma_wait3A_127 = arith.constant 52 : i32
    %dma_wait3A_128 = tpu.memref_slice %arg6[%dma_wait3A_127, %mul3A_21, %mul3A_23] : memref<65x64x2048xf32, #tpu.memory_space<hbm>> -> memref<13x8x512xf32, #tpu.memory_space<hbm>>
    %dma_wait3A_129 = arith.constant 52 : i32
    %dma_wait3A_130 = tpu.memref_slice %arg6[%dma_wait3A_129, %mul3A_21, %mul3A_23] : memref<65x64x2048xf32, #tpu.memory_space<hbm>> -> memref<13x8x512xf32, #tpu.memory_space<hbm>>
    tpu.wait_dma2 semaphore(%arg15 : memref<!tpu.dma_semaphore, #tpu.memory_space<semaphore_mem>>) src(%arg10 : memref<13x8x512xf32, #tpu.memory_space<vmem>>) dst(%dma_wait3A_130 : memref<13x8x512xf32, #tpu.memory_space<hbm>>)
    %dma_wait3A_131 = arith.constant 39 : i32
    %dma_wait3A_132 = tpu.memref_slice %arg6[%dma_wait3A_131, %mul3A_21, %mul3A_23] : memref<65x64x2048xf32, #tpu.memory_space<hbm>> -> memref<13x8x512xf32, #tpu.memory_space<hbm>>
    %dma_wait3A_133 = arith.constant 39 : i32
    %dma_wait3A_134 = tpu.memref_slice %arg6[%dma_wait3A_133, %mul3A_21, %mul3A_23] : memref<65x64x2048xf32, #tpu.memory_space<hbm>> -> memref<13x8x512xf32, #tpu.memory_space<hbm>>
    tpu.wait_dma2 semaphore(%arg16 : memref<!tpu.dma_semaphore, #tpu.memory_space<semaphore_mem>>) src(%arg11 : memref<13x8x512xf32, #tpu.memory_space<vmem>>) dst(%dma_wait3A_134 : memref<13x8x512xf32, #tpu.memory_space<hbm>>)
    return
  }
}

module attributes {stable_mosaic.version = 14 : i64} {
  func.func @_prep_body(%arg0: memref<65x65xf32, #tpu.memory_space<vmem>>, %arg1: memref<65x65xf32, #tpu.memory_space<vmem>>, %arg2: memref<65x65xf32, #tpu.memory_space<vmem>>) attributes {dimension_semantics = [], scalar_prefetch = 0 : i64, scratch_operands = 0 : i64, tpu.core_type = #tpu.core_type<tc>} {
    %get3A = arith.constant 0 : index
    %get3A_0 = arith.constant 0 : index
    %get3A_1 = vector.load %arg0[%get3A, %get3A_0] : memref<65x65xf32, #tpu.memory_space<vmem>>, vector<65x65xf32>
    %reduce_max3A = arith.constant dense<0xFF800000> : vector<65xf32>
    %reduce_max3A_2 = vector.multi_reduction <maximumf>, %get3A_1, %reduce_max3A [1] : vector<65x65xf32> to vector<65xf32>
    %broadcast_in_dim3A = vector.shape_cast %reduce_max3A_2 : vector<65xf32> to vector<65x1xf32>
    %sub3A = vector.broadcast %broadcast_in_dim3A : vector<65x1xf32> to vector<65x65xf32>
    %sub3A_3 = arith.subf %get3A_1, %sub3A : vector<65x65xf32>
    %exp3A = math.exp %sub3A_3 : vector<65x65xf32>
    %reduce_sum3A = arith.constant dense<0.000000e+00> : vector<65xf32>
    %reduce_sum3A_4 = vector.multi_reduction <add>, %exp3A, %reduce_sum3A [1] : vector<65x65xf32> to vector<65xf32>
    %broadcast_in_dim3A_5 = vector.shape_cast %reduce_sum3A_4 : vector<65xf32> to vector<65x1xf32>
    %log3A = math.log %broadcast_in_dim3A_5 : vector<65x1xf32>
    %add3A = arith.addf %broadcast_in_dim3A, %log3A : vector<65x1xf32>
    %sub3A_6 = vector.broadcast %add3A : vector<65x1xf32> to vector<65x65xf32>
    %sub3A_7 = arith.subf %sub3A_6, %get3A_1 : vector<65x65xf32>
    %swap3A = arith.constant 0 : index
    %swap3A_8 = arith.constant 0 : index
    %swap3A_9 = vector.load %arg1[%swap3A, %swap3A_8] : memref<65x65xf32, #tpu.memory_space<vmem>>, vector<65x65xf32>
    tpu.vector_store %arg1[%swap3A, %swap3A_8], %sub3A_7 {strides = array<i32>} : memref<65x65xf32, #tpu.memory_space<vmem>>, vector<65x65xf32>,
    %transpose3A = tpu.transpose %get3A_1, [1, 0] : vector<65x65xf32> -> vector<65x65xf32>
    %swap3A_10 = arith.constant 0 : index
    %swap3A_11 = arith.constant 0 : index
    %swap3A_12 = vector.load %arg2[%swap3A_10, %swap3A_11] : memref<65x65xf32, #tpu.memory_space<vmem>>, vector<65x65xf32>
    tpu.vector_store %arg2[%swap3A_10, %swap3A_11], %transpose3A {strides = array<i32>} : memref<65x65xf32, #tpu.memory_space<vmem>>, vector<65x65xf32>,
    return
  }
}

</mosaic_0001>

<sc_bundles>
// kernel: kernel.4.cloned.1.call-start
scs
__scs_entry_jumppad:
0x0: {  	(pc) =	sbr.rel $0x88, $3  }
0x1: {  	(tag) =	ssettag $0x0;
	lr =	simm.s32 $0x1  }
0x2: {  	[smem:$0x3F9E] =	sst lr;
	_ =	strace $0xD0000000  }
0x3: {  	_ = 	snop  }
0x4: {  	_ = 	snop  }
0x5: {  	_ = 	snop  }
0x6: {  	_ = 	snop  }
0x7: {  	_ = 	snop  }
__scs_overlays_trampoline_lowered:
0x8: {  	[smem:$0x3FAD] =	sst s0  }
0x9: {  	[smem:$0x3FAE] =	sst s1  }
0xa: {  	[smem:$0x3FAF] =	sst s2  }
0xb: {  	[smem:$0x3FB0] =	sst s3  }
0xc: {  	[smem:$0x3FB1] =	sst s4  }
0xd: {  	[smem:$0x3FB2] =	sst s5  }
0xe: {  	[smem:$0x3FB3] =	sst s6  }
0xf: {  	[smem:$0x3FB4] =	sst s7  }
0x10: {  	[smem:$0x3FB5] =	sst s8  }
0x11: {  	[smem:$0x3FB6] =	sst s9;
	s0 =	simm.s32 @!p0 $0x0  }
0x12: {  	s1 =	sld [smem:$0x3F9C];
	s0 =	simm.s32 @p0 $0x1  }
0x13: {  	[smem:$0x3FB7] =	sst s0;
	s0 =	simm.s32 @!p1 $0x0  }
0x14: {  	s2 =	sld [smem:$0x3F9B];
	s0 =	simm.s32 @p1 $0x1  }
0x15: {  	[smem:$0x3FB8] =	sst s0;
	s0 =	simm.s32 @!p2 $0x0  }
0x16: {  	s3 =	sld [smem:$0x3FDB];
	s0 =	simm.s32 @p2 $0x1  }
0x17: {  	s4 =	simm.s32 $0x1BF5;
	[smem:$0x3FBA] =	sst s0  }
0x18: {  	s0 =	sld [smem:$0x3F9D];
	_ =	swait.ge [sflag:s4], $0x0  }
0x19: {  	s7 =	sld [smem:$0x3F9E]  }
0x1a: {  	s8 =	sadd.s32 $0xFFFFE003, lr  }
0x1b: {  	s9 =	sadd.s32 $0xFFFFFEF7, lr;
	s5 =	simm.s32 $0xFFFFFFFF;
	p2 =	slt.u32 s8, $0xFFFFF086  }
0x1c: {  	p1 =	slt.u32 s9, $0xF7A;
	s5 =	simm.s32 @!p2 $0x0  }
0x1d: {  	s5 =	simm.s32 @p1 $0x1;
	p0 =	seq.s32 s7, s2  }
0x1e: {  	s7 =	smul.u32 @!p0 $0xF7A, s2;
	p2 =	seq.s32 @!p0 s5, $0x0  }
0x1f: {  	s9 =	smul.u32 $0xF7A, s1;
	s8 =	simm.s32 @!p0 $0x1BF5;
	p2 =	por !p2, p0  }
0x20: {  	[sflag:s8] =	ssyncset.s32 @!p0 $0xFFFFF086;
	s6 =	sadd.s32 @!p0 s3, s7;
	s7 =	simm.s32 @!p0 $0x108  }
0x21: {  	s3 =	sadd.s32 s3, s9;
	s6 =	sadd.s32 @!p0 $0x88, s6;
	s7 =	simm.s32 @p2 $0x1082  }
0x22: {  	[simem:s7], [sflag:s8] =	dma.local @!p0 [hbm:s6], $0xF7A  }
0x23: {  	s9 =	sor.u32 $0xD0000000, s2;
	s6 =	simm.s32 $0x108;
	_ =	swait.ge @!p0 [sflag:s8], $0x0  }
0x24: {  	s3 =	sadd.s32 $0x88, s3;
	s6 =	simm.s32 @!p1 $0x1082;
	[sflag:s4] =	ssyncset.s32 $0xFFFFF086  }
0x25: {  	[simem:s6], [sflag:s4] =	dma.local [hbm:s3], $0xF7A  }
0x26: {  	[smem:$0x3F9E] =	sst s1;
	(tag) =	ssettag s2;
	_ =	strace s9  }
0x27: {  	s1 =	sld [smem:$0x3FAE]  }
0x28: {  	s2 =	sld [smem:$0x3FAF]  }
0x29: {  	s4 =	sld [smem:$0x3FB1]  }
0x2a: {  	p0 =	seq.s32 s5, $0x0;
	s5 =	sld [smem:$0x3FB2]  }
0x2b: {  	s6 =	sld [smem:$0x3FB3]  }
0x2c: {  	s7 =	sld [smem:$0x3FB4]  }
0x2d: {  	s3 =	simm.s32 $0x108;
	s8 =	sld [smem:$0x3FB5]  }
0x2e: {  	s3 =	simm.s32 @!p0 $0x1082;
	s9 =	sld [smem:$0x3FB6]  }
0x2f: {  	lr =	sadd.s32 s0, s3;
	s0 =	sld [smem:$0x3FAD]  }
0x30: {  	s3 =	sld [smem:$0x3FB0]  }
0x31: {  	[smem:$0x3FB9] =	sst s10  }
0x32: {  	s10 =	sld [smem:$0x3FB7];
	_ =	sdelay $0x3  }
0x33: {  	p0 =	seq.s32 s10, $0x1;
	s10 =	sld [smem:$0x3FB9];
	_ =	sdelay $0x3  }
0x34: {  	[smem:$0x3FB9] =	sst s10  }
0x35: {  	s10 =	sld [smem:$0x3FB8];
	_ =	sdelay $0x3  }
0x36: {  	p1 =	seq.s32 s10, $0x1;
	s10 =	sld [smem:$0x3FB9];
	_ =	sdelay $0x3  }
0x37: {  	[smem:$0x3FB9] =	sst s10  }
0x38: {  	s10 =	sld [smem:$0x3FBA]  }
0x39: {  	_ = 	snop;
	(pc) =	sbr.ind lr, $3  }
0x3a: {  	_ = 	snop  }
0x3b: {  	_ = 	snop  }
0x3c: {  	p2 =	seq.s32 s10, $0x1;
	s10 =	sld [smem:$0x3FB9]  }
0x3d: {  	_ =	shalt  }
0x3e: {  	_ =	shalt  }
0x3f: {  	_ =	shalt  }
0x40: {  	_ =	shalt  }
0x41: {  	_ =	shalt  }
0x42: {  	_ =	shalt  }
0x43: {  	_ =	shalt  }
0x44: {  	_ =	shalt  }
0x45: {  	_ =	shalt  }
0x46: {  	_ =	shalt  }
0x47: {  	_ =	shalt  }
0x48: {  	_ =	shalt  }
0x49: {  	_ =	shalt  }
0x4a: {  	_ =	shalt  }
0x4b: {  	_ =	shalt  }
0x4c: {  	_ =	shalt  }
0x4d: {  	_ =	shalt  }
0x4e: {  	_ =	shalt  }
0x4f: {  	_ =	shalt  }
0x50: {  	_ =	shalt  }
0x51: {  	_ =	shalt  }
0x52: {  	_ =	shalt  }
0x53: {  	_ =	shalt  }
0x54: {  	_ =	shalt  }
0x55: {  	_ =	shalt  }
0x56: {  	_ =	shalt  }
0x57: {  	_ =	shalt  }
0x58: {  	_ =	shalt  }
0x59: {  	_ =	shalt  }
0x5a: {  	_ =	shalt  }
0x5b: {  	_ =	shalt  }
0x5c: {  	_ =	shalt  }
0x5d: {  	_ =	shalt  }
0x5e: {  	_ =	shalt  }
0x5f: {  	_ =	shalt  }
0x60: {  	_ =	shalt  }
0x61: {  	_ =	shalt  }
0x62: {  	_ =	shalt  }
0x63: {  	_ =	shalt  }
0x64: {  	_ =	shalt  }
0x65: {  	_ =	shalt  }
0x66: {  	_ =	shalt  }
0x67: {  	_ =	shalt  }
0x68: {  	_ =	shalt  }
0x69: {  	_ =	shalt  }
0x6a: {  	_ =	shalt  }
0x6b: {  	_ =	shalt  }
0x6c: {  	_ =	shalt  }
0x6d: {  	_ =	shalt  }
0x6e: {  	_ =	shalt  }
0x6f: {  	_ =	shalt  }
0x70: {  	_ =	shalt  }
0x71: {  	_ =	shalt  }
0x72: {  	_ =	shalt  }
0x73: {  	_ =	shalt  }
0x74: {  	_ =	shalt  }
0x75: {  	_ =	shalt  }
0x76: {  	_ =	shalt  }
0x77: {  	_ =	shalt  }
0x78: {  	_ =	shalt  }
0x79: {  	_ =	shalt  }
0x7a: {  	_ =	shalt  }
0x7b: {  	_ =	shalt  }
0x7c: {  	_ =	shalt  }
0x7d: {  	_ =	shalt  }
0x7e: {  	_ =	shalt  }
0x7f: {  	_ =	shalt  }
0x80: {  	_ =	shalt  }
0x81: {  	_ =	shalt  }
0x82: {  	_ =	shalt  }
0x83: {  	_ =	shalt  }
0x84: {  	_ =	shalt  }
0x85: {  	_ =	shalt  }
0x86: {  	_ =	shalt  }
0x87: {  	_ =	shalt  }
.Lfunc_end0:
.L_simem_size_0:
called_computation_lowered:
.L_overlay_start_0:
0x88: {  	s2 =	sld [smem:$0x3FD9]  }
0x89: {  	s3 =	sld [smem:$0x3FFE];
	_ =	sdelay $0x1  }
0x8a: {  	s1 =	srdreg.scid  }
0x8b: {  	s0 =	sand.u32 $0x1, s1  }
0x8c: {  	s14 =	sshll.u32 s0, $0xA;
	s2 =	sadd.s32 s3, s2  }
0x8d: {  	s2 =	sadd.s32 s2, s14  }
0x8e: {  	[smem:$0x3FC5] =	sst s2  }
0x8f: {  	_ = 	snop  }
0x90: {  	s2 =	sld [smem:$0x3FD0];
	_ =	sdelay $0x1  }
0x91: {  	s15 =	sld [smem:$0x3FC9]  }
0x92: {  	s5 =	simm.s32 $0xA;
	s6 =	simm.s32 $0x10;
	s4 =	sld [smem:$0x3FC8]  }
0x93: {  	[smem:s6], [sflag:s5] =	dma.local [hbm:s2], $0x1  }
0x94: {  	_ =	swait.eq [sflag:s5], $0x1  }
0x95: {  	[sflag:s5] =	ssyncset.done $0x0  }
0x96: {  	[sflag:s5] =	ssyncadd.s32 $0xFFFFFFFF  }
0x97: {  	s16 =	sld [smem:$0x10];
	(tm) =	ssettm $0x1  }
0x98: {  	s17 =	sld [smem:$0x3FFB];
	_ =	sdelay $0x3  }
0x99: {  	_ =	strace s17  }
0x9a: {  	s5 =	sld [smem:$0x3FFC];
	_ =	sdelay $0x3  }
0x9b: {  	_ =	strace s5  }
0x9c: {  	s5 =	sld [smem:$0x3FFD];
	_ =	sdelay $0x3  }
0x9d: {  	_ =	strace s5  }
0x9e: {  	_ =	strace $0x8FFFFFFF  }
0x9f: {  	s18 =	sld [smem:$0x3FDB];
	_ =	sdelay $0x1  }
0xa0: {  	s19 =	simm.s32 $_scs_section_size  }
0xa1: {  	s7 =	simm.s32 $_size__tile_overlayer_lowered;
	s8 =	simm.s32 $_tile_overlayer_lowered  }
0xa2: {  	s22 =	simm.s32 $0x1BFF;
	s21 =	sshll.u32 s8, $0x1;
	s5 =	sadd.s32 s19, s18  }
0xa3: {  	s9 =	simm.s32 $0x0;
	s20 =	sshll.u32 s7, $0x1;
	s7 =	sadd.s32 s21, s5  }
0xa4: {  	[timem:s9], [sflag:s22] =	dma.local [hbm:s7], s20  }
0xa5: {  	_ =	swait.ge [sflag:s22], s20  }
0xa6: {  	s6 =	ssub.s32 $0x0, s20;
	[sflag:s22] =	ssyncset.done $0x0  }
0xa7: {  	[sflag:s22] =	ssyncadd.s32 s6;
	_ =	sdelay $0x1  }
0xa8: {  	s23 =	simm.s32 $0x1B8B  }
0xa9: {  	_ =	swait.ge [sflag:s23], $0x1  }
0xaa: {  	[sflag:s23] =	ssyncset.done $0x0  }
0xab: {  	s25 =	simm.s32 $0x1B8E;
	s24 =	sld [smem:$0x3FFE];
	[sflag:s23] =	ssyncadd.s32 $0xFFFFFFFF  }
0xac: {  	s26 =	simm.s32 $execute0_lowered;
	[smem:$0x3FD2] =	sst s25  }
0xad: {  	s7 =	sshll.u32 s26, $0x1;
	_ =	strace $0x80000046;
	[dreg:$0x1] =	wrdreg $0xFFFFFFFF  }
0xae: {  	s28 =	simm.s32 $_size_execute0_lowered;
	s5 =	sadd.s32 s5, s7;
	[dreg:$0x0] =	wrdreg $0x0  }
0xaf: {  	s7 =	sshll.u32 s28, $0x1;
	[dreg:$0x2] =	wrdreg s5  }
0xb0: {  	[dreg:$0x3] =	wrdreg s7  }
0xb1: {  	[dreg:$0x4] =	wrdreg $0xC0  }
0xb2: {  	_ =	task [dreg:s9], $0x5FFFF  }
0xb3: {  	[dreg:$0x1] =	wrdreg $0xFFFFFFFF  }
0xb4: {  	[dreg:$0x0] =	wrdreg $0x60  }
0xb5: {  	[dreg:$0x2] =	wrdreg s15  }
0xb6: {  	[dreg:$0x3] =	wrdreg s4  }
0xb7: {  	[dreg:$0x4] =	wrdreg s24  }
0xb8: {  	[dreg:$0x5] =	wrdreg s16  }
0xb9: {  	[dreg:$0x6] =	wrdreg $0x9  }
0xba: {  	_ =	task.clear_ibuf [dreg:s9], $0x7FFFF;
	_ =	strace $0x90000046  }
0xbb: {  	s29 =	simm.s32 $0x9;
	_ =	strace $0x80000048  }
0xbc: {  	_ =	swait.ge [sflag:s29], $0x1  }
0xbd: {  	[sflag:s29] =	ssyncadd.s32 $0xFFFFFFFF  }
0xbe: {  	_ =	strace $0x90000048  }
0xbf: {  	_ =	sfence  }
0xc0: {  	s30 =	sld [smem:$0x0];
	_ =	sdelay $0x2  }
0xc1: {  	s31 =	sshll.u32 s1, $0xD;
	s1 =	sshrl.u32 s1, $0x2  }
0xc2: {  	s3 =	sand.u32 $0x4000, s31;
	s1 =	sadd.s32 s1, s30  }
0xc3: {  	s0 =	sor.u32 s3, s0;
	s1 =	sshll.u32 s1, $0x11  }
0xc4: {  	s0 =	sor.u32 s1, s0  }
0xc5: {  	s0 =	sadd.s32 $0x8F2B, s0  }
0xc6: {  	[sflag:s0] =	ssyncadd.remote.s32 $0x1  }
0xc7: {  	_ =	sfence.sel $0xFFFF  }
0xc8: {  	[dreg:$0x0] =	wrdreg $0xFFFFFFFF;
	(pc) =	sbr.abs _section_cstart, $3  }
0xc9: {  	[dreg:$0x1] =	wrdreg $0xFFFFFFFF  }
0xca: {  	_ =	task.clear_ibuf [dreg:s9], $0x2FFFF;
	_ =	strace $0x9FFFFFFF  }
0xcb: {  	(tm) =	ssettm $0x7FFFFFFF  }
tec
execute0_lowered:
.L_overlay_start_1:
0x0: {  	(tag) =	ssettag $0x1  }
0x1: {  	s0 =	rddreg [dreg:$0x0]  }
0x2: {  	s1 =	rddreg [dreg:$0x1]  }
0x3: {  	s5 =	rddreg [dreg:$0x2]  }
0x4: {  	s6 =	rddreg [dreg:$0x3]  }
0x5: {  	s2 =	simm.s32 $0x0;
	s4 =	srdreg.scid;
	s8 =	stileid.u32  }
0x6: {  	s14 =	simm.s32 $0x1C000;
	s15 =	simm.s32 $0x1000;
	s16 =	simm.s32 $0x1D100  }
0x7: {  	s17 =	simm.s32 $0x1;
	s18 =	simm.s32 $0x2;
	s19 =	simm.s32 $0x20000  }
0x8: {  	s20 =	simm.s32 $0x2000;
	s22 =	simm.s32 $0x3;
	s23 =	simm.s32 $0x4  }
0x9: {  	s25 =	simm.s32 $0x5;
	s26 =	simm.s32 $0x0;
	[smem:$0x7FF] =	sst s2  }
0xa: {  	s3 =	sadd.s32 $0x800, s5;
	s7 =	sand.u32 $0x1, s4;
	s8 =	sshll.u32 s8, $0x1  }
0xb: {  	s4 =	sadd.s32 $0xC00, s5;
	s8 =	sor.u32 s7, s8;
	s7 =	ssub.s32 $0x2, s7  }
0xc: {  	_ =	strace $0x80000047;
	s9 =	sshll.u32 s8, $0x4;
	s10 =	sshrl.u32 s7, $0x1  }
0xd: {  	s8 =	sshll.u32 s8, $0x9;
	s12 =	sadd.s32 s9, s5;
	s13 =	ssub.s32 s7, s10  }
0xe: {  	s5 =	sadd.s32 s6, s8;
	s6 =	sadd.s32 s0, s8;
	s7 =	sadd.s32 s1, s8  }
0xf: {  	s8 =	sadd.s32 $0x34000, s5;
	s9 =	sadd.s32 $0x68000, s5;
	s10 =	sadd.s32 $0x9C000, s5  }
0x10: {  	s11 =	sadd.s32 $0xD0000, s5;
	s12 =	sadd.s32 $0x1000, s12;
	s13 =	smax.u32 s13, $0x1  }
.LBB2_1:
0x11: {  	[tilespmem:s14], [sflag:$0x1] =	stream.linear.gather [hbm4b:s3+s2], $0x1100, $0x38;
	[tilespmem:$0x1E280] =	vst v63  }
0x12: {  	_ = 	snop  }
0x13: {  	[tilespmem:s2], [sflag:$0x2] =	stream.linear.gather [hbm4b:s6+s2], $0x1000, $0x38;
	[tilespmem:$0x1E280] =	vst v63  }
0x14: {  	_ = 	snop  }
0x15: {  	[tilespmem:s15], [sflag:$0x3] =	stream.linear.gather [hbm4b:s7+s2], $0x1000, $0x38;
	[tilespmem:$0x1E280] =	vst v63  }
0x16: {  	_ = 	snop  }
0x17: {  	[tilespmem:s16], [sflag:$0x4] =	stream.linear.gather [hbm4b:s4+s2], $0x1100, $0x38;
	[tilespmem:$0x1E280] =	vst v63  }
0x18: {  	_ =	swait.ge [sflag:s17], $0x1100  }
0x19: {  	[sflag:s17] =	ssyncset.done $0x0  }
0x1a: {  	[sflag:s17] =	ssyncadd.s32 $0xFFFFEF00  }
0x1b: {  	_ =	swait.ge [sflag:s18], $0x1000  }
0x1c: {  	[sflag:s18] =	ssyncset.done $0x0  }
0x1d: {  	s28 =	simm.s32 $0x0;
	[sflag:s18] =	ssyncadd.s32 $0xFFFFF000  }
.LBB2_2:
0x1e: {  	s29 =	sshll.u32 s28, $0x7  }
0x1f: {  	s0 =	sadd.s32 $0x3000, s29  }
0x20: {  	s1 =	sadd.s32 $0x4000, s29;
	s30 =	sadd.s32 $0x5000, s29;
	s31 =	sadd.s32 $0x6000, s29;
	v0 =	vmov s0  }
0x21: {  	s24 =	sadd.s32 $0x8000, s29;
	s21 =	sadd.s32 $0x9000, s29;
	s0 =	sadd.s32 $0x7000, s29;
	v1 =	vmov s1;
	v2 =	vmov s30;
	v3 =	vmov s31  }
0x22: {  	s1 =	sadd.s32 $0xA000, s29;
	s30 =	sadd.s32 $0xB000, s29;
	s31 =	sadd.s32 $0xC000, s29;
	v5 =	vmov s24;
	v6 =	vmov s21;
	v4 =	vmov s0  }
0x23: {  	s21 =	sadd.s32 $0xD000, s29;
	s24 =	sadd.s32 $0xE000, s29;
	s0 =	sadd.s32 $0x2000, s29;
	v7 =	vmov s1;
	v8 =	vmov s30;
	v9 =	vmov s31  }
0x24: {  	p0 =	por $0x1, $0x1;
	s31 =	simm.s32 $0x0;
	v10 =	vmov s21;
	v11 =	vmov s24;
	v12 =	vmov s0  }
.LBB2_3:
0x25: {  	s1 =	sor.u32 s29, s31  }
0x26: {  	v24 =	vld [tilespmem:s1+$0x0];
	s0 =	sor.u32 $0x10, s1  }
0x27: {  	s21 =	sor.u32 $0x30, s1;
	v27 =	vld [tilespmem:s0+$0x0]  }
0x28: {  	s30 =	sor.u32 $0x20, s1;
	v25 =	vld [tilespmem:s21+$0x0]  }
0x29: {  	v26 =	vld [tilespmem:s30+$0x0];
	_ =	sdelay $0x4  }
0x2a: {  	v13 =	vld.idx.msk [tilespmem:v24+s14+$0x0], $0xffff  }
0x2b: {  	v14 =	vadd.s32 $0x41, v24;
	v15 =	vld.idx.msk [tilespmem:v27+s14+$0x0], $0xffff  }
0x2c: {  	v16 =	vadd.s32 $0x41, v27;
	v19 =	vld.idx.msk [tilespmem:v25+s14+$0x0], $0xffff  }
0x2d: {  	v20 =	vadd.s32 $0x41, v25;
	v17 =	vld.idx.msk [tilespmem:v26+s14+$0x0], $0xffff  }
0x2e: {  	v18 =	vadd.s32 $0x41, v26  }
0x2f: {  	[tilespmem:s1+$0x2000] =	vst v13  }
0x30: {  	v13 =	vld.idx.msk [tilespmem:v14+s14+$0x0], $0xffff;
	[tilespmem:s1+$0x2010] =	vst v15  }
0x31: {  	v14 =	vadd.s32 $0x82, v24;
	[tilespmem:s1+$0x2030] =	vst v19;
	v15 =	vld.idx.msk [tilespmem:v16+s14+$0x0], $0xffff  }
0x32: {  	v33 =	vadd.s32 $0x82, v27;
	[tilespmem:s1+$0x2020] =	vst v17;
	v19 =	vld.idx.msk [tilespmem:v20+s14+$0x0], $0xffff  }
0x33: {  	v35 =	vadd.s32 $0x82, v25;
	v17 =	vld.idx.msk [tilespmem:v18+s14+$0x0], $0xffff  }
0x34: {  	v34 =	vadd.s32 $0x82, v26  }
0x35: {  	[tilespmem:v0+s31+$0x0 ss:$0x1] =	vst.idx.msk $0xffff, v13  }
0x36: {  	v13 =	vld.idx.msk [tilespmem:v14+s14+$0x0], $0xffff;
	[tilespmem:v12+s31+$0x1010 ss:$0x1] =	vst.idx.msk $0xffff, v15  }
0x37: {  	v14 =	vadd.s32 $0xC3, v24;
	[tilespmem:v12+s31+$0x1030 ss:$0x1] =	vst.idx.msk $0xffff, v19;
	v15 =	vld.idx.msk [tilespmem:v33+s14+$0x0], $0xffff  }
0x38: {  	v36 =	vadd.s32 $0xC3, v27;
	[tilespmem:v12+s31+$0x1020 ss:$0x1] =	vst.idx.msk $0xffff, v17;
	v19 =	vld.idx.msk [tilespmem:v35+s14+$0x0], $0xffff  }
0x39: {  	v38 =	vadd.s32 $0xC3, v25;
	v17 =	vld.idx.msk [tilespmem:v34+s14+$0x0], $0xffff  }
0x3a: {  	v37 =	vadd.s32 $0xC3, v26  }
0x3b: {  	[tilespmem:v1+s31+$0x0 ss:$0x1] =	vst.idx.msk $0xffff, v13  }
0x3c: {  	v13 =	vld.idx.msk [tilespmem:v14+s14+$0x0], $0xffff;
	[tilespmem:v12+s31+$0x2010 ss:$0x1] =	vst.idx.msk $0xffff, v15  }
0x3d: {  	v14 =	vadd.s32 $0x104, v24;
	[tilespmem:v12+s31+$0x2030 ss:$0x1] =	vst.idx.msk $0xffff, v19;
	v15 =	vld.idx.msk [tilespmem:v36+s14+$0x0], $0xffff  }
0x3e: {  	v39 =	vadd.s32 $0x104, v27;
	[tilespmem:v12+s31+$0x2020 ss:$0x1] =	vst.idx.msk $0xffff, v17;
	v19 =	vld.idx.msk [tilespmem:v38+s14+$0x0], $0xffff  }
0x3f: {  	v41 =	vadd.s32 $0x104, v25;
	v17 =	vld.idx.msk [tilespmem:v37+s14+$0x0], $0xffff  }
0x40: {  	v40 =	vadd.s32 $0x104, v26  }
0x41: {  	[tilespmem:v2+s31+$0x0 ss:$0x1] =	vst.idx.msk $0xffff, v13  }
0x42: {  	v13 =	vld.idx.msk [tilespmem:v14+s14+$0x0], $0xffff;
	[tilespmem:v12+s31+$0x3010 ss:$0x1] =	vst.idx.msk $0xffff, v15  }
0x43: {  	v14 =	vadd.s32 $0x145, v24;
	[tilespmem:v12+s31+$0x3030 ss:$0x1] =	vst.idx.msk $0xffff, v19;
	v15 =	vld.idx.msk [tilespmem:v39+s14+$0x0], $0xffff  }
0x44: {  	v42 =	vadd.s32 $0x145, v27;
	[tilespmem:v12+s31+$0x3020 ss:$0x1] =	vst.idx.msk $0xffff, v17;
	v19 =	vld.idx.msk [tilespmem:v41+s14+$0x0], $0xffff  }
0x45: {  	v44 =	vadd.s32 $0x145, v25;
	v17 =	vld.idx.msk [tilespmem:v40+s14+$0x0], $0xffff  }
0x46: {  	v43 =	vadd.s32 $0x145, v26  }
0x47: {  	[tilespmem:v3+s31+$0x0 ss:$0x1] =	vst.idx.msk $0xffff, v13  }
0x48: {  	v13 =	vld.idx.msk [tilespmem:v14+s14+$0x0], $0xffff;
	[tilespmem:v12+s31+$0x4010 ss:$0x1] =	vst.idx.msk $0xffff, v15  }
0x49: {  	v14 =	vadd.s32 $0x186, v24;
	[tilespmem:v12+s31+$0x4030 ss:$0x1] =	vst.idx.msk $0xffff, v19;
	v15 =	vld.idx.msk [tilespmem:v42+s14+$0x0], $0xffff  }
0x4a: {  	v45 =	vadd.s32 $0x186, v27;
	[tilespmem:v12+s31+$0x4020 ss:$0x1] =	vst.idx.msk $0xffff, v17;
	v19 =	vld.idx.msk [tilespmem:v44+s14+$0x0], $0xffff  }
0x4b: {  	s24 =	sor.u32 $0x40, s1;
	v47 =	vadd.s32 $0x186, v25;
	v17 =	vld.idx.msk [tilespmem:v43+s14+$0x0], $0xffff  }
0x4c: {  	v23 =	vld [tilespmem:s24+$0x0];
	s21 =	sor.u32 $0x60, s1;
	v46 =	vadd.s32 $0x186, v26  }
0x4d: {  	v21 =	vld [tilespmem:s21+$0x0];
	[tilespmem:v4+s31+$0x0 ss:$0x1] =	vst.idx.msk $0xffff, v13  }
0x4e: {  	v13 =	vld.idx.msk [tilespmem:v14+s14+$0x0], $0xffff;
	[tilespmem:v12+s31+$0x5010 ss:$0x1] =	vst.idx.msk $0xffff, v15  }
0x4f: {  	v14 =	vadd.s32 $0x1C7, v24;
	[tilespmem:v12+s31+$0x5030 ss:$0x1] =	vst.idx.msk $0xffff, v19;
	v15 =	vld.idx.msk [tilespmem:v45+s14+$0x0], $0xffff  }
0x50: {  	v48 =	vadd.s32 $0x1C7, v27;
	[tilespmem:v12+s31+$0x5020 ss:$0x1] =	vst.idx.msk $0xffff, v17;
	v19 =	vld.idx.msk [tilespmem:v47+s14+$0x0], $0xffff  }
0x51: {  	s21 =	sor.u32 $0x70, s1;
	v50 =	vadd.s32 $0x1C7, v25;
	v17 =	vld.idx.msk [tilespmem:v46+s14+$0x0], $0xffff  }
0x52: {  	s30 =	sor.u32 $0x50, s1;
	v22 =	vld [tilespmem:s21+$0x0];
	v49 =	vadd.s32 $0x1C7, v26  }
0x53: {  	v20 =	vld [tilespmem:s30+$0x0];
	[tilespmem:v5+s31+$0x0 ss:$0x1] =	vst.idx.msk $0xffff, v13  }
0x54: {  	v13 =	vld.idx.msk [tilespmem:v14+s14+$0x0], $0xffff;
	[tilespmem:v12+s31+$0x6010 ss:$0x1] =	vst.idx.msk $0xffff, v15  }
0x55: {  	v14 =	vadd.s32 $0x208, v24;
	[tilespmem:v12+s31+$0x6030 ss:$0x1] =	vst.idx.msk $0xffff, v19;
	v15 =	vld.idx.msk [tilespmem:v48+s14+$0x0], $0xffff  }
0x56: {  	v51 =	vadd.s32 $0x208, v27;
	[tilespmem:v12+s31+$0x6020 ss:$0x1] =	vst.idx.msk $0xffff, v17;
	v19 =	vld.idx.msk [tilespmem:v50+s14+$0x0], $0xffff  }
0x57: {  	v53 =	vadd.s32 $0x208, v25;
	v17 =	vld.idx.msk [tilespmem:v49+s14+$0x0], $0xffff  }
0x58: {  	v52 =	vadd.s32 $0x208, v26;
	v61 =	vld.idx.msk [tilespmem:v23+s14+$0x0], $0xffff  }
0x59: {  	v63 =	vld.idx.msk [tilespmem:v21+s14+$0x0], $0xffff;
	[tilespmem:v6+s31+$0x0 ss:$0x1] =	vst.idx.msk $0xffff, v13  }
0x5a: {  	v13 =	vld.idx.msk [tilespmem:v14+s14+$0x0], $0xffff;
	[tilespmem:v12+s31+$0x7010 ss:$0x1] =	vst.idx.msk $0xffff, v15  }
0x5b: {  	v14 =	vadd.s32 $0x249, v24;
	[tilespmem:v12+s31+$0x7030 ss:$0x1] =	vst.idx.msk $0xffff, v19;
	v15 =	vld.idx.msk [tilespmem:v51+s14+$0x0], $0xffff  }
0x5c: {  	v54 =	vadd.s32 $0x249, v27;
	[tilespmem:v12+s31+$0x7020 ss:$0x1] =	vst.idx.msk $0xffff, v17;
	v19 =	vld.idx.msk [tilespmem:v53+s14+$0x0], $0xffff  }
0x5d: {  	v56 =	vadd.s32 $0x249, v25;
	v17 =	vld.idx.msk [tilespmem:v52+s14+$0x0], $0xffff  }
0x5e: {  	v55 =	vadd.s32 $0x249, v26;
	v62 =	vld.idx.msk [tilespmem:v20+s14+$0x0], $0xffff  }
0x5f: {  	v36 =	vld.idx.msk [tilespmem:v22+s14+$0x0], $0xffff;
	v37 =	vadd.s32 $0x41, v23;
	[tilespmem:v7+s31+$0x0 ss:$0x1] =	vst.idx.msk $0xffff, v13  }
0x60: {  	v13 =	vld.idx.msk [tilespmem:v14+s14+$0x0], $0xffff;
	[tilespmem:v12+s31+$0x8010 ss:$0x1] =	vst.idx.msk $0xffff, v15  }
0x61: {  	v14 =	vadd.s32 $0x28A, v24;
	[tilespmem:v12+s31+$0x8030 ss:$0x1] =	vst.idx.msk $0xffff, v19;
	v15 =	vld.idx.msk [tilespmem:v54+s14+$0x0], $0xffff  }
0x62: {  	[tilespmem:v12+s31+$0x8020 ss:$0x1] =	vst.idx.msk $0xffff, v17;
	v19 =	vld.idx.msk [tilespmem:v56+s14+$0x0], $0xffff  }
0x63: {  	v57 =	vadd.s32 $0x28A, v27;
	[tilespmem:s1+$0x2040] =	vst v61;
	s30 =	sor.u32 $0x400, s31;
	v17 =	vld.idx.msk [tilespmem:v55+s14+$0x0], $0xffff  }
0x64: {  	v58 =	vadd.s32 $0x28A, v26;
	s0 =	sor.u32 s29, s30;
	v44 =	vld.idx.msk [tilespmem:v37+s14+$0x0], $0xffff  }
0x65: {  	v32 =	vadd.s32 $0x2CB, v24;
	v60 =	vadd.s32 $0x30C, v24;
	v59 =	vadd.s32 $0x28A, v25;
	v24 =	vld [tilespmem:s0+$0x0];
	[tilespmem:v8+s31+$0x0 ss:$0x1] =	vst.idx.msk $0xffff, v13  }
0x66: {  	s24 =	sor.u32 $0x10, s0;
	v28 =	vld.idx.msk [tilespmem:v14+s14+$0x0], $0xffff;
	[tilespmem:v12+s31+$0x9010 ss:$0x1] =	vst.idx.msk $0xffff, v15  }
0x67: {  	[tilespmem:v12+s31+$0x9030 ss:$0x1] =	vst.idx.msk $0xffff, v19;
	v19 =	vld [tilespmem:s24+$0x0]  }
0x68: {  	[tilespmem:v12+s31+$0x9020 ss:$0x1] =	vst.idx.msk $0xffff, v17;
	v29 =	vld.idx.msk [tilespmem:v57+s14+$0x0], $0xffff  }
0x69: {  	v30 =	vld.idx.msk [tilespmem:v58+s14+$0x0], $0xffff  }
0x6a: {  	s24 =	sor.u32 $0x20, s0;
	v31 =	vld.idx.msk [tilespmem:v59+s14+$0x0], $0xffff  }
0x6b: {  	v14 =	vld [tilespmem:s24+$0x0];
	s24 =	sor.u32 $0x30, s0  }
0x6c: {  	v15 =	vld [tilespmem:s24+$0x0]  }
0x6d: {  	s24 =	sor.u32 $0x40, s0;
	v41 =	vld.idx.msk [tilespmem:v24+s14+$0x0], $0xffff  }
0x6e: {  	[tilespmem:s1+$0x2060] =	vst v63;
	v33 =	vadd.s32 $0x2CB, v27;
	v16 =	vld [tilespmem:s24+$0x0];
	s24 =	sor.u32 $0x50, s0  }
0x6f: {  	v34 =	vadd.s32 $0x2CB, v26;
	[tilespmem:s1+$0x2050] =	vst v62;
	v17 =	vld [tilespmem:s24+$0x0];
	s24 =	sor.u32 $0x60, s0  }
0x70: {  	v35 =	vadd.s32 $0x2CB, v25;
	[tilespmem:s1+$0x2070] =	vst v36;
	v18 =	vld [tilespmem:s24+$0x0];
	s24 =	sor.u32 $0x70, s0  }
0x71: {  	[tilespmem:v9+s31+$0x0 ss:$0x1] =	vst.idx.msk $0xffff, v28;
	v13 =	vld [tilespmem:s24+$0x0]  }
0x72: {  	v38 =	vadd.s32 $0x41, v20;
	v28 =	vld.idx.msk [tilespmem:v32+s14+$0x0], $0xffff;
	[tilespmem:v12+s31+$0xA010 ss:$0x1] =	vst.idx.msk $0xffff, v29  }
0x73: {  	[tilespmem:v12+s31+$0xA020 ss:$0x1] =	vst.idx.msk $0xffff, v30;
	v29 =	vld.idx.msk [tilespmem:v33+s14+$0x0], $0xffff  }
0x74: {  	v39 =	vadd.s32 $0x41, v21;
	[tilespmem:v12+s31+$0xA030 ss:$0x1] =	vst.idx.msk $0xffff, v31;
	v30 =	vld.idx.msk [tilespmem:v34+s14+$0x0], $0xffff  }
0x75: {  	v40 =	vadd.s32 $0x41, v22;
	[tilespmem:v12+s31+$0x1040 ss:$0x1] =	vst.idx.msk $0xffff, v44;
	v31 =	vld.idx.msk [tilespmem:v35+s14+$0x0], $0xffff  }
0x76: {  	v26 =	vadd.s32 $0x30C, v26;
	[tilespmem:s0+$0x2000] =	vst v41;
	v43 =	vld.idx.msk [tilespmem:v19+s14+$0x0], $0xffff  }
0x77: {  	v25 =	vadd.s32 $0x30C, v25;
	[tilespmem:v10+s31+$0x0 ss:$0x1] =	vst.idx.msk $0xffff, v28;
	v28 =	vld.idx.msk [tilespmem:v38+s14+$0x0], $0xffff  }
0x78: {  	v27 =	vadd.s32 $0x30C, v27;
	[tilespmem:v12+s31+$0xB010 ss:$0x1] =	vst.idx.msk $0xffff, v29;
	v32 =	vld.idx.msk [tilespmem:v60+s14+$0x0], $0xffff  }
0x79: {  	v45 =	vadd.s32 $0x41, v19;
	[tilespmem:v12+s31+$0xB020 ss:$0x1] =	vst.idx.msk $0xffff, v30;
	v29 =	vld.idx.msk [tilespmem:v39+s14+$0x0], $0xffff  }
0x7a: {  	v42 =	vadd.s32 $0x41, v24;
	[tilespmem:v12+s31+$0xB030 ss:$0x1] =	vst.idx.msk $0xffff, v31;
	v30 =	vld.idx.msk [tilespmem:v40+s14+$0x0], $0xffff  }
0x7b: {  	v46 =	vadd.s32 $0x82, v23;
	v26 =	vld.idx.msk [tilespmem:v26+s14+$0x0], $0xffff;
	[tilespmem:s0+$0x2010] =	vst v43  }
0x7c: {  	v47 =	vadd.s32 $0x82, v20;
	v25 =	vld.idx.msk [tilespmem:v25+s14+$0x0], $0xffff;
	[tilespmem:v12+s31+$0x1050 ss:$0x1] =	vst.idx.msk $0xffff, v28  }
0x7d: {  	v48 =	vadd.s32 $0x82, v21;
	v27 =	vld.idx.msk [tilespmem:v27+s14+$0x0], $0xffff;
	[tilespmem:v11+s31+$0x0 ss:$0x1] =	vst.idx.msk $0xffff, v32  }
0x7e: {  	v49 =	vadd.s32 $0x82, v22;
	v31 =	vld.idx.msk [tilespmem:v45+s14+$0x0], $0xffff;
	[tilespmem:v12+s31+$0x1060 ss:$0x1] =	vst.idx.msk $0xffff, v29  }
0x7f: {  	v51 =	vadd.s32 $0x82, v19;
	v32 =	vld.idx.msk [tilespmem:v42+s14+$0x0], $0xffff;
	[tilespmem:v12+s31+$0x1070 ss:$0x1] =	vst.idx.msk $0xffff, v30  }
0x80: {  	v50 =	vadd.s32 $0x82, v24;
	[tilespmem:v12+s31+$0xC020 ss:$0x1] =	vst.idx.msk $0xffff, v26;
	v26 =	vld.idx.msk [tilespmem:v46+s14+$0x0], $0xffff  }
0x81: {  	v52 =	vadd.s32 $0xC3, v23;
	[tilespmem:v12+s31+$0xC030 ss:$0x1] =	vst.idx.msk $0xffff, v25;
	v25 =	vld.idx.msk [tilespmem:v47+s14+$0x0], $0xffff  }
0x82: {  	v53 =	vadd.s32 $0xC3, v20;
	[tilespmem:v12+s31+$0xC010 ss:$0x1] =	vst.idx.msk $0xffff, v27;
	v33 =	vld.idx.msk [tilespmem:v48+s14+$0x0], $0xffff  }
0x83: {  	v54 =	vadd.s32 $0xC3, v21;
	v34 =	vld.idx.msk [tilespmem:v49+s14+$0x0], $0xffff;
	[tilespmem:v12+s30+$0x1010 ss:$0x1] =	vst.idx.msk $0xffff, v31  }
0x84: {  	v55 =	vadd.s32 $0xC3, v22;
	v28 =	vld.idx.msk [tilespmem:v51+s14+$0x0], $0xffff;
	[tilespmem:v0+s30+$0x0 ss:$0x1] =	vst.idx.msk $0xffff, v32  }
0x85: {  	v57 =	vadd.s32 $0xC3, v19;
	v27 =	vld.idx.msk [tilespmem:v50+s14+$0x0], $0xffff;
	[tilespmem:v12+s31+$0x2040 ss:$0x1] =	vst.idx.msk $0xffff, v26  }
0x86: {  	v56 =	vadd.s32 $0xC3, v24;
	[tilespmem:v12+s31+$0x2050 ss:$0x1] =	vst.idx.msk $0xffff, v25;
	v29 =	vld.idx.msk [tilespmem:v52+s14+$0x0], $0xffff  }
0x87: {  	v58 =	vadd.s32 $0x104, v23;
	[tilespmem:v12+s31+$0x2060 ss:$0x1] =	vst.idx.msk $0xffff, v33;
	v30 =	vld.idx.msk [tilespmem:v53+s14+$0x0], $0xffff  }
0x88: {  	v59 =	vadd.s32 $0x104, v20;
	[tilespmem:v12+s31+$0x2070 ss:$0x1] =	vst.idx.msk $0xffff, v34;
	v32 =	vld.idx.msk [tilespmem:v54+s14+$0x0], $0xffff  }
0x89: {  	v60 =	vadd.s32 $0x104, v21;
	v31 =	vld.idx.msk [tilespmem:v55+s14+$0x0], $0xffff;
	[tilespmem:v12+s30+$0x2010 ss:$0x1] =	vst.idx.msk $0xffff, v28  }
0x8a: {  	v61 =	vadd.s32 $0x104, v22;
	v25 =	vld.idx.msk [tilespmem:v57+s14+$0x0], $0xffff;
	[tilespmem:v1+s30+$0x0 ss:$0x1] =	vst.idx.msk $0xffff, v27  }
0x8b: {  	v63 =	vadd.s32 $0x104, v19;
	v26 =	vld.idx.msk [tilespmem:v56+s14+$0x0], $0xffff;
	[tilespmem:v12+s31+$0x3040 ss:$0x1] =	vst.idx.msk $0xffff, v29  }
0x8c: {  	v62 =	vadd.s32 $0x104, v24;
	[tilespmem:v12+s31+$0x3050 ss:$0x1] =	vst.idx.msk $0xffff, v30;
	v33 =	vld.idx.msk [tilespmem:v58+s14+$0x0], $0xffff  }
0x8d: {  	v36 =	vadd.s32 $0x145, v23;
	[tilespmem:v12+s31+$0x3060 ss:$0x1] =	vst.idx.msk $0xffff, v32;
	v34 =	vld.idx.msk [tilespmem:v59+s14+$0x0], $0xffff  }
0x8e: {  	v37 =	vadd.s32 $0x145, v20;
	[tilespmem:v12+s31+$0x3070 ss:$0x1] =	vst.idx.msk $0xffff, v31;
	v27 =	vld.idx.msk [tilespmem:v60+s14+$0x0], $0xffff  }
0x8f: {  	v38 =	vadd.s32 $0x145, v21;
	v28 =	vld.idx.msk [tilespmem:v61+s14+$0x0], $0xffff;
	[tilespmem:v12+s30+$0x3010 ss:$0x1] =	vst.idx.msk $0xffff, v25  }
0x90: {  	v39 =	vadd.s32 $0x145, v22;
	v30 =	vld.idx.msk [tilespmem:v63+s14+$0x0], $0xffff;
	[tilespmem:v2+s30+$0x0 ss:$0x1] =	vst.idx.msk $0xffff, v26  }
0x91: {  	v41 =	vadd.s32 $0x145, v19;
	v29 =	vld.idx.msk [tilespmem:v62+s14+$0x0], $0xffff;
	[tilespmem:v12+s31+$0x4040 ss:$0x1] =	vst.idx.msk $0xffff, v33  }
0x92: {  	v40 =	vadd.s32 $0x145, v24;
	[tilespmem:v12+s31+$0x4050 ss:$0x1] =	vst.idx.msk $0xffff, v34;
	v32 =	vld.idx.msk [tilespmem:v36+s14+$0x0], $0xffff  }
0x93: {  	v42 =	vadd.s32 $0x186, v23;
	[tilespmem:v12+s31+$0x4060 ss:$0x1] =	vst.idx.msk $0xffff, v27;
	v31 =	vld.idx.msk [tilespmem:v37+s14+$0x0], $0xffff  }
0x94: {  	v43 =	vadd.s32 $0x186, v20;
	[tilespmem:v12+s31+$0x4070 ss:$0x1] =	vst.idx.msk $0xffff, v28;
	v26 =	vld.idx.msk [tilespmem:v38+s14+$0x0], $0xffff  }
0x95: {  	v44 =	vadd.s32 $0x186, v21;
	v25 =	vld.idx.msk [tilespmem:v39+s14+$0x0], $0xffff;
	[tilespmem:v12+s30+$0x4010 ss:$0x1] =	vst.idx.msk $0xffff, v30  }
0x96: {  	v45 =	vadd.s32 $0x186, v22;
	v34 =	vld.idx.msk [tilespmem:v41+s14+$0x0], $0xffff;
	[tilespmem:v3+s30+$0x0 ss:$0x1] =	vst.idx.msk $0xffff, v29  }
0x97: {  	v47 =	vadd.s32 $0x186, v19;
	v33 =	vld.idx.msk [tilespmem:v40+s14+$0x0], $0xffff;
	[tilespmem:v12+s31+$0x5040 ss:$0x1] =	vst.idx.msk $0xffff, v32  }
0x98: {  	v46 =	vadd.s32 $0x186, v24;
	[tilespmem:v12+s31+$0x5050 ss:$0x1] =	vst.idx.msk $0xffff, v31;
	v27 =	vld.idx.msk [tilespmem:v42+s14+$0x0], $0xffff  }
0x99: {  	v48 =	vadd.s32 $0x1C7, v23;
	[tilespmem:v12+s31+$0x5060 ss:$0x1] =	vst.idx.msk $0xffff, v26;
	v28 =	vld.idx.msk [tilespmem:v43+s14+$0x0], $0xffff  }
0x9a: {  	v49 =	vadd.s32 $0x1C7, v20;
	[tilespmem:v12+s31+$0x5070 ss:$0x1] =	vst.idx.msk $0xffff, v25;
	v29 =	vld.idx.msk [tilespmem:v44+s14+$0x0], $0xffff  }
0x9b: {  	v50 =	vadd.s32 $0x1C7, v21;
	v30 =	vld.idx.msk [tilespmem:v45+s14+$0x0], $0xffff;
	[tilespmem:v12+s30+$0x5010 ss:$0x1] =	vst.idx.msk $0xffff, v34  }
0x9c: {  	v51 =	vadd.s32 $0x1C7, v22;
	v31 =	vld.idx.msk [tilespmem:v47+s14+$0x0], $0xffff;
	[tilespmem:v4+s30+$0x0 ss:$0x1] =	vst.idx.msk $0xffff, v33  }
0x9d: {  	v53 =	vadd.s32 $0x1C7, v19;
	v32 =	vld.idx.msk [tilespmem:v46+s14+$0x0], $0xffff;
	[tilespmem:v12+s31+$0x6040 ss:$0x1] =	vst.idx.msk $0xffff, v27  }
0x9e: {  	v52 =	vadd.s32 $0x1C7, v24;
	[tilespmem:v12+s31+$0x6050 ss:$0x1] =	vst.idx.msk $0xffff, v28;
	v26 =	vld.idx.msk [tilespmem:v48+s14+$0x0], $0xffff  }
0x9f: {  	v54 =	vadd.s32 $0x208, v23;
	[tilespmem:v12+s31+$0x6060 ss:$0x1] =	vst.idx.msk $0xffff, v29;
	v25 =	vld.idx.msk [tilespmem:v49+s14+$0x0], $0xffff  }
0xa0: {  	v55 =	vadd.s32 $0x208, v20;
	[tilespmem:v12+s31+$0x6070 ss:$0x1] =	vst.idx.msk $0xffff, v30;
	v33 =	vld.idx.msk [tilespmem:v50+s14+$0x0], $0xffff  }
0xa1: {  	v56 =	vadd.s32 $0x208, v21;
	v34 =	vld.idx.msk [tilespmem:v51+s14+$0x0], $0xffff;
	[tilespmem:v12+s30+$0x6010 ss:$0x1] =	vst.idx.msk $0xffff, v31  }
0xa2: {  	v57 =	vadd.s32 $0x208, v22;
	v28 =	vld.idx.msk [tilespmem:v53+s14+$0x0], $0xffff;
	[tilespmem:v5+s30+$0x0 ss:$0x1] =	vst.idx.msk $0xffff, v32  }
0xa3: {  	v27 =	vld.idx.msk [tilespmem:v52+s14+$0x0], $0xffff;
	[tilespmem:v12+s31+$0x7040 ss:$0x1] =	vst.idx.msk $0xffff, v26  }
0xa4: {  	[tilespmem:v12+s31+$0x7050 ss:$0x1] =	vst.idx.msk $0xffff, v25;
	v29 =	vld.idx.msk [tilespmem:v54+s14+$0x0], $0xffff  }
0xa5: {  	v59 =	vadd.s32 $0x208, v19;
	[tilespmem:v12+s31+$0x7060 ss:$0x1] =	vst.idx.msk $0xffff, v33;
	v30 =	vld.idx.msk [tilespmem:v55+s14+$0x0], $0xffff  }
0xa6: {  	[tilespmem:v12+s31+$0x7070 ss:$0x1] =	vst.idx.msk $0xffff, v34;
	v32 =	vld.idx.msk [tilespmem:v56+s14+$0x0], $0xffff  }
0xa7: {  	v58 =	vadd.s32 $0x208, v24;
	v31 =	vld.idx.msk [tilespmem:v57+s14+$0x0], $0xffff;
	[tilespmem:v12+s30+$0x7010 ss:$0x1] =	vst.idx.msk $0xffff, v28  }
0xa8: {  	v60 =	vadd.s32 $0x249, v23;
	v55 =	vld.idx.msk [tilespmem:v14+s14+$0x0], $0xffff;
	[tilespmem:v6+s30+$0x0 ss:$0x1] =	vst.idx.msk $0xffff, v27  }
0xa9: {  	v61 =	vadd.s32 $0x249, v20;
	v57 =	vld.idx.msk [tilespmem:v15+s14+$0x0], $0xffff;
	[tilespmem:v12+s31+$0x8040 ss:$0x1] =	vst.idx.msk $0xffff, v29  }
0xaa: {  	v62 =	vadd.s32 $0x249, v21;
	v25 =	vld.idx.msk [tilespmem:v59+s14+$0x0], $0xffff;
	[tilespmem:v12+s31+$0x8050 ss:$0x1] =	vst.idx.msk $0xffff, v30  }
0xab: {  	v63 =	vadd.s32 $0x249, v22;
	v59 =	vld.idx.msk [tilespmem:v16+s14+$0x0], $0xffff;
	[tilespmem:v12+s31+$0x8060 ss:$0x1] =	vst.idx.msk $0xffff, v32  }
0xac: {  	v26 =	vld.idx.msk [tilespmem:v58+s14+$0x0], $0xffff;
	[tilespmem:v12+s31+$0x8070 ss:$0x1] =	vst.idx.msk $0xffff, v31  }
0xad: {  	[tilespmem:s0+$0x2020] =	vst v55;
	v33 =	vld.idx.msk [tilespmem:v60+s14+$0x0], $0xffff  }
0xae: {  	v37 =	vadd.s32 $0x249, v19;
	[tilespmem:s0+$0x2030] =	vst v57;
	v34 =	vld.idx.msk [tilespmem:v61+s14+$0x0], $0xffff  }
0xaf: {  	v36 =	vadd.s32 $0x249, v24;
	v27 =	vld.idx.msk [tilespmem:v62+s14+$0x0], $0xffff;
	[tilespmem:v12+s30+$0x8010 ss:$0x1] =	vst.idx.msk $0xffff, v25  }
0xb0: {  	v38 =	vadd.s32 $0x28A, v23;
	v28 =	vld.idx.msk [tilespmem:v63+s14+$0x0], $0xffff;
	[tilespmem:s0+$0x2040] =	vst v59  }
0xb1: {  	v39 =	vadd.s32 $0x28A, v20;
	v61 =	vld.idx.msk [tilespmem:v17+s14+$0x0], $0xffff;
	[tilespmem:v7+s30+$0x0 ss:$0x1] =	vst.idx.msk $0xffff, v26  }
0xb2: {  	v40 =	vadd.s32 $0x28A, v21;
	v63 =	vld.idx.msk [tilespmem:v18+s14+$0x0], $0xffff;
	[tilespmem:v12+s31+$0x9040 ss:$0x1] =	vst.idx.msk $0xffff, v33  }
0xb3: {  	v41 =	vadd.s32 $0x28A, v22;
	v30 =	vld.idx.msk [tilespmem:v37+s14+$0x0], $0xffff;
	[tilespmem:v12+s31+$0x9050 ss:$0x1] =	vst.idx.msk $0xffff, v34  }
0xb4: {  	v43 =	vadd.s32 $0x28A, v19;
	v29 =	vld.idx.msk [tilespmem:v36+s14+$0x0], $0xffff;
	[tilespmem:v12+s31+$0x9060 ss:$0x1] =	vst.idx.msk $0xffff, v27  }
0xb5: {  	v42 =	vadd.s32 $0x28A, v24;
	[tilespmem:v12+s31+$0x9070 ss:$0x1] =	vst.idx.msk $0xffff, v28;
	v32 =	vld.idx.msk [tilespmem:v38+s14+$0x0], $0xffff  }
0xb6: {  	v44 =	vadd.s32 $0x2CB, v23;
	[tilespmem:s0+$0x2050] =	vst v61;
	v31 =	vld.idx.msk [tilespmem:v39+s14+$0x0], $0xffff  }
0xb7: {  	v45 =	vadd.s32 $0x2CB, v20;
	[tilespmem:s0+$0x2060] =	vst v63;
	v26 =	vld.idx.msk [tilespmem:v40+s14+$0x0], $0xffff  }
0xb8: {  	v46 =	vadd.s32 $0x2CB, v21;
	v25 =	vld.idx.msk [tilespmem:v41+s14+$0x0], $0xffff;
	[tilespmem:v12+s30+$0x9010 ss:$0x1] =	vst.idx.msk $0xffff, v30  }
0xb9: {  	v47 =	vadd.s32 $0x2CB, v22;
	v34 =	vld.idx.msk [tilespmem:v43+s14+$0x0], $0xffff;
	[tilespmem:v8+s30+$0x0 ss:$0x1] =	vst.idx.msk $0xffff, v29  }
0xba: {  	v49 =	vadd.s32 $0x2CB, v19;
	v33 =	vld.idx.msk [tilespmem:v42+s14+$0x0], $0xffff;
	[tilespmem:v12+s31+$0xA040 ss:$0x1] =	vst.idx.msk $0xffff, v32  }
0xbb: {  	[tilespmem:v12+s31+$0xA050 ss:$0x1] =	vst.idx.msk $0xffff, v31;
	v27 =	vld.idx.msk [tilespmem:v44+s14+$0x0], $0xffff  }
0xbc: {  	v48 =	vadd.s32 $0x2CB, v24;
	[tilespmem:v12+s31+$0xA060 ss:$0x1] =	vst.idx.msk $0xffff, v26;
	v50 =	vld.idx.msk [tilespmem:v45+s14+$0x0], $0xffff  }
0xbd: {  	v23 =	vadd.s32 $0x30C, v23;
	[tilespmem:v12+s31+$0xA070 ss:$0x1] =	vst.idx.msk $0xffff, v25;
	v51 =	vld.idx.msk [tilespmem:v46+s14+$0x0], $0xffff  }
0xbe: {  	v21 =	vadd.s32 $0x30C, v21;
	v52 =	vld.idx.msk [tilespmem:v47+s14+$0x0], $0xffff;
	[tilespmem:v12+s30+$0xA010 ss:$0x1] =	vst.idx.msk $0xffff, v34  }
0xbf: {  	v22 =	vadd.s32 $0x30C, v22;
	v54 =	vld.idx.msk [tilespmem:v49+s14+$0x0], $0xffff;
	[tilespmem:v9+s30+$0x0 ss:$0x1] =	vst.idx.msk $0xffff, v33  }
0xc0: {  	v20 =	vadd.s32 $0x30C, v20;
	v33 =	vld.idx.msk [tilespmem:v13+s14+$0x0], $0xffff;
	[tilespmem:v12+s31+$0xB040 ss:$0x1] =	vst.idx.msk $0xffff, v27  }
0xc1: {  	v19 =	vadd.s32 $0x30C, v19;
	v53 =	vld.idx.msk [tilespmem:v48+s14+$0x0], $0xffff;
	[tilespmem:v12+s31+$0xB050 ss:$0x1] =	vst.idx.msk $0xffff, v50  }
0xc2: {  	v24 =	vadd.s32 $0x30C, v24;
	[tilespmem:v12+s31+$0xB060 ss:$0x1] =	vst.idx.msk $0xffff, v51;
	v23 =	vld.idx.msk [tilespmem:v23+s14+$0x0], $0xffff  }
0xc3: {  	v56 =	vadd.s32 $0x41, v14;
	[tilespmem:v12+s31+$0xB070 ss:$0x1] =	vst.idx.msk $0xffff, v52;
	v21 =	vld.idx.msk [tilespmem:v21+s14+$0x0], $0xffff  }
0xc4: {  	v58 =	vadd.s32 $0x41, v15;
	v22 =	vld.idx.msk [tilespmem:v22+s14+$0x0], $0xffff;
	[tilespmem:v12+s30+$0xB010 ss:$0x1] =	vst.idx.msk $0xffff, v54  }
0xc5: {  	v32 =	vadd.s32 $0x41, v18;
	v20 =	vld.idx.msk [tilespmem:v20+s14+$0x0], $0xffff;
	[tilespmem:s0+$0x2070] =	vst v33  }
0xc6: {  	v34 =	vadd.s32 $0x41, v13;
	v19 =	vld.idx.msk [tilespmem:v19+s14+$0x0], $0xffff;
	[tilespmem:v10+s30+$0x0 ss:$0x1] =	vst.idx.msk $0xffff, v53  }
0xc7: {  	v62 =	vadd.s32 $0x41, v17;
	v24 =	vld.idx.msk [tilespmem:v24+s14+$0x0], $0xffff;
	[tilespmem:v12+s31+$0xC040 ss:$0x1] =	vst.idx.msk $0xffff, v23  }
0xc8: {  	v60 =	vadd.s32 $0x41, v16;
	[tilespmem:v12+s31+$0xC060 ss:$0x1] =	vst.idx.msk $0xffff, v21;
	v21 =	vld.idx.msk [tilespmem:v56+s14+$0x0], $0xffff  }
0xc9: {  	v35 =	vadd.s32 $0x82, v14;
	[tilespmem:v12+s31+$0xC070 ss:$0x1] =	vst.idx.msk $0xffff, v22;
	v22 =	vld.idx.msk [tilespmem:v58+s14+$0x0], $0xffff  }
0xca: {  	v36 =	vadd.s32 $0x82, v15;
	[tilespmem:v12+s31+$0xC050 ss:$0x1] =	vst.idx.msk $0xffff, v20;
	v20 =	vld.idx.msk [tilespmem:v32+s14+$0x0], $0xffff  }
0xcb: {  	v39 =	vadd.s32 $0x82, v18;
	v23 =	vld.idx.msk [tilespmem:v34+s14+$0x0], $0xffff;
	[tilespmem:v12+s30+$0xC010 ss:$0x1] =	vst.idx.msk $0xffff, v19  }
0xcc: {  	v40 =	vadd.s32 $0x82, v13;
	v19 =	vld.idx.msk [tilespmem:v62+s14+$0x0], $0xffff;
	[tilespmem:v11+s30+$0x0 ss:$0x1] =	vst.idx.msk $0xffff, v24  }
0xcd: {  	v38 =	vadd.s32 $0x82, v17;
	v24 =	vld.idx.msk [tilespmem:v60+s14+$0x0], $0xffff;
	[tilespmem:v12+s30+$0x1020 ss:$0x1] =	vst.idx.msk $0xffff, v21  }
0xce: {  	v37 =	vadd.s32 $0x82, v16;
	[tilespmem:v12+s30+$0x1030 ss:$0x1] =	vst.idx.msk $0xffff, v22;
	v25 =	vld.idx.msk [tilespmem:v35+s14+$0x0], $0xffff  }
0xcf: {  	v41 =	vadd.s32 $0xC3, v14;
	[tilespmem:v12+s30+$0x1060 ss:$0x1] =	vst.idx.msk $0xffff, v20;
	v26 =	vld.idx.msk [tilespmem:v36+s14+$0x0], $0xffff  }
0xd0: {  	v42 =	vadd.s32 $0xC3, v15;
	[tilespmem:v12+s30+$0x1070 ss:$0x1] =	vst.idx.msk $0xffff, v23;
	v21 =	vld.idx.msk [tilespmem:v39+s14+$0x0], $0xffff  }
0xd1: {  	v45 =	vadd.s32 $0xC3, v18;
	v22 =	vld.idx.msk [tilespmem:v40+s14+$0x0], $0xffff;
	[tilespmem:v12+s30+$0x1050 ss:$0x1] =	vst.idx.msk $0xffff, v19  }
0xd2: {  	v46 =	vadd.s32 $0xC3, v13;
	v28 =	vld.idx.msk [tilespmem:v38+s14+$0x0], $0xffff;
	[tilespmem:v12+s30+$0x1040 ss:$0x1] =	vst.idx.msk $0xffff, v24  }
0xd3: {  	v44 =	vadd.s32 $0xC3, v17;
	v27 =	vld.idx.msk [tilespmem:v37+s14+$0x0], $0xffff;
	[tilespmem:v12+s30+$0x2020 ss:$0x1] =	vst.idx.msk $0xffff, v25  }
0xd4: {  	v43 =	vadd.s32 $0xC3, v16;
	[tilespmem:v12+s30+$0x2030 ss:$0x1] =	vst.idx.msk $0xffff, v26;
	v24 =	vld.idx.msk [tilespmem:v41+s14+$0x0], $0xffff  }
0xd5: {  	v47 =	vadd.s32 $0x104, v14;
	[tilespmem:v12+s30+$0x2060 ss:$0x1] =	vst.idx.msk $0xffff, v21;
	v19 =	vld.idx.msk [tilespmem:v42+s14+$0x0], $0xffff  }
0xd6: {  	v48 =	vadd.s32 $0x104, v15;
	[tilespmem:v12+s30+$0x2070 ss:$0x1] =	vst.idx.msk $0xffff, v22;
	v25 =	vld.idx.msk [tilespmem:v45+s14+$0x0], $0xffff  }
0xd7: {  	v51 =	vadd.s32 $0x104, v18;
	v26 =	vld.idx.msk [tilespmem:v46+s14+$0x0], $0xffff;
	[tilespmem:v12+s30+$0x2050 ss:$0x1] =	vst.idx.msk $0xffff, v28  }
0xd8: {  	v52 =	vadd.s32 $0x104, v13;
	v23 =	vld.idx.msk [tilespmem:v44+s14+$0x0], $0xffff;
	[tilespmem:v12+s30+$0x2040 ss:$0x1] =	vst.idx.msk $0xffff, v27  }
0xd9: {  	v50 =	vadd.s32 $0x104, v17;
	v20 =	vld.idx.msk [tilespmem:v43+s14+$0x0], $0xffff;
	[tilespmem:v12+s30+$0x3020 ss:$0x1] =	vst.idx.msk $0xffff, v24  }
0xda: {  	v49 =	vadd.s32 $0x104, v16;
	[tilespmem:v12+s30+$0x3030 ss:$0x1] =	vst.idx.msk $0xffff, v19;
	v27 =	vld.idx.msk [tilespmem:v47+s14+$0x0], $0xffff  }
0xdb: {  	v53 =	vadd.s32 $0x145, v14;
	[tilespmem:v12+s30+$0x3060 ss:$0x1] =	vst.idx.msk $0xffff, v25;
	v28 =	vld.idx.msk [tilespmem:v48+s14+$0x0], $0xffff  }
0xdc: {  	v54 =	vadd.s32 $0x145, v15;
	[tilespmem:v12+s30+$0x3070 ss:$0x1] =	vst.idx.msk $0xffff, v26;
	v24 =	vld.idx.msk [tilespmem:v51+s14+$0x0], $0xffff  }
0xdd: {  	v57 =	vadd.s32 $0x145, v18;
	v19 =	vld.idx.msk [tilespmem:v52+s14+$0x0], $0xffff;
	[tilespmem:v12+s30+$0x3050 ss:$0x1] =	vst.idx.msk $0xffff, v23  }
0xde: {  	v58 =	vadd.s32 $0x145, v13;
	v22 =	vld.idx.msk [tilespmem:v50+s14+$0x0], $0xffff;
	[tilespmem:v12+s30+$0x3040 ss:$0x1] =	vst.idx.msk $0xffff, v20  }
0xdf: {  	v56 =	vadd.s32 $0x145, v17;
	v21 =	vld.idx.msk [tilespmem:v49+s14+$0x0], $0xffff;
	[tilespmem:v12+s30+$0x4020 ss:$0x1] =	vst.idx.msk $0xffff, v27  }
0xe0: {  	v55 =	vadd.s32 $0x145, v16;
	[tilespmem:v12+s30+$0x4030 ss:$0x1] =	vst.idx.msk $0xffff, v28;
	v20 =	vld.idx.msk [tilespmem:v53+s14+$0x0], $0xffff  }
0xe1: {  	v59 =	vadd.s32 $0x186, v14;
	[tilespmem:v12+s30+$0x4060 ss:$0x1] =	vst.idx.msk $0xffff, v24;
	v23 =	vld.idx.msk [tilespmem:v54+s14+$0x0], $0xffff  }
0xe2: {  	v60 =	vadd.s32 $0x186, v15;
	[tilespmem:v12+s30+$0x4070 ss:$0x1] =	vst.idx.msk $0xffff, v19;
	v27 =	vld.idx.msk [tilespmem:v57+s14+$0x0], $0xffff  }
0xe3: {  	v63 =	vadd.s32 $0x186, v18;
	v28 =	vld.idx.msk [tilespmem:v58+s14+$0x0], $0xffff;
	[tilespmem:v12+s30+$0x4050 ss:$0x1] =	vst.idx.msk $0xffff, v22  }
0xe4: {  	v32 =	vadd.s32 $0x186, v13;
	v26 =	vld.idx.msk [tilespmem:v56+s14+$0x0], $0xffff;
	[tilespmem:v12+s30+$0x4040 ss:$0x1] =	vst.idx.msk $0xffff, v21  }
0xe5: {  	v62 =	vadd.s32 $0x186, v17;
	v25 =	vld.idx.msk [tilespmem:v55+s14+$0x0], $0xffff;
	[tilespmem:v12+s30+$0x5020 ss:$0x1] =	vst.idx.msk $0xffff, v20  }
0xe6: {  	v61 =	vadd.s32 $0x186, v16;
	[tilespmem:v12+s30+$0x5030 ss:$0x1] =	vst.idx.msk $0xffff, v23;
	v21 =	vld.idx.msk [tilespmem:v59+s14+$0x0], $0xffff  }
0xe7: {  	v33 =	vadd.s32 $0x1C7, v14;
	[tilespmem:v12+s30+$0x5060 ss:$0x1] =	vst.idx.msk $0xffff, v27;
	v22 =	vld.idx.msk [tilespmem:v60+s14+$0x0], $0xffff  }
0xe8: {  	v34 =	vadd.s32 $0x1C7, v15;
	[tilespmem:v12+s30+$0x5070 ss:$0x1] =	vst.idx.msk $0xffff, v28;
	v20 =	vld.idx.msk [tilespmem:v63+s14+$0x0], $0xffff  }
0xe9: {  	v37 =	vadd.s32 $0x1C7, v18;
	v23 =	vld.idx.msk [tilespmem:v32+s14+$0x0], $0xffff;
	[tilespmem:v12+s30+$0x5050 ss:$0x1] =	vst.idx.msk $0xffff, v26  }
0xea: {  	v38 =	vadd.s32 $0x1C7, v13;
	v19 =	vld.idx.msk [tilespmem:v62+s14+$0x0], $0xffff;
	[tilespmem:v12+s30+$0x5040 ss:$0x1] =	vst.idx.msk $0xffff, v25  }
0xeb: {  	v36 =	vadd.s32 $0x1C7, v17;
	v24 =	vld.idx.msk [tilespmem:v61+s14+$0x0], $0xffff;
	[tilespmem:v12+s30+$0x6020 ss:$0x1] =	vst.idx.msk $0xffff, v21  }
0xec: {  	v35 =	vadd.s32 $0x1C7, v16;
	[tilespmem:v12+s30+$0x6030 ss:$0x1] =	vst.idx.msk $0xffff, v22;
	v25 =	vld.idx.msk [tilespmem:v33+s14+$0x0], $0xffff  }
0xed: {  	v39 =	vadd.s32 $0x208, v14;
	[tilespmem:v12+s30+$0x6060 ss:$0x1] =	vst.idx.msk $0xffff, v20;
	v26 =	vld.idx.msk [tilespmem:v34+s14+$0x0], $0xffff  }
0xee: {  	v40 =	vadd.s32 $0x208, v15;
	[tilespmem:v12+s30+$0x6070 ss:$0x1] =	vst.idx.msk $0xffff, v23;
	v21 =	vld.idx.msk [tilespmem:v37+s14+$0x0], $0xffff  }
0xef: {  	v43 =	vadd.s32 $0x208, v18;
	v22 =	vld.idx.msk [tilespmem:v38+s14+$0x0], $0xffff;
	[tilespmem:v12+s30+$0x6050 ss:$0x1] =	vst.idx.msk $0xffff, v19  }
0xf0: {  	v44 =	vadd.s32 $0x208, v13;
	v28 =	vld.idx.msk [tilespmem:v36+s14+$0x0], $0xffff;
	[tilespmem:v12+s30+$0x6040 ss:$0x1] =	vst.idx.msk $0xffff, v24  }
0xf1: {  	v42 =	vadd.s32 $0x208, v17;
	v27 =	vld.idx.msk [tilespmem:v35+s14+$0x0], $0xffff;
	[tilespmem:v12+s30+$0x7020 ss:$0x1] =	vst.idx.msk $0xffff, v25  }
0xf2: {  	v41 =	vadd.s32 $0x208, v16;
	[tilespmem:v12+s30+$0x7030 ss:$0x1] =	vst.idx.msk $0xffff, v26;
	v24 =	vld.idx.msk [tilespmem:v39+s14+$0x0], $0xffff  }
0xf3: {  	v45 =	vadd.s32 $0x249, v14;
	[tilespmem:v12+s30+$0x7060 ss:$0x1] =	vst.idx.msk $0xffff, v21;
	v19 =	vld.idx.msk [tilespmem:v40+s14+$0x0], $0xffff  }
0xf4: {  	v46 =	vadd.s32 $0x249, v15;
	[tilespmem:v12+s30+$0x7070 ss:$0x1] =	vst.idx.msk $0xffff, v22;
	v25 =	vld.idx.msk [tilespmem:v43+s14+$0x0], $0xffff  }
0xf5: {  	v49 =	vadd.s32 $0x249, v18;
	v26 =	vld.idx.msk [tilespmem:v44+s14+$0x0], $0xffff;
	[tilespmem:v12+s30+$0x7050 ss:$0x1] =	vst.idx.msk $0xffff, v28  }
0xf6: {  	v50 =	vadd.s32 $0x249, v13;
	v23 =	vld.idx.msk [tilespmem:v42+s14+$0x0], $0xffff;
	[tilespmem:v12+s30+$0x7040 ss:$0x1] =	vst.idx.msk $0xffff, v27  }
0xf7: {  	v48 =	vadd.s32 $0x249, v17;
	v20 =	vld.idx.msk [tilespmem:v41+s14+$0x0], $0xffff;
	[tilespmem:v12+s30+$0x8020 ss:$0x1] =	vst.idx.msk $0xffff, v24  }
0xf8: {  	v47 =	vadd.s32 $0x249, v16;
	[tilespmem:v12+s30+$0x8030 ss:$0x1] =	vst.idx.msk $0xffff, v19;
	v27 =	vld.idx.msk [tilespmem:v45+s14+$0x0], $0xffff  }
0xf9: {  	v51 =	vadd.s32 $0x28A, v14;
	[tilespmem:v12+s30+$0x8060 ss:$0x1] =	vst.idx.msk $0xffff, v25;
	v28 =	vld.idx.msk [tilespmem:v46+s14+$0x0], $0xffff  }
0xfa: {  	v52 =	vadd.s32 $0x28A, v15;
	[tilespmem:v12+s30+$0x8070 ss:$0x1] =	vst.idx.msk $0xffff, v26;
	v24 =	vld.idx.msk [tilespmem:v49+s14+$0x0], $0xffff  }
0xfb: {  	v55 =	vadd.s32 $0x28A, v18;
	v19 =	vld.idx.msk [tilespmem:v50+s14+$0x0], $0xffff;
	[tilespmem:v12+s30+$0x8050 ss:$0x1] =	vst.idx.msk $0xffff, v23  }
0xfc: {  	v56 =	vadd.s32 $0x28A, v13;
	v22 =	vld.idx.msk [tilespmem:v48+s14+$0x0], $0xffff;
	[tilespmem:v12+s30+$0x8040 ss:$0x1] =	vst.idx.msk $0xffff, v20  }
0xfd: {  	v54 =	vadd.s32 $0x28A, v17;
	v21 =	vld.idx.msk [tilespmem:v47+s14+$0x0], $0xffff;
	[tilespmem:v12+s30+$0x9020 ss:$0x1] =	vst.idx.msk $0xffff, v27  }
0xfe: {  	v53 =	vadd.s32 $0x28A, v16;
	[tilespmem:v12+s30+$0x9030 ss:$0x1] =	vst.idx.msk $0xffff, v28;
	v20 =	vld.idx.msk [tilespmem:v51+s14+$0x0], $0xffff  }
0xff: {  	v57 =	vadd.s32 $0x2CB, v14;
	[tilespmem:v12+s30+$0x9060 ss:$0x1] =	vst.idx.msk $0xffff, v24;
	v23 =	vld.idx.msk [tilespmem:v52+s14+$0x0], $0xffff  }
0x100: {  	v58 =	vadd.s32 $0x2CB, v15;
	[tilespmem:v12+s30+$0x9070 ss:$0x1] =	vst.idx.msk $0xffff, v19;
	v27 =	vld.idx.msk [tilespmem:v55+s14+$0x0], $0xffff  }
0x101: {  	v61 =	vadd.s32 $0x2CB, v18;
	v28 =	vld.idx.msk [tilespmem:v56+s14+$0x0], $0xffff;
	[tilespmem:v12+s30+$0x9050 ss:$0x1] =	vst.idx.msk $0xffff, v22  }
0x102: {  	v62 =	vadd.s32 $0x2CB, v13;
	v26 =	vld.idx.msk [tilespmem:v54+s14+$0x0], $0xffff;
	[tilespmem:v12+s30+$0x9040 ss:$0x1] =	vst.idx.msk $0xffff, v21  }
0x103: {  	v60 =	vadd.s32 $0x2CB, v17;
	v25 =	vld.idx.msk [tilespmem:v53+s14+$0x0], $0xffff;
	[tilespmem:v12+s30+$0xA020 ss:$0x1] =	vst.idx.msk $0xffff, v20  }
0x104: {  	v59 =	vadd.s32 $0x2CB, v16;
	[tilespmem:v12+s30+$0xA030 ss:$0x1] =	vst.idx.msk $0xffff, v23;
	v21 =	vld.idx.msk [tilespmem:v57+s14+$0x0], $0xffff  }
0x105: {  	v14 =	vadd.s32 $0x30C, v14;
	[tilespmem:v12+s30+$0xA060 ss:$0x1] =	vst.idx.msk $0xffff, v27;
	v22 =	vld.idx.msk [tilespmem:v58+s14+$0x0], $0xffff  }
0x106: {  	v15 =	vadd.s32 $0x30C, v15;
	[tilespmem:v12+s30+$0xA070 ss:$0x1] =	vst.idx.msk $0xffff, v28;
	v20 =	vld.idx.msk [tilespmem:v61+s14+$0x0], $0xffff  }
0x107: {  	v18 =	vadd.s32 $0x30C, v18;
	v63 =	vld.idx.msk [tilespmem:v62+s14+$0x0], $0xffff;
	[tilespmem:v12+s30+$0xA050 ss:$0x1] =	vst.idx.msk $0xffff, v26  }
0x108: {  	v13 =	vadd.s32 $0x30C, v13;
	v19 =	vld.idx.msk [tilespmem:v60+s14+$0x0], $0xffff;
	[tilespmem:v12+s30+$0xA040 ss:$0x1] =	vst.idx.msk $0xffff, v25  }
0x109: {  	v17 =	vadd.s32 $0x30C, v17;
	v24 =	vld.idx.msk [tilespmem:v59+s14+$0x0], $0xffff;
	[tilespmem:v12+s30+$0xB020 ss:$0x1] =	vst.idx.msk $0xffff, v21  }
0x10a: {  	v16 =	vadd.s32 $0x30C, v16;
	[tilespmem:v12+s30+$0xB030 ss:$0x1] =	vst.idx.msk $0xffff, v22;
	v14 =	vld.idx.msk [tilespmem:v14+s14+$0x0], $0xffff  }
0x10b: {  	[tilespmem:v12+s30+$0xB060 ss:$0x1] =	vst.idx.msk $0xffff, v20;
	v15 =	vld.idx.msk [tilespmem:v15+s14+$0x0], $0xffff  }
0x10c: {  	[tilespmem:v12+s30+$0xB070 ss:$0x1] =	vst.idx.msk $0xffff, v63;
	v18 =	vld.idx.msk [tilespmem:v18+s14+$0x0], $0xffff  }
0x10d: {  	v13 =	vld.idx.msk [tilespmem:v13+s14+$0x0], $0xffff;
	[tilespmem:v12+s30+$0xB050 ss:$0x1] =	vst.idx.msk $0xffff, v19  }
0x10e: {  	v17 =	vld.idx.msk [tilespmem:v17+s14+$0x0], $0xffff;
	[tilespmem:v12+s30+$0xB040 ss:$0x1] =	vst.idx.msk $0xffff, v24  }
0x10f: {  	p1 =	por p0, p0;
	v16 =	vld.idx.msk [tilespmem:v16+s14+$0x0], $0xffff;
	[tilespmem:v12+s30+$0xC020 ss:$0x1] =	vst.idx.msk $0xffff, v14  }
.Ltmp0:
0x110: {  	[tilespmem:v12+s30+$0xC030 ss:$0x1] =	vst.idx.msk $0xffff, v15;
	(pc) =	sbr.rel @p1 .LBB2_3-.Ltmp0, $4  }
0x111: {  	[tilespmem:v12+s30+$0xC060 ss:$0x1] =	vst.idx.msk $0xffff, v18  }
0x112: {  	[tilespmem:v12+s30+$0xC070 ss:$0x1] =	vst.idx.msk $0xffff, v13  }
0x113: {  	[tilespmem:v12+s30+$0xC050 ss:$0x1] =	vst.idx.msk $0xffff, v17  }
0x114: {  	p0 =	por $0x0, $0x0;
	s31 =	simm.s32 $0x800;
	[tilespmem:v12+s30+$0xC040 ss:$0x1] =	vst.idx.msk $0xffff, v16  }
0x115: {  	s28 =	sadd.s32 $0x1, s28  }
0x116: {  	p0 =	sne.s32 s28, $0x8  }
.Ltmp1:
0x117: {  	_ = 	snop;
	(pc) =	sbr.rel @p0 .LBB2_2-.Ltmp1, $1  }
0x118: {  	_ =	sdelay $0x3  }
0x119: {  	[hbm4b:s5+s15] =	stream.strided.scatter [tilespmem:s20], [sflag:$0x1], $0xD000, s19, s15, $0x38;
	[tilespmem:$0x1E280] =	vst v63  }
0x11a: {  	s28 =	simm.s32 $0x0  }
.LBB2_6:
0x11b: {  	s29 =	sshll.u32 s28, $0x7  }
0x11c: {  	s0 =	sadd.s32 $0x10000, s29  }
0x11d: {  	s1 =	sadd.s32 $0x11000, s29;
	s21 =	sadd.s32 $0x12000, s29;
	s24 =	sadd.s32 $0x13000, s29;
	v0 =	vmov s0  }
0x11e: {  	s30 =	sadd.s32 $0x15000, s29;
	s31 =	sadd.s32 $0x16000, s29;
	s0 =	sadd.s32 $0x14000, s29;
	v1 =	vmov s1;
	v2 =	vmov s21;
	v3 =	vmov s24  }
0x11f: {  	s1 =	sadd.s32 $0x17000, s29;
	s21 =	sadd.s32 $0x18000, s29;
	s24 =	sadd.s32 $0x19000, s29;
	v5 =	vmov s30;
	v6 =	vmov s31;
	v4 =	vmov s0  }
0x120: {  	s30 =	sadd.s32 $0x1A000, s29;
	s31 =	sadd.s32 $0x1B000, s29;
	s0 =	sadd.s32 $0xF000, s29;
	v7 =	vmov s1;
	v8 =	vmov s21;
	v9 =	vmov s24  }
0x121: {  	p0 =	por $0x1, $0x1;
	v10 =	vmov s30;
	v11 =	vmov s31;
	s31 =	simm.s32 $0x0;
	v12 =	vmov s0  }
.LBB2_7:
0x122: {  	s1 =	sor.u32 s29, s31  }
0x123: {  	v27 =	vld [tilespmem:s1+$0x0];
	s0 =	sor.u32 $0x10, s1  }
0x124: {  	s21 =	sor.u32 $0x30, s1;
	v28 =	vld [tilespmem:s0+$0x0]  }
0x125: {  	s30 =	sor.u32 $0x20, s1;
	v25 =	vld [tilespmem:s21+$0x0]  }
0x126: {  	v26 =	vld [tilespmem:s30+$0x0];
	_ =	sdelay $0x1  }
0x127: {  	v13 =	vadd.s32 $0x34D, v27  }
0x128: {  	v14 =	vadd.s32 $0x34D, v28  }
0x129: {  	v16 =	vadd.s32 $0x34D, v25  }
0x12a: {  	v15 =	vadd.s32 $0x34D, v26;
	_ =	sdelay $0x1  }
0x12b: {  	v13 =	vld.idx.msk [tilespmem:v13+s14+$0x0], $0xffff  }
0x12c: {  	v17 =	vadd.s32 $0x38E, v27;
	v14 =	vld.idx.msk [tilespmem:v14+s14+$0x0], $0xffff  }
0x12d: {  	v18 =	vadd.s32 $0x38E, v28;
	v16 =	vld.idx.msk [tilespmem:v16+s14+$0x0], $0xffff  }
0x12e: {  	v20 =	vadd.s32 $0x38E, v25;
	v15 =	vld.idx.msk [tilespmem:v15+s14+$0x0], $0xffff  }
0x12f: {  	v19 =	vadd.s32 $0x38E, v26  }
0x130: {  	[tilespmem:s1+$0xF000] =	vst v13  }
0x131: {  	v13 =	vld.idx.msk [tilespmem:v17+s14+$0x0], $0xffff;
	[tilespmem:s1+$0xF010] =	vst v14  }
0x132: {  	v14 =	vadd.s32 $0x3CF, v27;
	[tilespmem:s1+$0xF030] =	vst v16;
	v31 =	vld.idx.msk [tilespmem:v18+s14+$0x0], $0xffff  }
0x133: {  	[tilespmem:s1+$0xF020] =	vst v15;
	v15 =	vadd.s32 $0x3CF, v28;
	v34 =	vld.idx.msk [tilespmem:v20+s14+$0x0], $0xffff  }
0x134: {  	v35 =	vadd.s32 $0x3CF, v25;
	v32 =	vld.idx.msk [tilespmem:v19+s14+$0x0], $0xffff  }
0x135: {  	v33 =	vadd.s32 $0x3CF, v26  }
0x136: {  	[tilespmem:v0+s31+$0x0 ss:$0x1] =	vst.idx.msk $0xffff, v13  }
0x137: {  	v13 =	vld.idx.msk [tilespmem:v14+s14+$0x0], $0xffff;
	[tilespmem:v12+s31+$0x1010 ss:$0x1] =	vst.idx.msk $0xffff, v31  }
0x138: {  	v14 =	vadd.s32 $0x410, v27;
	[tilespmem:v12+s31+$0x1030 ss:$0x1] =	vst.idx.msk $0xffff, v34;
	v15 =	vld.idx.msk [tilespmem:v15+s14+$0x0], $0xffff  }
0x139: {  	v36 =	vadd.s32 $0x410, v28;
	[tilespmem:v12+s31+$0x1020 ss:$0x1] =	vst.idx.msk $0xffff, v32;
	v19 =	vld.idx.msk [tilespmem:v35+s14+$0x0], $0xffff  }
0x13a: {  	v38 =	vadd.s32 $0x410, v25;
	v16 =	vld.idx.msk [tilespmem:v33+s14+$0x0], $0xffff  }
0x13b: {  	v37 =	vadd.s32 $0x410, v26  }
0x13c: {  	[tilespmem:v1+s31+$0x0 ss:$0x1] =	vst.idx.msk $0xffff, v13  }
0x13d: {  	v13 =	vld.idx.msk [tilespmem:v14+s14+$0x0], $0xffff;
	[tilespmem:v12+s31+$0x2010 ss:$0x1] =	vst.idx.msk $0xffff, v15  }
0x13e: {  	v14 =	vadd.s32 $0x451, v27;
	[tilespmem:v12+s31+$0x2030 ss:$0x1] =	vst.idx.msk $0xffff, v19;
	v15 =	vld.idx.msk [tilespmem:v36+s14+$0x0], $0xffff  }
0x13f: {  	v39 =	vadd.s32 $0x451, v28;
	[tilespmem:v12+s31+$0x2020 ss:$0x1] =	vst.idx.msk $0xffff, v16;
	v19 =	vld.idx.msk [tilespmem:v38+s14+$0x0], $0xffff  }
0x140: {  	v42 =	vadd.s32 $0x451, v25;
	v40 =	vld.idx.msk [tilespmem:v37+s14+$0x0], $0xffff  }
0x141: {  	v41 =	vadd.s32 $0x451, v26  }
0x142: {  	[tilespmem:v2+s31+$0x0 ss:$0x1] =	vst.idx.msk $0xffff, v13  }
0x143: {  	v13 =	vld.idx.msk [tilespmem:v14+s14+$0x0], $0xffff;
	[tilespmem:v12+s31+$0x3010 ss:$0x1] =	vst.idx.msk $0xffff, v15  }
0x144: {  	v14 =	vadd.s32 $0x492, v27;
	[tilespmem:v12+s31+$0x3030 ss:$0x1] =	vst.idx.msk $0xffff, v19;
	v15 =	vld.idx.msk [tilespmem:v39+s14+$0x0], $0xffff  }
0x145: {  	v43 =	vadd.s32 $0x492, v28;
	[tilespmem:v12+s31+$0x3020 ss:$0x1] =	vst.idx.msk $0xffff, v40;
	v19 =	vld.idx.msk [tilespmem:v42+s14+$0x0], $0xffff  }
0x146: {  	v45 =	vadd.s32 $0x492, v25;
	v17 =	vld.idx.msk [tilespmem:v41+s14+$0x0], $0xffff  }
0x147: {  	v44 =	vadd.s32 $0x492, v26  }
0x148: {  	[tilespmem:v3+s31+$0x0 ss:$0x1] =	vst.idx.msk $0xffff, v13  }
0x149: {  	v13 =	vld.idx.msk [tilespmem:v14+s14+$0x0], $0xffff;
	[tilespmem:v12+s31+$0x4010 ss:$0x1] =	vst.idx.msk $0xffff, v15  }
0x14a: {  	v14 =	vadd.s32 $0x4D3, v27;
	[tilespmem:v12+s31+$0x4030 ss:$0x1] =	vst.idx.msk $0xffff, v19;
	v15 =	vld.idx.msk [tilespmem:v43+s14+$0x0], $0xffff  }
0x14b: {  	v46 =	vadd.s32 $0x4D3, v28;
	[tilespmem:v12+s31+$0x4020 ss:$0x1] =	vst.idx.msk $0xffff, v17;
	v19 =	vld.idx.msk [tilespmem:v45+s14+$0x0], $0xffff  }
0x14c: {  	v48 =	vadd.s32 $0x4D3, v25;
	v17 =	vld.idx.msk [tilespmem:v44+s14+$0x0], $0xffff  }
0x14d: {  	v47 =	vadd.s32 $0x4D3, v26  }
0x14e: {  	[tilespmem:v4+s31+$0x0 ss:$0x1] =	vst.idx.msk $0xffff, v13  }
0x14f: {  	v13 =	vld.idx.msk [tilespmem:v14+s14+$0x0], $0xffff;
	[tilespmem:v12+s31+$0x5010 ss:$0x1] =	vst.idx.msk $0xffff, v15  }
0x150: {  	v14 =	vadd.s32 $0x514, v27;
	[tilespmem:v12+s31+$0x5030 ss:$0x1] =	vst.idx.msk $0xffff, v19;
	v15 =	vld.idx.msk [tilespmem:v46+s14+$0x0], $0xffff  }
0x151: {  	v49 =	vadd.s32 $0x514, v28;
	[tilespmem:v12+s31+$0x5020 ss:$0x1] =	vst.idx.msk $0xffff, v17;
	v19 =	vld.idx.msk [tilespmem:v48+s14+$0x0], $0xffff  }
0x152: {  	v51 =	vadd.s32 $0x514, v25;
	v17 =	vld.idx.msk [tilespmem:v47+s14+$0x0], $0xffff  }
0x153: {  	v50 =	vadd.s32 $0x514, v26  }
0x154: {  	[tilespmem:v5+s31+$0x0 ss:$0x1] =	vst.idx.msk $0xffff, v13  }
0x155: {  	v13 =	vld.idx.msk [tilespmem:v14+s14+$0x0], $0xffff;
	[tilespmem:v12+s31+$0x6010 ss:$0x1] =	vst.idx.msk $0xffff, v15  }
0x156: {  	v14 =	vadd.s32 $0x555, v27;
	[tilespmem:v12+s31+$0x6030 ss:$0x1] =	vst.idx.msk $0xffff, v19;
	v15 =	vld.idx.msk [tilespmem:v49+s14+$0x0], $0xffff  }
0x157: {  	v52 =	vadd.s32 $0x555, v28;
	[tilespmem:v12+s31+$0x6020 ss:$0x1] =	vst.idx.msk $0xffff, v17;
	v19 =	vld.idx.msk [tilespmem:v51+s14+$0x0], $0xffff  }
0x158: {  	v54 =	vadd.s32 $0x555, v25;
	v17 =	vld.idx.msk [tilespmem:v50+s14+$0x0], $0xffff  }
0x159: {  	s21 =	sor.u32 $0x60, s1;
	v53 =	vadd.s32 $0x555, v26  }
0x15a: {  	v21 =	vld [tilespmem:s21+$0x0];
	[tilespmem:v6+s31+$0x0 ss:$0x1] =	vst.idx.msk $0xffff, v13  }
0x15b: {  	v13 =	vld.idx.msk [tilespmem:v14+s14+$0x0], $0xffff;
	[tilespmem:v12+s31+$0x7010 ss:$0x1] =	vst.idx.msk $0xffff, v15  }
0x15c: {  	v14 =	vadd.s32 $0x596, v27;
	[tilespmem:v12+s31+$0x7030 ss:$0x1] =	vst.idx.msk $0xffff, v19;
	v15 =	vld.idx.msk [tilespmem:v52+s14+$0x0], $0xffff  }
0x15d: {  	v55 =	vadd.s32 $0x596, v28;
	[tilespmem:v12+s31+$0x7020 ss:$0x1] =	vst.idx.msk $0xffff, v17;
	v19 =	vld.idx.msk [tilespmem:v54+s14+$0x0], $0xffff  }
0x15e: {  	s24 =	sor.u32 $0x40, s1;
	v57 =	vadd.s32 $0x596, v25;
	v17 =	vld.idx.msk [tilespmem:v53+s14+$0x0], $0xffff  }
0x15f: {  	v23 =	vld [tilespmem:s24+$0x0];
	s21 =	sor.u32 $0x70, s1;
	v56 =	vadd.s32 $0x596, v26  }
0x160: {  	v22 =	vld [tilespmem:s21+$0x0];
	[tilespmem:v7+s31+$0x0 ss:$0x1] =	vst.idx.msk $0xffff, v13  }
0x161: {  	v36 =	vadd.s32 $0x34D, v21;
	v13 =	vld.idx.msk [tilespmem:v14+s14+$0x0], $0xffff;
	[tilespmem:v12+s31+$0x8010 ss:$0x1] =	vst.idx.msk $0xffff, v15  }
0x162: {  	v14 =	vadd.s32 $0x5D7, v27;
	[tilespmem:v12+s31+$0x8030 ss:$0x1] =	vst.idx.msk $0xffff, v19;
	v15 =	vld.idx.msk [tilespmem:v55+s14+$0x0], $0xffff  }
0x163: {  	[tilespmem:v12+s31+$0x8020 ss:$0x1] =	vst.idx.msk $0xffff, v17;
	v19 =	vld.idx.msk [tilespmem:v57+s14+$0x0], $0xffff  }
0x164: {  	s30 =	sor.u32 $0x50, s1;
	v58 =	vadd.s32 $0x5D7, v28;
	v17 =	vld.idx.msk [tilespmem:v56+s14+$0x0], $0xffff  }
0x165: {  	v59 =	vadd.s32 $0x5D7, v26;
	v20 =	vld [tilespmem:s30+$0x0];
	s30 =	sor.u32 $0x400, s31  }
0x166: {  	v60 =	vadd.s32 $0x5D7, v25;
	s0 =	sor.u32 s29, s30;
	v36 =	vld.idx.msk [tilespmem:v36+s14+$0x0], $0xffff;
	[tilespmem:v8+s31+$0x0 ss:$0x1] =	vst.idx.msk $0xffff, v13  }
0x167: {  	s24 =	sor.u32 $0x10, s0;
	v24 =	vld.idx.msk [tilespmem:v14+s14+$0x0], $0xffff;
	[tilespmem:v12+s31+$0x9010 ss:$0x1] =	vst.idx.msk $0xffff, v15  }
0x168: {  	[tilespmem:v12+s31+$0x9030 ss:$0x1] =	vst.idx.msk $0xffff, v19;
	v19 =	vld [tilespmem:s24+$0x0]  }
0x169: {  	[tilespmem:v12+s31+$0x9020 ss:$0x1] =	vst.idx.msk $0xffff, v17;
	v29 =	vld.idx.msk [tilespmem:v58+s14+$0x0], $0xffff  }
0x16a: {  	v30 =	vld.idx.msk [tilespmem:v59+s14+$0x0], $0xffff  }
0x16b: {  	s24 =	sor.u32 $0x20, s0;
	v31 =	vld.idx.msk [tilespmem:v60+s14+$0x0], $0xffff  }
0x16c: {  	v15 =	vld [tilespmem:s24+$0x0];
	s24 =	sor.u32 $0x30, s0  }
0x16d: {  	v16 =	vld [tilespmem:s24+$0x0];
	s24 =	sor.u32 $0x40, s0  }
0x16e: {  	v32 =	vadd.s32 $0x618, v27;
	v17 =	vld [tilespmem:s24+$0x0];
	s24 =	sor.u32 $0x50, s0  }
0x16f: {  	v61 =	vadd.s32 $0x34D, v23;
	v18 =	vld [tilespmem:s24+$0x0];
	s24 =	sor.u32 $0x60, s0  }
0x170: {  	v62 =	vadd.s32 $0x34D, v20;
	v14 =	vld [tilespmem:s24+$0x0]  }
0x171: {  	v63 =	vadd.s32 $0x34D, v22;
	s24 =	sor.u32 $0x70, s0;
	[tilespmem:v9+s31+$0x0 ss:$0x1] =	vst.idx.msk $0xffff, v24;
	v24 =	vld [tilespmem:s0+$0x0]  }
0x172: {  	v34 =	vadd.s32 $0x618, v26;
	v13 =	vld [tilespmem:s24+$0x0]  }
0x173: {  	v33 =	vadd.s32 $0x618, v28;
	v32 =	vld.idx.msk [tilespmem:v32+s14+$0x0], $0xffff  }
0x174: {  	v35 =	vadd.s32 $0x618, v25;
	[tilespmem:v12+s31+$0xA010 ss:$0x1] =	vst.idx.msk $0xffff, v29;
	v29 =	vld.idx.msk [tilespmem:v61+s14+$0x0], $0xffff  }
0x175: {  	v41 =	vadd.s32 $0x38E, v21;
	[tilespmem:v12+s31+$0xA020 ss:$0x1] =	vst.idx.msk $0xffff, v30;
	v30 =	vld.idx.msk [tilespmem:v62+s14+$0x0], $0xffff  }
0x176: {  	v27 =	vadd.s32 $0x659, v27;
	[tilespmem:v12+s31+$0xA030 ss:$0x1] =	vst.idx.msk $0xffff, v31;
	v31 =	vld.idx.msk [tilespmem:v63+s14+$0x0], $0xffff  }
0x177: {  	[tilespmem:s1+$0xF060] =	vst v36;
	v38 =	vadd.s32 $0x34D, v19;
	v34 =	vld.idx.msk [tilespmem:v34+s14+$0x0], $0xffff  }
0x178: {  	v39 =	vadd.s32 $0x38E, v23;
	v33 =	vld.idx.msk [tilespmem:v33+s14+$0x0], $0xffff;
	[tilespmem:v10+s31+$0x0 ss:$0x1] =	vst.idx.msk $0xffff, v32  }
0x179: {  	v40 =	vadd.s32 $0x38E, v20;
	v35 =	vld.idx.msk [tilespmem:v35+s14+$0x0], $0xffff;
	[tilespmem:s1+$0xF040] =	vst v29  }
0x17a: {  	v42 =	vadd.s32 $0x38E, v22;
	[tilespmem:s1+$0xF050] =	vst v30;
	v32 =	vld.idx.msk [tilespmem:v41+s14+$0x0], $0xffff  }
0x17b: {  	v26 =	vadd.s32 $0x659, v26;
	[tilespmem:s1+$0xF070] =	vst v31;
	v27 =	vld.idx.msk [tilespmem:v27+s14+$0x0], $0xffff  }
0x17c: {  	v28 =	vadd.s32 $0x659, v28;
	[tilespmem:v12+s31+$0xB020 ss:$0x1] =	vst.idx.msk $0xffff, v34;
	v34 =	vld.idx.msk [tilespmem:v38+s14+$0x0], $0xffff  }
0x17d: {  	v25 =	vadd.s32 $0x659, v25;
	[tilespmem:v12+s31+$0xB010 ss:$0x1] =	vst.idx.msk $0xffff, v33;
	v44 =	vld.idx.msk [tilespmem:v39+s14+$0x0], $0xffff  }
0x17e: {  	v37 =	vadd.s32 $0x34D, v24;
	[tilespmem:v12+s31+$0xB030 ss:$0x1] =	vst.idx.msk $0xffff, v35;
	v30 =	vld.idx.msk [tilespmem:v40+s14+$0x0], $0xffff  }
0x17f: {  	v45 =	vadd.s32 $0x38E, v19;
	v31 =	vld.idx.msk [tilespmem:v42+s14+$0x0], $0xffff;
	[tilespmem:v12+s31+$0x1060 ss:$0x1] =	vst.idx.msk $0xffff, v32  }
0x180: {  	v46 =	vadd.s32 $0x3CF, v23;
	v26 =	vld.idx.msk [tilespmem:v26+s14+$0x0], $0xffff;
	[tilespmem:v11+s31+$0x0 ss:$0x1] =	vst.idx.msk $0xffff, v27  }
0x181: {  	v49 =	vadd.s32 $0x3CF, v22;
	v28 =	vld.idx.msk [tilespmem:v28+s14+$0x0], $0xffff;
	[tilespmem:s0+$0xF010] =	vst v34  }
0x182: {  	v47 =	vadd.s32 $0x3CF, v20;
	v25 =	vld.idx.msk [tilespmem:v25+s14+$0x0], $0xffff;
	[tilespmem:v12+s31+$0x1040 ss:$0x1] =	vst.idx.msk $0xffff, v44  }
0x183: {  	v48 =	vadd.s32 $0x3CF, v21;
	v33 =	vld.idx.msk [tilespmem:v37+s14+$0x0], $0xffff;
	[tilespmem:v12+s31+$0x1050 ss:$0x1] =	vst.idx.msk $0xffff, v30  }
0x184: {  	v43 =	vadd.s32 $0x38E, v24;
	[tilespmem:v12+s31+$0x1070 ss:$0x1] =	vst.idx.msk $0xffff, v31;
	v29 =	vld.idx.msk [tilespmem:v45+s14+$0x0], $0xffff  }
0x185: {  	v51 =	vadd.s32 $0x3CF, v19;
	[tilespmem:v12+s31+$0xC020 ss:$0x1] =	vst.idx.msk $0xffff, v26;
	v26 =	vld.idx.msk [tilespmem:v46+s14+$0x0], $0xffff  }
0x186: {  	v52 =	vadd.s32 $0x410, v23;
	[tilespmem:v12+s31+$0xC010 ss:$0x1] =	vst.idx.msk $0xffff, v28;
	v34 =	vld.idx.msk [tilespmem:v49+s14+$0x0], $0xffff  }
0x187: {  	v55 =	vadd.s32 $0x410, v22;
	[tilespmem:v12+s31+$0xC030 ss:$0x1] =	vst.idx.msk $0xffff, v25;
	v25 =	vld.idx.msk [tilespmem:v47+s14+$0x0], $0xffff  }
0x188: {  	v53 =	vadd.s32 $0x410, v20;
	[tilespmem:s0+$0xF000] =	vst v33;
	v33 =	vld.idx.msk [tilespmem:v48+s14+$0x0], $0xffff  }
0x189: {  	v54 =	vadd.s32 $0x410, v21;
	v27 =	vld.idx.msk [tilespmem:v43+s14+$0x0], $0xffff;
	[tilespmem:v12+s30+$0x1010 ss:$0x1] =	vst.idx.msk $0xffff, v29  }
0x18a: {  	v50 =	vadd.s32 $0x3CF, v24;
	[tilespmem:v12+s31+$0x2040 ss:$0x1] =	vst.idx.msk $0xffff, v26;
	v30 =	vld.idx.msk [tilespmem:v51+s14+$0x0], $0xffff  }
0x18b: {  	v57 =	vadd.s32 $0x410, v19;
	[tilespmem:v12+s31+$0x2070 ss:$0x1] =	vst.idx.msk $0xffff, v34;
	v32 =	vld.idx.msk [tilespmem:v52+s14+$0x0], $0xffff  }
0x18c: {  	v58 =	vadd.s32 $0x451, v23;
	[tilespmem:v12+s31+$0x2050 ss:$0x1] =	vst.idx.msk $0xffff, v25;
	v29 =	vld.idx.msk [tilespmem:v55+s14+$0x0], $0xffff  }
0x18d: {  	v61 =	vadd.s32 $0x451, v22;
	v31 =	vld.idx.msk [tilespmem:v53+s14+$0x0], $0xffff;
	[tilespmem:v12+s31+$0x2060 ss:$0x1] =	vst.idx.msk $0xffff, v33  }
0x18e: {  	v59 =	vadd.s32 $0x451, v20;
	[tilespmem:v0+s30+$0x0 ss:$0x1] =	vst.idx.msk $0xffff, v27;
	v27 =	vld.idx.msk [tilespmem:v54+s14+$0x0], $0xffff  }
0x18f: {  	v60 =	vadd.s32 $0x451, v21;
	v28 =	vld.idx.msk [tilespmem:v50+s14+$0x0], $0xffff;
	[tilespmem:v12+s30+$0x2010 ss:$0x1] =	vst.idx.msk $0xffff, v30  }
0x190: {  	v56 =	vadd.s32 $0x410, v24;
	[tilespmem:v12+s31+$0x3040 ss:$0x1] =	vst.idx.msk $0xffff, v32;
	v25 =	vld.idx.msk [tilespmem:v57+s14+$0x0], $0xffff  }
0x191: {  	v63 =	vadd.s32 $0x451, v19;
	[tilespmem:v12+s31+$0x3070 ss:$0x1] =	vst.idx.msk $0xffff, v29;
	v33 =	vld.idx.msk [tilespmem:v58+s14+$0x0], $0xffff  }
0x192: {  	v36 =	vadd.s32 $0x492, v23;
	[tilespmem:v12+s31+$0x3050 ss:$0x1] =	vst.idx.msk $0xffff, v31;
	v30 =	vld.idx.msk [tilespmem:v61+s14+$0x0], $0xffff  }
0x193: {  	v39 =	vadd.s32 $0x492, v22;
	v34 =	vld.idx.msk [tilespmem:v59+s14+$0x0], $0xffff;
	[tilespmem:v12+s31+$0x3060 ss:$0x1] =	vst.idx.msk $0xffff, v27  }
0x194: {  	v37 =	vadd.s32 $0x492, v20;
	[tilespmem:v1+s30+$0x0 ss:$0x1] =	vst.idx.msk $0xffff, v28;
	v28 =	vld.idx.msk [tilespmem:v60+s14+$0x0], $0xffff  }
0x195: {  	v38 =	vadd.s32 $0x492, v21;
	v26 =	vld.idx.msk [tilespmem:v56+s14+$0x0], $0xffff;
	[tilespmem:v12+s30+$0x3010 ss:$0x1] =	vst.idx.msk $0xffff, v25  }
0x196: {  	v62 =	vadd.s32 $0x451, v24;
	[tilespmem:v12+s31+$0x4040 ss:$0x1] =	vst.idx.msk $0xffff, v33;
	v31 =	vld.idx.msk [tilespmem:v63+s14+$0x0], $0xffff  }
0x197: {  	v41 =	vadd.s32 $0x492, v19;
	[tilespmem:v12+s31+$0x4070 ss:$0x1] =	vst.idx.msk $0xffff, v30;
	v27 =	vld.idx.msk [tilespmem:v36+s14+$0x0], $0xffff  }
0x198: {  	v42 =	vadd.s32 $0x4D3, v23;
	[tilespmem:v12+s31+$0x4050 ss:$0x1] =	vst.idx.msk $0xffff, v34;
	v25 =	vld.idx.msk [tilespmem:v39+s14+$0x0], $0xffff  }
0x199: {  	v45 =	vadd.s32 $0x4D3, v22;
	v29 =	vld.idx.msk [tilespmem:v37+s14+$0x0], $0xffff;
	[tilespmem:v12+s31+$0x4060 ss:$0x1] =	vst.idx.msk $0xffff, v28  }
0x19a: {  	v43 =	vadd.s32 $0x4D3, v20;
	[tilespmem:v2+s30+$0x0 ss:$0x1] =	vst.idx.msk $0xffff, v26;
	v26 =	vld.idx.msk [tilespmem:v38+s14+$0x0], $0xffff  }
0x19b: {  	v44 =	vadd.s32 $0x4D3, v21;
	v32 =	vld.idx.msk [tilespmem:v62+s14+$0x0], $0xffff;
	[tilespmem:v12+s30+$0x4010 ss:$0x1] =	vst.idx.msk $0xffff, v31  }
0x19c: {  	v40 =	vadd.s32 $0x492, v24;
	[tilespmem:v12+s31+$0x5040 ss:$0x1] =	vst.idx.msk $0xffff, v27;
	v34 =	vld.idx.msk [tilespmem:v41+s14+$0x0], $0xffff  }
0x19d: {  	v47 =	vadd.s32 $0x4D3, v19;
	[tilespmem:v12+s31+$0x5070 ss:$0x1] =	vst.idx.msk $0xffff, v25;
	v28 =	vld.idx.msk [tilespmem:v42+s14+$0x0], $0xffff  }
0x19e: {  	v48 =	vadd.s32 $0x514, v23;
	[tilespmem:v12+s31+$0x5050 ss:$0x1] =	vst.idx.msk $0xffff, v29;
	v31 =	vld.idx.msk [tilespmem:v45+s14+$0x0], $0xffff  }
0x19f: {  	v51 =	vadd.s32 $0x514, v22;
	v30 =	vld.idx.msk [tilespmem:v43+s14+$0x0], $0xffff;
	[tilespmem:v12+s31+$0x5060 ss:$0x1] =	vst.idx.msk $0xffff, v26  }
0x1a0: {  	v49 =	vadd.s32 $0x514, v20;
	[tilespmem:v3+s30+$0x0 ss:$0x1] =	vst.idx.msk $0xffff, v32;
	v32 =	vld.idx.msk [tilespmem:v44+s14+$0x0], $0xffff  }
0x1a1: {  	v50 =	vadd.s32 $0x514, v21;
	v33 =	vld.idx.msk [tilespmem:v40+s14+$0x0], $0xffff;
	[tilespmem:v12+s30+$0x5010 ss:$0x1] =	vst.idx.msk $0xffff, v34  }
0x1a2: {  	v46 =	vadd.s32 $0x4D3, v24;
	[tilespmem:v12+s31+$0x6040 ss:$0x1] =	vst.idx.msk $0xffff, v28;
	v29 =	vld.idx.msk [tilespmem:v47+s14+$0x0], $0xffff  }
0x1a3: {  	v53 =	vadd.s32 $0x514, v19;
	[tilespmem:v12+s31+$0x6070 ss:$0x1] =	vst.idx.msk $0xffff, v31;
	v26 =	vld.idx.msk [tilespmem:v48+s14+$0x0], $0xffff  }
0x1a4: {  	v54 =	vadd.s32 $0x555, v23;
	[tilespmem:v12+s31+$0x6050 ss:$0x1] =	vst.idx.msk $0xffff, v30;
	v34 =	vld.idx.msk [tilespmem:v51+s14+$0x0], $0xffff  }
0x1a5: {  	v57 =	vadd.s32 $0x555, v22;
	v25 =	vld.idx.msk [tilespmem:v49+s14+$0x0], $0xffff;
	[tilespmem:v12+s31+$0x6060 ss:$0x1] =	vst.idx.msk $0xffff, v32  }
0x1a6: {  	v55 =	vadd.s32 $0x555, v20;
	[tilespmem:v4+s30+$0x0 ss:$0x1] =	vst.idx.msk $0xffff, v33;
	v33 =	vld.idx.msk [tilespmem:v50+s14+$0x0], $0xffff  }
0x1a7: {  	v56 =	vadd.s32 $0x555, v21;
	v27 =	vld.idx.msk [tilespmem:v46+s14+$0x0], $0xffff;
	[tilespmem:v12+s30+$0x6010 ss:$0x1] =	vst.idx.msk $0xffff, v29  }
0x1a8: {  	v52 =	vadd.s32 $0x514, v24;
	[tilespmem:v12+s31+$0x7040 ss:$0x1] =	vst.idx.msk $0xffff, v26;
	v30 =	vld.idx.msk [tilespmem:v53+s14+$0x0], $0xffff  }
0x1a9: {  	v59 =	vadd.s32 $0x555, v19;
	[tilespmem:v12+s31+$0x7070 ss:$0x1] =	vst.idx.msk $0xffff, v34;
	v32 =	vld.idx.msk [tilespmem:v54+s14+$0x0], $0xffff  }
0x1aa: {  	v60 =	vadd.s32 $0x596, v23;
	[tilespmem:v12+s31+$0x7050 ss:$0x1] =	vst.idx.msk $0xffff, v25;
	v29 =	vld.idx.msk [tilespmem:v57+s14+$0x0], $0xffff  }
0x1ab: {  	v63 =	vadd.s32 $0x596, v22;
	v31 =	vld.idx.msk [tilespmem:v55+s14+$0x0], $0xffff;
	[tilespmem:v12+s31+$0x7060 ss:$0x1] =	vst.idx.msk $0xffff, v33  }
0x1ac: {  	v61 =	vadd.s32 $0x596, v20;
	[tilespmem:v5+s30+$0x0 ss:$0x1] =	vst.idx.msk $0xffff, v27;
	v27 =	vld.idx.msk [tilespmem:v56+s14+$0x0], $0xffff  }
0x1ad: {  	v54 =	vadd.s32 $0x34D, v15;
	v28 =	vld.idx.msk [tilespmem:v52+s14+$0x0], $0xffff;
	[tilespmem:v12+s30+$0x7010 ss:$0x1] =	vst.idx.msk $0xffff, v30  }
0x1ae: {  	v62 =	vadd.s32 $0x596, v21;
	[tilespmem:v12+s31+$0x8040 ss:$0x1] =	vst.idx.msk $0xffff, v32;
	v25 =	vld.idx.msk [tilespmem:v59+s14+$0x0], $0xffff  }
0x1af: {  	v58 =	vadd.s32 $0x555, v24;
	[tilespmem:v12+s31+$0x8070 ss:$0x1] =	vst.idx.msk $0xffff, v29;
	v33 =	vld.idx.msk [tilespmem:v60+s14+$0x0], $0xffff  }
0x1b0: {  	v37 =	vadd.s32 $0x596, v19;
	[tilespmem:v12+s31+$0x8050 ss:$0x1] =	vst.idx.msk $0xffff, v31;
	v30 =	vld.idx.msk [tilespmem:v63+s14+$0x0], $0xffff  }
0x1b1: {  	v41 =	vadd.s32 $0x5D7, v22;
	v34 =	vld.idx.msk [tilespmem:v61+s14+$0x0], $0xffff;
	[tilespmem:v12+s31+$0x8060 ss:$0x1] =	vst.idx.msk $0xffff, v27  }
0x1b2: {  	v38 =	vadd.s32 $0x5D7, v23;
	v59 =	vld.idx.msk [tilespmem:v54+s14+$0x0], $0xffff;
	[tilespmem:v6+s30+$0x0 ss:$0x1] =	vst.idx.msk $0xffff, v28  }
0x1b3: {  	v39 =	vadd.s32 $0x5D7, v20;
	v28 =	vld.idx.msk [tilespmem:v62+s14+$0x0], $0xffff;
	[tilespmem:v12+s30+$0x8010 ss:$0x1] =	vst.idx.msk $0xffff, v25  }
0x1b4: {  	v40 =	vadd.s32 $0x5D7, v21;
	v26 =	vld.idx.msk [tilespmem:v58+s14+$0x0], $0xffff;
	[tilespmem:v12+s31+$0x9040 ss:$0x1] =	vst.idx.msk $0xffff, v33  }
0x1b5: {  	v36 =	vadd.s32 $0x596, v24;
	[tilespmem:v12+s31+$0x9070 ss:$0x1] =	vst.idx.msk $0xffff, v30;
	v31 =	vld.idx.msk [tilespmem:v37+s14+$0x0], $0xffff  }
0x1b6: {  	v60 =	vadd.s32 $0x34D, v13;
	[tilespmem:v12+s31+$0x9050 ss:$0x1] =	vst.idx.msk $0xffff, v34;
	v25 =	vld.idx.msk [tilespmem:v41+s14+$0x0], $0xffff  }
0x1b7: {  	v43 =	vadd.s32 $0x5D7, v19;
	[tilespmem:s0+$0xF020] =	vst v59;
	v27 =	vld.idx.msk [tilespmem:v38+s14+$0x0], $0xffff  }
0x1b8: {  	v44 =	vadd.s32 $0x618, v23;
	v29 =	vld.idx.msk [tilespmem:v39+s14+$0x0], $0xffff;
	[tilespmem:v12+s31+$0x9060 ss:$0x1] =	vst.idx.msk $0xffff, v28  }
0x1b9: {  	v45 =	vadd.s32 $0x618, v20;
	[tilespmem:v7+s30+$0x0 ss:$0x1] =	vst.idx.msk $0xffff, v26;
	v26 =	vld.idx.msk [tilespmem:v40+s14+$0x0], $0xffff  }
0x1ba: {  	v47 =	vadd.s32 $0x618, v22;
	v32 =	vld.idx.msk [tilespmem:v36+s14+$0x0], $0xffff;
	[tilespmem:v12+s30+$0x9010 ss:$0x1] =	vst.idx.msk $0xffff, v31  }
0x1bb: {  	v55 =	vadd.s32 $0x34D, v16;
	[tilespmem:v12+s31+$0xA070 ss:$0x1] =	vst.idx.msk $0xffff, v25;
	v25 =	vld.idx.msk [tilespmem:v60+s14+$0x0], $0xffff  }
0x1bc: {  	v46 =	vadd.s32 $0x618, v21;
	[tilespmem:v12+s31+$0xA040 ss:$0x1] =	vst.idx.msk $0xffff, v27;
	v34 =	vld.idx.msk [tilespmem:v43+s14+$0x0], $0xffff  }
0x1bd: {  	v42 =	vadd.s32 $0x5D7, v24;
	[tilespmem:v12+s31+$0xA050 ss:$0x1] =	vst.idx.msk $0xffff, v29;
	v28 =	vld.idx.msk [tilespmem:v44+s14+$0x0], $0xffff  }
0x1be: {  	v57 =	vadd.s32 $0x34D, v18;
	v50 =	vld.idx.msk [tilespmem:v45+s14+$0x0], $0xffff;
	[tilespmem:v12+s31+$0xA060 ss:$0x1] =	vst.idx.msk $0xffff, v26  }
0x1bf: {  	v49 =	vadd.s32 $0x618, v19;
	v52 =	vld.idx.msk [tilespmem:v47+s14+$0x0], $0xffff;
	[tilespmem:v8+s30+$0x0 ss:$0x1] =	vst.idx.msk $0xffff, v32  }
0x1c0: {  	v23 =	vadd.s32 $0x659, v23;
	v26 =	vld.idx.msk [tilespmem:v55+s14+$0x0], $0xffff;
	[tilespmem:s0+$0xF070] =	vst v25  }
0x1c1: {  	v20 =	vadd.s32 $0x659, v20;
	v51 =	vld.idx.msk [tilespmem:v46+s14+$0x0], $0xffff;
	[tilespmem:v12+s30+$0xA010 ss:$0x1] =	vst.idx.msk $0xffff, v34  }
0x1c2: {  	v22 =	vadd.s32 $0x659, v22;
	v33 =	vld.idx.msk [tilespmem:v42+s14+$0x0], $0xffff;
	[tilespmem:v12+s31+$0xB040 ss:$0x1] =	vst.idx.msk $0xffff, v28  }
0x1c3: {  	v48 =	vadd.s32 $0x618, v24;
	[tilespmem:v12+s31+$0xB050 ss:$0x1] =	vst.idx.msk $0xffff, v50;
	v28 =	vld.idx.msk [tilespmem:v57+s14+$0x0], $0xffff  }
0x1c4: {  	v21 =	vadd.s32 $0x659, v21;
	[tilespmem:v12+s31+$0xB070 ss:$0x1] =	vst.idx.msk $0xffff, v52;
	v53 =	vld.idx.msk [tilespmem:v49+s14+$0x0], $0xffff  }
0x1c5: {  	v34 =	vadd.s32 $0x38E, v13;
	v23 =	vld.idx.msk [tilespmem:v23+s14+$0x0], $0xffff;
	[tilespmem:s0+$0xF030] =	vst v26  }
0x1c6: {  	v58 =	vadd.s32 $0x34D, v14;
	v20 =	vld.idx.msk [tilespmem:v20+s14+$0x0], $0xffff;
	[tilespmem:v12+s31+$0xB060 ss:$0x1] =	vst.idx.msk $0xffff, v51  }
0x1c7: {  	v19 =	vadd.s32 $0x659, v19;
	v22 =	vld.idx.msk [tilespmem:v22+s14+$0x0], $0xffff;
	[tilespmem:v9+s30+$0x0 ss:$0x1] =	vst.idx.msk $0xffff, v33  }
0x1c8: {  	v56 =	vadd.s32 $0x34D, v17;
	v27 =	vld.idx.msk [tilespmem:v48+s14+$0x0], $0xffff;
	[tilespmem:s0+$0xF050] =	vst v28  }
0x1c9: {  	v24 =	vadd.s32 $0x659, v24;
	v21 =	vld.idx.msk [tilespmem:v21+s14+$0x0], $0xffff;
	[tilespmem:v12+s30+$0xB010 ss:$0x1] =	vst.idx.msk $0xffff, v53  }
0x1ca: {  	v62 =	vadd.s32 $0x38E, v16;
	v26 =	vld.idx.msk [tilespmem:v34+s14+$0x0], $0xffff;
	[tilespmem:v12+s31+$0xC040 ss:$0x1] =	vst.idx.msk $0xffff, v23  }
0x1cb: {  	v61 =	vadd.s32 $0x38E, v15;
	[tilespmem:v12+s31+$0xC050 ss:$0x1] =	vst.idx.msk $0xffff, v20;
	v23 =	vld.idx.msk [tilespmem:v58+s14+$0x0], $0xffff  }
0x1cc: {  	v32 =	vadd.s32 $0x38E, v18;
	[tilespmem:v12+s31+$0xC070 ss:$0x1] =	vst.idx.msk $0xffff, v22;
	v19 =	vld.idx.msk [tilespmem:v19+s14+$0x0], $0xffff  }
0x1cd: {  	v33 =	vadd.s32 $0x38E, v14;
	[tilespmem:v10+s30+$0x0 ss:$0x1] =	vst.idx.msk $0xffff, v27;
	v27 =	vld.idx.msk [tilespmem:v56+s14+$0x0], $0xffff  }
0x1ce: {  	v63 =	vadd.s32 $0x38E, v17;
	[tilespmem:v12+s31+$0xC060 ss:$0x1] =	vst.idx.msk $0xffff, v21;
	v24 =	vld.idx.msk [tilespmem:v24+s14+$0x0], $0xffff  }
0x1cf: {  	v40 =	vadd.s32 $0x3CF, v13;
	v22 =	vld.idx.msk [tilespmem:v62+s14+$0x0], $0xffff;
	[tilespmem:v12+s30+$0x1070 ss:$0x1] =	vst.idx.msk $0xffff, v26  }
0x1d0: {  	v36 =	vadd.s32 $0x3CF, v16;
	v21 =	vld.idx.msk [tilespmem:v61+s14+$0x0], $0xffff;
	[tilespmem:s0+$0xF060] =	vst v23  }
0x1d1: {  	v35 =	vadd.s32 $0x3CF, v15;
	[tilespmem:v12+s30+$0xC010 ss:$0x1] =	vst.idx.msk $0xffff, v19;
	v19 =	vld.idx.msk [tilespmem:v32+s14+$0x0], $0xffff  }
0x1d2: {  	v38 =	vadd.s32 $0x3CF, v18;
	v20 =	vld.idx.msk [tilespmem:v33+s14+$0x0], $0xffff;
	[tilespmem:s0+$0xF040] =	vst v27  }
0x1d3: {  	v39 =	vadd.s32 $0x3CF, v14;
	[tilespmem:v11+s30+$0x0 ss:$0x1] =	vst.idx.msk $0xffff, v24;
	v24 =	vld.idx.msk [tilespmem:v63+s14+$0x0], $0xffff  }
0x1d4: {  	v37 =	vadd.s32 $0x3CF, v17;
	[tilespmem:v12+s30+$0x1030 ss:$0x1] =	vst.idx.msk $0xffff, v22;
	v22 =	vld.idx.msk [tilespmem:v40+s14+$0x0], $0xffff  }
0x1d5: {  	v46 =	vadd.s32 $0x410, v13;
	v28 =	vld.idx.msk [tilespmem:v36+s14+$0x0], $0xffff;
	[tilespmem:v12+s30+$0x1020 ss:$0x1] =	vst.idx.msk $0xffff, v21  }
0x1d6: {  	v42 =	vadd.s32 $0x410, v16;
	v27 =	vld.idx.msk [tilespmem:v35+s14+$0x0], $0xffff;
	[tilespmem:v12+s30+$0x1050 ss:$0x1] =	vst.idx.msk $0xffff, v19  }
0x1d7: {  	v41 =	vadd.s32 $0x410, v15;
	[tilespmem:v12+s30+$0x1060 ss:$0x1] =	vst.idx.msk $0xffff, v20;
	v25 =	vld.idx.msk [tilespmem:v38+s14+$0x0], $0xffff  }
0x1d8: {  	v44 =	vadd.s32 $0x410, v18;
	v21 =	vld.idx.msk [tilespmem:v39+s14+$0x0], $0xffff;
	[tilespmem:v12+s30+$0x1040 ss:$0x1] =	vst.idx.msk $0xffff, v24  }
0x1d9: {  	v45 =	vadd.s32 $0x410, v14;
	[tilespmem:v12+s30+$0x2070 ss:$0x1] =	vst.idx.msk $0xffff, v22;
	v23 =	vld.idx.msk [tilespmem:v37+s14+$0x0], $0xffff  }
0x1da: {  	v43 =	vadd.s32 $0x410, v17;
	[tilespmem:v12+s30+$0x2030 ss:$0x1] =	vst.idx.msk $0xffff, v28;
	v28 =	vld.idx.msk [tilespmem:v46+s14+$0x0], $0xffff  }
0x1db: {  	v52 =	vadd.s32 $0x451, v13;
	v19 =	vld.idx.msk [tilespmem:v42+s14+$0x0], $0xffff;
	[tilespmem:v12+s30+$0x2020 ss:$0x1] =	vst.idx.msk $0xffff, v27  }
0x1dc: {  	v48 =	vadd.s32 $0x451, v16;
	v24 =	vld.idx.msk [tilespmem:v41+s14+$0x0], $0xffff;
	[tilespmem:v12+s30+$0x2050 ss:$0x1] =	vst.idx.msk $0xffff, v25  }
0x1dd: {  	v47 =	vadd.s32 $0x451, v15;
	[tilespmem:v12+s30+$0x2060 ss:$0x1] =	vst.idx.msk $0xffff, v21;
	v26 =	vld.idx.msk [tilespmem:v44+s14+$0x0], $0xffff  }
0x1de: {  	v50 =	vadd.s32 $0x451, v18;
	v27 =	vld.idx.msk [tilespmem:v45+s14+$0x0], $0xffff;
	[tilespmem:v12+s30+$0x2040 ss:$0x1] =	vst.idx.msk $0xffff, v23  }
0x1df: {  	v51 =	vadd.s32 $0x451, v14;
	[tilespmem:v12+s30+$0x3070 ss:$0x1] =	vst.idx.msk $0xffff, v28;
	v20 =	vld.idx.msk [tilespmem:v43+s14+$0x0], $0xffff  }
0x1e0: {  	v49 =	vadd.s32 $0x451, v17;
	[tilespmem:v12+s30+$0x3030 ss:$0x1] =	vst.idx.msk $0xffff, v19;
	v19 =	vld.idx.msk [tilespmem:v52+s14+$0x0], $0xffff  }
0x1e1: {  	v58 =	vadd.s32 $0x492, v13;
	v25 =	vld.idx.msk [tilespmem:v48+s14+$0x0], $0xffff;
	[tilespmem:v12+s30+$0x3020 ss:$0x1] =	vst.idx.msk $0xffff, v24  }
0x1e2: {  	v54 =	vadd.s32 $0x492, v16;
	v23 =	vld.idx.msk [tilespmem:v47+s14+$0x0], $0xffff;
	[tilespmem:v12+s30+$0x3050 ss:$0x1] =	vst.idx.msk $0xffff, v26  }
0x1e3: {  	v53 =	vadd.s32 $0x492, v15;
	[tilespmem:v12+s30+$0x3060 ss:$0x1] =	vst.idx.msk $0xffff, v27;
	v22 =	vld.idx.msk [tilespmem:v50+s14+$0x0], $0xffff  }
0x1e4: {  	v56 =	vadd.s32 $0x492, v18;
	v24 =	vld.idx.msk [tilespmem:v51+s14+$0x0], $0xffff;
	[tilespmem:v12+s30+$0x3040 ss:$0x1] =	vst.idx.msk $0xffff, v20  }
0x1e5: {  	v57 =	vadd.s32 $0x492, v14;
	[tilespmem:v12+s30+$0x4070 ss:$0x1] =	vst.idx.msk $0xffff, v19;
	v21 =	vld.idx.msk [tilespmem:v49+s14+$0x0], $0xffff  }
0x1e6: {  	v55 =	vadd.s32 $0x492, v17;
	[tilespmem:v12+s30+$0x4030 ss:$0x1] =	vst.idx.msk $0xffff, v25;
	v25 =	vld.idx.msk [tilespmem:v58+s14+$0x0], $0xffff  }
0x1e7: {  	v32 =	vadd.s32 $0x4D3, v13;
	v26 =	vld.idx.msk [tilespmem:v54+s14+$0x0], $0xffff;
	[tilespmem:v12+s30+$0x4020 ss:$0x1] =	vst.idx.msk $0xffff, v23  }
0x1e8: {  	v60 =	vadd.s32 $0x4D3, v16;
	v20 =	vld.idx.msk [tilespmem:v53+s14+$0x0], $0xffff;
	[tilespmem:v12+s30+$0x4050 ss:$0x1] =	vst.idx.msk $0xffff, v22  }
0x1e9: {  	v59 =	vadd.s32 $0x4D3, v15;
	[tilespmem:v12+s30+$0x4060 ss:$0x1] =	vst.idx.msk $0xffff, v24;
	v28 =	vld.idx.msk [tilespmem:v56+s14+$0x0], $0xffff  }
0x1ea: {  	v62 =	vadd.s32 $0x4D3, v18;
	v23 =	vld.idx.msk [tilespmem:v57+s14+$0x0], $0xffff;
	[tilespmem:v12+s30+$0x4040 ss:$0x1] =	vst.idx.msk $0xffff, v21  }
0x1eb: {  	v63 =	vadd.s32 $0x4D3, v14;
	[tilespmem:v12+s30+$0x5070 ss:$0x1] =	vst.idx.msk $0xffff, v25;
	v27 =	vld.idx.msk [tilespmem:v55+s14+$0x0], $0xffff  }
0x1ec: {  	v61 =	vadd.s32 $0x4D3, v17;
	[tilespmem:v12+s30+$0x5030 ss:$0x1] =	vst.idx.msk $0xffff, v26;
	v26 =	vld.idx.msk [tilespmem:v32+s14+$0x0], $0xffff  }
0x1ed: {  	v38 =	vadd.s32 $0x514, v13;
	v22 =	vld.idx.msk [tilespmem:v60+s14+$0x0], $0xffff;
	[tilespmem:v12+s30+$0x5020 ss:$0x1] =	vst.idx.msk $0xffff, v20  }
0x1ee: {  	v34 =	vadd.s32 $0x514, v16;
	v21 =	vld.idx.msk [tilespmem:v59+s14+$0x0], $0xffff;
	[tilespmem:v12+s30+$0x5050 ss:$0x1] =	vst.idx.msk $0xffff, v28  }
0x1ef: {  	v33 =	vadd.s32 $0x514, v15;
	[tilespmem:v12+s30+$0x5060 ss:$0x1] =	vst.idx.msk $0xffff, v23;
	v19 =	vld.idx.msk [tilespmem:v62+s14+$0x0], $0xffff  }
0x1f0: {  	v36 =	vadd.s32 $0x514, v18;
	v20 =	vld.idx.msk [tilespmem:v63+s14+$0x0], $0xffff;
	[tilespmem:v12+s30+$0x5040 ss:$0x1] =	vst.idx.msk $0xffff, v27  }
0x1f1: {  	v37 =	vadd.s32 $0x514, v14;
	[tilespmem:v12+s30+$0x6070 ss:$0x1] =	vst.idx.msk $0xffff, v26;
	v24 =	vld.idx.msk [tilespmem:v61+s14+$0x0], $0xffff  }
0x1f2: {  	v35 =	vadd.s32 $0x514, v17;
	[tilespmem:v12+s30+$0x6030 ss:$0x1] =	vst.idx.msk $0xffff, v22;
	v22 =	vld.idx.msk [tilespmem:v38+s14+$0x0], $0xffff  }
0x1f3: {  	v44 =	vadd.s32 $0x555, v13;
	v28 =	vld.idx.msk [tilespmem:v34+s14+$0x0], $0xffff;
	[tilespmem:v12+s30+$0x6020 ss:$0x1] =	vst.idx.msk $0xffff, v21  }
0x1f4: {  	v40 =	vadd.s32 $0x555, v16;
	v27 =	vld.idx.msk [tilespmem:v33+s14+$0x0], $0xffff;
	[tilespmem:v12+s30+$0x6050 ss:$0x1] =	vst.idx.msk $0xffff, v19  }
0x1f5: {  	v39 =	vadd.s32 $0x555, v15;
	[tilespmem:v12+s30+$0x6060 ss:$0x1] =	vst.idx.msk $0xffff, v20;
	v25 =	vld.idx.msk [tilespmem:v36+s14+$0x0], $0xffff  }
0x1f6: {  	v42 =	vadd.s32 $0x555, v18;
	v21 =	vld.idx.msk [tilespmem:v37+s14+$0x0], $0xffff;
	[tilespmem:v12+s30+$0x6040 ss:$0x1] =	vst.idx.msk $0xffff, v24  }
0x1f7: {  	v43 =	vadd.s32 $0x555, v14;
	[tilespmem:v12+s30+$0x7070 ss:$0x1] =	vst.idx.msk $0xffff, v22;
	v23 =	vld.idx.msk [tilespmem:v35+s14+$0x0], $0xffff  }
0x1f8: {  	v41 =	vadd.s32 $0x555, v17;
	[tilespmem:v12+s30+$0x7030 ss:$0x1] =	vst.idx.msk $0xffff, v28;
	v28 =	vld.idx.msk [tilespmem:v44+s14+$0x0], $0xffff  }
0x1f9: {  	v50 =	vadd.s32 $0x596, v13;
	v19 =	vld.idx.msk [tilespmem:v40+s14+$0x0], $0xffff;
	[tilespmem:v12+s30+$0x7020 ss:$0x1] =	vst.idx.msk $0xffff, v27  }
0x1fa: {  	v46 =	vadd.s32 $0x596, v16;
	v24 =	vld.idx.msk [tilespmem:v39+s14+$0x0], $0xffff;
	[tilespmem:v12+s30+$0x7050 ss:$0x1] =	vst.idx.msk $0xffff, v25  }
0x1fb: {  	v45 =	vadd.s32 $0x596, v15;
	[tilespmem:v12+s30+$0x7060 ss:$0x1] =	vst.idx.msk $0xffff, v21;
	v26 =	vld.idx.msk [tilespmem:v42+s14+$0x0], $0xffff  }
0x1fc: {  	v48 =	vadd.s32 $0x596, v18;
	v27 =	vld.idx.msk [tilespmem:v43+s14+$0x0], $0xffff;
	[tilespmem:v12+s30+$0x7040 ss:$0x1] =	vst.idx.msk $0xffff, v23  }
0x1fd: {  	v49 =	vadd.s32 $0x596, v14;
	[tilespmem:v12+s30+$0x8070 ss:$0x1] =	vst.idx.msk $0xffff, v28;
	v20 =	vld.idx.msk [tilespmem:v41+s14+$0x0], $0xffff  }
0x1fe: {  	v47 =	vadd.s32 $0x596, v17;
	[tilespmem:v12+s30+$0x8030 ss:$0x1] =	vst.idx.msk $0xffff, v19;
	v19 =	vld.idx.msk [tilespmem:v50+s14+$0x0], $0xffff  }
0x1ff: {  	v56 =	vadd.s32 $0x5D7, v13;
	v25 =	vld.idx.msk [tilespmem:v46+s14+$0x0], $0xffff;
	[tilespmem:v12+s30+$0x8020 ss:$0x1] =	vst.idx.msk $0xffff, v24  }
0x200: {  	v52 =	vadd.s32 $0x5D7, v16;
	v23 =	vld.idx.msk [tilespmem:v45+s14+$0x0], $0xffff;
	[tilespmem:v12+s30+$0x8050 ss:$0x1] =	vst.idx.msk $0xffff, v26  }
0x201: {  	v51 =	vadd.s32 $0x5D7, v15;
	[tilespmem:v12+s30+$0x8060 ss:$0x1] =	vst.idx.msk $0xffff, v27;
	v22 =	vld.idx.msk [tilespmem:v48+s14+$0x0], $0xffff  }
0x202: {  	v54 =	vadd.s32 $0x5D7, v18;
	v24 =	vld.idx.msk [tilespmem:v49+s14+$0x0], $0xffff;
	[tilespmem:v12+s30+$0x8040 ss:$0x1] =	vst.idx.msk $0xffff, v20  }
0x203: {  	v55 =	vadd.s32 $0x5D7, v14;
	[tilespmem:v12+s30+$0x9070 ss:$0x1] =	vst.idx.msk $0xffff, v19;
	v21 =	vld.idx.msk [tilespmem:v47+s14+$0x0], $0xffff  }
0x204: {  	v53 =	vadd.s32 $0x5D7, v17;
	[tilespmem:v12+s30+$0x9030 ss:$0x1] =	vst.idx.msk $0xffff, v25;
	v25 =	vld.idx.msk [tilespmem:v56+s14+$0x0], $0xffff  }
0x205: {  	v62 =	vadd.s32 $0x618, v13;
	v26 =	vld.idx.msk [tilespmem:v52+s14+$0x0], $0xffff;
	[tilespmem:v12+s30+$0x9020 ss:$0x1] =	vst.idx.msk $0xffff, v23  }
0x206: {  	v58 =	vadd.s32 $0x618, v16;
	v20 =	vld.idx.msk [tilespmem:v51+s14+$0x0], $0xffff;
	[tilespmem:v12+s30+$0x9050 ss:$0x1] =	vst.idx.msk $0xffff, v22  }
0x207: {  	v57 =	vadd.s32 $0x618, v15;
	[tilespmem:v12+s30+$0x9060 ss:$0x1] =	vst.idx.msk $0xffff, v24;
	v28 =	vld.idx.msk [tilespmem:v54+s14+$0x0], $0xffff  }
0x208: {  	v60 =	vadd.s32 $0x618, v18;
	v23 =	vld.idx.msk [tilespmem:v55+s14+$0x0], $0xffff;
	[tilespmem:v12+s30+$0x9040 ss:$0x1] =	vst.idx.msk $0xffff, v21  }
0x209: {  	v61 =	vadd.s32 $0x618, v14;
	[tilespmem:v12+s30+$0xA070 ss:$0x1] =	vst.idx.msk $0xffff, v25;
	v27 =	vld.idx.msk [tilespmem:v53+s14+$0x0], $0xffff  }
0x20a: {  	v59 =	vadd.s32 $0x618, v17;
	[tilespmem:v12+s30+$0xA030 ss:$0x1] =	vst.idx.msk $0xffff, v26;
	v63 =	vld.idx.msk [tilespmem:v62+s14+$0x0], $0xffff  }
0x20b: {  	v13 =	vadd.s32 $0x659, v13;
	v22 =	vld.idx.msk [tilespmem:v58+s14+$0x0], $0xffff;
	[tilespmem:v12+s30+$0xA020 ss:$0x1] =	vst.idx.msk $0xffff, v20  }
0x20c: {  	v16 =	vadd.s32 $0x659, v16;
	v21 =	vld.idx.msk [tilespmem:v57+s14+$0x0], $0xffff;
	[tilespmem:v12+s30+$0xA050 ss:$0x1] =	vst.idx.msk $0xffff, v28  }
0x20d: {  	v15 =	vadd.s32 $0x659, v15;
	[tilespmem:v12+s30+$0xA060 ss:$0x1] =	vst.idx.msk $0xffff, v23;
	v19 =	vld.idx.msk [tilespmem:v60+s14+$0x0], $0xffff  }
0x20e: {  	v18 =	vadd.s32 $0x659, v18;
	v20 =	vld.idx.msk [tilespmem:v61+s14+$0x0], $0xffff;
	[tilespmem:v12+s30+$0xA040 ss:$0x1] =	vst.idx.msk $0xffff, v27  }
0x20f: {  	v14 =	vadd.s32 $0x659, v14;
	[tilespmem:v12+s30+$0xB070 ss:$0x1] =	vst.idx.msk $0xffff, v63;
	v24 =	vld.idx.msk [tilespmem:v59+s14+$0x0], $0xffff  }
0x210: {  	v17 =	vadd.s32 $0x659, v17;
	[tilespmem:v12+s30+$0xB030 ss:$0x1] =	vst.idx.msk $0xffff, v22;
	v13 =	vld.idx.msk [tilespmem:v13+s14+$0x0], $0xffff  }
0x211: {  	v16 =	vld.idx.msk [tilespmem:v16+s14+$0x0], $0xffff;
	[tilespmem:v12+s30+$0xB020 ss:$0x1] =	vst.idx.msk $0xffff, v21  }
0x212: {  	v15 =	vld.idx.msk [tilespmem:v15+s14+$0x0], $0xffff;
	[tilespmem:v12+s30+$0xB050 ss:$0x1] =	vst.idx.msk $0xffff, v19  }
0x213: {  	[tilespmem:v12+s30+$0xB060 ss:$0x1] =	vst.idx.msk $0xffff, v20;
	v18 =	vld.idx.msk [tilespmem:v18+s14+$0x0], $0xffff  }
0x214: {  	v14 =	vld.idx.msk [tilespmem:v14+s14+$0x0], $0xffff;
	[tilespmem:v12+s30+$0xB040 ss:$0x1] =	vst.idx.msk $0xffff, v24  }
0x215: {  	p1 =	por p0, p0;
	[tilespmem:v12+s30+$0xC070 ss:$0x1] =	vst.idx.msk $0xffff, v13;
	v17 =	vld.idx.msk [tilespmem:v17+s14+$0x0], $0xffff  }
.Ltmp2:
0x216: {  	[tilespmem:v12+s30+$0xC030 ss:$0x1] =	vst.idx.msk $0xffff, v16;
	(pc) =	sbr.rel @p1 .LBB2_7-.Ltmp2, $4  }
0x217: {  	[tilespmem:v12+s30+$0xC020 ss:$0x1] =	vst.idx.msk $0xffff, v15  }
0x218: {  	[tilespmem:v12+s30+$0xC050 ss:$0x1] =	vst.idx.msk $0xffff, v18  }
0x219: {  	[tilespmem:v12+s30+$0xC060 ss:$0x1] =	vst.idx.msk $0xffff, v14  }
0x21a: {  	p0 =	por $0x0, $0x0;
	s31 =	simm.s32 $0x800;
	[tilespmem:v12+s30+$0xC040 ss:$0x1] =	vst.idx.msk $0xffff, v17  }
0x21b: {  	s28 =	sadd.s32 $0x1, s28  }
0x21c: {  	p0 =	sne.s32 s28, $0x8  }
.Ltmp3:
0x21d: {  	_ = 	snop;
	(pc) =	sbr.rel @p0 .LBB2_6-.Ltmp3, $1  }
0x21e: {  	_ =	sdelay $0x3  }
0x21f: {  	s0 =	simm.s32 $0xF000  }
0x220: {  	[hbm4b:s8+s15] =	stream.strided.scatter [tilespmem:s0], [sflag:$0x2], $0xD000, s19, s15, $0x38;
	[tilespmem:$0x1E280] =	vst v63  }
0x221: {  	_ =	swait.ge [sflag:s17], $0xD000  }
0x222: {  	[sflag:s17] =	ssyncset.done $0x0  }
0x223: {  	s28 =	simm.s32 $0x0;
	[sflag:s17] =	ssyncadd.s32 $0xFFFF3000  }
.LBB2_10:
0x224: {  	s29 =	sshll.u32 s28, $0x7  }
0x225: {  	s0 =	sadd.s32 $0x3000, s29  }
0x226: {  	s1 =	sadd.s32 $0x4000, s29;
	s21 =	sadd.s32 $0x5000, s29;
	s24 =	sadd.s32 $0x6000, s29;
	v0 =	vmov s0  }
0x227: {  	s30 =	sadd.s32 $0x8000, s29;
	s31 =	sadd.s32 $0x9000, s29;
	s0 =	sadd.s32 $0x7000, s29;
	v1 =	vmov s1;
	v2 =	vmov s21;
	v3 =	vmov s24  }
0x228: {  	s1 =	sadd.s32 $0xA000, s29;
	s21 =	sadd.s32 $0xB000, s29;
	s24 =	sadd.s32 $0xC000, s29;
	v5 =	vmov s30;
	v6 =	vmov s31;
	v4 =	vmov s0  }
0x229: {  	s30 =	sadd.s32 $0xD000, s29;
	s31 =	sadd.s32 $0xE000, s29;
	s0 =	sadd.s32 $0x2000, s29;
	v7 =	vmov s1;
	v8 =	vmov s21;
	v9 =	vmov s24  }
0x22a: {  	p0 =	por $0x1, $0x1;
	v10 =	vmov s30;
	v11 =	vmov s31;
	s31 =	simm.s32 $0x0;
	v12 =	vmov s0  }
.LBB2_11:
0x22b: {  	s1 =	sor.u32 s29, s31  }
0x22c: {  	v27 =	vld [tilespmem:s1+$0x0];
	s0 =	sor.u32 $0x10, s1  }
0x22d: {  	s21 =	sor.u32 $0x30, s1;
	v28 =	vld [tilespmem:s0+$0x0]  }
0x22e: {  	s30 =	sor.u32 $0x20, s1;
	v25 =	vld [tilespmem:s21+$0x0]  }
0x22f: {  	v26 =	vld [tilespmem:s30+$0x0];
	_ =	sdelay $0x1  }
0x230: {  	v13 =	vadd.s32 $0x69A, v27  }
0x231: {  	v14 =	vadd.s32 $0x69A, v28  }
0x232: {  	v16 =	vadd.s32 $0x69A, v25  }
0x233: {  	v15 =	vadd.s32 $0x69A, v26;
	_ =	sdelay $0x1  }
0x234: {  	v13 =	vld.idx.msk [tilespmem:v13+s14+$0x0], $0xffff  }
0x235: {  	v17 =	vadd.s32 $0x6DB, v27;
	v14 =	vld.idx.msk [tilespmem:v14+s14+$0x0], $0xffff  }
0x236: {  	v18 =	vadd.s32 $0x6DB, v28;
	v16 =	vld.idx.msk [tilespmem:v16+s14+$0x0], $0xffff  }
0x237: {  	v20 =	vadd.s32 $0x6DB, v25;
	v15 =	vld.idx.msk [tilespmem:v15+s14+$0x0], $0xffff  }
0x238: {  	v19 =	vadd.s32 $0x6DB, v26  }
0x239: {  	[tilespmem:s1+$0x2000] =	vst v13  }
0x23a: {  	v13 =	vld.idx.msk [tilespmem:v17+s14+$0x0], $0xffff;
	[tilespmem:s1+$0x2010] =	vst v14  }
0x23b: {  	v14 =	vadd.s32 $0x71C, v27;
	[tilespmem:s1+$0x2030] =	vst v16;
	v31 =	vld.idx.msk [tilespmem:v18+s14+$0x0], $0xffff  }
0x23c: {  	[tilespmem:s1+$0x2020] =	vst v15;
	v15 =	vadd.s32 $0x71C, v28;
	v34 =	vld.idx.msk [tilespmem:v20+s14+$0x0], $0xffff  }
0x23d: {  	v35 =	vadd.s32 $0x71C, v25;
	v32 =	vld.idx.msk [tilespmem:v19+s14+$0x0], $0xffff  }
0x23e: {  	v33 =	vadd.s32 $0x71C, v26  }
0x23f: {  	[tilespmem:v0+s31+$0x0 ss:$0x1] =	vst.idx.msk $0xffff, v13  }
0x240: {  	v13 =	vld.idx.msk [tilespmem:v14+s14+$0x0], $0xffff;
	[tilespmem:v12+s31+$0x1010 ss:$0x1] =	vst.idx.msk $0xffff, v31  }
0x241: {  	v14 =	vadd.s32 $0x75D, v27;
	[tilespmem:v12+s31+$0x1030 ss:$0x1] =	vst.idx.msk $0xffff, v34;
	v15 =	vld.idx.msk [tilespmem:v15+s14+$0x0], $0xffff  }
0x242: {  	v36 =	vadd.s32 $0x75D, v28;
	[tilespmem:v12+s31+$0x1020 ss:$0x1] =	vst.idx.msk $0xffff, v32;
	v19 =	vld.idx.msk [tilespmem:v35+s14+$0x0], $0xffff  }
0x243: {  	v38 =	vadd.s32 $0x75D, v25;
	v16 =	vld.idx.msk [tilespmem:v33+s14+$0x0], $0xffff  }
0x244: {  	v37 =	vadd.s32 $0x75D, v26  }
0x245: {  	[tilespmem:v1+s31+$0x0 ss:$0x1] =	vst.idx.msk $0xffff, v13  }
0x246: {  	v13 =	vld.idx.msk [tilespmem:v14+s14+$0x0], $0xffff;
	[tilespmem:v12+s31+$0x2010 ss:$0x1] =	vst.idx.msk $0xffff, v15  }
0x247: {  	v14 =	vadd.s32 $0x79E, v27;
	[tilespmem:v12+s31+$0x2030 ss:$0x1] =	vst.idx.msk $0xffff, v19;
	v15 =	vld.idx.msk [tilespmem:v36+s14+$0x0], $0xffff  }
0x248: {  	v39 =	vadd.s32 $0x79E, v28;
	[tilespmem:v12+s31+$0x2020 ss:$0x1] =	vst.idx.msk $0xffff, v16;
	v19 =	vld.idx.msk [tilespmem:v38+s14+$0x0], $0xffff  }
0x249: {  	v42 =	vadd.s32 $0x79E, v25;
	v40 =	vld.idx.msk [tilespmem:v37+s14+$0x0], $0xffff  }
0x24a: {  	v41 =	vadd.s32 $0x79E, v26  }
0x24b: {  	[tilespmem:v2+s31+$0x0 ss:$0x1] =	vst.idx.msk $0xffff, v13  }
0x24c: {  	v13 =	vld.idx.msk [tilespmem:v14+s14+$0x0], $0xffff;
	[tilespmem:v12+s31+$0x3010 ss:$0x1] =	vst.idx.msk $0xffff, v15  }
0x24d: {  	v14 =	vadd.s32 $0x7DF, v27;
	[tilespmem:v12+s31+$0x3030 ss:$0x1] =	vst.idx.msk $0xffff, v19;
	v15 =	vld.idx.msk [tilespmem:v39+s14+$0x0], $0xffff  }
0x24e: {  	v43 =	vadd.s32 $0x7DF, v28;
	[tilespmem:v12+s31+$0x3020 ss:$0x1] =	vst.idx.msk $0xffff, v40;
	v19 =	vld.idx.msk [tilespmem:v42+s14+$0x0], $0xffff  }
0x24f: {  	v45 =	vadd.s32 $0x7DF, v25;
	v17 =	vld.idx.msk [tilespmem:v41+s14+$0x0], $0xffff  }
0x250: {  	v44 =	vadd.s32 $0x7DF, v26  }
0x251: {  	[tilespmem:v3+s31+$0x0 ss:$0x1] =	vst.idx.msk $0xffff, v13  }
0x252: {  	v13 =	vld.idx.msk [tilespmem:v14+s14+$0x0], $0xffff;
	[tilespmem:v12+s31+$0x4010 ss:$0x1] =	vst.idx.msk $0xffff, v15  }
0x253: {  	v14 =	vadd.s32 $0x820, v27;
	[tilespmem:v12+s31+$0x4030 ss:$0x1] =	vst.idx.msk $0xffff, v19;
	v15 =	vld.idx.msk [tilespmem:v43+s14+$0x0], $0xffff  }
0x254: {  	v46 =	vadd.s32 $0x820, v28;
	[tilespmem:v12+s31+$0x4020 ss:$0x1] =	vst.idx.msk $0xffff, v17;
	v19 =	vld.idx.msk [tilespmem:v45+s14+$0x0], $0xffff  }
0x255: {  	v48 =	vadd.s32 $0x820, v25;
	v17 =	vld.idx.msk [tilespmem:v44+s14+$0x0], $0xffff  }
0x256: {  	v47 =	vadd.s32 $0x820, v26  }
0x257: {  	[tilespmem:v4+s31+$0x0 ss:$0x1] =	vst.idx.msk $0xffff, v13  }
0x258: {  	v13 =	vld.idx.msk [tilespmem:v14+s14+$0x0], $0xffff;
	[tilespmem:v12+s31+$0x5010 ss:$0x1] =	vst.idx.msk $0xffff, v15  }
0x259: {  	v14 =	vadd.s32 $0x861, v27;
	[tilespmem:v12+s31+$0x5030 ss:$0x1] =	vst.idx.msk $0xffff, v19;
	v15 =	vld.idx.msk [tilespmem:v46+s14+$0x0], $0xffff  }
0x25a: {  	v49 =	vadd.s32 $0x861, v28;
	[tilespmem:v12+s31+$0x5020 ss:$0x1] =	vst.idx.msk $0xffff, v17;
	v19 =	vld.idx.msk [tilespmem:v48+s14+$0x0], $0xffff  }
0x25b: {  	v51 =	vadd.s32 $0x861, v25;
	v17 =	vld.idx.msk [tilespmem:v47+s14+$0x0], $0xffff  }
0x25c: {  	v50 =	vadd.s32 $0x861, v26  }
0x25d: {  	[tilespmem:v5+s31+$0x0 ss:$0x1] =	vst.idx.msk $0xffff, v13  }
0x25e: {  	v13 =	vld.idx.msk [tilespmem:v14+s14+$0x0], $0xffff;
	[tilespmem:v12+s31+$0x6010 ss:$0x1] =	vst.idx.msk $0xffff, v15  }
0x25f: {  	v14 =	vadd.s32 $0x8A2, v27;
	[tilespmem:v12+s31+$0x6030 ss:$0x1] =	vst.idx.msk $0xffff, v19;
	v15 =	vld.idx.msk [tilespmem:v49+s14+$0x0], $0xffff  }
0x260: {  	v52 =	vadd.s32 $0x8A2, v28;
	[tilespmem:v12+s31+$0x6020 ss:$0x1] =	vst.idx.msk $0xffff, v17;
	v19 =	vld.idx.msk [tilespmem:v51+s14+$0x0], $0xffff  }
0x261: {  	v54 =	vadd.s32 $0x8A2, v25;
	v17 =	vld.idx.msk [tilespmem:v50+s14+$0x0], $0xffff  }
0x262: {  	s21 =	sor.u32 $0x60, s1;
	v53 =	vadd.s32 $0x8A2, v26  }
0x263: {  	v21 =	vld [tilespmem:s21+$0x0];
	[tilespmem:v6+s31+$0x0 ss:$0x1] =	vst.idx.msk $0xffff, v13  }
0x264: {  	v13 =	vld.idx.msk [tilespmem:v14+s14+$0x0], $0xffff;
	[tilespmem:v12+s31+$0x7010 ss:$0x1] =	vst.idx.msk $0xffff, v15  }
0x265: {  	v14 =	vadd.s32 $0x8E3, v27;
	[tilespmem:v12+s31+$0x7030 ss:$0x1] =	vst.idx.msk $0xffff, v19;
	v15 =	vld.idx.msk [tilespmem:v52+s14+$0x0], $0xffff  }
0x266: {  	v55 =	vadd.s32 $0x8E3, v28;
	[tilespmem:v12+s31+$0x7020 ss:$0x1] =	vst.idx.msk $0xffff, v17;
	v19 =	vld.idx.msk [tilespmem:v54+s14+$0x0], $0xffff  }
0x267: {  	s24 =	sor.u32 $0x40, s1;
	v57 =	vadd.s32 $0x8E3, v25;
	v17 =	vld.idx.msk [tilespmem:v53+s14+$0x0], $0xffff  }
0x268: {  	v23 =	vld [tilespmem:s24+$0x0];
	s21 =	sor.u32 $0x70, s1;
	v56 =	vadd.s32 $0x8E3, v26  }
0x269: {  	v22 =	vld [tilespmem:s21+$0x0];
	[tilespmem:v7+s31+$0x0 ss:$0x1] =	vst.idx.msk $0xffff, v13  }
0x26a: {  	v36 =	vadd.s32 $0x69A, v21;
	v13 =	vld.idx.msk [tilespmem:v14+s14+$0x0], $0xffff;
	[tilespmem:v12+s31+$0x8010 ss:$0x1] =	vst.idx.msk $0xffff, v15  }
0x26b: {  	v14 =	vadd.s32 $0x924, v27;
	[tilespmem:v12+s31+$0x8030 ss:$0x1] =	vst.idx.msk $0xffff, v19;
	v15 =	vld.idx.msk [tilespmem:v55+s14+$0x0], $0xffff  }
0x26c: {  	[tilespmem:v12+s31+$0x8020 ss:$0x1] =	vst.idx.msk $0xffff, v17;
	v19 =	vld.idx.msk [tilespmem:v57+s14+$0x0], $0xffff  }
0x26d: {  	s30 =	sor.u32 $0x50, s1;
	v58 =	vadd.s32 $0x924, v28;
	v17 =	vld.idx.msk [tilespmem:v56+s14+$0x0], $0xffff  }
0x26e: {  	v59 =	vadd.s32 $0x924, v26;
	v20 =	vld [tilespmem:s30+$0x0];
	s30 =	sor.u32 $0x400, s31  }
0x26f: {  	v60 =	vadd.s32 $0x924, v25;
	s0 =	sor.u32 s29, s30;
	v36 =	vld.idx.msk [tilespmem:v36+s14+$0x0], $0xffff;
	[tilespmem:v8+s31+$0x0 ss:$0x1] =	vst.idx.msk $0xffff, v13  }
0x270: {  	s24 =	sor.u32 $0x10, s0;
	v24 =	vld.idx.msk [tilespmem:v14+s14+$0x0], $0xffff;
	[tilespmem:v12+s31+$0x9010 ss:$0x1] =	vst.idx.msk $0xffff, v15  }
0x271: {  	[tilespmem:v12+s31+$0x9030 ss:$0x1] =	vst.idx.msk $0xffff, v19;
	v19 =	vld [tilespmem:s24+$0x0]  }
0x272: {  	[tilespmem:v12+s31+$0x9020 ss:$0x1] =	vst.idx.msk $0xffff, v17;
	v29 =	vld.idx.msk [tilespmem:v58+s14+$0x0], $0xffff  }
0x273: {  	v30 =	vld.idx.msk [tilespmem:v59+s14+$0x0], $0xffff  }
0x274: {  	s24 =	sor.u32 $0x20, s0;
	v31 =	vld.idx.msk [tilespmem:v60+s14+$0x0], $0xffff  }
0x275: {  	v15 =	vld [tilespmem:s24+$0x0];
	s24 =	sor.u32 $0x30, s0  }
0x276: {  	v16 =	vld [tilespmem:s24+$0x0];
	s24 =	sor.u32 $0x40, s0  }
0x277: {  	v32 =	vadd.s32 $0x965, v27;
	v17 =	vld [tilespmem:s24+$0x0];
	s24 =	sor.u32 $0x50, s0  }
0x278: {  	v61 =	vadd.s32 $0x69A, v23;
	v18 =	vld [tilespmem:s24+$0x0];
	s24 =	sor.u32 $0x60, s0  }
0x279: {  	v62 =	vadd.s32 $0x69A, v20;
	v14 =	vld [tilespmem:s24+$0x0]  }
0x27a: {  	v63 =	vadd.s32 $0x69A, v22;
	s24 =	sor.u32 $0x70, s0;
	[tilespmem:v9+s31+$0x0 ss:$0x1] =	vst.idx.msk $0xffff, v24;
	v24 =	vld [tilespmem:s0+$0x0]  }
0x27b: {  	v34 =	vadd.s32 $0x965, v26;
	v13 =	vld [tilespmem:s24+$0x0]  }
0x27c: {  	v33 =	vadd.s32 $0x965, v28;
	v32 =	vld.idx.msk [tilespmem:v32+s14+$0x0], $0xffff  }
0x27d: {  	v35 =	vadd.s32 $0x965, v25;
	[tilespmem:v12+s31+$0xA010 ss:$0x1] =	vst.idx.msk $0xffff, v29;
	v29 =	vld.idx.msk [tilespmem:v61+s14+$0x0], $0xffff  }
0x27e: {  	v41 =	vadd.s32 $0x6DB, v21;
	[tilespmem:v12+s31+$0xA020 ss:$0x1] =	vst.idx.msk $0xffff, v30;
	v30 =	vld.idx.msk [tilespmem:v62+s14+$0x0], $0xffff  }
0x27f: {  	v27 =	vadd.s32 $0x9A6, v27;
	[tilespmem:v12+s31+$0xA030 ss:$0x1] =	vst.idx.msk $0xffff, v31;
	v31 =	vld.idx.msk [tilespmem:v63+s14+$0x0], $0xffff  }
0x280: {  	[tilespmem:s1+$0x2060] =	vst v36;
	v38 =	vadd.s32 $0x69A, v19;
	v34 =	vld.idx.msk [tilespmem:v34+s14+$0x0], $0xffff  }
0x281: {  	v39 =	vadd.s32 $0x6DB, v23;
	v33 =	vld.idx.msk [tilespmem:v33+s14+$0x0], $0xffff;
	[tilespmem:v10+s31+$0x0 ss:$0x1] =	vst.idx.msk $0xffff, v32  }
0x282: {  	v40 =	vadd.s32 $0x6DB, v20;
	v35 =	vld.idx.msk [tilespmem:v35+s14+$0x0], $0xffff;
	[tilespmem:s1+$0x2040] =	vst v29  }
0x283: {  	v42 =	vadd.s32 $0x6DB, v22;
	[tilespmem:s1+$0x2050] =	vst v30;
	v32 =	vld.idx.msk [tilespmem:v41+s14+$0x0], $0xffff  }
0x284: {  	v26 =	vadd.s32 $0x9A6, v26;
	[tilespmem:s1+$0x2070] =	vst v31;
	v27 =	vld.idx.msk [tilespmem:v27+s14+$0x0], $0xffff  }
0x285: {  	v28 =	vadd.s32 $0x9A6, v28;
	[tilespmem:v12+s31+$0xB020 ss:$0x1] =	vst.idx.msk $0xffff, v34;
	v34 =	vld.idx.msk [tilespmem:v38+s14+$0x0], $0xffff  }
0x286: {  	v25 =	vadd.s32 $0x9A6, v25;
	[tilespmem:v12+s31+$0xB010 ss:$0x1] =	vst.idx.msk $0xffff, v33;
	v44 =	vld.idx.msk [tilespmem:v39+s14+$0x0], $0xffff  }
0x287: {  	v37 =	vadd.s32 $0x69A, v24;
	[tilespmem:v12+s31+$0xB030 ss:$0x1] =	vst.idx.msk $0xffff, v35;
	v30 =	vld.idx.msk [tilespmem:v40+s14+$0x0], $0xffff  }
0x288: {  	v45 =	vadd.s32 $0x6DB, v19;
	v31 =	vld.idx.msk [tilespmem:v42+s14+$0x0], $0xffff;
	[tilespmem:v12+s31+$0x1060 ss:$0x1] =	vst.idx.msk $0xffff, v32  }
0x289: {  	v46 =	vadd.s32 $0x71C, v23;
	v26 =	vld.idx.msk [tilespmem:v26+s14+$0x0], $0xffff;
	[tilespmem:v11+s31+$0x0 ss:$0x1] =	vst.idx.msk $0xffff, v27  }
0x28a: {  	v49 =	vadd.s32 $0x71C, v22;
	v28 =	vld.idx.msk [tilespmem:v28+s14+$0x0], $0xffff;
	[tilespmem:s0+$0x2010] =	vst v34  }
0x28b: {  	v47 =	vadd.s32 $0x71C, v20;
	v25 =	vld.idx.msk [tilespmem:v25+s14+$0x0], $0xffff;
	[tilespmem:v12+s31+$0x1040 ss:$0x1] =	vst.idx.msk $0xffff, v44  }
0x28c: {  	v48 =	vadd.s32 $0x71C, v21;
	v33 =	vld.idx.msk [tilespmem:v37+s14+$0x0], $0xffff;
	[tilespmem:v12+s31+$0x1050 ss:$0x1] =	vst.idx.msk $0xffff, v30  }
0x28d: {  	v43 =	vadd.s32 $0x6DB, v24;
	[tilespmem:v12+s31+$0x1070 ss:$0x1] =	vst.idx.msk $0xffff, v31;
	v29 =	vld.idx.msk [tilespmem:v45+s14+$0x0], $0xffff  }
0x28e: {  	v51 =	vadd.s32 $0x71C, v19;
	[tilespmem:v12+s31+$0xC020 ss:$0x1] =	vst.idx.msk $0xffff, v26;
	v26 =	vld.idx.msk [tilespmem:v46+s14+$0x0], $0xffff  }
0x28f: {  	v52 =	vadd.s32 $0x75D, v23;
	[tilespmem:v12+s31+$0xC010 ss:$0x1] =	vst.idx.msk $0xffff, v28;
	v34 =	vld.idx.msk [tilespmem:v49+s14+$0x0], $0xffff  }
0x290: {  	v55 =	vadd.s32 $0x75D, v22;
	[tilespmem:v12+s31+$0xC030 ss:$0x1] =	vst.idx.msk $0xffff, v25;
	v25 =	vld.idx.msk [tilespmem:v47+s14+$0x0], $0xffff  }
0x291: {  	v53 =	vadd.s32 $0x75D, v20;
	[tilespmem:s0+$0x2000] =	vst v33;
	v33 =	vld.idx.msk [tilespmem:v48+s14+$0x0], $0xffff  }
0x292: {  	v54 =	vadd.s32 $0x75D, v21;
	v27 =	vld.idx.msk [tilespmem:v43+s14+$0x0], $0xffff;
	[tilespmem:v12+s30+$0x1010 ss:$0x1] =	vst.idx.msk $0xffff, v29  }
0x293: {  	v50 =	vadd.s32 $0x71C, v24;
	[tilespmem:v12+s31+$0x2040 ss:$0x1] =	vst.idx.msk $0xffff, v26;
	v30 =	vld.idx.msk [tilespmem:v51+s14+$0x0], $0xffff  }
0x294: {  	v57 =	vadd.s32 $0x75D, v19;
	[tilespmem:v12+s31+$0x2070 ss:$0x1] =	vst.idx.msk $0xffff, v34;
	v32 =	vld.idx.msk [tilespmem:v52+s14+$0x0], $0xffff  }
0x295: {  	v58 =	vadd.s32 $0x79E, v23;
	[tilespmem:v12+s31+$0x2050 ss:$0x1] =	vst.idx.msk $0xffff, v25;
	v29 =	vld.idx.msk [tilespmem:v55+s14+$0x0], $0xffff  }
0x296: {  	v61 =	vadd.s32 $0x79E, v22;
	v31 =	vld.idx.msk [tilespmem:v53+s14+$0x0], $0xffff;
	[tilespmem:v12+s31+$0x2060 ss:$0x1] =	vst.idx.msk $0xffff, v33  }
0x297: {  	v59 =	vadd.s32 $0x79E, v20;
	[tilespmem:v0+s30+$0x0 ss:$0x1] =	vst.idx.msk $0xffff, v27;
	v27 =	vld.idx.msk [tilespmem:v54+s14+$0x0], $0xffff  }
0x298: {  	v60 =	vadd.s32 $0x79E, v21;
	v28 =	vld.idx.msk [tilespmem:v50+s14+$0x0], $0xffff;
	[tilespmem:v12+s30+$0x2010 ss:$0x1] =	vst.idx.msk $0xffff, v30  }
0x299: {  	v56 =	vadd.s32 $0x75D, v24;
	[tilespmem:v12+s31+$0x3040 ss:$0x1] =	vst.idx.msk $0xffff, v32;
	v25 =	vld.idx.msk [tilespmem:v57+s14+$0x0], $0xffff  }
0x29a: {  	v63 =	vadd.s32 $0x79E, v19;
	[tilespmem:v12+s31+$0x3070 ss:$0x1] =	vst.idx.msk $0xffff, v29;
	v33 =	vld.idx.msk [tilespmem:v58+s14+$0x0], $0xffff  }
0x29b: {  	v36 =	vadd.s32 $0x7DF, v23;
	[tilespmem:v12+s31+$0x3050 ss:$0x1] =	vst.idx.msk $0xffff, v31;
	v30 =	vld.idx.msk [tilespmem:v61+s14+$0x0], $0xffff  }
0x29c: {  	v39 =	vadd.s32 $0x7DF, v22;
	v34 =	vld.idx.msk [tilespmem:v59+s14+$0x0], $0xffff;
	[tilespmem:v12+s31+$0x3060 ss:$0x1] =	vst.idx.msk $0xffff, v27  }
0x29d: {  	v37 =	vadd.s32 $0x7DF, v20;
	[tilespmem:v1+s30+$0x0 ss:$0x1] =	vst.idx.msk $0xffff, v28;
	v28 =	vld.idx.msk [tilespmem:v60+s14+$0x0], $0xffff  }
0x29e: {  	v38 =	vadd.s32 $0x7DF, v21;
	v26 =	vld.idx.msk [tilespmem:v56+s14+$0x0], $0xffff;
	[tilespmem:v12+s30+$0x3010 ss:$0x1] =	vst.idx.msk $0xffff, v25  }
0x29f: {  	v62 =	vadd.s32 $0x79E, v24;
	[tilespmem:v12+s31+$0x4040 ss:$0x1] =	vst.idx.msk $0xffff, v33;
	v31 =	vld.idx.msk [tilespmem:v63+s14+$0x0], $0xffff  }
0x2a0: {  	v41 =	vadd.s32 $0x7DF, v19;
	[tilespmem:v12+s31+$0x4070 ss:$0x1] =	vst.idx.msk $0xffff, v30;
	v27 =	vld.idx.msk [tilespmem:v36+s14+$0x0], $0xffff  }
0x2a1: {  	v42 =	vadd.s32 $0x820, v23;
	[tilespmem:v12+s31+$0x4050 ss:$0x1] =	vst.idx.msk $0xffff, v34;
	v25 =	vld.idx.msk [tilespmem:v39+s14+$0x0], $0xffff  }
0x2a2: {  	v45 =	vadd.s32 $0x820, v22;
	v29 =	vld.idx.msk [tilespmem:v37+s14+$0x0], $0xffff;
	[tilespmem:v12+s31+$0x4060 ss:$0x1] =	vst.idx.msk $0xffff, v28  }
0x2a3: {  	v43 =	vadd.s32 $0x820, v20;
	[tilespmem:v2+s30+$0x0 ss:$0x1] =	vst.idx.msk $0xffff, v26;
	v26 =	vld.idx.msk [tilespmem:v38+s14+$0x0], $0xffff  }
0x2a4: {  	v44 =	vadd.s32 $0x820, v21;
	v32 =	vld.idx.msk [tilespmem:v62+s14+$0x0], $0xffff;
	[tilespmem:v12+s30+$0x4010 ss:$0x1] =	vst.idx.msk $0xffff, v31  }
0x2a5: {  	v40 =	vadd.s32 $0x7DF, v24;
	[tilespmem:v12+s31+$0x5040 ss:$0x1] =	vst.idx.msk $0xffff, v27;
	v34 =	vld.idx.msk [tilespmem:v41+s14+$0x0], $0xffff  }
0x2a6: {  	v47 =	vadd.s32 $0x820, v19;
	[tilespmem:v12+s31+$0x5070 ss:$0x1] =	vst.idx.msk $0xffff, v25;
	v28 =	vld.idx.msk [tilespmem:v42+s14+$0x0], $0xffff  }
0x2a7: {  	v48 =	vadd.s32 $0x861, v23;
	[tilespmem:v12+s31+$0x5050 ss:$0x1] =	vst.idx.msk $0xffff, v29;
	v31 =	vld.idx.msk [tilespmem:v45+s14+$0x0], $0xffff  }
0x2a8: {  	v51 =	vadd.s32 $0x861, v22;
	v30 =	vld.idx.msk [tilespmem:v43+s14+$0x0], $0xffff;
	[tilespmem:v12+s31+$0x5060 ss:$0x1] =	vst.idx.msk $0xffff, v26  }
0x2a9: {  	v49 =	vadd.s32 $0x861, v20;
	[tilespmem:v3+s30+$0x0 ss:$0x1] =	vst.idx.msk $0xffff, v32;
	v32 =	vld.idx.msk [tilespmem:v44+s14+$0x0], $0xffff  }
0x2aa: {  	v50 =	vadd.s32 $0x861, v21;
	v33 =	vld.idx.msk [tilespmem:v40+s14+$0x0], $0xffff;
	[tilespmem:v12+s30+$0x5010 ss:$0x1] =	vst.idx.msk $0xffff, v34  }
0x2ab: {  	v46 =	vadd.s32 $0x820, v24;
	[tilespmem:v12+s31+$0x6040 ss:$0x1] =	vst.idx.msk $0xffff, v28;
	v29 =	vld.idx.msk [tilespmem:v47+s14+$0x0], $0xffff  }
0x2ac: {  	v53 =	vadd.s32 $0x861, v19;
	[tilespmem:v12+s31+$0x6070 ss:$0x1] =	vst.idx.msk $0xffff, v31;
	v26 =	vld.idx.msk [tilespmem:v48+s14+$0x0], $0xffff  }
0x2ad: {  	v54 =	vadd.s32 $0x8A2, v23;
	[tilespmem:v12+s31+$0x6050 ss:$0x1] =	vst.idx.msk $0xffff, v30;
	v34 =	vld.idx.msk [tilespmem:v51+s14+$0x0], $0xffff  }
0x2ae: {  	v57 =	vadd.s32 $0x8A2, v22;
	v25 =	vld.idx.msk [tilespmem:v49+s14+$0x0], $0xffff;
	[tilespmem:v12+s31+$0x6060 ss:$0x1] =	vst.idx.msk $0xffff, v32  }
0x2af: {  	v55 =	vadd.s32 $0x8A2, v20;
	[tilespmem:v4+s30+$0x0 ss:$0x1] =	vst.idx.msk $0xffff, v33;
	v33 =	vld.idx.msk [tilespmem:v50+s14+$0x0], $0xffff  }
0x2b0: {  	v56 =	vadd.s32 $0x8A2, v21;
	v27 =	vld.idx.msk [tilespmem:v46+s14+$0x0], $0xffff;
	[tilespmem:v12+s30+$0x6010 ss:$0x1] =	vst.idx.msk $0xffff, v29  }
0x2b1: {  	v52 =	vadd.s32 $0x861, v24;
	[tilespmem:v12+s31+$0x7040 ss:$0x1] =	vst.idx.msk $0xffff, v26;
	v30 =	vld.idx.msk [tilespmem:v53+s14+$0x0], $0xffff  }
0x2b2: {  	v59 =	vadd.s32 $0x8A2, v19;
	[tilespmem:v12+s31+$0x7070 ss:$0x1] =	vst.idx.msk $0xffff, v34;
	v32 =	vld.idx.msk [tilespmem:v54+s14+$0x0], $0xffff  }
0x2b3: {  	v60 =	vadd.s32 $0x8E3, v23;
	[tilespmem:v12+s31+$0x7050 ss:$0x1] =	vst.idx.msk $0xffff, v25;
	v29 =	vld.idx.msk [tilespmem:v57+s14+$0x0], $0xffff  }
0x2b4: {  	v63 =	vadd.s32 $0x8E3, v22;
	v31 =	vld.idx.msk [tilespmem:v55+s14+$0x0], $0xffff;
	[tilespmem:v12+s31+$0x7060 ss:$0x1] =	vst.idx.msk $0xffff, v33  }
0x2b5: {  	v61 =	vadd.s32 $0x8E3, v20;
	[tilespmem:v5+s30+$0x0 ss:$0x1] =	vst.idx.msk $0xffff, v27;
	v27 =	vld.idx.msk [tilespmem:v56+s14+$0x0], $0xffff  }
0x2b6: {  	v54 =	vadd.s32 $0x69A, v15;
	v28 =	vld.idx.msk [tilespmem:v52+s14+$0x0], $0xffff;
	[tilespmem:v12+s30+$0x7010 ss:$0x1] =	vst.idx.msk $0xffff, v30  }
0x2b7: {  	v62 =	vadd.s32 $0x8E3, v21;
	[tilespmem:v12+s31+$0x8040 ss:$0x1] =	vst.idx.msk $0xffff, v32;
	v25 =	vld.idx.msk [tilespmem:v59+s14+$0x0], $0xffff  }
0x2b8: {  	v58 =	vadd.s32 $0x8A2, v24;
	[tilespmem:v12+s31+$0x8070 ss:$0x1] =	vst.idx.msk $0xffff, v29;
	v33 =	vld.idx.msk [tilespmem:v60+s14+$0x0], $0xffff  }
0x2b9: {  	v37 =	vadd.s32 $0x8E3, v19;
	[tilespmem:v12+s31+$0x8050 ss:$0x1] =	vst.idx.msk $0xffff, v31;
	v30 =	vld.idx.msk [tilespmem:v63+s14+$0x0], $0xffff  }
0x2ba: {  	v41 =	vadd.s32 $0x924, v22;
	v34 =	vld.idx.msk [tilespmem:v61+s14+$0x0], $0xffff;
	[tilespmem:v12+s31+$0x8060 ss:$0x1] =	vst.idx.msk $0xffff, v27  }
0x2bb: {  	v38 =	vadd.s32 $0x924, v23;
	v59 =	vld.idx.msk [tilespmem:v54+s14+$0x0], $0xffff;
	[tilespmem:v6+s30+$0x0 ss:$0x1] =	vst.idx.msk $0xffff, v28  }
0x2bc: {  	v39 =	vadd.s32 $0x924, v20;
	v28 =	vld.idx.msk [tilespmem:v62+s14+$0x0], $0xffff;
	[tilespmem:v12+s30+$0x8010 ss:$0x1] =	vst.idx.msk $0xffff, v25  }
0x2bd: {  	v40 =	vadd.s32 $0x924, v21;
	v26 =	vld.idx.msk [tilespmem:v58+s14+$0x0], $0xffff;
	[tilespmem:v12+s31+$0x9040 ss:$0x1] =	vst.idx.msk $0xffff, v33  }
0x2be: {  	v36 =	vadd.s32 $0x8E3, v24;
	[tilespmem:v12+s31+$0x9070 ss:$0x1] =	vst.idx.msk $0xffff, v30;
	v31 =	vld.idx.msk [tilespmem:v37+s14+$0x0], $0xffff  }
0x2bf: {  	v60 =	vadd.s32 $0x69A, v13;
	[tilespmem:v12+s31+$0x9050 ss:$0x1] =	vst.idx.msk $0xffff, v34;
	v25 =	vld.idx.msk [tilespmem:v41+s14+$0x0], $0xffff  }
0x2c0: {  	v43 =	vadd.s32 $0x924, v19;
	[tilespmem:s0+$0x2020] =	vst v59;
	v27 =	vld.idx.msk [tilespmem:v38+s14+$0x0], $0xffff  }
0x2c1: {  	v44 =	vadd.s32 $0x965, v23;
	v29 =	vld.idx.msk [tilespmem:v39+s14+$0x0], $0xffff;
	[tilespmem:v12+s31+$0x9060 ss:$0x1] =	vst.idx.msk $0xffff, v28  }
0x2c2: {  	v45 =	vadd.s32 $0x965, v20;
	[tilespmem:v7+s30+$0x0 ss:$0x1] =	vst.idx.msk $0xffff, v26;
	v26 =	vld.idx.msk [tilespmem:v40+s14+$0x0], $0xffff  }
0x2c3: {  	v47 =	vadd.s32 $0x965, v22;
	v32 =	vld.idx.msk [tilespmem:v36+s14+$0x0], $0xffff;
	[tilespmem:v12+s30+$0x9010 ss:$0x1] =	vst.idx.msk $0xffff, v31  }
0x2c4: {  	v55 =	vadd.s32 $0x69A, v16;
	[tilespmem:v12+s31+$0xA070 ss:$0x1] =	vst.idx.msk $0xffff, v25;
	v25 =	vld.idx.msk [tilespmem:v60+s14+$0x0], $0xffff  }
0x2c5: {  	v46 =	vadd.s32 $0x965, v21;
	[tilespmem:v12+s31+$0xA040 ss:$0x1] =	vst.idx.msk $0xffff, v27;
	v34 =	vld.idx.msk [tilespmem:v43+s14+$0x0], $0xffff  }
0x2c6: {  	v42 =	vadd.s32 $0x924, v24;
	[tilespmem:v12+s31+$0xA050 ss:$0x1] =	vst.idx.msk $0xffff, v29;
	v28 =	vld.idx.msk [tilespmem:v44+s14+$0x0], $0xffff  }
0x2c7: {  	v57 =	vadd.s32 $0x69A, v18;
	v50 =	vld.idx.msk [tilespmem:v45+s14+$0x0], $0xffff;
	[tilespmem:v12+s31+$0xA060 ss:$0x1] =	vst.idx.msk $0xffff, v26  }
0x2c8: {  	v49 =	vadd.s32 $0x965, v19;
	v52 =	vld.idx.msk [tilespmem:v47+s14+$0x0], $0xffff;
	[tilespmem:v8+s30+$0x0 ss:$0x1] =	vst.idx.msk $0xffff, v32  }
0x2c9: {  	v23 =	vadd.s32 $0x9A6, v23;
	v26 =	vld.idx.msk [tilespmem:v55+s14+$0x0], $0xffff;
	[tilespmem:s0+$0x2070] =	vst v25  }
0x2ca: {  	v20 =	vadd.s32 $0x9A6, v20;
	v51 =	vld.idx.msk [tilespmem:v46+s14+$0x0], $0xffff;
	[tilespmem:v12+s30+$0xA010 ss:$0x1] =	vst.idx.msk $0xffff, v34  }
0x2cb: {  	v22 =	vadd.s32 $0x9A6, v22;
	v33 =	vld.idx.msk [tilespmem:v42+s14+$0x0], $0xffff;
	[tilespmem:v12+s31+$0xB040 ss:$0x1] =	vst.idx.msk $0xffff, v28  }
0x2cc: {  	v48 =	vadd.s32 $0x965, v24;
	[tilespmem:v12+s31+$0xB050 ss:$0x1] =	vst.idx.msk $0xffff, v50;
	v28 =	vld.idx.msk [tilespmem:v57+s14+$0x0], $0xffff  }
0x2cd: {  	v21 =	vadd.s32 $0x9A6, v21;
	[tilespmem:v12+s31+$0xB070 ss:$0x1] =	vst.idx.msk $0xffff, v52;
	v53 =	vld.idx.msk [tilespmem:v49+s14+$0x0], $0xffff  }
0x2ce: {  	v34 =	vadd.s32 $0x6DB, v13;
	v23 =	vld.idx.msk [tilespmem:v23+s14+$0x0], $0xffff;
	[tilespmem:s0+$0x2030] =	vst v26  }
0x2cf: {  	v58 =	vadd.s32 $0x69A, v14;
	v20 =	vld.idx.msk [tilespmem:v20+s14+$0x0], $0xffff;
	[tilespmem:v12+s31+$0xB060 ss:$0x1] =	vst.idx.msk $0xffff, v51  }
0x2d0: {  	v19 =	vadd.s32 $0x9A6, v19;
	v22 =	vld.idx.msk [tilespmem:v22+s14+$0x0], $0xffff;
	[tilespmem:v9+s30+$0x0 ss:$0x1] =	vst.idx.msk $0xffff, v33  }
0x2d1: {  	v56 =	vadd.s32 $0x69A, v17;
	v27 =	vld.idx.msk [tilespmem:v48+s14+$0x0], $0xffff;
	[tilespmem:s0+$0x2050] =	vst v28  }
0x2d2: {  	v24 =	vadd.s32 $0x9A6, v24;
	v21 =	vld.idx.msk [tilespmem:v21+s14+$0x0], $0xffff;
	[tilespmem:v12+s30+$0xB010 ss:$0x1] =	vst.idx.msk $0xffff, v53  }
0x2d3: {  	v62 =	vadd.s32 $0x6DB, v16;
	v26 =	vld.idx.msk [tilespmem:v34+s14+$0x0], $0xffff;
	[tilespmem:v12+s31+$0xC040 ss:$0x1] =	vst.idx.msk $0xffff, v23  }
0x2d4: {  	v61 =	vadd.s32 $0x6DB, v15;
	[tilespmem:v12+s31+$0xC050 ss:$0x1] =	vst.idx.msk $0xffff, v20;
	v23 =	vld.idx.msk [tilespmem:v58+s14+$0x0], $0xffff  }
0x2d5: {  	v32 =	vadd.s32 $0x6DB, v18;
	[tilespmem:v12+s31+$0xC070 ss:$0x1] =	vst.idx.msk $0xffff, v22;
	v19 =	vld.idx.msk [tilespmem:v19+s14+$0x0], $0xffff  }
0x2d6: {  	v33 =	vadd.s32 $0x6DB, v14;
	[tilespmem:v10+s30+$0x0 ss:$0x1] =	vst.idx.msk $0xffff, v27;
	v27 =	vld.idx.msk [tilespmem:v56+s14+$0x0], $0xffff  }
0x2d7: {  	v63 =	vadd.s32 $0x6DB, v17;
	[tilespmem:v12+s31+$0xC060 ss:$0x1] =	vst.idx.msk $0xffff, v21;
	v24 =	vld.idx.msk [tilespmem:v24+s14+$0x0], $0xffff  }
0x2d8: {  	v40 =	vadd.s32 $0x71C, v13;
	v22 =	vld.idx.msk [tilespmem:v62+s14+$0x0], $0xffff;
	[tilespmem:v12+s30+$0x1070 ss:$0x1] =	vst.idx.msk $0xffff, v26  }
0x2d9: {  	v36 =	vadd.s32 $0x71C, v16;
	v21 =	vld.idx.msk [tilespmem:v61+s14+$0x0], $0xffff;
	[tilespmem:s0+$0x2060] =	vst v23  }
0x2da: {  	v35 =	vadd.s32 $0x71C, v15;
	[tilespmem:v12+s30+$0xC010 ss:$0x1] =	vst.idx.msk $0xffff, v19;
	v19 =	vld.idx.msk [tilespmem:v32+s14+$0x0], $0xffff  }
0x2db: {  	v38 =	vadd.s32 $0x71C, v18;
	v20 =	vld.idx.msk [tilespmem:v33+s14+$0x0], $0xffff;
	[tilespmem:s0+$0x2040] =	vst v27  }
0x2dc: {  	v39 =	vadd.s32 $0x71C, v14;
	[tilespmem:v11+s30+$0x0 ss:$0x1] =	vst.idx.msk $0xffff, v24;
	v24 =	vld.idx.msk [tilespmem:v63+s14+$0x0], $0xffff  }
0x2dd: {  	v37 =	vadd.s32 $0x71C, v17;
	[tilespmem:v12+s30+$0x1030 ss:$0x1] =	vst.idx.msk $0xffff, v22;
	v22 =	vld.idx.msk [tilespmem:v40+s14+$0x0], $0xffff  }
0x2de: {  	v46 =	vadd.s32 $0x75D, v13;
	v28 =	vld.idx.msk [tilespmem:v36+s14+$0x0], $0xffff;
	[tilespmem:v12+s30+$0x1020 ss:$0x1] =	vst.idx.msk $0xffff, v21  }
0x2df: {  	v42 =	vadd.s32 $0x75D, v16;
	v27 =	vld.idx.msk [tilespmem:v35+s14+$0x0], $0xffff;
	[tilespmem:v12+s30+$0x1050 ss:$0x1] =	vst.idx.msk $0xffff, v19  }
0x2e0: {  	v41 =	vadd.s32 $0x75D, v15;
	[tilespmem:v12+s30+$0x1060 ss:$0x1] =	vst.idx.msk $0xffff, v20;
	v25 =	vld.idx.msk [tilespmem:v38+s14+$0x0], $0xffff  }
0x2e1: {  	v44 =	vadd.s32 $0x75D, v18;
	v21 =	vld.idx.msk [tilespmem:v39+s14+$0x0], $0xffff;
	[tilespmem:v12+s30+$0x1040 ss:$0x1] =	vst.idx.msk $0xffff, v24  }
0x2e2: {  	v45 =	vadd.s32 $0x75D, v14;
	[tilespmem:v12+s30+$0x2070 ss:$0x1] =	vst.idx.msk $0xffff, v22;
	v23 =	vld.idx.msk [tilespmem:v37+s14+$0x0], $0xffff  }
0x2e3: {  	v43 =	vadd.s32 $0x75D, v17;
	[tilespmem:v12+s30+$0x2030 ss:$0x1] =	vst.idx.msk $0xffff, v28;
	v28 =	vld.idx.msk [tilespmem:v46+s14+$0x0], $0xffff  }
0x2e4: {  	v52 =	vadd.s32 $0x79E, v13;
	v19 =	vld.idx.msk [tilespmem:v42+s14+$0x0], $0xffff;
	[tilespmem:v12+s30+$0x2020 ss:$0x1] =	vst.idx.msk $0xffff, v27  }
0x2e5: {  	v48 =	vadd.s32 $0x79E, v16;
	v24 =	vld.idx.msk [tilespmem:v41+s14+$0x0], $0xffff;
	[tilespmem:v12+s30+$0x2050 ss:$0x1] =	vst.idx.msk $0xffff, v25  }
0x2e6: {  	v47 =	vadd.s32 $0x79E, v15;
	[tilespmem:v12+s30+$0x2060 ss:$0x1] =	vst.idx.msk $0xffff, v21;
	v26 =	vld.idx.msk [tilespmem:v44+s14+$0x0], $0xffff  }
0x2e7: {  	v50 =	vadd.s32 $0x79E, v18;
	v27 =	vld.idx.msk [tilespmem:v45+s14+$0x0], $0xffff;
	[tilespmem:v12+s30+$0x2040 ss:$0x1] =	vst.idx.msk $0xffff, v23  }
0x2e8: {  	v51 =	vadd.s32 $0x79E, v14;
	[tilespmem:v12+s30+$0x3070 ss:$0x1] =	vst.idx.msk $0xffff, v28;
	v20 =	vld.idx.msk [tilespmem:v43+s14+$0x0], $0xffff  }
0x2e9: {  	v49 =	vadd.s32 $0x79E, v17;
	[tilespmem:v12+s30+$0x3030 ss:$0x1] =	vst.idx.msk $0xffff, v19;
	v19 =	vld.idx.msk [tilespmem:v52+s14+$0x0], $0xffff  }
0x2ea: {  	v58 =	vadd.s32 $0x7DF, v13;
	v25 =	vld.idx.msk [tilespmem:v48+s14+$0x0], $0xffff;
	[tilespmem:v12+s30+$0x3020 ss:$0x1] =	vst.idx.msk $0xffff, v24  }
0x2eb: {  	v54 =	vadd.s32 $0x7DF, v16;
	v23 =	vld.idx.msk [tilespmem:v47+s14+$0x0], $0xffff;
	[tilespmem:v12+s30+$0x3050 ss:$0x1] =	vst.idx.msk $0xffff, v26  }
0x2ec: {  	v53 =	vadd.s32 $0x7DF, v15;
	[tilespmem:v12+s30+$0x3060 ss:$0x1] =	vst.idx.msk $0xffff, v27;
	v22 =	vld.idx.msk [tilespmem:v50+s14+$0x0], $0xffff  }
0x2ed: {  	v56 =	vadd.s32 $0x7DF, v18;
	v24 =	vld.idx.msk [tilespmem:v51+s14+$0x0], $0xffff;
	[tilespmem:v12+s30+$0x3040 ss:$0x1] =	vst.idx.msk $0xffff, v20  }
0x2ee: {  	v57 =	vadd.s32 $0x7DF, v14;
	[tilespmem:v12+s30+$0x4070 ss:$0x1] =	vst.idx.msk $0xffff, v19;
	v21 =	vld.idx.msk [tilespmem:v49+s14+$0x0], $0xffff  }
0x2ef: {  	v55 =	vadd.s32 $0x7DF, v17;
	[tilespmem:v12+s30+$0x4030 ss:$0x1] =	vst.idx.msk $0xffff, v25;
	v25 =	vld.idx.msk [tilespmem:v58+s14+$0x0], $0xffff  }
0x2f0: {  	v32 =	vadd.s32 $0x820, v13;
	v26 =	vld.idx.msk [tilespmem:v54+s14+$0x0], $0xffff;
	[tilespmem:v12+s30+$0x4020 ss:$0x1] =	vst.idx.msk $0xffff, v23  }
0x2f1: {  	v60 =	vadd.s32 $0x820, v16;
	v20 =	vld.idx.msk [tilespmem:v53+s14+$0x0], $0xffff;
	[tilespmem:v12+s30+$0x4050 ss:$0x1] =	vst.idx.msk $0xffff, v22  }
0x2f2: {  	v59 =	vadd.s32 $0x820, v15;
	[tilespmem:v12+s30+$0x4060 ss:$0x1] =	vst.idx.msk $0xffff, v24;
	v28 =	vld.idx.msk [tilespmem:v56+s14+$0x0], $0xffff  }
0x2f3: {  	v62 =	vadd.s32 $0x820, v18;
	v23 =	vld.idx.msk [tilespmem:v57+s14+$0x0], $0xffff;
	[tilespmem:v12+s30+$0x4040 ss:$0x1] =	vst.idx.msk $0xffff, v21  }
0x2f4: {  	v63 =	vadd.s32 $0x820, v14;
	[tilespmem:v12+s30+$0x5070 ss:$0x1] =	vst.idx.msk $0xffff, v25;
	v27 =	vld.idx.msk [tilespmem:v55+s14+$0x0], $0xffff  }
0x2f5: {  	v61 =	vadd.s32 $0x820, v17;
	[tilespmem:v12+s30+$0x5030 ss:$0x1] =	vst.idx.msk $0xffff, v26;
	v26 =	vld.idx.msk [tilespmem:v32+s14+$0x0], $0xffff  }
0x2f6: {  	v38 =	vadd.s32 $0x861, v13;
	v22 =	vld.idx.msk [tilespmem:v60+s14+$0x0], $0xffff;
	[tilespmem:v12+s30+$0x5020 ss:$0x1] =	vst.idx.msk $0xffff, v20  }
0x2f7: {  	v34 =	vadd.s32 $0x861, v16;
	v21 =	vld.idx.msk [tilespmem:v59+s14+$0x0], $0xffff;
	[tilespmem:v12+s30+$0x5050 ss:$0x1] =	vst.idx.msk $0xffff, v28  }
0x2f8: {  	v33 =	vadd.s32 $0x861, v15;
	[tilespmem:v12+s30+$0x5060 ss:$0x1] =	vst.idx.msk $0xffff, v23;
	v19 =	vld.idx.msk [tilespmem:v62+s14+$0x0], $0xffff  }
0x2f9: {  	v36 =	vadd.s32 $0x861, v18;
	v20 =	vld.idx.msk [tilespmem:v63+s14+$0x0], $0xffff;
	[tilespmem:v12+s30+$0x5040 ss:$0x1] =	vst.idx.msk $0xffff, v27  }
0x2fa: {  	v37 =	vadd.s32 $0x861, v14;
	[tilespmem:v12+s30+$0x6070 ss:$0x1] =	vst.idx.msk $0xffff, v26;
	v24 =	vld.idx.msk [tilespmem:v61+s14+$0x0], $0xffff  }
0x2fb: {  	v35 =	vadd.s32 $0x861, v17;
	[tilespmem:v12+s30+$0x6030 ss:$0x1] =	vst.idx.msk $0xffff, v22;
	v22 =	vld.idx.msk [tilespmem:v38+s14+$0x0], $0xffff  }
0x2fc: {  	v44 =	vadd.s32 $0x8A2, v13;
	v28 =	vld.idx.msk [tilespmem:v34+s14+$0x0], $0xffff;
	[tilespmem:v12+s30+$0x6020 ss:$0x1] =	vst.idx.msk $0xffff, v21  }
0x2fd: {  	v40 =	vadd.s32 $0x8A2, v16;
	v27 =	vld.idx.msk [tilespmem:v33+s14+$0x0], $0xffff;
	[tilespmem:v12+s30+$0x6050 ss:$0x1] =	vst.idx.msk $0xffff, v19  }
0x2fe: {  	v39 =	vadd.s32 $0x8A2, v15;
	[tilespmem:v12+s30+$0x6060 ss:$0x1] =	vst.idx.msk $0xffff, v20;
	v25 =	vld.idx.msk [tilespmem:v36+s14+$0x0], $0xffff  }
0x2ff: {  	v42 =	vadd.s32 $0x8A2, v18;
	v21 =	vld.idx.msk [tilespmem:v37+s14+$0x0], $0xffff;
	[tilespmem:v12+s30+$0x6040 ss:$0x1] =	vst.idx.msk $0xffff, v24  }
0x300: {  	v43 =	vadd.s32 $0x8A2, v14;
	[tilespmem:v12+s30+$0x7070 ss:$0x1] =	vst.idx.msk $0xffff, v22;
	v23 =	vld.idx.msk [tilespmem:v35+s14+$0x0], $0xffff  }
0x301: {  	v41 =	vadd.s32 $0x8A2, v17;
	[tilespmem:v12+s30+$0x7030 ss:$0x1] =	vst.idx.msk $0xffff, v28;
	v28 =	vld.idx.msk [tilespmem:v44+s14+$0x0], $0xffff  }
0x302: {  	v50 =	vadd.s32 $0x8E3, v13;
	v19 =	vld.idx.msk [tilespmem:v40+s14+$0x0], $0xffff;
	[tilespmem:v12+s30+$0x7020 ss:$0x1] =	vst.idx.msk $0xffff, v27  }
0x303: {  	v46 =	vadd.s32 $0x8E3, v16;
	v24 =	vld.idx.msk [tilespmem:v39+s14+$0x0], $0xffff;
	[tilespmem:v12+s30+$0x7050 ss:$0x1] =	vst.idx.msk $0xffff, v25  }
0x304: {  	v45 =	vadd.s32 $0x8E3, v15;
	[tilespmem:v12+s30+$0x7060 ss:$0x1] =	vst.idx.msk $0xffff, v21;
	v26 =	vld.idx.msk [tilespmem:v42+s14+$0x0], $0xffff  }
0x305: {  	v48 =	vadd.s32 $0x8E3, v18;
	v27 =	vld.idx.msk [tilespmem:v43+s14+$0x0], $0xffff;
	[tilespmem:v12+s30+$0x7040 ss:$0x1] =	vst.idx.msk $0xffff, v23  }
0x306: {  	v49 =	vadd.s32 $0x8E3, v14;
	[tilespmem:v12+s30+$0x8070 ss:$0x1] =	vst.idx.msk $0xffff, v28;
	v20 =	vld.idx.msk [tilespmem:v41+s14+$0x0], $0xffff  }
0x307: {  	v47 =	vadd.s32 $0x8E3, v17;
	[tilespmem:v12+s30+$0x8030 ss:$0x1] =	vst.idx.msk $0xffff, v19;
	v19 =	vld.idx.msk [tilespmem:v50+s14+$0x0], $0xffff  }
0x308: {  	v56 =	vadd.s32 $0x924, v13;
	v25 =	vld.idx.msk [tilespmem:v46+s14+$0x0], $0xffff;
	[tilespmem:v12+s30+$0x8020 ss:$0x1] =	vst.idx.msk $0xffff, v24  }
0x309: {  	v52 =	vadd.s32 $0x924, v16;
	v23 =	vld.idx.msk [tilespmem:v45+s14+$0x0], $0xffff;
	[tilespmem:v12+s30+$0x8050 ss:$0x1] =	vst.idx.msk $0xffff, v26  }
0x30a: {  	v51 =	vadd.s32 $0x924, v15;
	[tilespmem:v12+s30+$0x8060 ss:$0x1] =	vst.idx.msk $0xffff, v27;
	v22 =	vld.idx.msk [tilespmem:v48+s14+$0x0], $0xffff  }
0x30b: {  	v54 =	vadd.s32 $0x924, v18;
	v24 =	vld.idx.msk [tilespmem:v49+s14+$0x0], $0xffff;
	[tilespmem:v12+s30+$0x8040 ss:$0x1] =	vst.idx.msk $0xffff, v20  }
0x30c: {  	v55 =	vadd.s32 $0x924, v14;
	[tilespmem:v12+s30+$0x9070 ss:$0x1] =	vst.idx.msk $0xffff, v19;
	v21 =	vld.idx.msk [tilespmem:v47+s14+$0x0], $0xffff  }
0x30d: {  	v53 =	vadd.s32 $0x924, v17;
	[tilespmem:v12+s30+$0x9030 ss:$0x1] =	vst.idx.msk $0xffff, v25;
	v25 =	vld.idx.msk [tilespmem:v56+s14+$0x0], $0xffff  }
0x30e: {  	v62 =	vadd.s32 $0x965, v13;
	v26 =	vld.idx.msk [tilespmem:v52+s14+$0x0], $0xffff;
	[tilespmem:v12+s30+$0x9020 ss:$0x1] =	vst.idx.msk $0xffff, v23  }
0x30f: {  	v58 =	vadd.s32 $0x965, v16;
	v20 =	vld.idx.msk [tilespmem:v51+s14+$0x0], $0xffff;
	[tilespmem:v12+s30+$0x9050 ss:$0x1] =	vst.idx.msk $0xffff, v22  }
0x310: {  	v57 =	vadd.s32 $0x965, v15;
	[tilespmem:v12+s30+$0x9060 ss:$0x1] =	vst.idx.msk $0xffff, v24;
	v28 =	vld.idx.msk [tilespmem:v54+s14+$0x0], $0xffff  }
0x311: {  	v60 =	vadd.s32 $0x965, v18;
	v23 =	vld.idx.msk [tilespmem:v55+s14+$0x0], $0xffff;
	[tilespmem:v12+s30+$0x9040 ss:$0x1] =	vst.idx.msk $0xffff, v21  }
0x312: {  	v61 =	vadd.s32 $0x965, v14;
	[tilespmem:v12+s30+$0xA070 ss:$0x1] =	vst.idx.msk $0xffff, v25;
	v27 =	vld.idx.msk [tilespmem:v53+s14+$0x0], $0xffff  }
0x313: {  	v59 =	vadd.s32 $0x965, v17;
	[tilespmem:v12+s30+$0xA030 ss:$0x1] =	vst.idx.msk $0xffff, v26;
	v63 =	vld.idx.msk [tilespmem:v62+s14+$0x0], $0xffff  }
0x314: {  	v13 =	vadd.s32 $0x9A6, v13;
	v22 =	vld.idx.msk [tilespmem:v58+s14+$0x0], $0xffff;
	[tilespmem:v12+s30+$0xA020 ss:$0x1] =	vst.idx.msk $0xffff, v20  }
0x315: {  	v16 =	vadd.s32 $0x9A6, v16;
	v21 =	vld.idx.msk [tilespmem:v57+s14+$0x0], $0xffff;
	[tilespmem:v12+s30+$0xA050 ss:$0x1] =	vst.idx.msk $0xffff, v28  }
0x316: {  	v15 =	vadd.s32 $0x9A6, v15;
	[tilespmem:v12+s30+$0xA060 ss:$0x1] =	vst.idx.msk $0xffff, v23;
	v19 =	vld.idx.msk [tilespmem:v60+s14+$0x0], $0xffff  }
0x317: {  	v18 =	vadd.s32 $0x9A6, v18;
	v20 =	vld.idx.msk [tilespmem:v61+s14+$0x0], $0xffff;
	[tilespmem:v12+s30+$0xA040 ss:$0x1] =	vst.idx.msk $0xffff, v27  }
0x318: {  	v14 =	vadd.s32 $0x9A6, v14;
	[tilespmem:v12+s30+$0xB070 ss:$0x1] =	vst.idx.msk $0xffff, v63;
	v24 =	vld.idx.msk [tilespmem:v59+s14+$0x0], $0xffff  }
0x319: {  	v17 =	vadd.s32 $0x9A6, v17;
	[tilespmem:v12+s30+$0xB030 ss:$0x1] =	vst.idx.msk $0xffff, v22;
	v13 =	vld.idx.msk [tilespmem:v13+s14+$0x0], $0xffff  }
0x31a: {  	v16 =	vld.idx.msk [tilespmem:v16+s14+$0x0], $0xffff;
	[tilespmem:v12+s30+$0xB020 ss:$0x1] =	vst.idx.msk $0xffff, v21  }
0x31b: {  	v15 =	vld.idx.msk [tilespmem:v15+s14+$0x0], $0xffff;
	[tilespmem:v12+s30+$0xB050 ss:$0x1] =	vst.idx.msk $0xffff, v19  }
0x31c: {  	[tilespmem:v12+s30+$0xB060 ss:$0x1] =	vst.idx.msk $0xffff, v20;
	v18 =	vld.idx.msk [tilespmem:v18+s14+$0x0], $0xffff  }
0x31d: {  	v14 =	vld.idx.msk [tilespmem:v14+s14+$0x0], $0xffff;
	[tilespmem:v12+s30+$0xB040 ss:$0x1] =	vst.idx.msk $0xffff, v24  }
0x31e: {  	p1 =	por p0, p0;
	[tilespmem:v12+s30+$0xC070 ss:$0x1] =	vst.idx.msk $0xffff, v13;
	v17 =	vld.idx.msk [tilespmem:v17+s14+$0x0], $0xffff  }
.Ltmp4:
0x31f: {  	[tilespmem:v12+s30+$0xC030 ss:$0x1] =	vst.idx.msk $0xffff, v16;
	(pc) =	sbr.rel @p1 .LBB2_11-.Ltmp4, $4  }
0x320: {  	[tilespmem:v12+s30+$0xC020 ss:$0x1] =	vst.idx.msk $0xffff, v15  }
0x321: {  	[tilespmem:v12+s30+$0xC050 ss:$0x1] =	vst.idx.msk $0xffff, v18  }
0x322: {  	[tilespmem:v12+s30+$0xC060 ss:$0x1] =	vst.idx.msk $0xffff, v14  }
0x323: {  	p0 =	por $0x0, $0x0;
	s31 =	simm.s32 $0x800;
	[tilespmem:v12+s30+$0xC040 ss:$0x1] =	vst.idx.msk $0xffff, v17  }
0x324: {  	s28 =	sadd.s32 $0x1, s28  }
0x325: {  	p0 =	sne.s32 s28, $0x8  }
.Ltmp5:
0x326: {  	_ = 	snop;
	(pc) =	sbr.rel @p0 .LBB2_10-.Ltmp5, $1  }
0x327: {  	_ =	sdelay $0x3  }
0x328: {  	[hbm4b:s9+s15] =	stream.strided.scatter [tilespmem:s20], [sflag:$0x1], $0xD000, s19, s15, $0x38;
	[tilespmem:$0x1E280] =	vst v63  }
0x329: {  	_ =	swait.ge [sflag:s18], $0xD000  }
0x32a: {  	[sflag:s18] =	ssyncset.done $0x0  }
0x32b: {  	s28 =	simm.s32 $0x0;
	[sflag:s18] =	ssyncadd.s32 $0xFFFF3000  }
.LBB2_14:
0x32c: {  	s29 =	sshll.u32 s28, $0x7  }
0x32d: {  	s0 =	sadd.s32 $0x10000, s29  }
0x32e: {  	s1 =	sadd.s32 $0x11000, s29;
	s21 =	sadd.s32 $0x12000, s29;
	s24 =	sadd.s32 $0x13000, s29;
	v0 =	vmov s0  }
0x32f: {  	s30 =	sadd.s32 $0x15000, s29;
	s31 =	sadd.s32 $0x16000, s29;
	s0 =	sadd.s32 $0x14000, s29;
	v1 =	vmov s1;
	v2 =	vmov s21;
	v3 =	vmov s24  }
0x330: {  	s1 =	sadd.s32 $0x17000, s29;
	s21 =	sadd.s32 $0x18000, s29;
	s24 =	sadd.s32 $0x19000, s29;
	v5 =	vmov s30;
	v6 =	vmov s31;
	v4 =	vmov s0  }
0x331: {  	s30 =	sadd.s32 $0x1A000, s29;
	s31 =	sadd.s32 $0x1B000, s29;
	s0 =	sadd.s32 $0xF000, s29;
	v7 =	vmov s1;
	v8 =	vmov s21;
	v9 =	vmov s24  }
0x332: {  	p0 =	por $0x1, $0x1;
	v10 =	vmov s30;
	v11 =	vmov s31;
	s31 =	simm.s32 $0x0;
	v12 =	vmov s0  }
.LBB2_15:
0x333: {  	s1 =	sor.u32 s29, s31  }
0x334: {  	v27 =	vld [tilespmem:s1+$0x0];
	s0 =	sor.u32 $0x10, s1  }
0x335: {  	s21 =	sor.u32 $0x30, s1;
	v28 =	vld [tilespmem:s0+$0x0]  }
0x336: {  	s30 =	sor.u32 $0x20, s1;
	v25 =	vld [tilespmem:s21+$0x0]  }
0x337: {  	v26 =	vld [tilespmem:s30+$0x0];
	_ =	sdelay $0x1  }
0x338: {  	v13 =	vadd.s32 $0x9E7, v27  }
0x339: {  	v14 =	vadd.s32 $0x9E7, v28  }
0x33a: {  	v16 =	vadd.s32 $0x9E7, v25  }
0x33b: {  	v15 =	vadd.s32 $0x9E7, v26;
	_ =	sdelay $0x1  }
0x33c: {  	v13 =	vld.idx.msk [tilespmem:v13+s14+$0x0], $0xffff  }
0x33d: {  	v17 =	vadd.s32 $0xA28, v27;
	v14 =	vld.idx.msk [tilespmem:v14+s14+$0x0], $0xffff  }
0x33e: {  	v18 =	vadd.s32 $0xA28, v28;
	v16 =	vld.idx.msk [tilespmem:v16+s14+$0x0], $0xffff  }
0x33f: {  	v20 =	vadd.s32 $0xA28, v25;
	v15 =	vld.idx.msk [tilespmem:v15+s14+$0x0], $0xffff  }
0x340: {  	v19 =	vadd.s32 $0xA28, v26  }
0x341: {  	[tilespmem:s1+$0xF000] =	vst v13  }
0x342: {  	v13 =	vld.idx.msk [tilespmem:v17+s14+$0x0], $0xffff;
	[tilespmem:s1+$0xF010] =	vst v14  }
0x343: {  	v14 =	vadd.s32 $0xA69, v27;
	[tilespmem:s1+$0xF030] =	vst v16;
	v31 =	vld.idx.msk [tilespmem:v18+s14+$0x0], $0xffff  }
0x344: {  	[tilespmem:s1+$0xF020] =	vst v15;
	v15 =	vadd.s32 $0xA69, v28;
	v34 =	vld.idx.msk [tilespmem:v20+s14+$0x0], $0xffff  }
0x345: {  	v35 =	vadd.s32 $0xA69, v25;
	v32 =	vld.idx.msk [tilespmem:v19+s14+$0x0], $0xffff  }
0x346: {  	v33 =	vadd.s32 $0xA69, v26  }
0x347: {  	[tilespmem:v0+s31+$0x0 ss:$0x1] =	vst.idx.msk $0xffff, v13  }
0x348: {  	v13 =	vld.idx.msk [tilespmem:v14+s14+$0x0], $0xffff;
	[tilespmem:v12+s31+$0x1010 ss:$0x1] =	vst.idx.msk $0xffff, v31  }
0x349: {  	v14 =	vadd.s32 $0xAAA, v27;
	[tilespmem:v12+s31+$0x1030 ss:$0x1] =	vst.idx.msk $0xffff, v34;
	v15 =	vld.idx.msk [tilespmem:v15+s14+$0x0], $0xffff  }
0x34a: {  	v36 =	vadd.s32 $0xAAA, v28;
	[tilespmem:v12+s31+$0x1020 ss:$0x1] =	vst.idx.msk $0xffff, v32;
	v19 =	vld.idx.msk [tilespmem:v35+s14+$0x0], $0xffff  }
0x34b: {  	v38 =	vadd.s32 $0xAAA, v25;
	v16 =	vld.idx.msk [tilespmem:v33+s14+$0x0], $0xffff  }
0x34c: {  	v37 =	vadd.s32 $0xAAA, v26  }
0x34d: {  	[tilespmem:v1+s31+$0x0 ss:$0x1] =	vst.idx.msk $0xffff, v13  }
0x34e: {  	v13 =	vld.idx.msk [tilespmem:v14+s14+$0x0], $0xffff;
	[tilespmem:v12+s31+$0x2010 ss:$0x1] =	vst.idx.msk $0xffff, v15  }
0x34f: {  	v14 =	vadd.s32 $0xAEB, v27;
	[tilespmem:v12+s31+$0x2030 ss:$0x1] =	vst.idx.msk $0xffff, v19;
	v15 =	vld.idx.msk [tilespmem:v36+s14+$0x0], $0xffff  }
0x350: {  	v39 =	vadd.s32 $0xAEB, v28;
	[tilespmem:v12+s31+$0x2020 ss:$0x1] =	vst.idx.msk $0xffff, v16;
	v19 =	vld.idx.msk [tilespmem:v38+s14+$0x0], $0xffff  }
0x351: {  	v42 =	vadd.s32 $0xAEB, v25;
	v40 =	vld.idx.msk [tilespmem:v37+s14+$0x0], $0xffff  }
0x352: {  	v41 =	vadd.s32 $0xAEB, v26  }
0x353: {  	[tilespmem:v2+s31+$0x0 ss:$0x1] =	vst.idx.msk $0xffff, v13  }
0x354: {  	v13 =	vld.idx.msk [tilespmem:v14+s14+$0x0], $0xffff;
	[tilespmem:v12+s31+$0x3010 ss:$0x1] =	vst.idx.msk $0xffff, v15  }
0x355: {  	v14 =	vadd.s32 $0xB2C, v27;
	[tilespmem:v12+s31+$0x3030 ss:$0x1] =	vst.idx.msk $0xffff, v19;
	v15 =	vld.idx.msk [tilespmem:v39+s14+$0x0], $0xffff  }
0x356: {  	v43 =	vadd.s32 $0xB2C, v28;
	[tilespmem:v12+s31+$0x3020 ss:$0x1] =	vst.idx.msk $0xffff, v40;
	v19 =	vld.idx.msk [tilespmem:v42+s14+$0x0], $0xffff  }
0x357: {  	v45 =	vadd.s32 $0xB2C, v25;
	v17 =	vld.idx.msk [tilespmem:v41+s14+$0x0], $0xffff  }
0x358: {  	v44 =	vadd.s32 $0xB2C, v26  }
0x359: {  	[tilespmem:v3+s31+$0x0 ss:$0x1] =	vst.idx.msk $0xffff, v13  }
0x35a: {  	v13 =	vld.idx.msk [tilespmem:v14+s14+$0x0], $0xffff;
	[tilespmem:v12+s31+$0x4010 ss:$0x1] =	vst.idx.msk $0xffff, v15  }
0x35b: {  	v14 =	vadd.s32 $0xB6D, v27;
	[tilespmem:v12+s31+$0x4030 ss:$0x1] =	vst.idx.msk $0xffff, v19;
	v15 =	vld.idx.msk [tilespmem:v43+s14+$0x0], $0xffff  }
0x35c: {  	v46 =	vadd.s32 $0xB6D, v28;
	[tilespmem:v12+s31+$0x4020 ss:$0x1] =	vst.idx.msk $0xffff, v17;
	v19 =	vld.idx.msk [tilespmem:v45+s14+$0x0], $0xffff  }
0x35d: {  	v48 =	vadd.s32 $0xB6D, v25;
	v17 =	vld.idx.msk [tilespmem:v44+s14+$0x0], $0xffff  }
0x35e: {  	v47 =	vadd.s32 $0xB6D, v26  }
0x35f: {  	[tilespmem:v4+s31+$0x0 ss:$0x1] =	vst.idx.msk $0xffff, v13  }
0x360: {  	v13 =	vld.idx.msk [tilespmem:v14+s14+$0x0], $0xffff;
	[tilespmem:v12+s31+$0x5010 ss:$0x1] =	vst.idx.msk $0xffff, v15  }
0x361: {  	v14 =	vadd.s32 $0xBAE, v27;
	[tilespmem:v12+s31+$0x5030 ss:$0x1] =	vst.idx.msk $0xffff, v19;
	v15 =	vld.idx.msk [tilespmem:v46+s14+$0x0], $0xffff  }
0x362: {  	v49 =	vadd.s32 $0xBAE, v28;
	[tilespmem:v12+s31+$0x5020 ss:$0x1] =	vst.idx.msk $0xffff, v17;
	v19 =	vld.idx.msk [tilespmem:v48+s14+$0x0], $0xffff  }
0x363: {  	v51 =	vadd.s32 $0xBAE, v25;
	v17 =	vld.idx.msk [tilespmem:v47+s14+$0x0], $0xffff  }
0x364: {  	v50 =	vadd.s32 $0xBAE, v26  }
0x365: {  	[tilespmem:v5+s31+$0x0 ss:$0x1] =	vst.idx.msk $0xffff, v13  }
0x366: {  	v13 =	vld.idx.msk [tilespmem:v14+s14+$0x0], $0xffff;
	[tilespmem:v12+s31+$0x6010 ss:$0x1] =	vst.idx.msk $0xffff, v15  }
0x367: {  	v14 =	vadd.s32 $0xBEF, v27;
	[tilespmem:v12+s31+$0x6030 ss:$0x1] =	vst.idx.msk $0xffff, v19;
	v15 =	vld.idx.msk [tilespmem:v49+s14+$0x0], $0xffff  }
0x368: {  	v52 =	vadd.s32 $0xBEF, v28;
	[tilespmem:v12+s31+$0x6020 ss:$0x1] =	vst.idx.msk $0xffff, v17;
	v19 =	vld.idx.msk [tilespmem:v51+s14+$0x0], $0xffff  }
0x369: {  	v54 =	vadd.s32 $0xBEF, v25;
	v17 =	vld.idx.msk [tilespmem:v50+s14+$0x0], $0xffff  }
0x36a: {  	s21 =	sor.u32 $0x60, s1;
	v53 =	vadd.s32 $0xBEF, v26  }
0x36b: {  	v21 =	vld [tilespmem:s21+$0x0];
	[tilespmem:v6+s31+$0x0 ss:$0x1] =	vst.idx.msk $0xffff, v13  }
0x36c: {  	v13 =	vld.idx.msk [tilespmem:v14+s14+$0x0], $0xffff;
	[tilespmem:v12+s31+$0x7010 ss:$0x1] =	vst.idx.msk $0xffff, v15  }
0x36d: {  	v14 =	vadd.s32 $0xC30, v27;
	[tilespmem:v12+s31+$0x7030 ss:$0x1] =	vst.idx.msk $0xffff, v19;
	v15 =	vld.idx.msk [tilespmem:v52+s14+$0x0], $0xffff  }
0x36e: {  	v55 =	vadd.s32 $0xC30, v28;
	[tilespmem:v12+s31+$0x7020 ss:$0x1] =	vst.idx.msk $0xffff, v17;
	v19 =	vld.idx.msk [tilespmem:v54+s14+$0x0], $0xffff  }
0x36f: {  	s24 =	sor.u32 $0x40, s1;
	v57 =	vadd.s32 $0xC30, v25;
	v17 =	vld.idx.msk [tilespmem:v53+s14+$0x0], $0xffff  }
0x370: {  	v23 =	vld [tilespmem:s24+$0x0];
	s21 =	sor.u32 $0x70, s1;
	v56 =	vadd.s32 $0xC30, v26  }
0x371: {  	v22 =	vld [tilespmem:s21+$0x0];
	[tilespmem:v7+s31+$0x0 ss:$0x1] =	vst.idx.msk $0xffff, v13  }
0x372: {  	v36 =	vadd.s32 $0x9E7, v21;
	v13 =	vld.idx.msk [tilespmem:v14+s14+$0x0], $0xffff;
	[tilespmem:v12+s31+$0x8010 ss:$0x1] =	vst.idx.msk $0xffff, v15  }
0x373: {  	v14 =	vadd.s32 $0xC71, v27;
	[tilespmem:v12+s31+$0x8030 ss:$0x1] =	vst.idx.msk $0xffff, v19;
	v15 =	vld.idx.msk [tilespmem:v55+s14+$0x0], $0xffff  }
0x374: {  	[tilespmem:v12+s31+$0x8020 ss:$0x1] =	vst.idx.msk $0xffff, v17;
	v19 =	vld.idx.msk [tilespmem:v57+s14+$0x0], $0xffff  }
0x375: {  	s30 =	sor.u32 $0x50, s1;
	v58 =	vadd.s32 $0xC71, v28;
	v17 =	vld.idx.msk [tilespmem:v56+s14+$0x0], $0xffff  }
0x376: {  	v59 =	vadd.s32 $0xC71, v26;
	v20 =	vld [tilespmem:s30+$0x0];
	s30 =	sor.u32 $0x400, s31  }
0x377: {  	v60 =	vadd.s32 $0xC71, v25;
	s0 =	sor.u32 s29, s30;
	v36 =	vld.idx.msk [tilespmem:v36+s14+$0x0], $0xffff;
	[tilespmem:v8+s31+$0x0 ss:$0x1] =	vst.idx.msk $0xffff, v13  }
0x378: {  	s24 =	sor.u32 $0x10, s0;
	v24 =	vld.idx.msk [tilespmem:v14+s14+$0x0], $0xffff;
	[tilespmem:v12+s31+$0x9010 ss:$0x1] =	vst.idx.msk $0xffff, v15  }
0x379: {  	[tilespmem:v12+s31+$0x9030 ss:$0x1] =	vst.idx.msk $0xffff, v19;
	v19 =	vld [tilespmem:s24+$0x0]  }
0x37a: {  	[tilespmem:v12+s31+$0x9020 ss:$0x1] =	vst.idx.msk $0xffff, v17;
	v29 =	vld.idx.msk [tilespmem:v58+s14+$0x0], $0xffff  }
0x37b: {  	v30 =	vld.idx.msk [tilespmem:v59+s14+$0x0], $0xffff  }
0x37c: {  	s24 =	sor.u32 $0x20, s0;
	v31 =	vld.idx.msk [tilespmem:v60+s14+$0x0], $0xffff  }
0x37d: {  	v15 =	vld [tilespmem:s24+$0x0];
	s24 =	sor.u32 $0x30, s0  }
0x37e: {  	v16 =	vld [tilespmem:s24+$0x0];
	s24 =	sor.u32 $0x40, s0  }
0x37f: {  	v32 =	vadd.s32 $0xCB2, v27;
	v17 =	vld [tilespmem:s24+$0x0];
	s24 =	sor.u32 $0x50, s0  }
0x380: {  	v61 =	vadd.s32 $0x9E7, v23;
	v18 =	vld [tilespmem:s24+$0x0];
	s24 =	sor.u32 $0x60, s0  }
0x381: {  	v62 =	vadd.s32 $0x9E7, v20;
	v14 =	vld [tilespmem:s24+$0x0]  }
0x382: {  	v63 =	vadd.s32 $0x9E7, v22;
	s24 =	sor.u32 $0x70, s0;
	[tilespmem:v9+s31+$0x0 ss:$0x1] =	vst.idx.msk $0xffff, v24;
	v24 =	vld [tilespmem:s0+$0x0]  }
0x383: {  	v34 =	vadd.s32 $0xCB2, v26;
	v13 =	vld [tilespmem:s24+$0x0]  }
0x384: {  	v33 =	vadd.s32 $0xCB2, v28;
	v32 =	vld.idx.msk [tilespmem:v32+s14+$0x0], $0xffff  }
0x385: {  	v35 =	vadd.s32 $0xCB2, v25;
	[tilespmem:v12+s31+$0xA010 ss:$0x1] =	vst.idx.msk $0xffff, v29;
	v29 =	vld.idx.msk [tilespmem:v61+s14+$0x0], $0xffff  }
0x386: {  	v41 =	vadd.s32 $0xA28, v21;
	[tilespmem:v12+s31+$0xA020 ss:$0x1] =	vst.idx.msk $0xffff, v30;
	v30 =	vld.idx.msk [tilespmem:v62+s14+$0x0], $0xffff  }
0x387: {  	v27 =	vadd.s32 $0xCF3, v27;
	[tilespmem:v12+s31+$0xA030 ss:$0x1] =	vst.idx.msk $0xffff, v31;
	v31 =	vld.idx.msk [tilespmem:v63+s14+$0x0], $0xffff  }
0x388: {  	[tilespmem:s1+$0xF060] =	vst v36;
	v38 =	vadd.s32 $0x9E7, v19;
	v34 =	vld.idx.msk [tilespmem:v34+s14+$0x0], $0xffff  }
0x389: {  	v39 =	vadd.s32 $0xA28, v23;
	v33 =	vld.idx.msk [tilespmem:v33+s14+$0x0], $0xffff;
	[tilespmem:v10+s31+$0x0 ss:$0x1] =	vst.idx.msk $0xffff, v32  }
0x38a: {  	v40 =	vadd.s32 $0xA28, v20;
	v35 =	vld.idx.msk [tilespmem:v35+s14+$0x0], $0xffff;
	[tilespmem:s1+$0xF040] =	vst v29  }
0x38b: {  	v42 =	vadd.s32 $0xA28, v22;
	[tilespmem:s1+$0xF050] =	vst v30;
	v32 =	vld.idx.msk [tilespmem:v41+s14+$0x0], $0xffff  }
0x38c: {  	v26 =	vadd.s32 $0xCF3, v26;
	[tilespmem:s1+$0xF070] =	vst v31;
	v27 =	vld.idx.msk [tilespmem:v27+s14+$0x0], $0xffff  }
0x38d: {  	v28 =	vadd.s32 $0xCF3, v28;
	[tilespmem:v12+s31+$0xB020 ss:$0x1] =	vst.idx.msk $0xffff, v34;
	v34 =	vld.idx.msk [tilespmem:v38+s14+$0x0], $0xffff  }
0x38e: {  	v25 =	vadd.s32 $0xCF3, v25;
	[tilespmem:v12+s31+$0xB010 ss:$0x1] =	vst.idx.msk $0xffff, v33;
	v44 =	vld.idx.msk [tilespmem:v39+s14+$0x0], $0xffff  }
0x38f: {  	v37 =	vadd.s32 $0x9E7, v24;
	[tilespmem:v12+s31+$0xB030 ss:$0x1] =	vst.idx.msk $0xffff, v35;
	v30 =	vld.idx.msk [tilespmem:v40+s14+$0x0], $0xffff  }
0x390: {  	v45 =	vadd.s32 $0xA28, v19;
	v31 =	vld.idx.msk [tilespmem:v42+s14+$0x0], $0xffff;
	[tilespmem:v12+s31+$0x1060 ss:$0x1] =	vst.idx.msk $0xffff, v32  }
0x391: {  	v46 =	vadd.s32 $0xA69, v23;
	v26 =	vld.idx.msk [tilespmem:v26+s14+$0x0], $0xffff;
	[tilespmem:v11+s31+$0x0 ss:$0x1] =	vst.idx.msk $0xffff, v27  }
0x392: {  	v49 =	vadd.s32 $0xA69, v22;
	v28 =	vld.idx.msk [tilespmem:v28+s14+$0x0], $0xffff;
	[tilespmem:s0+$0xF010] =	vst v34  }
0x393: {  	v47 =	vadd.s32 $0xA69, v20;
	v25 =	vld.idx.msk [tilespmem:v25+s14+$0x0], $0xffff;
	[tilespmem:v12+s31+$0x1040 ss:$0x1] =	vst.idx.msk $0xffff, v44  }
0x394: {  	v48 =	vadd.s32 $0xA69, v21;
	v33 =	vld.idx.msk [tilespmem:v37+s14+$0x0], $0xffff;
	[tilespmem:v12+s31+$0x1050 ss:$0x1] =	vst.idx.msk $0xffff, v30  }
0x395: {  	v43 =	vadd.s32 $0xA28, v24;
	[tilespmem:v12+s31+$0x1070 ss:$0x1] =	vst.idx.msk $0xffff, v31;
	v29 =	vld.idx.msk [tilespmem:v45+s14+$0x0], $0xffff  }
0x396: {  	v51 =	vadd.s32 $0xA69, v19;
	[tilespmem:v12+s31+$0xC020 ss:$0x1] =	vst.idx.msk $0xffff, v26;
	v26 =	vld.idx.msk [tilespmem:v46+s14+$0x0], $0xffff  }
0x397: {  	v52 =	vadd.s32 $0xAAA, v23;
	[tilespmem:v12+s31+$0xC010 ss:$0x1] =	vst.idx.msk $0xffff, v28;
	v34 =	vld.idx.msk [tilespmem:v49+s14+$0x0], $0xffff  }
0x398: {  	v55 =	vadd.s32 $0xAAA, v22;
	[tilespmem:v12+s31+$0xC030 ss:$0x1] =	vst.idx.msk $0xffff, v25;
	v25 =	vld.idx.msk [tilespmem:v47+s14+$0x0], $0xffff  }
0x399: {  	v53 =	vadd.s32 $0xAAA, v20;
	[tilespmem:s0+$0xF000] =	vst v33;
	v33 =	vld.idx.msk [tilespmem:v48+s14+$0x0], $0xffff  }
0x39a: {  	v54 =	vadd.s32 $0xAAA, v21;
	v27 =	vld.idx.msk [tilespmem:v43+s14+$0x0], $0xffff;
	[tilespmem:v12+s30+$0x1010 ss:$0x1] =	vst.idx.msk $0xffff, v29  }
0x39b: {  	v50 =	vadd.s32 $0xA69, v24;
	[tilespmem:v12+s31+$0x2040 ss:$0x1] =	vst.idx.msk $0xffff, v26;
	v30 =	vld.idx.msk [tilespmem:v51+s14+$0x0], $0xffff  }
0x39c: {  	v57 =	vadd.s32 $0xAAA, v19;
	[tilespmem:v12+s31+$0x2070 ss:$0x1] =	vst.idx.msk $0xffff, v34;
	v32 =	vld.idx.msk [tilespmem:v52+s14+$0x0], $0xffff  }
0x39d: {  	v58 =	vadd.s32 $0xAEB, v23;
	[tilespmem:v12+s31+$0x2050 ss:$0x1] =	vst.idx.msk $0xffff, v25;
	v29 =	vld.idx.msk [tilespmem:v55+s14+$0x0], $0xffff  }
0x39e: {  	v61 =	vadd.s32 $0xAEB, v22;
	v31 =	vld.idx.msk [tilespmem:v53+s14+$0x0], $0xffff;
	[tilespmem:v12+s31+$0x2060 ss:$0x1] =	vst.idx.msk $0xffff, v33  }
0x39f: {  	v59 =	vadd.s32 $0xAEB, v20;
	[tilespmem:v0+s30+$0x0 ss:$0x1] =	vst.idx.msk $0xffff, v27;
	v27 =	vld.idx.msk [tilespmem:v54+s14+$0x0], $0xffff  }
0x3a0: {  	v60 =	vadd.s32 $0xAEB, v21;
	v28 =	vld.idx.msk [tilespmem:v50+s14+$0x0], $0xffff;
	[tilespmem:v12+s30+$0x2010 ss:$0x1] =	vst.idx.msk $0xffff, v30  }
0x3a1: {  	v56 =	vadd.s32 $0xAAA, v24;
	[tilespmem:v12+s31+$0x3040 ss:$0x1] =	vst.idx.msk $0xffff, v32;
	v25 =	vld.idx.msk [tilespmem:v57+s14+$0x0], $0xffff  }
0x3a2: {  	v63 =	vadd.s32 $0xAEB, v19;
	[tilespmem:v12+s31+$0x3070 ss:$0x1] =	vst.idx.msk $0xffff, v29;
	v33 =	vld.idx.msk [tilespmem:v58+s14+$0x0], $0xffff  }
0x3a3: {  	v36 =	vadd.s32 $0xB2C, v23;
	[tilespmem:v12+s31+$0x3050 ss:$0x1] =	vst.idx.msk $0xffff, v31;
	v30 =	vld.idx.msk [tilespmem:v61+s14+$0x0], $0xffff  }
0x3a4: {  	v39 =	vadd.s32 $0xB2C, v22;
	v34 =	vld.idx.msk [tilespmem:v59+s14+$0x0], $0xffff;
	[tilespmem:v12+s31+$0x3060 ss:$0x1] =	vst.idx.msk $0xffff, v27  }
0x3a5: {  	v37 =	vadd.s32 $0xB2C, v20;
	[tilespmem:v1+s30+$0x0 ss:$0x1] =	vst.idx.msk $0xffff, v28;
	v28 =	vld.idx.msk [tilespmem:v60+s14+$0x0], $0xffff  }
0x3a6: {  	v38 =	vadd.s32 $0xB2C, v21;
	v26 =	vld.idx.msk [tilespmem:v56+s14+$0x0], $0xffff;
	[tilespmem:v12+s30+$0x3010 ss:$0x1] =	vst.idx.msk $0xffff, v25  }
0x3a7: {  	v62 =	vadd.s32 $0xAEB, v24;
	[tilespmem:v12+s31+$0x4040 ss:$0x1] =	vst.idx.msk $0xffff, v33;
	v31 =	vld.idx.msk [tilespmem:v63+s14+$0x0], $0xffff  }
0x3a8: {  	v41 =	vadd.s32 $0xB2C, v19;
	[tilespmem:v12+s31+$0x4070 ss:$0x1] =	vst.idx.msk $0xffff, v30;
	v27 =	vld.idx.msk [tilespmem:v36+s14+$0x0], $0xffff  }
0x3a9: {  	v42 =	vadd.s32 $0xB6D, v23;
	[tilespmem:v12+s31+$0x4050 ss:$0x1] =	vst.idx.msk $0xffff, v34;
	v25 =	vld.idx.msk [tilespmem:v39+s14+$0x0], $0xffff  }
0x3aa: {  	v45 =	vadd.s32 $0xB6D, v22;
	v29 =	vld.idx.msk [tilespmem:v37+s14+$0x0], $0xffff;
	[tilespmem:v12+s31+$0x4060 ss:$0x1] =	vst.idx.msk $0xffff, v28  }
0x3ab: {  	v43 =	vadd.s32 $0xB6D, v20;
	[tilespmem:v2+s30+$0x0 ss:$0x1] =	vst.idx.msk $0xffff, v26;
	v26 =	vld.idx.msk [tilespmem:v38+s14+$0x0], $0xffff  }
0x3ac: {  	v44 =	vadd.s32 $0xB6D, v21;
	v32 =	vld.idx.msk [tilespmem:v62+s14+$0x0], $0xffff;
	[tilespmem:v12+s30+$0x4010 ss:$0x1] =	vst.idx.msk $0xffff, v31  }
0x3ad: {  	v40 =	vadd.s32 $0xB2C, v24;
	[tilespmem:v12+s31+$0x5040 ss:$0x1] =	vst.idx.msk $0xffff, v27;
	v34 =	vld.idx.msk [tilespmem:v41+s14+$0x0], $0xffff  }
0x3ae: {  	v47 =	vadd.s32 $0xB6D, v19;
	[tilespmem:v12+s31+$0x5070 ss:$0x1] =	vst.idx.msk $0xffff, v25;
	v28 =	vld.idx.msk [tilespmem:v42+s14+$0x0], $0xffff  }
0x3af: {  	v48 =	vadd.s32 $0xBAE, v23;
	[tilespmem:v12+s31+$0x5050 ss:$0x1] =	vst.idx.msk $0xffff, v29;
	v31 =	vld.idx.msk [tilespmem:v45+s14+$0x0], $0xffff  }
0x3b0: {  	v51 =	vadd.s32 $0xBAE, v22;
	v30 =	vld.idx.msk [tilespmem:v43+s14+$0x0], $0xffff;
	[tilespmem:v12+s31+$0x5060 ss:$0x1] =	vst.idx.msk $0xffff, v26  }
0x3b1: {  	v49 =	vadd.s32 $0xBAE, v20;
	[tilespmem:v3+s30+$0x0 ss:$0x1] =	vst.idx.msk $0xffff, v32;
	v32 =	vld.idx.msk [tilespmem:v44+s14+$0x0], $0xffff  }
0x3b2: {  	v50 =	vadd.s32 $0xBAE, v21;
	v33 =	vld.idx.msk [tilespmem:v40+s14+$0x0], $0xffff;
	[tilespmem:v12+s30+$0x5010 ss:$0x1] =	vst.idx.msk $0xffff, v34  }
0x3b3: {  	v46 =	vadd.s32 $0xB6D, v24;
	[tilespmem:v12+s31+$0x6040 ss:$0x1] =	vst.idx.msk $0xffff, v28;
	v29 =	vld.idx.msk [tilespmem:v47+s14+$0x0], $0xffff  }
0x3b4: {  	v53 =	vadd.s32 $0xBAE, v19;
	[tilespmem:v12+s31+$0x6070 ss:$0x1] =	vst.idx.msk $0xffff, v31;
	v26 =	vld.idx.msk [tilespmem:v48+s14+$0x0], $0xffff  }
0x3b5: {  	v54 =	vadd.s32 $0xBEF, v23;
	[tilespmem:v12+s31+$0x6050 ss:$0x1] =	vst.idx.msk $0xffff, v30;
	v34 =	vld.idx.msk [tilespmem:v51+s14+$0x0], $0xffff  }
0x3b6: {  	v57 =	vadd.s32 $0xBEF, v22;
	v25 =	vld.idx.msk [tilespmem:v49+s14+$0x0], $0xffff;
	[tilespmem:v12+s31+$0x6060 ss:$0x1] =	vst.idx.msk $0xffff, v32  }
0x3b7: {  	v55 =	vadd.s32 $0xBEF, v20;
	[tilespmem:v4+s30+$0x0 ss:$0x1] =	vst.idx.msk $0xffff, v33;
	v33 =	vld.idx.msk [tilespmem:v50+s14+$0x0], $0xffff  }
0x3b8: {  	v56 =	vadd.s32 $0xBEF, v21;
	v27 =	vld.idx.msk [tilespmem:v46+s14+$0x0], $0xffff;
	[tilespmem:v12+s30+$0x6010 ss:$0x1] =	vst.idx.msk $0xffff, v29  }
0x3b9: {  	v52 =	vadd.s32 $0xBAE, v24;
	[tilespmem:v12+s31+$0x7040 ss:$0x1] =	vst.idx.msk $0xffff, v26;
	v30 =	vld.idx.msk [tilespmem:v53+s14+$0x0], $0xffff  }
0x3ba: {  	v59 =	vadd.s32 $0xBEF, v19;
	[tilespmem:v12+s31+$0x7070 ss:$0x1] =	vst.idx.msk $0xffff, v34;
	v32 =	vld.idx.msk [tilespmem:v54+s14+$0x0], $0xffff  }
0x3bb: {  	v60 =	vadd.s32 $0xC30, v23;
	[tilespmem:v12+s31+$0x7050 ss:$0x1] =	vst.idx.msk $0xffff, v25;
	v29 =	vld.idx.msk [tilespmem:v57+s14+$0x0], $0xffff  }
0x3bc: {  	v63 =	vadd.s32 $0xC30, v22;
	v31 =	vld.idx.msk [tilespmem:v55+s14+$0x0], $0xffff;
	[tilespmem:v12+s31+$0x7060 ss:$0x1] =	vst.idx.msk $0xffff, v33  }
0x3bd: {  	v61 =	vadd.s32 $0xC30, v20;
	[tilespmem:v5+s30+$0x0 ss:$0x1] =	vst.idx.msk $0xffff, v27;
	v27 =	vld.idx.msk [tilespmem:v56+s14+$0x0], $0xffff  }
0x3be: {  	v54 =	vadd.s32 $0x9E7, v15;
	v28 =	vld.idx.msk [tilespmem:v52+s14+$0x0], $0xffff;
	[tilespmem:v12+s30+$0x7010 ss:$0x1] =	vst.idx.msk $0xffff, v30  }
0x3bf: {  	v62 =	vadd.s32 $0xC30, v21;
	[tilespmem:v12+s31+$0x8040 ss:$0x1] =	vst.idx.msk $0xffff, v32;
	v25 =	vld.idx.msk [tilespmem:v59+s14+$0x0], $0xffff  }
0x3c0: {  	v58 =	vadd.s32 $0xBEF, v24;
	[tilespmem:v12+s31+$0x8070 ss:$0x1] =	vst.idx.msk $0xffff, v29;
	v33 =	vld.idx.msk [tilespmem:v60+s14+$0x0], $0xffff  }
0x3c1: {  	v37 =	vadd.s32 $0xC30, v19;
	[tilespmem:v12+s31+$0x8050 ss:$0x1] =	vst.idx.msk $0xffff, v31;
	v30 =	vld.idx.msk [tilespmem:v63+s14+$0x0], $0xffff  }
0x3c2: {  	v41 =	vadd.s32 $0xC71, v22;
	v34 =	vld.idx.msk [tilespmem:v61+s14+$0x0], $0xffff;
	[tilespmem:v12+s31+$0x8060 ss:$0x1] =	vst.idx.msk $0xffff, v27  }
0x3c3: {  	v38 =	vadd.s32 $0xC71, v23;
	v59 =	vld.idx.msk [tilespmem:v54+s14+$0x0], $0xffff;
	[tilespmem:v6+s30+$0x0 ss:$0x1] =	vst.idx.msk $0xffff, v28  }
0x3c4: {  	v39 =	vadd.s32 $0xC71, v20;
	v28 =	vld.idx.msk [tilespmem:v62+s14+$0x0], $0xffff;
	[tilespmem:v12+s30+$0x8010 ss:$0x1] =	vst.idx.msk $0xffff, v25  }
0x3c5: {  	v40 =	vadd.s32 $0xC71, v21;
	v26 =	vld.idx.msk [tilespmem:v58+s14+$0x0], $0xffff;
	[tilespmem:v12+s31+$0x9040 ss:$0x1] =	vst.idx.msk $0xffff, v33  }
0x3c6: {  	v36 =	vadd.s32 $0xC30, v24;
	[tilespmem:v12+s31+$0x9070 ss:$0x1] =	vst.idx.msk $0xffff, v30;
	v31 =	vld.idx.msk [tilespmem:v37+s14+$0x0], $0xffff  }
0x3c7: {  	v60 =	vadd.s32 $0x9E7, v13;
	[tilespmem:v12+s31+$0x9050 ss:$0x1] =	vst.idx.msk $0xffff, v34;
	v25 =	vld.idx.msk [tilespmem:v41+s14+$0x0], $0xffff  }
0x3c8: {  	v43 =	vadd.s32 $0xC71, v19;
	[tilespmem:s0+$0xF020] =	vst v59;
	v27 =	vld.idx.msk [tilespmem:v38+s14+$0x0], $0xffff  }
0x3c9: {  	v44 =	vadd.s32 $0xCB2, v23;
	v29 =	vld.idx.msk [tilespmem:v39+s14+$0x0], $0xffff;
	[tilespmem:v12+s31+$0x9060 ss:$0x1] =	vst.idx.msk $0xffff, v28  }
0x3ca: {  	v45 =	vadd.s32 $0xCB2, v20;
	[tilespmem:v7+s30+$0x0 ss:$0x1] =	vst.idx.msk $0xffff, v26;
	v26 =	vld.idx.msk [tilespmem:v40+s14+$0x0], $0xffff  }
0x3cb: {  	v47 =	vadd.s32 $0xCB2, v22;
	v32 =	vld.idx.msk [tilespmem:v36+s14+$0x0], $0xffff;
	[tilespmem:v12+s30+$0x9010 ss:$0x1] =	vst.idx.msk $0xffff, v31  }
0x3cc: {  	v55 =	vadd.s32 $0x9E7, v16;
	[tilespmem:v12+s31+$0xA070 ss:$0x1] =	vst.idx.msk $0xffff, v25;
	v25 =	vld.idx.msk [tilespmem:v60+s14+$0x0], $0xffff  }
0x3cd: {  	v46 =	vadd.s32 $0xCB2, v21;
	[tilespmem:v12+s31+$0xA040 ss:$0x1] =	vst.idx.msk $0xffff, v27;
	v34 =	vld.idx.msk [tilespmem:v43+s14+$0x0], $0xffff  }
0x3ce: {  	v42 =	vadd.s32 $0xC71, v24;
	[tilespmem:v12+s31+$0xA050 ss:$0x1] =	vst.idx.msk $0xffff, v29;
	v28 =	vld.idx.msk [tilespmem:v44+s14+$0x0], $0xffff  }
0x3cf: {  	v57 =	vadd.s32 $0x9E7, v18;
	v50 =	vld.idx.msk [tilespmem:v45+s14+$0x0], $0xffff;
	[tilespmem:v12+s31+$0xA060 ss:$0x1] =	vst.idx.msk $0xffff, v26  }
0x3d0: {  	v49 =	vadd.s32 $0xCB2, v19;
	v52 =	vld.idx.msk [tilespmem:v47+s14+$0x0], $0xffff;
	[tilespmem:v8+s30+$0x0 ss:$0x1] =	vst.idx.msk $0xffff, v32  }
0x3d1: {  	v23 =	vadd.s32 $0xCF3, v23;
	v26 =	vld.idx.msk [tilespmem:v55+s14+$0x0], $0xffff;
	[tilespmem:s0+$0xF070] =	vst v25  }
0x3d2: {  	v20 =	vadd.s32 $0xCF3, v20;
	v51 =	vld.idx.msk [tilespmem:v46+s14+$0x0], $0xffff;
	[tilespmem:v12+s30+$0xA010 ss:$0x1] =	vst.idx.msk $0xffff, v34  }
0x3d3: {  	v22 =	vadd.s32 $0xCF3, v22;
	v33 =	vld.idx.msk [tilespmem:v42+s14+$0x0], $0xffff;
	[tilespmem:v12+s31+$0xB040 ss:$0x1] =	vst.idx.msk $0xffff, v28  }
0x3d4: {  	v48 =	vadd.s32 $0xCB2, v24;
	[tilespmem:v12+s31+$0xB050 ss:$0x1] =	vst.idx.msk $0xffff, v50;
	v28 =	vld.idx.msk [tilespmem:v57+s14+$0x0], $0xffff  }
0x3d5: {  	v21 =	vadd.s32 $0xCF3, v21;
	[tilespmem:v12+s31+$0xB070 ss:$0x1] =	vst.idx.msk $0xffff, v52;
	v53 =	vld.idx.msk [tilespmem:v49+s14+$0x0], $0xffff  }
0x3d6: {  	v34 =	vadd.s32 $0xA28, v13;
	v23 =	vld.idx.msk [tilespmem:v23+s14+$0x0], $0xffff;
	[tilespmem:s0+$0xF030] =	vst v26  }
0x3d7: {  	v58 =	vadd.s32 $0x9E7, v14;
	v20 =	vld.idx.msk [tilespmem:v20+s14+$0x0], $0xffff;
	[tilespmem:v12+s31+$0xB060 ss:$0x1] =	vst.idx.msk $0xffff, v51  }
0x3d8: {  	v19 =	vadd.s32 $0xCF3, v19;
	v22 =	vld.idx.msk [tilespmem:v22+s14+$0x0], $0xffff;
	[tilespmem:v9+s30+$0x0 ss:$0x1] =	vst.idx.msk $0xffff, v33  }
0x3d9: {  	v56 =	vadd.s32 $0x9E7, v17;
	v27 =	vld.idx.msk [tilespmem:v48+s14+$0x0], $0xffff;
	[tilespmem:s0+$0xF050] =	vst v28  }
0x3da: {  	v24 =	vadd.s32 $0xCF3, v24;
	v21 =	vld.idx.msk [tilespmem:v21+s14+$0x0], $0xffff;
	[tilespmem:v12+s30+$0xB010 ss:$0x1] =	vst.idx.msk $0xffff, v53  }
0x3db: {  	v62 =	vadd.s32 $0xA28, v16;
	v26 =	vld.idx.msk [tilespmem:v34+s14+$0x0], $0xffff;
	[tilespmem:v12+s31+$0xC040 ss:$0x1] =	vst.idx.msk $0xffff, v23  }
0x3dc: {  	v61 =	vadd.s32 $0xA28, v15;
	[tilespmem:v12+s31+$0xC050 ss:$0x1] =	vst.idx.msk $0xffff, v20;
	v23 =	vld.idx.msk [tilespmem:v58+s14+$0x0], $0xffff  }
0x3dd: {  	v32 =	vadd.s32 $0xA28, v18;
	[tilespmem:v12+s31+$0xC070 ss:$0x1] =	vst.idx.msk $0xffff, v22;
	v19 =	vld.idx.msk [tilespmem:v19+s14+$0x0], $0xffff  }
0x3de: {  	v33 =	vadd.s32 $0xA28, v14;
	[tilespmem:v10+s30+$0x0 ss:$0x1] =	vst.idx.msk $0xffff, v27;
	v27 =	vld.idx.msk [tilespmem:v56+s14+$0x0], $0xffff  }
0x3df: {  	v63 =	vadd.s32 $0xA28, v17;
	[tilespmem:v12+s31+$0xC060 ss:$0x1] =	vst.idx.msk $0xffff, v21;
	v24 =	vld.idx.msk [tilespmem:v24+s14+$0x0], $0xffff  }
0x3e0: {  	v40 =	vadd.s32 $0xA69, v13;
	v22 =	vld.idx.msk [tilespmem:v62+s14+$0x0], $0xffff;
	[tilespmem:v12+s30+$0x1070 ss:$0x1] =	vst.idx.msk $0xffff, v26  }
0x3e1: {  	v36 =	vadd.s32 $0xA69, v16;
	v21 =	vld.idx.msk [tilespmem:v61+s14+$0x0], $0xffff;
	[tilespmem:s0+$0xF060] =	vst v23  }
0x3e2: {  	v35 =	vadd.s32 $0xA69, v15;
	[tilespmem:v12+s30+$0xC010 ss:$0x1] =	vst.idx.msk $0xffff, v19;
	v19 =	vld.idx.msk [tilespmem:v32+s14+$0x0], $0xffff  }
0x3e3: {  	v38 =	vadd.s32 $0xA69, v18;
	v20 =	vld.idx.msk [tilespmem:v33+s14+$0x0], $0xffff;
	[tilespmem:s0+$0xF040] =	vst v27  }
0x3e4: {  	v39 =	vadd.s32 $0xA69, v14;
	[tilespmem:v11+s30+$0x0 ss:$0x1] =	vst.idx.msk $0xffff, v24;
	v24 =	vld.idx.msk [tilespmem:v63+s14+$0x0], $0xffff  }
0x3e5: {  	v37 =	vadd.s32 $0xA69, v17;
	[tilespmem:v12+s30+$0x1030 ss:$0x1] =	vst.idx.msk $0xffff, v22;
	v22 =	vld.idx.msk [tilespmem:v40+s14+$0x0], $0xffff  }
0x3e6: {  	v46 =	vadd.s32 $0xAAA, v13;
	v28 =	vld.idx.msk [tilespmem:v36+s14+$0x0], $0xffff;
	[tilespmem:v12+s30+$0x1020 ss:$0x1] =	vst.idx.msk $0xffff, v21  }
0x3e7: {  	v42 =	vadd.s32 $0xAAA, v16;
	v27 =	vld.idx.msk [tilespmem:v35+s14+$0x0], $0xffff;
	[tilespmem:v12+s30+$0x1050 ss:$0x1] =	vst.idx.msk $0xffff, v19  }
0x3e8: {  	v41 =	vadd.s32 $0xAAA, v15;
	[tilespmem:v12+s30+$0x1060 ss:$0x1] =	vst.idx.msk $0xffff, v20;
	v25 =	vld.idx.msk [tilespmem:v38+s14+$0x0], $0xffff  }
0x3e9: {  	v44 =	vadd.s32 $0xAAA, v18;
	v21 =	vld.idx.msk [tilespmem:v39+s14+$0x0], $0xffff;
	[tilespmem:v12+s30+$0x1040 ss:$0x1] =	vst.idx.msk $0xffff, v24  }
0x3ea: {  	v45 =	vadd.s32 $0xAAA, v14;
	[tilespmem:v12+s30+$0x2070 ss:$0x1] =	vst.idx.msk $0xffff, v22;
	v23 =	vld.idx.msk [tilespmem:v37+s14+$0x0], $0xffff  }
0x3eb: {  	v43 =	vadd.s32 $0xAAA, v17;
	[tilespmem:v12+s30+$0x2030 ss:$0x1] =	vst.idx.msk $0xffff, v28;
	v28 =	vld.idx.msk [tilespmem:v46+s14+$0x0], $0xffff  }
0x3ec: {  	v52 =	vadd.s32 $0xAEB, v13;
	v19 =	vld.idx.msk [tilespmem:v42+s14+$0x0], $0xffff;
	[tilespmem:v12+s30+$0x2020 ss:$0x1] =	vst.idx.msk $0xffff, v27  }
0x3ed: {  	v48 =	vadd.s32 $0xAEB, v16;
	v24 =	vld.idx.msk [tilespmem:v41+s14+$0x0], $0xffff;
	[tilespmem:v12+s30+$0x2050 ss:$0x1] =	vst.idx.msk $0xffff, v25  }
0x3ee: {  	v47 =	vadd.s32 $0xAEB, v15;
	[tilespmem:v12+s30+$0x2060 ss:$0x1] =	vst.idx.msk $0xffff, v21;
	v26 =	vld.idx.msk [tilespmem:v44+s14+$0x0], $0xffff  }
0x3ef: {  	v50 =	vadd.s32 $0xAEB, v18;
	v27 =	vld.idx.msk [tilespmem:v45+s14+$0x0], $0xffff;
	[tilespmem:v12+s30+$0x2040 ss:$0x1] =	vst.idx.msk $0xffff, v23  }
0x3f0: {  	v51 =	vadd.s32 $0xAEB, v14;
	[tilespmem:v12+s30+$0x3070 ss:$0x1] =	vst.idx.msk $0xffff, v28;
	v20 =	vld.idx.msk [tilespmem:v43+s14+$0x0], $0xffff  }
0x3f1: {  	v49 =	vadd.s32 $0xAEB, v17;
	[tilespmem:v12+s30+$0x3030 ss:$0x1] =	vst.idx.msk $0xffff, v19;
	v19 =	vld.idx.msk [tilespmem:v52+s14+$0x0], $0xffff  }
0x3f2: {  	v58 =	vadd.s32 $0xB2C, v13;
	v25 =	vld.idx.msk [tilespmem:v48+s14+$0x0], $0xffff;
	[tilespmem:v12+s30+$0x3020 ss:$0x1] =	vst.idx.msk $0xffff, v24  }
0x3f3: {  	v54 =	vadd.s32 $0xB2C, v16;
	v23 =	vld.idx.msk [tilespmem:v47+s14+$0x0], $0xffff;
	[tilespmem:v12+s30+$0x3050 ss:$0x1] =	vst.idx.msk $0xffff, v26  }
0x3f4: {  	v53 =	vadd.s32 $0xB2C, v15;
	[tilespmem:v12+s30+$0x3060 ss:$0x1] =	vst.idx.msk $0xffff, v27;
	v22 =	vld.idx.msk [tilespmem:v50+s14+$0x0], $0xffff  }
0x3f5: {  	v56 =	vadd.s32 $0xB2C, v18;
	v24 =	vld.idx.msk [tilespmem:v51+s14+$0x0], $0xffff;
	[tilespmem:v12+s30+$0x3040 ss:$0x1] =	vst.idx.msk $0xffff, v20  }
0x3f6: {  	v57 =	vadd.s32 $0xB2C, v14;
	[tilespmem:v12+s30+$0x4070 ss:$0x1] =	vst.idx.msk $0xffff, v19;
	v21 =	vld.idx.msk [tilespmem:v49+s14+$0x0], $0xffff  }
0x3f7: {  	v55 =	vadd.s32 $0xB2C, v17;
	[tilespmem:v12+s30+$0x4030 ss:$0x1] =	vst.idx.msk $0xffff, v25;
	v25 =	vld.idx.msk [tilespmem:v58+s14+$0x0], $0xffff  }
0x3f8: {  	v32 =	vadd.s32 $0xB6D, v13;
	v26 =	vld.idx.msk [tilespmem:v54+s14+$0x0], $0xffff;
	[tilespmem:v12+s30+$0x4020 ss:$0x1] =	vst.idx.msk $0xffff, v23  }
0x3f9: {  	v60 =	vadd.s32 $0xB6D, v16;
	v20 =	vld.idx.msk [tilespmem:v53+s14+$0x0], $0xffff;
	[tilespmem:v12+s30+$0x4050 ss:$0x1] =	vst.idx.msk $0xffff, v22  }
0x3fa: {  	v59 =	vadd.s32 $0xB6D, v15;
	[tilespmem:v12+s30+$0x4060 ss:$0x1] =	vst.idx.msk $0xffff, v24;
	v28 =	vld.idx.msk [tilespmem:v56+s14+$0x0], $0xffff  }
0x3fb: {  	v62 =	vadd.s32 $0xB6D, v18;
	v23 =	vld.idx.msk [tilespmem:v57+s14+$0x0], $0xffff;
	[tilespmem:v12+s30+$0x4040 ss:$0x1] =	vst.idx.msk $0xffff, v21  }
0x3fc: {  	v63 =	vadd.s32 $0xB6D, v14;
	[tilespmem:v12+s30+$0x5070 ss:$0x1] =	vst.idx.msk $0xffff, v25;
	v27 =	vld.idx.msk [tilespmem:v55+s14+$0x0], $0xffff  }
0x3fd: {  	v61 =	vadd.s32 $0xB6D, v17;
	[tilespmem:v12+s30+$0x5030 ss:$0x1] =	vst.idx.msk $0xffff, v26;
	v26 =	vld.idx.msk [tilespmem:v32+s14+$0x0], $0xffff  }
0x3fe: {  	v38 =	vadd.s32 $0xBAE, v13;
	v22 =	vld.idx.msk [tilespmem:v60+s14+$0x0], $0xffff;
	[tilespmem:v12+s30+$0x5020 ss:$0x1] =	vst.idx.msk $0xffff, v20  }
0x3ff: {  	v34 =	vadd.s32 $0xBAE, v16;
	v21 =	vld.idx.msk [tilespmem:v59+s14+$0x0], $0xffff;
	[tilespmem:v12+s30+$0x5050 ss:$0x1] =	vst.idx.msk $0xffff, v28  }
0x400: {  	v33 =	vadd.s32 $0xBAE, v15;
	[tilespmem:v12+s30+$0x5060 ss:$0x1] =	vst.idx.msk $0xffff, v23;
	v19 =	vld.idx.msk [tilespmem:v62+s14+$0x0], $0xffff  }
0x401: {  	v36 =	vadd.s32 $0xBAE, v18;
	v20 =	vld.idx.msk [tilespmem:v63+s14+$0x0], $0xffff;
	[tilespmem:v12+s30+$0x5040 ss:$0x1] =	vst.idx.msk $0xffff, v27  }
0x402: {  	v37 =	vadd.s32 $0xBAE, v14;
	[tilespmem:v12+s30+$0x6070 ss:$0x1] =	vst.idx.msk $0xffff, v26;
	v24 =	vld.idx.msk [tilespmem:v61+s14+$0x0], $0xffff  }
0x403: {  	v35 =	vadd.s32 $0xBAE, v17;
	[tilespmem:v12+s30+$0x6030 ss:$0x1] =	vst.idx.msk $0xffff, v22;
	v22 =	vld.idx.msk [tilespmem:v38+s14+$0x0], $0xffff  }
0x404: {  	v44 =	vadd.s32 $0xBEF, v13;
	v28 =	vld.idx.msk [tilespmem:v34+s14+$0x0], $0xffff;
	[tilespmem:v12+s30+$0x6020 ss:$0x1] =	vst.idx.msk $0xffff, v21  }
0x405: {  	v40 =	vadd.s32 $0xBEF, v16;
	v27 =	vld.idx.msk [tilespmem:v33+s14+$0x0], $0xffff;
	[tilespmem:v12+s30+$0x6050 ss:$0x1] =	vst.idx.msk $0xffff, v19  }
0x406: {  	v39 =	vadd.s32 $0xBEF, v15;
	[tilespmem:v12+s30+$0x6060 ss:$0x1] =	vst.idx.msk $0xffff, v20;
	v25 =	vld.idx.msk [tilespmem:v36+s14+$0x0], $0xffff  }
0x407: {  	v42 =	vadd.s32 $0xBEF, v18;
	v21 =	vld.idx.msk [tilespmem:v37+s14+$0x0], $0xffff;
	[tilespmem:v12+s30+$0x6040 ss:$0x1] =	vst.idx.msk $0xffff, v24  }
0x408: {  	v43 =	vadd.s32 $0xBEF, v14;
	[tilespmem:v12+s30+$0x7070 ss:$0x1] =	vst.idx.msk $0xffff, v22;
	v23 =	vld.idx.msk [tilespmem:v35+s14+$0x0], $0xffff  }
0x409: {  	v41 =	vadd.s32 $0xBEF, v17;
	[tilespmem:v12+s30+$0x7030 ss:$0x1] =	vst.idx.msk $0xffff, v28;
	v28 =	vld.idx.msk [tilespmem:v44+s14+$0x0], $0xffff  }
0x40a: {  	v50 =	vadd.s32 $0xC30, v13;
	v19 =	vld.idx.msk [tilespmem:v40+s14+$0x0], $0xffff;
	[tilespmem:v12+s30+$0x7020 ss:$0x1] =	vst.idx.msk $0xffff, v27  }
0x40b: {  	v46 =	vadd.s32 $0xC30, v16;
	v24 =	vld.idx.msk [tilespmem:v39+s14+$0x0], $0xffff;
	[tilespmem:v12+s30+$0x7050 ss:$0x1] =	vst.idx.msk $0xffff, v25  }
0x40c: {  	v45 =	vadd.s32 $0xC30, v15;
	[tilespmem:v12+s30+$0x7060 ss:$0x1] =	vst.idx.msk $0xffff, v21;
	v26 =	vld.idx.msk [tilespmem:v42+s14+$0x0], $0xffff  }
0x40d: {  	v48 =	vadd.s32 $0xC30, v18;
	v27 =	vld.idx.msk [tilespmem:v43+s14+$0x0], $0xffff;
	[tilespmem:v12+s30+$0x7040 ss:$0x1] =	vst.idx.msk $0xffff, v23  }
0x40e: {  	v49 =	vadd.s32 $0xC30, v14;
	[tilespmem:v12+s30+$0x8070 ss:$0x1] =	vst.idx.msk $0xffff, v28;
	v20 =	vld.idx.msk [tilespmem:v41+s14+$0x0], $0xffff  }
0x40f: {  	v47 =	vadd.s32 $0xC30, v17;
	[tilespmem:v12+s30+$0x8030 ss:$0x1] =	vst.idx.msk $0xffff, v19;
	v19 =	vld.idx.msk [tilespmem:v50+s14+$0x0], $0xffff  }
0x410: {  	v56 =	vadd.s32 $0xC71, v13;
	v25 =	vld.idx.msk [tilespmem:v46+s14+$0x0], $0xffff;
	[tilespmem:v12+s30+$0x8020 ss:$0x1] =	vst.idx.msk $0xffff, v24  }
0x411: {  	v52 =	vadd.s32 $0xC71, v16;
	v23 =	vld.idx.msk [tilespmem:v45+s14+$0x0], $0xffff;
	[tilespmem:v12+s30+$0x8050 ss:$0x1] =	vst.idx.msk $0xffff, v26  }
0x412: {  	v51 =	vadd.s32 $0xC71, v15;
	[tilespmem:v12+s30+$0x8060 ss:$0x1] =	vst.idx.msk $0xffff, v27;
	v22 =	vld.idx.msk [tilespmem:v48+s14+$0x0], $0xffff  }
0x413: {  	v54 =	vadd.s32 $0xC71, v18;
	v24 =	vld.idx.msk [tilespmem:v49+s14+$0x0], $0xffff;
	[tilespmem:v12+s30+$0x8040 ss:$0x1] =	vst.idx.msk $0xffff, v20  }
0x414: {  	v55 =	vadd.s32 $0xC71, v14;
	[tilespmem:v12+s30+$0x9070 ss:$0x1] =	vst.idx.msk $0xffff, v19;
	v21 =	vld.idx.msk [tilespmem:v47+s14+$0x0], $0xffff  }
0x415: {  	v53 =	vadd.s32 $0xC71, v17;
	[tilespmem:v12+s30+$0x9030 ss:$0x1] =	vst.idx.msk $0xffff, v25;
	v25 =	vld.idx.msk [tilespmem:v56+s14+$0x0], $0xffff  }
0x416: {  	v62 =	vadd.s32 $0xCB2, v13;
	v26 =	vld.idx.msk [tilespmem:v52+s14+$0x0], $0xffff;
	[tilespmem:v12+s30+$0x9020 ss:$0x1] =	vst.idx.msk $0xffff, v23  }
0x417: {  	v58 =	vadd.s32 $0xCB2, v16;
	v20 =	vld.idx.msk [tilespmem:v51+s14+$0x0], $0xffff;
	[tilespmem:v12+s30+$0x9050 ss:$0x1] =	vst.idx.msk $0xffff, v22  }
0x418: {  	v57 =	vadd.s32 $0xCB2, v15;
	[tilespmem:v12+s30+$0x9060 ss:$0x1] =	vst.idx.msk $0xffff, v24;
	v28 =	vld.idx.msk [tilespmem:v54+s14+$0x0], $0xffff  }
0x419: {  	v60 =	vadd.s32 $0xCB2, v18;
	v23 =	vld.idx.msk [tilespmem:v55+s14+$0x0], $0xffff;
	[tilespmem:v12+s30+$0x9040 ss:$0x1] =	vst.idx.msk $0xffff, v21  }
0x41a: {  	v61 =	vadd.s32 $0xCB2, v14;
	[tilespmem:v12+s30+$0xA070 ss:$0x1] =	vst.idx.msk $0xffff, v25;
	v27 =	vld.idx.msk [tilespmem:v53+s14+$0x0], $0xffff  }
0x41b: {  	v59 =	vadd.s32 $0xCB2, v17;
	[tilespmem:v12+s30+$0xA030 ss:$0x1] =	vst.idx.msk $0xffff, v26;
	v63 =	vld.idx.msk [tilespmem:v62+s14+$0x0], $0xffff  }
0x41c: {  	v13 =	vadd.s32 $0xCF3, v13;
	v22 =	vld.idx.msk [tilespmem:v58+s14+$0x0], $0xffff;
	[tilespmem:v12+s30+$0xA020 ss:$0x1] =	vst.idx.msk $0xffff, v20  }
0x41d: {  	v16 =	vadd.s32 $0xCF3, v16;
	v21 =	vld.idx.msk [tilespmem:v57+s14+$0x0], $0xffff;
	[tilespmem:v12+s30+$0xA050 ss:$0x1] =	vst.idx.msk $0xffff, v28  }
0x41e: {  	v15 =	vadd.s32 $0xCF3, v15;
	[tilespmem:v12+s30+$0xA060 ss:$0x1] =	vst.idx.msk $0xffff, v23;
	v19 =	vld.idx.msk [tilespmem:v60+s14+$0x0], $0xffff  }
0x41f: {  	v18 =	vadd.s32 $0xCF3, v18;
	v20 =	vld.idx.msk [tilespmem:v61+s14+$0x0], $0xffff;
	[tilespmem:v12+s30+$0xA040 ss:$0x1] =	vst.idx.msk $0xffff, v27  }
0x420: {  	v14 =	vadd.s32 $0xCF3, v14;
	[tilespmem:v12+s30+$0xB070 ss:$0x1] =	vst.idx.msk $0xffff, v63;
	v24 =	vld.idx.msk [tilespmem:v59+s14+$0x0], $0xffff  }
0x421: {  	v17 =	vadd.s32 $0xCF3, v17;
	[tilespmem:v12+s30+$0xB030 ss:$0x1] =	vst.idx.msk $0xffff, v22;
	v13 =	vld.idx.msk [tilespmem:v13+s14+$0x0], $0xffff  }
0x422: {  	v16 =	vld.idx.msk [tilespmem:v16+s14+$0x0], $0xffff;
	[tilespmem:v12+s30+$0xB020 ss:$0x1] =	vst.idx.msk $0xffff, v21  }
0x423: {  	v15 =	vld.idx.msk [tilespmem:v15+s14+$0x0], $0xffff;
	[tilespmem:v12+s30+$0xB050 ss:$0x1] =	vst.idx.msk $0xffff, v19  }
0x424: {  	[tilespmem:v12+s30+$0xB060 ss:$0x1] =	vst.idx.msk $0xffff, v20;
	v18 =	vld.idx.msk [tilespmem:v18+s14+$0x0], $0xffff  }
0x425: {  	v14 =	vld.idx.msk [tilespmem:v14+s14+$0x0], $0xffff;
	[tilespmem:v12+s30+$0xB040 ss:$0x1] =	vst.idx.msk $0xffff, v24  }
0x426: {  	p1 =	por p0, p0;
	[tilespmem:v12+s30+$0xC070 ss:$0x1] =	vst.idx.msk $0xffff, v13;
	v17 =	vld.idx.msk [tilespmem:v17+s14+$0x0], $0xffff  }
.Ltmp6:
0x427: {  	[tilespmem:v12+s30+$0xC030 ss:$0x1] =	vst.idx.msk $0xffff, v16;
	(pc) =	sbr.rel @p1 .LBB2_15-.Ltmp6, $4  }
0x428: {  	[tilespmem:v12+s30+$0xC020 ss:$0x1] =	vst.idx.msk $0xffff, v15  }
0x429: {  	[tilespmem:v12+s30+$0xC050 ss:$0x1] =	vst.idx.msk $0xffff, v18  }
0x42a: {  	[tilespmem:v12+s30+$0xC060 ss:$0x1] =	vst.idx.msk $0xffff, v14  }
0x42b: {  	p0 =	por $0x0, $0x0;
	s31 =	simm.s32 $0x800;
	[tilespmem:v12+s30+$0xC040 ss:$0x1] =	vst.idx.msk $0xffff, v17  }
0x42c: {  	s28 =	sadd.s32 $0x1, s28  }
0x42d: {  	p0 =	sne.s32 s28, $0x8  }
.Ltmp7:
0x42e: {  	_ = 	snop;
	(pc) =	sbr.rel @p0 .LBB2_14-.Ltmp7, $1  }
0x42f: {  	_ =	sdelay $0x3  }
0x430: {  	s0 =	simm.s32 $0xF000  }
0x431: {  	[hbm4b:s10+s15] =	stream.strided.scatter [tilespmem:s0], [sflag:$0x2], $0xD000, s19, s15, $0x38;
	[tilespmem:$0x1E280] =	vst v63  }
0x432: {  	_ =	swait.ge [sflag:s17], $0xD000  }
0x433: {  	[sflag:s17] =	ssyncset.done $0x0  }
0x434: {  	s28 =	simm.s32 $0x0;
	[sflag:s17] =	ssyncadd.s32 $0xFFFF3000  }
.LBB2_18:
0x435: {  	s29 =	sshll.u32 s28, $0x7  }
0x436: {  	s0 =	sadd.s32 $0x3000, s29  }
0x437: {  	s1 =	sadd.s32 $0x4000, s29;
	s21 =	sadd.s32 $0x5000, s29;
	s24 =	sadd.s32 $0x6000, s29;
	v0 =	vmov s0  }
0x438: {  	s30 =	sadd.s32 $0x8000, s29;
	s31 =	sadd.s32 $0x9000, s29;
	s0 =	sadd.s32 $0x7000, s29;
	v1 =	vmov s1;
	v2 =	vmov s21;
	v3 =	vmov s24  }
0x439: {  	s1 =	sadd.s32 $0xA000, s29;
	s21 =	sadd.s32 $0xB000, s29;
	s24 =	sadd.s32 $0xC000, s29;
	v5 =	vmov s30;
	v6 =	vmov s31;
	v4 =	vmov s0  }
0x43a: {  	s30 =	sadd.s32 $0xD000, s29;
	s31 =	sadd.s32 $0xE000, s29;
	s0 =	sadd.s32 $0x2000, s29;
	v7 =	vmov s1;
	v8 =	vmov s21;
	v9 =	vmov s24  }
0x43b: {  	p0 =	por $0x1, $0x1;
	v10 =	vmov s30;
	v11 =	vmov s31;
	s31 =	simm.s32 $0x0;
	v12 =	vmov s0  }
.LBB2_19:
0x43c: {  	s1 =	sor.u32 s29, s31  }
0x43d: {  	v27 =	vld [tilespmem:s1+$0x0];
	s0 =	sor.u32 $0x10, s1  }
0x43e: {  	s21 =	sor.u32 $0x30, s1;
	v28 =	vld [tilespmem:s0+$0x0]  }
0x43f: {  	s30 =	sor.u32 $0x20, s1;
	v25 =	vld [tilespmem:s21+$0x0]  }
0x440: {  	v26 =	vld [tilespmem:s30+$0x0];
	_ =	sdelay $0x1  }
0x441: {  	v13 =	vadd.s32 $0xD34, v27  }
0x442: {  	v14 =	vadd.s32 $0xD34, v28  }
0x443: {  	v16 =	vadd.s32 $0xD34, v25  }
0x444: {  	v15 =	vadd.s32 $0xD34, v26;
	_ =	sdelay $0x1  }
0x445: {  	v13 =	vld.idx.msk [tilespmem:v13+s14+$0x0], $0xffff  }
0x446: {  	v17 =	vadd.s32 $0xD75, v27;
	v14 =	vld.idx.msk [tilespmem:v14+s14+$0x0], $0xffff  }
0x447: {  	v18 =	vadd.s32 $0xD75, v28;
	v16 =	vld.idx.msk [tilespmem:v16+s14+$0x0], $0xffff  }
0x448: {  	v20 =	vadd.s32 $0xD75, v25;
	v15 =	vld.idx.msk [tilespmem:v15+s14+$0x0], $0xffff  }
0x449: {  	v19 =	vadd.s32 $0xD75, v26  }
0x44a: {  	[tilespmem:s1+$0x2000] =	vst v13  }
0x44b: {  	v13 =	vld.idx.msk [tilespmem:v17+s14+$0x0], $0xffff;
	[tilespmem:s1+$0x2010] =	vst v14  }
0x44c: {  	v14 =	vadd.s32 $0xDB6, v27;
	[tilespmem:s1+$0x2030] =	vst v16;
	v31 =	vld.idx.msk [tilespmem:v18+s14+$0x0], $0xffff  }
0x44d: {  	[tilespmem:s1+$0x2020] =	vst v15;
	v15 =	vadd.s32 $0xDB6, v28;
	v34 =	vld.idx.msk [tilespmem:v20+s14+$0x0], $0xffff  }
0x44e: {  	v35 =	vadd.s32 $0xDB6, v25;
	v32 =	vld.idx.msk [tilespmem:v19+s14+$0x0], $0xffff  }
0x44f: {  	v33 =	vadd.s32 $0xDB6, v26  }
0x450: {  	[tilespmem:v0+s31+$0x0 ss:$0x1] =	vst.idx.msk $0xffff, v13  }
0x451: {  	v13 =	vld.idx.msk [tilespmem:v14+s14+$0x0], $0xffff;
	[tilespmem:v12+s31+$0x1010 ss:$0x1] =	vst.idx.msk $0xffff, v31  }
0x452: {  	v14 =	vadd.s32 $0xDF7, v27;
	[tilespmem:v12+s31+$0x1030 ss:$0x1] =	vst.idx.msk $0xffff, v34;
	v15 =	vld.idx.msk [tilespmem:v15+s14+$0x0], $0xffff  }
0x453: {  	v36 =	vadd.s32 $0xDF7, v28;
	[tilespmem:v12+s31+$0x1020 ss:$0x1] =	vst.idx.msk $0xffff, v32;
	v19 =	vld.idx.msk [tilespmem:v35+s14+$0x0], $0xffff  }
0x454: {  	v38 =	vadd.s32 $0xDF7, v25;
	v16 =	vld.idx.msk [tilespmem:v33+s14+$0x0], $0xffff  }
0x455: {  	v37 =	vadd.s32 $0xDF7, v26  }
0x456: {  	[tilespmem:v1+s31+$0x0 ss:$0x1] =	vst.idx.msk $0xffff, v13  }
0x457: {  	v13 =	vld.idx.msk [tilespmem:v14+s14+$0x0], $0xffff;
	[tilespmem:v12+s31+$0x2010 ss:$0x1] =	vst.idx.msk $0xffff, v15  }
0x458: {  	v14 =	vadd.s32 $0xE38, v27;
	[tilespmem:v12+s31+$0x2030 ss:$0x1] =	vst.idx.msk $0xffff, v19;
	v15 =	vld.idx.msk [tilespmem:v36+s14+$0x0], $0xffff  }
0x459: {  	v39 =	vadd.s32 $0xE38, v28;
	[tilespmem:v12+s31+$0x2020 ss:$0x1] =	vst.idx.msk $0xffff, v16;
	v19 =	vld.idx.msk [tilespmem:v38+s14+$0x0], $0xffff  }
0x45a: {  	v42 =	vadd.s32 $0xE38, v25;
	v40 =	vld.idx.msk [tilespmem:v37+s14+$0x0], $0xffff  }
0x45b: {  	v41 =	vadd.s32 $0xE38, v26  }
0x45c: {  	[tilespmem:v2+s31+$0x0 ss:$0x1] =	vst.idx.msk $0xffff, v13  }
0x45d: {  	v13 =	vld.idx.msk [tilespmem:v14+s14+$0x0], $0xffff;
	[tilespmem:v12+s31+$0x3010 ss:$0x1] =	vst.idx.msk $0xffff, v15  }
0x45e: {  	v14 =	vadd.s32 $0xE79, v27;
	[tilespmem:v12+s31+$0x3030 ss:$0x1] =	vst.idx.msk $0xffff, v19;
	v15 =	vld.idx.msk [tilespmem:v39+s14+$0x0], $0xffff  }
0x45f: {  	v43 =	vadd.s32 $0xE79, v28;
	[tilespmem:v12+s31+$0x3020 ss:$0x1] =	vst.idx.msk $0xffff, v40;
	v19 =	vld.idx.msk [tilespmem:v42+s14+$0x0], $0xffff  }
0x460: {  	v45 =	vadd.s32 $0xE79, v25;
	v17 =	vld.idx.msk [tilespmem:v41+s14+$0x0], $0xffff  }
0x461: {  	v44 =	vadd.s32 $0xE79, v26  }
0x462: {  	[tilespmem:v3+s31+$0x0 ss:$0x1] =	vst.idx.msk $0xffff, v13  }
0x463: {  	v13 =	vld.idx.msk [tilespmem:v14+s14+$0x0], $0xffff;
	[tilespmem:v12+s31+$0x4010 ss:$0x1] =	vst.idx.msk $0xffff, v15  }
0x464: {  	v14 =	vadd.s32 $0xEBA, v27;
	[tilespmem:v12+s31+$0x4030 ss:$0x1] =	vst.idx.msk $0xffff, v19;
	v15 =	vld.idx.msk [tilespmem:v43+s14+$0x0], $0xffff  }
0x465: {  	v46 =	vadd.s32 $0xEBA, v28;
	[tilespmem:v12+s31+$0x4020 ss:$0x1] =	vst.idx.msk $0xffff, v17;
	v19 =	vld.idx.msk [tilespmem:v45+s14+$0x0], $0xffff  }
0x466: {  	v48 =	vadd.s32 $0xEBA, v25;
	v17 =	vld.idx.msk [tilespmem:v44+s14+$0x0], $0xffff  }
0x467: {  	v47 =	vadd.s32 $0xEBA, v26  }
0x468: {  	[tilespmem:v4+s31+$0x0 ss:$0x1] =	vst.idx.msk $0xffff, v13  }
0x469: {  	v13 =	vld.idx.msk [tilespmem:v14+s14+$0x0], $0xffff;
	[tilespmem:v12+s31+$0x5010 ss:$0x1] =	vst.idx.msk $0xffff, v15  }
0x46a: {  	v14 =	vadd.s32 $0xEFB, v27;
	[tilespmem:v12+s31+$0x5030 ss:$0x1] =	vst.idx.msk $0xffff, v19;
	v15 =	vld.idx.msk [tilespmem:v46+s14+$0x0], $0xffff  }
0x46b: {  	v49 =	vadd.s32 $0xEFB, v28;
	[tilespmem:v12+s31+$0x5020 ss:$0x1] =	vst.idx.msk $0xffff, v17;
	v19 =	vld.idx.msk [tilespmem:v48+s14+$0x0], $0xffff  }
0x46c: {  	v51 =	vadd.s32 $0xEFB, v25;
	v17 =	vld.idx.msk [tilespmem:v47+s14+$0x0], $0xffff  }
0x46d: {  	v50 =	vadd.s32 $0xEFB, v26  }
0x46e: {  	[tilespmem:v5+s31+$0x0 ss:$0x1] =	vst.idx.msk $0xffff, v13  }
0x46f: {  	v13 =	vld.idx.msk [tilespmem:v14+s14+$0x0], $0xffff;
	[tilespmem:v12+s31+$0x6010 ss:$0x1] =	vst.idx.msk $0xffff, v15  }
0x470: {  	v14 =	vadd.s32 $0xF3C, v27;
	[tilespmem:v12+s31+$0x6030 ss:$0x1] =	vst.idx.msk $0xffff, v19;
	v15 =	vld.idx.msk [tilespmem:v49+s14+$0x0], $0xffff  }
0x471: {  	v52 =	vadd.s32 $0xF3C, v28;
	[tilespmem:v12+s31+$0x6020 ss:$0x1] =	vst.idx.msk $0xffff, v17;
	v19 =	vld.idx.msk [tilespmem:v51+s14+$0x0], $0xffff  }
0x472: {  	v54 =	vadd.s32 $0xF3C, v25;
	v17 =	vld.idx.msk [tilespmem:v50+s14+$0x0], $0xffff  }
0x473: {  	s21 =	sor.u32 $0x60, s1;
	v53 =	vadd.s32 $0xF3C, v26  }
0x474: {  	v21 =	vld [tilespmem:s21+$0x0];
	[tilespmem:v6+s31+$0x0 ss:$0x1] =	vst.idx.msk $0xffff, v13  }
0x475: {  	v13 =	vld.idx.msk [tilespmem:v14+s14+$0x0], $0xffff;
	[tilespmem:v12+s31+$0x7010 ss:$0x1] =	vst.idx.msk $0xffff, v15  }
0x476: {  	v14 =	vadd.s32 $0xF7D, v27;
	[tilespmem:v12+s31+$0x7030 ss:$0x1] =	vst.idx.msk $0xffff, v19;
	v15 =	vld.idx.msk [tilespmem:v52+s14+$0x0], $0xffff  }
0x477: {  	v55 =	vadd.s32 $0xF7D, v28;
	[tilespmem:v12+s31+$0x7020 ss:$0x1] =	vst.idx.msk $0xffff, v17;
	v19 =	vld.idx.msk [tilespmem:v54+s14+$0x0], $0xffff  }
0x478: {  	s24 =	sor.u32 $0x40, s1;
	v57 =	vadd.s32 $0xF7D, v25;
	v17 =	vld.idx.msk [tilespmem:v53+s14+$0x0], $0xffff  }
0x479: {  	v23 =	vld [tilespmem:s24+$0x0];
	s21 =	sor.u32 $0x70, s1;
	v56 =	vadd.s32 $0xF7D, v26  }
0x47a: {  	v22 =	vld [tilespmem:s21+$0x0];
	[tilespmem:v7+s31+$0x0 ss:$0x1] =	vst.idx.msk $0xffff, v13  }
0x47b: {  	v36 =	vadd.s32 $0xD34, v21;
	v13 =	vld.idx.msk [tilespmem:v14+s14+$0x0], $0xffff;
	[tilespmem:v12+s31+$0x8010 ss:$0x1] =	vst.idx.msk $0xffff, v15  }
0x47c: {  	v14 =	vadd.s32 $0xFBE, v27;
	[tilespmem:v12+s31+$0x8030 ss:$0x1] =	vst.idx.msk $0xffff, v19;
	v15 =	vld.idx.msk [tilespmem:v55+s14+$0x0], $0xffff  }
0x47d: {  	[tilespmem:v12+s31+$0x8020 ss:$0x1] =	vst.idx.msk $0xffff, v17;
	v19 =	vld.idx.msk [tilespmem:v57+s14+$0x0], $0xffff  }
0x47e: {  	s30 =	sor.u32 $0x50, s1;
	v58 =	vadd.s32 $0xFBE, v28;
	v17 =	vld.idx.msk [tilespmem:v56+s14+$0x0], $0xffff  }
0x47f: {  	v59 =	vadd.s32 $0xFBE, v26;
	v20 =	vld [tilespmem:s30+$0x0];
	s30 =	sor.u32 $0x400, s31  }
0x480: {  	v60 =	vadd.s32 $0xFBE, v25;
	s0 =	sor.u32 s29, s30;
	v36 =	vld.idx.msk [tilespmem:v36+s14+$0x0], $0xffff;
	[tilespmem:v8+s31+$0x0 ss:$0x1] =	vst.idx.msk $0xffff, v13  }
0x481: {  	s24 =	sor.u32 $0x10, s0;
	v24 =	vld.idx.msk [tilespmem:v14+s14+$0x0], $0xffff;
	[tilespmem:v12+s31+$0x9010 ss:$0x1] =	vst.idx.msk $0xffff, v15  }
0x482: {  	[tilespmem:v12+s31+$0x9030 ss:$0x1] =	vst.idx.msk $0xffff, v19;
	v19 =	vld [tilespmem:s24+$0x0]  }
0x483: {  	[tilespmem:v12+s31+$0x9020 ss:$0x1] =	vst.idx.msk $0xffff, v17;
	v29 =	vld.idx.msk [tilespmem:v58+s14+$0x0], $0xffff  }
0x484: {  	v30 =	vld.idx.msk [tilespmem:v59+s14+$0x0], $0xffff  }
0x485: {  	s24 =	sor.u32 $0x20, s0;
	v31 =	vld.idx.msk [tilespmem:v60+s14+$0x0], $0xffff  }
0x486: {  	v15 =	vld [tilespmem:s24+$0x0];
	s24 =	sor.u32 $0x30, s0  }
0x487: {  	v16 =	vld [tilespmem:s24+$0x0];
	s24 =	sor.u32 $0x40, s0  }
0x488: {  	v32 =	vadd.s32 $0xFFF, v27;
	v17 =	vld [tilespmem:s24+$0x0];
	s24 =	sor.u32 $0x50, s0  }
0x489: {  	v61 =	vadd.s32 $0xD34, v23;
	v18 =	vld [tilespmem:s24+$0x0];
	s24 =	sor.u32 $0x60, s0  }
0x48a: {  	v62 =	vadd.s32 $0xD34, v20;
	v14 =	vld [tilespmem:s24+$0x0]  }
0x48b: {  	v63 =	vadd.s32 $0xD34, v22;
	s24 =	sor.u32 $0x70, s0;
	[tilespmem:v9+s31+$0x0 ss:$0x1] =	vst.idx.msk $0xffff, v24;
	v24 =	vld [tilespmem:s0+$0x0]  }
0x48c: {  	v34 =	vadd.s32 $0xFFF, v26;
	v13 =	vld [tilespmem:s24+$0x0]  }
0x48d: {  	v33 =	vadd.s32 $0xFFF, v28;
	v32 =	vld.idx.msk [tilespmem:v32+s14+$0x0], $0xffff  }
0x48e: {  	v35 =	vadd.s32 $0xFFF, v25;
	[tilespmem:v12+s31+$0xA010 ss:$0x1] =	vst.idx.msk $0xffff, v29;
	v29 =	vld.idx.msk [tilespmem:v61+s14+$0x0], $0xffff  }
0x48f: {  	v41 =	vadd.s32 $0xD75, v21;
	[tilespmem:v12+s31+$0xA020 ss:$0x1] =	vst.idx.msk $0xffff, v30;
	v30 =	vld.idx.msk [tilespmem:v62+s14+$0x0], $0xffff  }
0x490: {  	v27 =	vadd.s32 $0x1040, v27;
	[tilespmem:v12+s31+$0xA030 ss:$0x1] =	vst.idx.msk $0xffff, v31;
	v31 =	vld.idx.msk [tilespmem:v63+s14+$0x0], $0xffff  }
0x491: {  	[tilespmem:s1+$0x2060] =	vst v36;
	v38 =	vadd.s32 $0xD34, v19;
	v34 =	vld.idx.msk [tilespmem:v34+s14+$0x0], $0xffff  }
0x492: {  	v39 =	vadd.s32 $0xD75, v23;
	v33 =	vld.idx.msk [tilespmem:v33+s14+$0x0], $0xffff;
	[tilespmem:v10+s31+$0x0 ss:$0x1] =	vst.idx.msk $0xffff, v32  }
0x493: {  	v40 =	vadd.s32 $0xD75, v20;
	v35 =	vld.idx.msk [tilespmem:v35+s14+$0x0], $0xffff;
	[tilespmem:s1+$0x2040] =	vst v29  }
0x494: {  	v42 =	vadd.s32 $0xD75, v22;
	[tilespmem:s1+$0x2050] =	vst v30;
	v32 =	vld.idx.msk [tilespmem:v41+s14+$0x0], $0xffff  }
0x495: {  	v26 =	vadd.s32 $0x1040, v26;
	[tilespmem:s1+$0x2070] =	vst v31;
	v27 =	vld.idx.msk [tilespmem:v27+s14+$0x0], $0xffff  }
0x496: {  	v28 =	vadd.s32 $0x1040, v28;
	[tilespmem:v12+s31+$0xB020 ss:$0x1] =	vst.idx.msk $0xffff, v34;
	v34 =	vld.idx.msk [tilespmem:v38+s14+$0x0], $0xffff  }
0x497: {  	v25 =	vadd.s32 $0x1040, v25;
	[tilespmem:v12+s31+$0xB010 ss:$0x1] =	vst.idx.msk $0xffff, v33;
	v44 =	vld.idx.msk [tilespmem:v39+s14+$0x0], $0xffff  }
0x498: {  	v37 =	vadd.s32 $0xD34, v24;
	[tilespmem:v12+s31+$0xB030 ss:$0x1] =	vst.idx.msk $0xffff, v35;
	v30 =	vld.idx.msk [tilespmem:v40+s14+$0x0], $0xffff  }
0x499: {  	v45 =	vadd.s32 $0xD75, v19;
	v31 =	vld.idx.msk [tilespmem:v42+s14+$0x0], $0xffff;
	[tilespmem:v12+s31+$0x1060 ss:$0x1] =	vst.idx.msk $0xffff, v32  }
0x49a: {  	v46 =	vadd.s32 $0xDB6, v23;
	v26 =	vld.idx.msk [tilespmem:v26+s14+$0x0], $0xffff;
	[tilespmem:v11+s31+$0x0 ss:$0x1] =	vst.idx.msk $0xffff, v27  }
0x49b: {  	v49 =	vadd.s32 $0xDB6, v22;
	v28 =	vld.idx.msk [tilespmem:v28+s14+$0x0], $0xffff;
	[tilespmem:s0+$0x2010] =	vst v34  }
0x49c: {  	v47 =	vadd.s32 $0xDB6, v20;
	v25 =	vld.idx.msk [tilespmem:v25+s14+$0x0], $0xffff;
	[tilespmem:v12+s31+$0x1040 ss:$0x1] =	vst.idx.msk $0xffff, v44  }
0x49d: {  	v48 =	vadd.s32 $0xDB6, v21;
	v33 =	vld.idx.msk [tilespmem:v37+s14+$0x0], $0xffff;
	[tilespmem:v12+s31+$0x1050 ss:$0x1] =	vst.idx.msk $0xffff, v30  }
0x49e: {  	v43 =	vadd.s32 $0xD75, v24;
	[tilespmem:v12+s31+$0x1070 ss:$0x1] =	vst.idx.msk $0xffff, v31;
	v29 =	vld.idx.msk [tilespmem:v45+s14+$0x0], $0xffff  }
0x49f: {  	v51 =	vadd.s32 $0xDB6, v19;
	[tilespmem:v12+s31+$0xC020 ss:$0x1] =	vst.idx.msk $0xffff, v26;
	v26 =	vld.idx.msk [tilespmem:v46+s14+$0x0], $0xffff  }
0x4a0: {  	v52 =	vadd.s32 $0xDF7, v23;
	[tilespmem:v12+s31+$0xC010 ss:$0x1] =	vst.idx.msk $0xffff, v28;
	v34 =	vld.idx.msk [tilespmem:v49+s14+$0x0], $0xffff  }
0x4a1: {  	v55 =	vadd.s32 $0xDF7, v22;
	[tilespmem:v12+s31+$0xC030 ss:$0x1] =	vst.idx.msk $0xffff, v25;
	v25 =	vld.idx.msk [tilespmem:v47+s14+$0x0], $0xffff  }
0x4a2: {  	v53 =	vadd.s32 $0xDF7, v20;
	[tilespmem:s0+$0x2000] =	vst v33;
	v33 =	vld.idx.msk [tilespmem:v48+s14+$0x0], $0xffff  }
0x4a3: {  	v54 =	vadd.s32 $0xDF7, v21;
	v27 =	vld.idx.msk [tilespmem:v43+s14+$0x0], $0xffff;
	[tilespmem:v12+s30+$0x1010 ss:$0x1] =	vst.idx.msk $0xffff, v29  }
0x4a4: {  	v50 =	vadd.s32 $0xDB6, v24;
	[tilespmem:v12+s31+$0x2040 ss:$0x1] =	vst.idx.msk $0xffff, v26;
	v30 =	vld.idx.msk [tilespmem:v51+s14+$0x0], $0xffff  }
0x4a5: {  	v57 =	vadd.s32 $0xDF7, v19;
	[tilespmem:v12+s31+$0x2070 ss:$0x1] =	vst.idx.msk $0xffff, v34;
	v32 =	vld.idx.msk [tilespmem:v52+s14+$0x0], $0xffff  }
0x4a6: {  	v58 =	vadd.s32 $0xE38, v23;
	[tilespmem:v12+s31+$0x2050 ss:$0x1] =	vst.idx.msk $0xffff, v25;
	v29 =	vld.idx.msk [tilespmem:v55+s14+$0x0], $0xffff  }
0x4a7: {  	v61 =	vadd.s32 $0xE38, v22;
	v31 =	vld.idx.msk [tilespmem:v53+s14+$0x0], $0xffff;
	[tilespmem:v12+s31+$0x2060 ss:$0x1] =	vst.idx.msk $0xffff, v33  }
0x4a8: {  	v59 =	vadd.s32 $0xE38, v20;
	[tilespmem:v0+s30+$0x0 ss:$0x1] =	vst.idx.msk $0xffff, v27;
	v27 =	vld.idx.msk [tilespmem:v54+s14+$0x0], $0xffff  }
0x4a9: {  	v60 =	vadd.s32 $0xE38, v21;
	v28 =	vld.idx.msk [tilespmem:v50+s14+$0x0], $0xffff;
	[tilespmem:v12+s30+$0x2010 ss:$0x1] =	vst.idx.msk $0xffff, v30  }
0x4aa: {  	v56 =	vadd.s32 $0xDF7, v24;
	[tilespmem:v12+s31+$0x3040 ss:$0x1] =	vst.idx.msk $0xffff, v32;
	v25 =	vld.idx.msk [tilespmem:v57+s14+$0x0], $0xffff  }
0x4ab: {  	v63 =	vadd.s32 $0xE38, v19;
	[tilespmem:v12+s31+$0x3070 ss:$0x1] =	vst.idx.msk $0xffff, v29;
	v33 =	vld.idx.msk [tilespmem:v58+s14+$0x0], $0xffff  }
0x4ac: {  	v36 =	vadd.s32 $0xE79, v23;
	[tilespmem:v12+s31+$0x3050 ss:$0x1] =	vst.idx.msk $0xffff, v31;
	v30 =	vld.idx.msk [tilespmem:v61+s14+$0x0], $0xffff  }
0x4ad: {  	v39 =	vadd.s32 $0xE79, v22;
	v34 =	vld.idx.msk [tilespmem:v59+s14+$0x0], $0xffff;
	[tilespmem:v12+s31+$0x3060 ss:$0x1] =	vst.idx.msk $0xffff, v27  }
0x4ae: {  	v37 =	vadd.s32 $0xE79, v20;
	[tilespmem:v1+s30+$0x0 ss:$0x1] =	vst.idx.msk $0xffff, v28;
	v28 =	vld.idx.msk [tilespmem:v60+s14+$0x0], $0xffff  }
0x4af: {  	v38 =	vadd.s32 $0xE79, v21;
	v26 =	vld.idx.msk [tilespmem:v56+s14+$0x0], $0xffff;
	[tilespmem:v12+s30+$0x3010 ss:$0x1] =	vst.idx.msk $0xffff, v25  }
0x4b0: {  	v62 =	vadd.s32 $0xE38, v24;
	[tilespmem:v12+s31+$0x4040 ss:$0x1] =	vst.idx.msk $0xffff, v33;
	v31 =	vld.idx.msk [tilespmem:v63+s14+$0x0], $0xffff  }
0x4b1: {  	v41 =	vadd.s32 $0xE79, v19;
	[tilespmem:v12+s31+$0x4070 ss:$0x1] =	vst.idx.msk $0xffff, v30;
	v27 =	vld.idx.msk [tilespmem:v36+s14+$0x0], $0xffff  }
0x4b2: {  	v42 =	vadd.s32 $0xEBA, v23;
	[tilespmem:v12+s31+$0x4050 ss:$0x1] =	vst.idx.msk $0xffff, v34;
	v25 =	vld.idx.msk [tilespmem:v39+s14+$0x0], $0xffff  }
0x4b3: {  	v45 =	vadd.s32 $0xEBA, v22;
	v29 =	vld.idx.msk [tilespmem:v37+s14+$0x0], $0xffff;
	[tilespmem:v12+s31+$0x4060 ss:$0x1] =	vst.idx.msk $0xffff, v28  }
0x4b4: {  	v43 =	vadd.s32 $0xEBA, v20;
	[tilespmem:v2+s30+$0x0 ss:$0x1] =	vst.idx.msk $0xffff, v26;
	v26 =	vld.idx.msk [tilespmem:v38+s14+$0x0], $0xffff  }
0x4b5: {  	v44 =	vadd.s32 $0xEBA, v21;
	v32 =	vld.idx.msk [tilespmem:v62+s14+$0x0], $0xffff;
	[tilespmem:v12+s30+$0x4010 ss:$0x1] =	vst.idx.msk $0xffff, v31  }
0x4b6: {  	v40 =	vadd.s32 $0xE79, v24;
	[tilespmem:v12+s31+$0x5040 ss:$0x1] =	vst.idx.msk $0xffff, v27;
	v34 =	vld.idx.msk [tilespmem:v41+s14+$0x0], $0xffff  }
0x4b7: {  	v47 =	vadd.s32 $0xEBA, v19;
	[tilespmem:v12+s31+$0x5070 ss:$0x1] =	vst.idx.msk $0xffff, v25;
	v28 =	vld.idx.msk [tilespmem:v42+s14+$0x0], $0xffff  }
0x4b8: {  	v48 =	vadd.s32 $0xEFB, v23;
	[tilespmem:v12+s31+$0x5050 ss:$0x1] =	vst.idx.msk $0xffff, v29;
	v31 =	vld.idx.msk [tilespmem:v45+s14+$0x0], $0xffff  }
0x4b9: {  	v51 =	vadd.s32 $0xEFB, v22;
	v30 =	vld.idx.msk [tilespmem:v43+s14+$0x0], $0xffff;
	[tilespmem:v12+s31+$0x5060 ss:$0x1] =	vst.idx.msk $0xffff, v26  }
0x4ba: {  	v49 =	vadd.s32 $0xEFB, v20;
	[tilespmem:v3+s30+$0x0 ss:$0x1] =	vst.idx.msk $0xffff, v32;
	v32 =	vld.idx.msk [tilespmem:v44+s14+$0x0], $0xffff  }
0x4bb: {  	v50 =	vadd.s32 $0xEFB, v21;
	v33 =	vld.idx.msk [tilespmem:v40+s14+$0x0], $0xffff;
	[tilespmem:v12+s30+$0x5010 ss:$0x1] =	vst.idx.msk $0xffff, v34  }
0x4bc: {  	v46 =	vadd.s32 $0xEBA, v24;
	[tilespmem:v12+s31+$0x6040 ss:$0x1] =	vst.idx.msk $0xffff, v28;
	v29 =	vld.idx.msk [tilespmem:v47+s14+$0x0], $0xffff  }
0x4bd: {  	v53 =	vadd.s32 $0xEFB, v19;
	[tilespmem:v12+s31+$0x6070 ss:$0x1] =	vst.idx.msk $0xffff, v31;
	v26 =	vld.idx.msk [tilespmem:v48+s14+$0x0], $0xffff  }
0x4be: {  	v54 =	vadd.s32 $0xF3C, v23;
	[tilespmem:v12+s31+$0x6050 ss:$0x1] =	vst.idx.msk $0xffff, v30;
	v34 =	vld.idx.msk [tilespmem:v51+s14+$0x0], $0xffff  }
0x4bf: {  	v57 =	vadd.s32 $0xF3C, v22;
	v25 =	vld.idx.msk [tilespmem:v49+s14+$0x0], $0xffff;
	[tilespmem:v12+s31+$0x6060 ss:$0x1] =	vst.idx.msk $0xffff, v32  }
0x4c0: {  	v55 =	vadd.s32 $0xF3C, v20;
	[tilespmem:v4+s30+$0x0 ss:$0x1] =	vst.idx.msk $0xffff, v33;
	v33 =	vld.idx.msk [tilespmem:v50+s14+$0x0], $0xffff  }
0x4c1: {  	v56 =	vadd.s32 $0xF3C, v21;
	v27 =	vld.idx.msk [tilespmem:v46+s14+$0x0], $0xffff;
	[tilespmem:v12+s30+$0x6010 ss:$0x1] =	vst.idx.msk $0xffff, v29  }
0x4c2: {  	v52 =	vadd.s32 $0xEFB, v24;
	[tilespmem:v12+s31+$0x7040 ss:$0x1] =	vst.idx.msk $0xffff, v26;
	v30 =	vld.idx.msk [tilespmem:v53+s14+$0x0], $0xffff  }
0x4c3: {  	v59 =	vadd.s32 $0xF3C, v19;
	[tilespmem:v12+s31+$0x7070 ss:$0x1] =	vst.idx.msk $0xffff, v34;
	v32 =	vld.idx.msk [tilespmem:v54+s14+$0x0], $0xffff  }
0x4c4: {  	v60 =	vadd.s32 $0xF7D, v23;
	[tilespmem:v12+s31+$0x7050 ss:$0x1] =	vst.idx.msk $0xffff, v25;
	v29 =	vld.idx.msk [tilespmem:v57+s14+$0x0], $0xffff  }
0x4c5: {  	v63 =	vadd.s32 $0xF7D, v22;
	v31 =	vld.idx.msk [tilespmem:v55+s14+$0x0], $0xffff;
	[tilespmem:v12+s31+$0x7060 ss:$0x1] =	vst.idx.msk $0xffff, v33  }
0x4c6: {  	v61 =	vadd.s32 $0xF7D, v20;
	[tilespmem:v5+s30+$0x0 ss:$0x1] =	vst.idx.msk $0xffff, v27;
	v27 =	vld.idx.msk [tilespmem:v56+s14+$0x0], $0xffff  }
0x4c7: {  	v54 =	vadd.s32 $0xD34, v15;
	v28 =	vld.idx.msk [tilespmem:v52+s14+$0x0], $0xffff;
	[tilespmem:v12+s30+$0x7010 ss:$0x1] =	vst.idx.msk $0xffff, v30  }
0x4c8: {  	v62 =	vadd.s32 $0xF7D, v21;
	[tilespmem:v12+s31+$0x8040 ss:$0x1] =	vst.idx.msk $0xffff, v32;
	v25 =	vld.idx.msk [tilespmem:v59+s14+$0x0], $0xffff  }
0x4c9: {  	v58 =	vadd.s32 $0xF3C, v24;
	[tilespmem:v12+s31+$0x8070 ss:$0x1] =	vst.idx.msk $0xffff, v29;
	v33 =	vld.idx.msk [tilespmem:v60+s14+$0x0], $0xffff  }
0x4ca: {  	v37 =	vadd.s32 $0xF7D, v19;
	[tilespmem:v12+s31+$0x8050 ss:$0x1] =	vst.idx.msk $0xffff, v31;
	v30 =	vld.idx.msk [tilespmem:v63+s14+$0x0], $0xffff  }
0x4cb: {  	v41 =	vadd.s32 $0xFBE, v22;
	v34 =	vld.idx.msk [tilespmem:v61+s14+$0x0], $0xffff;
	[tilespmem:v12+s31+$0x8060 ss:$0x1] =	vst.idx.msk $0xffff, v27  }
0x4cc: {  	v38 =	vadd.s32 $0xFBE, v23;
	v59 =	vld.idx.msk [tilespmem:v54+s14+$0x0], $0xffff;
	[tilespmem:v6+s30+$0x0 ss:$0x1] =	vst.idx.msk $0xffff, v28  }
0x4cd: {  	v39 =	vadd.s32 $0xFBE, v20;
	v28 =	vld.idx.msk [tilespmem:v62+s14+$0x0], $0xffff;
	[tilespmem:v12+s30+$0x8010 ss:$0x1] =	vst.idx.msk $0xffff, v25  }
0x4ce: {  	v40 =	vadd.s32 $0xFBE, v21;
	v26 =	vld.idx.msk [tilespmem:v58+s14+$0x0], $0xffff;
	[tilespmem:v12+s31+$0x9040 ss:$0x1] =	vst.idx.msk $0xffff, v33  }
0x4cf: {  	v36 =	vadd.s32 $0xF7D, v24;
	[tilespmem:v12+s31+$0x9070 ss:$0x1] =	vst.idx.msk $0xffff, v30;
	v31 =	vld.idx.msk [tilespmem:v37+s14+$0x0], $0xffff  }
0x4d0: {  	v60 =	vadd.s32 $0xD34, v13;
	[tilespmem:v12+s31+$0x9050 ss:$0x1] =	vst.idx.msk $0xffff, v34;
	v25 =	vld.idx.msk [tilespmem:v41+s14+$0x0], $0xffff  }
0x4d1: {  	v43 =	vadd.s32 $0xFBE, v19;
	[tilespmem:s0+$0x2020] =	vst v59;
	v27 =	vld.idx.msk [tilespmem:v38+s14+$0x0], $0xffff  }
0x4d2: {  	v44 =	vadd.s32 $0xFFF, v23;
	v29 =	vld.idx.msk [tilespmem:v39+s14+$0x0], $0xffff;
	[tilespmem:v12+s31+$0x9060 ss:$0x1] =	vst.idx.msk $0xffff, v28  }
0x4d3: {  	v45 =	vadd.s32 $0xFFF, v20;
	[tilespmem:v7+s30+$0x0 ss:$0x1] =	vst.idx.msk $0xffff, v26;
	v26 =	vld.idx.msk [tilespmem:v40+s14+$0x0], $0xffff  }
0x4d4: {  	v47 =	vadd.s32 $0xFFF, v22;
	v32 =	vld.idx.msk [tilespmem:v36+s14+$0x0], $0xffff;
	[tilespmem:v12+s30+$0x9010 ss:$0x1] =	vst.idx.msk $0xffff, v31  }
0x4d5: {  	v55 =	vadd.s32 $0xD34, v16;
	[tilespmem:v12+s31+$0xA070 ss:$0x1] =	vst.idx.msk $0xffff, v25;
	v25 =	vld.idx.msk [tilespmem:v60+s14+$0x0], $0xffff  }
0x4d6: {  	v46 =	vadd.s32 $0xFFF, v21;
	[tilespmem:v12+s31+$0xA040 ss:$0x1] =	vst.idx.msk $0xffff, v27;
	v34 =	vld.idx.msk [tilespmem:v43+s14+$0x0], $0xffff  }
0x4d7: {  	v42 =	vadd.s32 $0xFBE, v24;
	[tilespmem:v12+s31+$0xA050 ss:$0x1] =	vst.idx.msk $0xffff, v29;
	v28 =	vld.idx.msk [tilespmem:v44+s14+$0x0], $0xffff  }
0x4d8: {  	v57 =	vadd.s32 $0xD34, v18;
	v50 =	vld.idx.msk [tilespmem:v45+s14+$0x0], $0xffff;
	[tilespmem:v12+s31+$0xA060 ss:$0x1] =	vst.idx.msk $0xffff, v26  }
0x4d9: {  	v49 =	vadd.s32 $0xFFF, v19;
	v52 =	vld.idx.msk [tilespmem:v47+s14+$0x0], $0xffff;
	[tilespmem:v8+s30+$0x0 ss:$0x1] =	vst.idx.msk $0xffff, v32  }
0x4da: {  	v23 =	vadd.s32 $0x1040, v23;
	v26 =	vld.idx.msk [tilespmem:v55+s14+$0x0], $0xffff;
	[tilespmem:s0+$0x2070] =	vst v25  }
0x4db: {  	v20 =	vadd.s32 $0x1040, v20;
	v51 =	vld.idx.msk [tilespmem:v46+s14+$0x0], $0xffff;
	[tilespmem:v12+s30+$0xA010 ss:$0x1] =	vst.idx.msk $0xffff, v34  }
0x4dc: {  	v22 =	vadd.s32 $0x1040, v22;
	v33 =	vld.idx.msk [tilespmem:v42+s14+$0x0], $0xffff;
	[tilespmem:v12+s31+$0xB040 ss:$0x1] =	vst.idx.msk $0xffff, v28  }
0x4dd: {  	v48 =	vadd.s32 $0xFFF, v24;
	[tilespmem:v12+s31+$0xB050 ss:$0x1] =	vst.idx.msk $0xffff, v50;
	v28 =	vld.idx.msk [tilespmem:v57+s14+$0x0], $0xffff  }
0x4de: {  	v21 =	vadd.s32 $0x1040, v21;
	[tilespmem:v12+s31+$0xB070 ss:$0x1] =	vst.idx.msk $0xffff, v52;
	v53 =	vld.idx.msk [tilespmem:v49+s14+$0x0], $0xffff  }
0x4df: {  	v34 =	vadd.s32 $0xD75, v13;
	v23 =	vld.idx.msk [tilespmem:v23+s14+$0x0], $0xffff;
	[tilespmem:s0+$0x2030] =	vst v26  }
0x4e0: {  	v58 =	vadd.s32 $0xD34, v14;
	v20 =	vld.idx.msk [tilespmem:v20+s14+$0x0], $0xffff;
	[tilespmem:v12+s31+$0xB060 ss:$0x1] =	vst.idx.msk $0xffff, v51  }
0x4e1: {  	v19 =	vadd.s32 $0x1040, v19;
	v22 =	vld.idx.msk [tilespmem:v22+s14+$0x0], $0xffff;
	[tilespmem:v9+s30+$0x0 ss:$0x1] =	vst.idx.msk $0xffff, v33  }
0x4e2: {  	v56 =	vadd.s32 $0xD34, v17;
	v27 =	vld.idx.msk [tilespmem:v48+s14+$0x0], $0xffff;
	[tilespmem:s0+$0x2050] =	vst v28  }
0x4e3: {  	v24 =	vadd.s32 $0x1040, v24;
	v21 =	vld.idx.msk [tilespmem:v21+s14+$0x0], $0xffff;
	[tilespmem:v12+s30+$0xB010 ss:$0x1] =	vst.idx.msk $0xffff, v53  }
0x4e4: {  	v62 =	vadd.s32 $0xD75, v16;
	v26 =	vld.idx.msk [tilespmem:v34+s14+$0x0], $0xffff;
	[tilespmem:v12+s31+$0xC040 ss:$0x1] =	vst.idx.msk $0xffff, v23  }
0x4e5: {  	v61 =	vadd.s32 $0xD75, v15;
	[tilespmem:v12+s31+$0xC050 ss:$0x1] =	vst.idx.msk $0xffff, v20;
	v23 =	vld.idx.msk [tilespmem:v58+s14+$0x0], $0xffff  }
0x4e6: {  	v32 =	vadd.s32 $0xD75, v18;
	[tilespmem:v12+s31+$0xC070 ss:$0x1] =	vst.idx.msk $0xffff, v22;
	v19 =	vld.idx.msk [tilespmem:v19+s14+$0x0], $0xffff  }
0x4e7: {  	v33 =	vadd.s32 $0xD75, v14;
	[tilespmem:v10+s30+$0x0 ss:$0x1] =	vst.idx.msk $0xffff, v27;
	v27 =	vld.idx.msk [tilespmem:v56+s14+$0x0], $0xffff  }
0x4e8: {  	v63 =	vadd.s32 $0xD75, v17;
	[tilespmem:v12+s31+$0xC060 ss:$0x1] =	vst.idx.msk $0xffff, v21;
	v24 =	vld.idx.msk [tilespmem:v24+s14+$0x0], $0xffff  }
0x4e9: {  	v40 =	vadd.s32 $0xDB6, v13;
	v22 =	vld.idx.msk [tilespmem:v62+s14+$0x0], $0xffff;
	[tilespmem:v12+s30+$0x1070 ss:$0x1] =	vst.idx.msk $0xffff, v26  }
0x4ea: {  	v36 =	vadd.s32 $0xDB6, v16;
	v21 =	vld.idx.msk [tilespmem:v61+s14+$0x0], $0xffff;
	[tilespmem:s0+$0x2060] =	vst v23  }
0x4eb: {  	v35 =	vadd.s32 $0xDB6, v15;
	[tilespmem:v12+s30+$0xC010 ss:$0x1] =	vst.idx.msk $0xffff, v19;
	v19 =	vld.idx.msk [tilespmem:v32+s14+$0x0], $0xffff  }
0x4ec: {  	v38 =	vadd.s32 $0xDB6, v18;
	v20 =	vld.idx.msk [tilespmem:v33+s14+$0x0], $0xffff;
	[tilespmem:s0+$0x2040] =	vst v27  }
0x4ed: {  	v39 =	vadd.s32 $0xDB6, v14;
	[tilespmem:v11+s30+$0x0 ss:$0x1] =	vst.idx.msk $0xffff, v24;
	v24 =	vld.idx.msk [tilespmem:v63+s14+$0x0], $0xffff  }
0x4ee: {  	v37 =	vadd.s32 $0xDB6, v17;
	[tilespmem:v12+s30+$0x1030 ss:$0x1] =	vst.idx.msk $0xffff, v22;
	v22 =	vld.idx.msk [tilespmem:v40+s14+$0x0], $0xffff  }
0x4ef: {  	v46 =	vadd.s32 $0xDF7, v13;
	v28 =	vld.idx.msk [tilespmem:v36+s14+$0x0], $0xffff;
	[tilespmem:v12+s30+$0x1020 ss:$0x1] =	vst.idx.msk $0xffff, v21  }
0x4f0: {  	v42 =	vadd.s32 $0xDF7, v16;
	v27 =	vld.idx.msk [tilespmem:v35+s14+$0x0], $0xffff;
	[tilespmem:v12+s30+$0x1050 ss:$0x1] =	vst.idx.msk $0xffff, v19  }
0x4f1: {  	v41 =	vadd.s32 $0xDF7, v15;
	[tilespmem:v12+s30+$0x1060 ss:$0x1] =	vst.idx.msk $0xffff, v20;
	v25 =	vld.idx.msk [tilespmem:v38+s14+$0x0], $0xffff  }
0x4f2: {  	v44 =	vadd.s32 $0xDF7, v18;
	v21 =	vld.idx.msk [tilespmem:v39+s14+$0x0], $0xffff;
	[tilespmem:v12+s30+$0x1040 ss:$0x1] =	vst.idx.msk $0xffff, v24  }
0x4f3: {  	v45 =	vadd.s32 $0xDF7, v14;
	[tilespmem:v12+s30+$0x2070 ss:$0x1] =	vst.idx.msk $0xffff, v22;
	v23 =	vld.idx.msk [tilespmem:v37+s14+$0x0], $0xffff  }
0x4f4: {  	v43 =	vadd.s32 $0xDF7, v17;
	[tilespmem:v12+s30+$0x2030 ss:$0x1] =	vst.idx.msk $0xffff, v28;
	v28 =	vld.idx.msk [tilespmem:v46+s14+$0x0], $0xffff  }
0x4f5: {  	v52 =	vadd.s32 $0xE38, v13;
	v19 =	vld.idx.msk [tilespmem:v42+s14+$0x0], $0xffff;
	[tilespmem:v12+s30+$0x2020 ss:$0x1] =	vst.idx.msk $0xffff, v27  }
0x4f6: {  	v48 =	vadd.s32 $0xE38, v16;
	v24 =	vld.idx.msk [tilespmem:v41+s14+$0x0], $0xffff;
	[tilespmem:v12+s30+$0x2050 ss:$0x1] =	vst.idx.msk $0xffff, v25  }
0x4f7: {  	v47 =	vadd.s32 $0xE38, v15;
	[tilespmem:v12+s30+$0x2060 ss:$0x1] =	vst.idx.msk $0xffff, v21;
	v26 =	vld.idx.msk [tilespmem:v44+s14+$0x0], $0xffff  }
0x4f8: {  	v50 =	vadd.s32 $0xE38, v18;
	v27 =	vld.idx.msk [tilespmem:v45+s14+$0x0], $0xffff;
	[tilespmem:v12+s30+$0x2040 ss:$0x1] =	vst.idx.msk $0xffff, v23  }
0x4f9: {  	v51 =	vadd.s32 $0xE38, v14;
	[tilespmem:v12+s30+$0x3070 ss:$0x1] =	vst.idx.msk $0xffff, v28;
	v20 =	vld.idx.msk [tilespmem:v43+s14+$0x0], $0xffff  }
0x4fa: {  	v49 =	vadd.s32 $0xE38, v17;
	[tilespmem:v12+s30+$0x3030 ss:$0x1] =	vst.idx.msk $0xffff, v19;
	v19 =	vld.idx.msk [tilespmem:v52+s14+$0x0], $0xffff  }
0x4fb: {  	v58 =	vadd.s32 $0xE79, v13;
	v25 =	vld.idx.msk [tilespmem:v48+s14+$0x0], $0xffff;
	[tilespmem:v12+s30+$0x3020 ss:$0x1] =	vst.idx.msk $0xffff, v24  }
0x4fc: {  	v54 =	vadd.s32 $0xE79, v16;
	v23 =	vld.idx.msk [tilespmem:v47+s14+$0x0], $0xffff;
	[tilespmem:v12+s30+$0x3050 ss:$0x1] =	vst.idx.msk $0xffff, v26  }
0x4fd: {  	v53 =	vadd.s32 $0xE79, v15;
	[tilespmem:v12+s30+$0x3060 ss:$0x1] =	vst.idx.msk $0xffff, v27;
	v22 =	vld.idx.msk [tilespmem:v50+s14+$0x0], $0xffff  }
0x4fe: {  	v56 =	vadd.s32 $0xE79, v18;
	v24 =	vld.idx.msk [tilespmem:v51+s14+$0x0], $0xffff;
	[tilespmem:v12+s30+$0x3040 ss:$0x1] =	vst.idx.msk $0xffff, v20  }
0x4ff: {  	v57 =	vadd.s32 $0xE79, v14;
	[tilespmem:v12+s30+$0x4070 ss:$0x1] =	vst.idx.msk $0xffff, v19;
	v21 =	vld.idx.msk [tilespmem:v49+s14+$0x0], $0xffff  }
0x500: {  	v55 =	vadd.s32 $0xE79, v17;
	[tilespmem:v12+s30+$0x4030 ss:$0x1] =	vst.idx.msk $0xffff, v25;
	v25 =	vld.idx.msk [tilespmem:v58+s14+$0x0], $0xffff  }
0x501: {  	v32 =	vadd.s32 $0xEBA, v13;
	v26 =	vld.idx.msk [tilespmem:v54+s14+$0x0], $0xffff;
	[tilespmem:v12+s30+$0x4020 ss:$0x1] =	vst.idx.msk $0xffff, v23  }
0x502: {  	v60 =	vadd.s32 $0xEBA, v16;
	v20 =	vld.idx.msk [tilespmem:v53+s14+$0x0], $0xffff;
	[tilespmem:v12+s30+$0x4050 ss:$0x1] =	vst.idx.msk $0xffff, v22  }
0x503: {  	v59 =	vadd.s32 $0xEBA, v15;
	[tilespmem:v12+s30+$0x4060 ss:$0x1] =	vst.idx.msk $0xffff, v24;
	v28 =	vld.idx.msk [tilespmem:v56+s14+$0x0], $0xffff  }
0x504: {  	v62 =	vadd.s32 $0xEBA, v18;
	v23 =	vld.idx.msk [tilespmem:v57+s14+$0x0], $0xffff;
	[tilespmem:v12+s30+$0x4040 ss:$0x1] =	vst.idx.msk $0xffff, v21  }
0x505: {  	v63 =	vadd.s32 $0xEBA, v14;
	[tilespmem:v12+s30+$0x5070 ss:$0x1] =	vst.idx.msk $0xffff, v25;
	v27 =	vld.idx.msk [tilespmem:v55+s14+$0x0], $0xffff  }
0x506: {  	v61 =	vadd.s32 $0xEBA, v17;
	[tilespmem:v12+s30+$0x5030 ss:$0x1] =	vst.idx.msk $0xffff, v26;
	v26 =	vld.idx.msk [tilespmem:v32+s14+$0x0], $0xffff  }
0x507: {  	v38 =	vadd.s32 $0xEFB, v13;
	v22 =	vld.idx.msk [tilespmem:v60+s14+$0x0], $0xffff;
	[tilespmem:v12+s30+$0x5020 ss:$0x1] =	vst.idx.msk $0xffff, v20  }
0x508: {  	v34 =	vadd.s32 $0xEFB, v16;
	v21 =	vld.idx.msk [tilespmem:v59+s14+$0x0], $0xffff;
	[tilespmem:v12+s30+$0x5050 ss:$0x1] =	vst.idx.msk $0xffff, v28  }
0x509: {  	v33 =	vadd.s32 $0xEFB, v15;
	[tilespmem:v12+s30+$0x5060 ss:$0x1] =	vst.idx.msk $0xffff, v23;
	v19 =	vld.idx.msk [tilespmem:v62+s14+$0x0], $0xffff  }
0x50a: {  	v36 =	vadd.s32 $0xEFB, v18;
	v20 =	vld.idx.msk [tilespmem:v63+s14+$0x0], $0xffff;
	[tilespmem:v12+s30+$0x5040 ss:$0x1] =	vst.idx.msk $0xffff, v27  }
0x50b: {  	v37 =	vadd.s32 $0xEFB, v14;
	[tilespmem:v12+s30+$0x6070 ss:$0x1] =	vst.idx.msk $0xffff, v26;
	v24 =	vld.idx.msk [tilespmem:v61+s14+$0x0], $0xffff  }
0x50c: {  	v35 =	vadd.s32 $0xEFB, v17;
	[tilespmem:v12+s30+$0x6030 ss:$0x1] =	vst.idx.msk $0xffff, v22;
	v22 =	vld.idx.msk [tilespmem:v38+s14+$0x0], $0xffff  }
0x50d: {  	v44 =	vadd.s32 $0xF3C, v13;
	v28 =	vld.idx.msk [tilespmem:v34+s14+$0x0], $0xffff;
	[tilespmem:v12+s30+$0x6020 ss:$0x1] =	vst.idx.msk $0xffff, v21  }
0x50e: {  	v40 =	vadd.s32 $0xF3C, v16;
	v27 =	vld.idx.msk [tilespmem:v33+s14+$0x0], $0xffff;
	[tilespmem:v12+s30+$0x6050 ss:$0x1] =	vst.idx.msk $0xffff, v19  }
0x50f: {  	v39 =	vadd.s32 $0xF3C, v15;
	[tilespmem:v12+s30+$0x6060 ss:$0x1] =	vst.idx.msk $0xffff, v20;
	v25 =	vld.idx.msk [tilespmem:v36+s14+$0x0], $0xffff  }
0x510: {  	v42 =	vadd.s32 $0xF3C, v18;
	v21 =	vld.idx.msk [tilespmem:v37+s14+$0x0], $0xffff;
	[tilespmem:v12+s30+$0x6040 ss:$0x1] =	vst.idx.msk $0xffff, v24  }
0x511: {  	v43 =	vadd.s32 $0xF3C, v14;
	[tilespmem:v12+s30+$0x7070 ss:$0x1] =	vst.idx.msk $0xffff, v22;
	v23 =	vld.idx.msk [tilespmem:v35+s14+$0x0], $0xffff  }
0x512: {  	v41 =	vadd.s32 $0xF3C, v17;
	[tilespmem:v12+s30+$0x7030 ss:$0x1] =	vst.idx.msk $0xffff, v28;
	v28 =	vld.idx.msk [tilespmem:v44+s14+$0x0], $0xffff  }
0x513: {  	v50 =	vadd.s32 $0xF7D, v13;
	v19 =	vld.idx.msk [tilespmem:v40+s14+$0x0], $0xffff;
	[tilespmem:v12+s30+$0x7020 ss:$0x1] =	vst.idx.msk $0xffff, v27  }
0x514: {  	v46 =	vadd.s32 $0xF7D, v16;
	v24 =	vld.idx.msk [tilespmem:v39+s14+$0x0], $0xffff;
	[tilespmem:v12+s30+$0x7050 ss:$0x1] =	vst.idx.msk $0xffff, v25  }
0x515: {  	v45 =	vadd.s32 $0xF7D, v15;
	[tilespmem:v12+s30+$0x7060 ss:$0x1] =	vst.idx.msk $0xffff, v21;
	v26 =	vld.idx.msk [tilespmem:v42+s14+$0x0], $0xffff  }
0x516: {  	v48 =	vadd.s32 $0xF7D, v18;
	v27 =	vld.idx.msk [tilespmem:v43+s14+$0x0], $0xffff;
	[tilespmem:v12+s30+$0x7040 ss:$0x1] =	vst.idx.msk $0xffff, v23  }
0x517: {  	v49 =	vadd.s32 $0xF7D, v14;
	[tilespmem:v12+s30+$0x8070 ss:$0x1] =	vst.idx.msk $0xffff, v28;
	v20 =	vld.idx.msk [tilespmem:v41+s14+$0x0], $0xffff  }
0x518: {  	v47 =	vadd.s32 $0xF7D, v17;
	[tilespmem:v12+s30+$0x8030 ss:$0x1] =	vst.idx.msk $0xffff, v19;
	v19 =	vld.idx.msk [tilespmem:v50+s14+$0x0], $0xffff  }
0x519: {  	v56 =	vadd.s32 $0xFBE, v13;
	v25 =	vld.idx.msk [tilespmem:v46+s14+$0x0], $0xffff;
	[tilespmem:v12+s30+$0x8020 ss:$0x1] =	vst.idx.msk $0xffff, v24  }
0x51a: {  	v52 =	vadd.s32 $0xFBE, v16;
	v23 =	vld.idx.msk [tilespmem:v45+s14+$0x0], $0xffff;
	[tilespmem:v12+s30+$0x8050 ss:$0x1] =	vst.idx.msk $0xffff, v26  }
0x51b: {  	v51 =	vadd.s32 $0xFBE, v15;
	[tilespmem:v12+s30+$0x8060 ss:$0x1] =	vst.idx.msk $0xffff, v27;
	v22 =	vld.idx.msk [tilespmem:v48+s14+$0x0], $0xffff  }
0x51c: {  	v54 =	vadd.s32 $0xFBE, v18;
	v24 =	vld.idx.msk [tilespmem:v49+s14+$0x0], $0xffff;
	[tilespmem:v12+s30+$0x8040 ss:$0x1] =	vst.idx.msk $0xffff, v20  }
0x51d: {  	v55 =	vadd.s32 $0xFBE, v14;
	[tilespmem:v12+s30+$0x9070 ss:$0x1] =	vst.idx.msk $0xffff, v19;
	v21 =	vld.idx.msk [tilespmem:v47+s14+$0x0], $0xffff  }
0x51e: {  	v53 =	vadd.s32 $0xFBE, v17;
	[tilespmem:v12+s30+$0x9030 ss:$0x1] =	vst.idx.msk $0xffff, v25;
	v25 =	vld.idx.msk [tilespmem:v56+s14+$0x0], $0xffff  }
0x51f: {  	v62 =	vadd.s32 $0xFFF, v13;
	v26 =	vld.idx.msk [tilespmem:v52+s14+$0x0], $0xffff;
	[tilespmem:v12+s30+$0x9020 ss:$0x1] =	vst.idx.msk $0xffff, v23  }
0x520: {  	v58 =	vadd.s32 $0xFFF, v16;
	v20 =	vld.idx.msk [tilespmem:v51+s14+$0x0], $0xffff;
	[tilespmem:v12+s30+$0x9050 ss:$0x1] =	vst.idx.msk $0xffff, v22  }
0x521: {  	v57 =	vadd.s32 $0xFFF, v15;
	[tilespmem:v12+s30+$0x9060 ss:$0x1] =	vst.idx.msk $0xffff, v24;
	v28 =	vld.idx.msk [tilespmem:v54+s14+$0x0], $0xffff  }
0x522: {  	v60 =	vadd.s32 $0xFFF, v18;
	v23 =	vld.idx.msk [tilespmem:v55+s14+$0x0], $0xffff;
	[tilespmem:v12+s30+$0x9040 ss:$0x1] =	vst.idx.msk $0xffff, v21  }
0x523: {  	v61 =	vadd.s32 $0xFFF, v14;
	[tilespmem:v12+s30+$0xA070 ss:$0x1] =	vst.idx.msk $0xffff, v25;
	v27 =	vld.idx.msk [tilespmem:v53+s14+$0x0], $0xffff  }
0x524: {  	v59 =	vadd.s32 $0xFFF, v17;
	[tilespmem:v12+s30+$0xA030 ss:$0x1] =	vst.idx.msk $0xffff, v26;
	v63 =	vld.idx.msk [tilespmem:v62+s14+$0x0], $0xffff  }
0x525: {  	v13 =	vadd.s32 $0x1040, v13;
	v22 =	vld.idx.msk [tilespmem:v58+s14+$0x0], $0xffff;
	[tilespmem:v12+s30+$0xA020 ss:$0x1] =	vst.idx.msk $0xffff, v20  }
0x526: {  	v16 =	vadd.s32 $0x1040, v16;
	v21 =	vld.idx.msk [tilespmem:v57+s14+$0x0], $0xffff;
	[tilespmem:v12+s30+$0xA050 ss:$0x1] =	vst.idx.msk $0xffff, v28  }
0x527: {  	v15 =	vadd.s32 $0x1040, v15;
	[tilespmem:v12+s30+$0xA060 ss:$0x1] =	vst.idx.msk $0xffff, v23;
	v19 =	vld.idx.msk [tilespmem:v60+s14+$0x0], $0xffff  }
0x528: {  	v18 =	vadd.s32 $0x1040, v18;
	v20 =	vld.idx.msk [tilespmem:v61+s14+$0x0], $0xffff;
	[tilespmem:v12+s30+$0xA040 ss:$0x1] =	vst.idx.msk $0xffff, v27  }
0x529: {  	v14 =	vadd.s32 $0x1040, v14;
	[tilespmem:v12+s30+$0xB070 ss:$0x1] =	vst.idx.msk $0xffff, v63;
	v24 =	vld.idx.msk [tilespmem:v59+s14+$0x0], $0xffff  }
0x52a: {  	v17 =	vadd.s32 $0x1040, v17;
	[tilespmem:v12+s30+$0xB030 ss:$0x1] =	vst.idx.msk $0xffff, v22;
	v13 =	vld.idx.msk [tilespmem:v13+s14+$0x0], $0xffff  }
0x52b: {  	v16 =	vld.idx.msk [tilespmem:v16+s14+$0x0], $0xffff;
	[tilespmem:v12+s30+$0xB020 ss:$0x1] =	vst.idx.msk $0xffff, v21  }
0x52c: {  	v15 =	vld.idx.msk [tilespmem:v15+s14+$0x0], $0xffff;
	[tilespmem:v12+s30+$0xB050 ss:$0x1] =	vst.idx.msk $0xffff, v19  }
0x52d: {  	[tilespmem:v12+s30+$0xB060 ss:$0x1] =	vst.idx.msk $0xffff, v20;
	v18 =	vld.idx.msk [tilespmem:v18+s14+$0x0], $0xffff  }
0x52e: {  	v14 =	vld.idx.msk [tilespmem:v14+s14+$0x0], $0xffff;
	[tilespmem:v12+s30+$0xB040 ss:$0x1] =	vst.idx.msk $0xffff, v24  }
0x52f: {  	p1 =	por p0, p0;
	[tilespmem:v12+s30+$0xC070 ss:$0x1] =	vst.idx.msk $0xffff, v13;
	v17 =	vld.idx.msk [tilespmem:v17+s14+$0x0], $0xffff  }
.Ltmp8:
0x530: {  	[tilespmem:v12+s30+$0xC030 ss:$0x1] =	vst.idx.msk $0xffff, v16;
	(pc) =	sbr.rel @p1 .LBB2_19-.Ltmp8, $4  }
0x531: {  	[tilespmem:v12+s30+$0xC020 ss:$0x1] =	vst.idx.msk $0xffff, v15  }
0x532: {  	[tilespmem:v12+s30+$0xC050 ss:$0x1] =	vst.idx.msk $0xffff, v18  }
0x533: {  	[tilespmem:v12+s30+$0xC060 ss:$0x1] =	vst.idx.msk $0xffff, v14  }
0x534: {  	p0 =	por $0x0, $0x0;
	s31 =	simm.s32 $0x800;
	[tilespmem:v12+s30+$0xC040 ss:$0x1] =	vst.idx.msk $0xffff, v17  }
0x535: {  	s28 =	sadd.s32 $0x1, s28  }
0x536: {  	p0 =	sne.s32 s28, $0x8  }
.Ltmp9:
0x537: {  	_ = 	snop;
	(pc) =	sbr.rel @p0 .LBB2_18-.Ltmp9, $1  }
0x538: {  	_ =	sdelay $0x3  }
0x539: {  	[hbm4b:s11+s15] =	stream.strided.scatter [tilespmem:s20], [sflag:$0x1], $0xD000, s19, s15, $0x38;
	[tilespmem:$0x1E280] =	vst v63  }
0x53a: {  	_ =	swait.ge [sflag:s22], $0x1000  }
0x53b: {  	[sflag:s22] =	ssyncset.done $0x0  }
0x53c: {  	[sflag:s22] =	ssyncadd.s32 $0xFFFFF000  }
0x53d: {  	_ =	swait.ge [sflag:s23], $0x1100  }
0x53e: {  	[sflag:s23] =	ssyncset.done $0x0  }
0x53f: {  	s0 =	simm.s32 $0x1040;
	[sflag:s23] =	ssyncadd.s32 $0xFFFFEF00  }
0x540: {  	s1 =	simm.s32 $0x40;
	v1 =	vld [tilespmem:s0+$0x20]  }
0x541: {  	v2 =	vld [tilespmem:s1+$0xFFFFFFC0]  }
0x542: {  	v0 =	vld [tilespmem:s0+$0x10]  }
0x543: {  	v3 =	vld [tilespmem:s0+$0xFFFFFFC0]  }
0x544: {  	v4 =	vld [tilespmem:s1+$0xFFFFFFD0]  }
0x545: {  	v5 =	vld [tilespmem:s0+$0xFFFFFFD0]  }
0x546: {  	v6 =	vld [tilespmem:s1+$0xFFFFFFE0];
	v2 =	vmul.u32 $0x41, v2  }
0x547: {  	v7 =	vld [tilespmem:s0+$0xFFFFFFE0]  }
0x548: {  	v8 =	vld [tilespmem:s1+$0xFFFFFFF0];
	v2 =	vadd.s32 v3, v2  }
0x549: {  	v9 =	vld [tilespmem:s0+$0xFFFFFFF0];
	v3 =	vmul.u32 $0x41, v4  }
0x54a: {  	v4 =	vld [tilespmem:s1+$0x0]  }
0x54b: {  	v11 =	vld [tilespmem:s0+$0x0];
	v5 =	vadd.s32 v5, v3;
	v3 =	vmul.u32 $0x41, v6  }
0x54c: {  	v12 =	vld [tilespmem:s1+$0x10]  }
0x54d: {  	v13 =	vadd.s32 v7, v3;
	v3 =	vld.idx.msk [tilespmem:v2+s16+$0x0], $0xffff;
	v2 =	vmul.u32 $0x41, v8  }
0x54e: {  	v6 =	vld [tilespmem:s1+$0x20]  }
0x54f: {  	v10 =	vld [tilespmem:s0+$0x30];
	v14 =	vmul.u32 $0x41, v4;
	v8 =	vadd.s32 v9, v2  }
0x550: {  	v7 =	vld [tilespmem:s1+$0x30]  }
0x551: {  	v4 =	vld.idx.msk [tilespmem:v5+s16+$0x0], $0xffff;
	v9 =	vadd.s32 v11, v14;
	v11 =	vmul.u32 $0x41, v12  }
0x552: {  	s28 =	simm.s32 $0x0;
	s29 =	simm.s32 $0x1440;
	v2 =	vimm.f32 $0.0e+00;
	v5 =	vld.idx.msk [tilespmem:v13+s16+$0x0], $0xffff  }
.LBB2_22:
0x553: {  	v12 =	vld [tilespmem:s29+$0x20];
	v11 =	vadd.s32 v0, v11;
	v6 =	vmul.u32 $0x41, v6  }
0x554: {  	v2 =	vadd.f32 v3, v2;
	v3 =	vld.idx.msk [tilespmem:v8+s16+$0x0], $0xffff  }
0x555: {  	v13 =	vmul.u32 $0x41, v7;
	v0 =	vld [tilespmem:s29+$0x10];
	v6 =	vadd.s32 v1, v6  }
0x556: {  	v2 =	vadd.f32 v4, v2;
	v4 =	vld.idx.msk [tilespmem:v9+s16+$0x0], $0xffff  }
0x557: {  	v8 =	vadd.s32 v10, v13;
	v7 =	vld [tilespmem:s29+$0xFFFFFFC0]  }
0x558: {  	s1 =	sadd.s32 $0x400, s1;
	v2 =	vadd.f32 v5, v2;
	v5 =	vld.idx.msk [tilespmem:v11+s16+$0x0], $0xffff;
	v1 =	vmov v12  }
0x559: {  	v9 =	vld [tilespmem:s1+$0xFFFFFFC0]  }
0x55a: {  	s28 =	sadd.s32 $0x8, s28;
	v2 =	vadd.f32 v3, v2;
	v3 =	vld.idx.msk [tilespmem:v6+s16+$0x0], $0xffff  }
0x55b: {  	p0 =	slt.u32 s28, $0x18;
	v6 =	vld [tilespmem:s1+$0xFFFFFFD0]  }
0x55c: {  	v2 =	vadd.f32 v4, v2;
	v4 =	vld.idx.msk [tilespmem:v8+s16+$0x0], $0xffff  }
0x55d: {  	v8 =	vld [tilespmem:s29+$0xFFFFFFD0]  }
0x55e: {  	v2 =	vadd.f32 v5, v2;
	v10 =	vld [tilespmem:s1+$0xFFFFFFE0]  }
0x55f: {  	v5 =	vmul.u32 $0x41, v9;
	v9 =	vld [tilespmem:s29+$0xFFFFFFE0]  }
0x560: {  	v2 =	vadd.f32 v3, v2;
	v11 =	vld [tilespmem:s1+$0xFFFFFFF0]  }
0x561: {  	v3 =	vadd.s32 v7, v5;
	v5 =	vmul.u32 $0x41, v6;
	v7 =	vld [tilespmem:s29+$0xFFFFFFF0]  }
0x562: {  	s30 =	simm.s32 $0x10F0;
	s0 =	simm.s32 $0xF0;
	v2 =	vadd.f32 v4, v2;
	v12 =	vld [tilespmem:s1+$0x0]  }
0x563: {  	v4 =	vadd.s32 v8, v5;
	v5 =	vmul.u32 $0x41, v10;
	v10 =	vld [tilespmem:s29+$0x0]  }
0x564: {  	v13 =	vld [tilespmem:s1+$0x10]  }
0x565: {  	v5 =	vadd.s32 v9, v5;
	v8 =	vmul.u32 $0x41, v11;
	v6 =	vld [tilespmem:s1+$0x20]  }
.Ltmp10:
0x566: {  	v3 =	vld.idx.msk [tilespmem:v3+s16+$0x0], $0xffff;
	(pc) =	sbr.rel @p0 .LBB2_22-.Ltmp10, $4  }
0x567: {  	v8 =	vadd.s32 v7, v8;
	v9 =	vmul.u32 $0x41, v12;
	v7 =	vld [tilespmem:s1+$0x30]  }
0x568: {  	v4 =	vld.idx.msk [tilespmem:v4+s16+$0x0], $0xffff  }
0x569: {  	v9 =	vadd.s32 v10, v9;
	v11 =	vmul.u32 $0x41, v13;
	v10 =	vld [tilespmem:s29+$0x30]  }
0x56a: {  	s29 =	sadd.s32 $0x400, s29;
	v5 =	vld.idx.msk [tilespmem:v5+s16+$0x0], $0xffff  }
0x56b: {  	_ = 	snop  }
0x56c: {  	v6 =	vmul.u32 $0x41, v6;
	v7 =	vmul.u32 $0x41, v7  }
0x56d: {  	v2 =	vadd.f32 v3, v2;
	v3 =	vld [tilespmem:s30+$0xFFFFFF90]  }
0x56e: {  	v12 =	vld [tilespmem:s0+$0xFFFFFFA0];
	v1 =	vadd.s32 v1, v6;
	v6 =	vadd.s32 v10, v7  }
0x56f: {  	v13 =	vld [tilespmem:s0+$0xFFFFFFB0]  }
0x570: {  	v14 =	vld [tilespmem:s0+$0xFFFFFFC0]  }
0x571: {  	v61 =	vld [tilespmem:s30+$0xFFFFFFC0]  }
0x572: {  	v15 =	vld [tilespmem:s0+$0xFFFFFFD0]  }
0x573: {  	v0 =	vadd.s32 v0, v11;
	v11 =	vld.idx.msk [tilespmem:v6+s16+$0x0], $0xffff  }
0x574: {  	v6 =	vld [tilespmem:s0+$0xFFFFFF90]  }
0x575: {  	v62 =	vld [tilespmem:s30+$0xFFFFFFD0]  }
0x576: {  	v7 =	vld.idx.msk [tilespmem:v8+s16+$0x0], $0xffff  }
0x577: {  	v2 =	vadd.f32 v4, v2;
	v4 =	vld [tilespmem:s30+$0xFFFFFFA0]  }
0x578: {  	v8 =	vld.idx.msk [tilespmem:v9+s16+$0x0], $0xffff  }
0x579: {  	v2 =	vadd.f32 v5, v2;
	v9 =	vld.idx.msk [tilespmem:v0+s16+$0x0], $0xffff;
	v5 =	vmul.u32 $0x41, v6  }
0x57a: {  	v6 =	vld [tilespmem:s30+$0xFFFFFFB0]  }
0x57b: {  	v16 =	vld [tilespmem:s0+$0xFFFFFFE0];
	v2 =	vadd.f32 v7, v2;
	v3 =	vadd.s32 v3, v5;
	v5 =	vmul.u32 $0x41, v12  }
0x57c: {  	v10 =	vld.idx.msk [tilespmem:v1+s16+$0x0], $0xffff  }
0x57d: {  	v0 =	vld [tilespmem:s30+$0xFFFFFFE0];
	v2 =	vadd.f32 v8, v2;
	v4 =	vadd.s32 v4, v5;
	v5 =	vmul.u32 $0x41, v13  }
0x57e: {  	v1 =	vld [tilespmem:s30+$0xFFFFFFF0]  }
0x57f: {  	v7 =	vld [tilespmem:s0+$0x0];
	v2 =	vadd.f32 v9, v2;
	v9 =	vmul.u32 $0x41, v14;
	v5 =	vadd.s32 v6, v5  }
0x580: {  	v6 =	vld [tilespmem:s0+$0xFFFFFFF0]  }
0x581: {  	v63 =	vmul.u32 $0x41, v15;
	v2 =	vadd.f32 v10, v2;
	v10 =	vadd.s32 v61, v9;
	v3 =	vld.idx.msk [tilespmem:v3+s16+$0x0], $0xffff  }
0x582: {  	v8 =	vld [tilespmem:s30+$0x0]  }
0x583: {  	v9 =	vadd.s32 v62, v63;
	v2 =	vadd.f32 v11, v2;
	v11 =	vmul.u32 $0x41, v16;
	v4 =	vld.idx.msk [tilespmem:v4+s16+$0x0], $0xffff  }
0x584: {  	s28 =	simm.s32 $0x0;
	s29 =	simm.s32 $0x14F0;
	v5 =	vld.idx.msk [tilespmem:v5+s16+$0x0], $0xffff  }
.LBB2_24:
0x585: {  	v12 =	vld [tilespmem:s29+$0xFFFFFFF0];
	v11 =	vadd.s32 v0, v11;
	v6 =	vmul.u32 $0x41, v6  }
0x586: {  	v2 =	vadd.f32 v3, v2;
	v3 =	vld.idx.msk [tilespmem:v10+s16+$0x0], $0xffff  }
0x587: {  	v10 =	vmul.u32 $0x41, v7;
	v0 =	vld [tilespmem:s29+$0xFFFFFFE0];
	v6 =	vadd.s32 v1, v6  }
0x588: {  	v2 =	vadd.f32 v4, v2;
	v4 =	vld.idx.msk [tilespmem:v9+s16+$0x0], $0xffff  }
0x589: {  	v8 =	vadd.s32 v8, v10;
	v7 =	vld [tilespmem:s29+$0xFFFFFF90]  }
0x58a: {  	s0 =	sadd.s32 $0x400, s0;
	v2 =	vadd.f32 v5, v2;
	v5 =	vld.idx.msk [tilespmem:v11+s16+$0x0], $0xffff;
	v1 =	vmov v12  }
0x58b: {  	v9 =	vld [tilespmem:s0+$0xFFFFFF90]  }
0x58c: {  	s28 =	sadd.s32 $0x8, s28;
	v2 =	vadd.f32 v3, v2;
	v3 =	vld.idx.msk [tilespmem:v6+s16+$0x0], $0xffff  }
0x58d: {  	p0 =	slt.u32 s28, $0x18;
	v6 =	vld [tilespmem:s0+$0xFFFFFFA0]  }
0x58e: {  	v2 =	vadd.f32 v4, v2;
	v4 =	vld.idx.msk [tilespmem:v8+s16+$0x0], $0xffff  }
0x58f: {  	v8 =	vld [tilespmem:s29+$0xFFFFFFA0]  }
0x590: {  	v2 =	vadd.f32 v5, v2;
	v10 =	vld [tilespmem:s0+$0xFFFFFFB0]  }
0x591: {  	v5 =	vmul.u32 $0x41, v9;
	v9 =	vld [tilespmem:s29+$0xFFFFFFB0]  }
0x592: {  	v2 =	vadd.f32 v3, v2;
	v11 =	vld [tilespmem:s0+$0xFFFFFFC0]  }
0x593: {  	v3 =	vadd.s32 v7, v5;
	v5 =	vmul.u32 $0x41, v6;
	v7 =	vld [tilespmem:s29+$0xFFFFFFC0]  }
0x594: {  	s30 =	simm.s32 $0x1170;
	s1 =	simm.s32 $0x170;
	v2 =	vadd.f32 v4, v2;
	v12 =	vld [tilespmem:s0+$0xFFFFFFD0]  }
0x595: {  	v4 =	vadd.s32 v8, v5;
	v5 =	vmul.u32 $0x41, v10;
	v8 =	vld [tilespmem:s29+$0xFFFFFFD0]  }
0x596: {  	v13 =	vld [tilespmem:s0+$0xFFFFFFE0]  }
0x597: {  	v5 =	vadd.s32 v9, v5;
	v9 =	vmul.u32 $0x41, v11;
	v6 =	vld [tilespmem:s0+$0xFFFFFFF0]  }
.Ltmp11:
0x598: {  	v3 =	vld.idx.msk [tilespmem:v3+s16+$0x0], $0xffff;
	(pc) =	sbr.rel @p0 .LBB2_24-.Ltmp11, $4  }
0x599: {  	v10 =	vadd.s32 v7, v9;
	v9 =	vmul.u32 $0x41, v12;
	v7 =	vld [tilespmem:s0+$0x0]  }
0x59a: {  	v4 =	vld.idx.msk [tilespmem:v4+s16+$0x0], $0xffff  }
0x59b: {  	v9 =	vadd.s32 v8, v9;
	v11 =	vmul.u32 $0x41, v13;
	v8 =	vld [tilespmem:s29+$0x0]  }
0x59c: {  	s29 =	sadd.s32 $0x400, s29;
	v5 =	vld.idx.msk [tilespmem:v5+s16+$0x0], $0xffff  }
0x59d: {  	_ = 	snop  }
0x59e: {  	v6 =	vmul.u32 $0x41, v6;
	v7 =	vmul.u32 $0x41, v7  }
0x59f: {  	v2 =	vadd.f32 v3, v2;
	v3 =	vld [tilespmem:s30+$0xFFFFFF90]  }
0x5a0: {  	v12 =	vld [tilespmem:s1+$0xFFFFFFA0];
	v1 =	vadd.s32 v1, v6;
	v6 =	vadd.s32 v8, v7  }
0x5a1: {  	v13 =	vld [tilespmem:s1+$0xFFFFFFB0]  }
0x5a2: {  	v14 =	vld [tilespmem:s1+$0xFFFFFFC0]  }
0x5a3: {  	v61 =	vld [tilespmem:s30+$0xFFFFFFC0]  }
0x5a4: {  	v15 =	vld [tilespmem:s1+$0xFFFFFFD0]  }
0x5a5: {  	v0 =	vadd.s32 v0, v11;
	v11 =	vld.idx.msk [tilespmem:v6+s16+$0x0], $0xffff  }
0x5a6: {  	v6 =	vld [tilespmem:s1+$0xFFFFFF90]  }
0x5a7: {  	v62 =	vld [tilespmem:s30+$0xFFFFFFD0]  }
0x5a8: {  	v7 =	vld.idx.msk [tilespmem:v10+s16+$0x0], $0xffff  }
0x5a9: {  	v2 =	vadd.f32 v4, v2;
	v4 =	vld [tilespmem:s30+$0xFFFFFFA0]  }
0x5aa: {  	v8 =	vld.idx.msk [tilespmem:v9+s16+$0x0], $0xffff  }
0x5ab: {  	v2 =	vadd.f32 v5, v2;
	v9 =	vld.idx.msk [tilespmem:v0+s16+$0x0], $0xffff;
	v5 =	vmul.u32 $0x41, v6  }
0x5ac: {  	v6 =	vld [tilespmem:s30+$0xFFFFFFB0]  }
0x5ad: {  	v16 =	vld [tilespmem:s1+$0xFFFFFFE0];
	v2 =	vadd.f32 v7, v2;
	v3 =	vadd.s32 v3, v5;
	v5 =	vmul.u32 $0x41, v12  }
0x5ae: {  	v10 =	vld.idx.msk [tilespmem:v1+s16+$0x0], $0xffff  }
0x5af: {  	v0 =	vld [tilespmem:s30+$0xFFFFFFE0];
	v2 =	vadd.f32 v8, v2;
	v4 =	vadd.s32 v4, v5;
	v5 =	vmul.u32 $0x41, v13  }
0x5b0: {  	v1 =	vld [tilespmem:s30+$0xFFFFFFF0]  }
0x5b1: {  	v7 =	vld [tilespmem:s1+$0x0];
	v2 =	vadd.f32 v9, v2;
	v9 =	vmul.u32 $0x41, v14;
	v5 =	vadd.s32 v6, v5  }
0x5b2: {  	v6 =	vld [tilespmem:s1+$0xFFFFFFF0]  }
0x5b3: {  	v63 =	vmul.u32 $0x41, v15;
	v2 =	vadd.f32 v10, v2;
	v10 =	vadd.s32 v61, v9;
	v3 =	vld.idx.msk [tilespmem:v3+s16+$0x0], $0xffff  }
0x5b4: {  	v8 =	vld [tilespmem:s30+$0x0]  }
0x5b5: {  	v9 =	vadd.s32 v62, v63;
	v2 =	vadd.f32 v11, v2;
	v11 =	vmul.u32 $0x41, v16;
	v4 =	vld.idx.msk [tilespmem:v4+s16+$0x0], $0xffff  }
0x5b6: {  	s28 =	simm.s32 $0x0;
	s29 =	simm.s32 $0x1570;
	v5 =	vld.idx.msk [tilespmem:v5+s16+$0x0], $0xffff  }
.LBB2_26:
0x5b7: {  	v12 =	vld [tilespmem:s29+$0xFFFFFFF0];
	v11 =	vadd.s32 v0, v11;
	v6 =	vmul.u32 $0x41, v6  }
0x5b8: {  	v2 =	vadd.f32 v3, v2;
	v3 =	vld.idx.msk [tilespmem:v10+s16+$0x0], $0xffff  }
0x5b9: {  	v10 =	vmul.u32 $0x41, v7;
	v0 =	vld [tilespmem:s29+$0xFFFFFFE0];
	v6 =	vadd.s32 v1, v6  }
0x5ba: {  	v2 =	vadd.f32 v4, v2;
	v4 =	vld.idx.msk [tilespmem:v9+s16+$0x0], $0xffff  }
0x5bb: {  	v8 =	vadd.s32 v8, v10;
	v7 =	vld [tilespmem:s29+$0xFFFFFF90]  }
0x5bc: {  	s1 =	sadd.s32 $0x400, s1;
	v2 =	vadd.f32 v5, v2;
	v5 =	vld.idx.msk [tilespmem:v11+s16+$0x0], $0xffff;
	v1 =	vmov v12  }
0x5bd: {  	v9 =	vld [tilespmem:s1+$0xFFFFFF90]  }
0x5be: {  	s28 =	sadd.s32 $0x8, s28;
	v2 =	vadd.f32 v3, v2;
	v3 =	vld.idx.msk [tilespmem:v6+s16+$0x0], $0xffff  }
0x5bf: {  	p0 =	slt.u32 s28, $0x18;
	v6 =	vld [tilespmem:s1+$0xFFFFFFA0]  }
0x5c0: {  	v2 =	vadd.f32 v4, v2;
	v4 =	vld.idx.msk [tilespmem:v8+s16+$0x0], $0xffff  }
0x5c1: {  	v8 =	vld [tilespmem:s29+$0xFFFFFFA0]  }
0x5c2: {  	v2 =	vadd.f32 v5, v2;
	v10 =	vld [tilespmem:s1+$0xFFFFFFB0]  }
0x5c3: {  	v5 =	vmul.u32 $0x41, v9;
	v9 =	vld [tilespmem:s29+$0xFFFFFFB0]  }
0x5c4: {  	v2 =	vadd.f32 v3, v2;
	v11 =	vld [tilespmem:s1+$0xFFFFFFC0]  }
0x5c5: {  	v3 =	vadd.s32 v7, v5;
	v5 =	vmul.u32 $0x41, v6;
	v7 =	vld [tilespmem:s29+$0xFFFFFFC0]  }
0x5c6: {  	s30 =	simm.s32 $0x11F0;
	s0 =	simm.s32 $0x1F0;
	v2 =	vadd.f32 v4, v2;
	v12 =	vld [tilespmem:s1+$0xFFFFFFD0]  }
0x5c7: {  	v4 =	vadd.s32 v8, v5;
	v5 =	vmul.u32 $0x41, v10;
	v8 =	vld [tilespmem:s29+$0xFFFFFFD0]  }
0x5c8: {  	v13 =	vld [tilespmem:s1+$0xFFFFFFE0]  }
0x5c9: {  	v5 =	vadd.s32 v9, v5;
	v9 =	vmul.u32 $0x41, v11;
	v6 =	vld [tilespmem:s1+$0xFFFFFFF0]  }
.Ltmp12:
0x5ca: {  	v3 =	vld.idx.msk [tilespmem:v3+s16+$0x0], $0xffff;
	(pc) =	sbr.rel @p0 .LBB2_26-.Ltmp12, $4  }
0x5cb: {  	v10 =	vadd.s32 v7, v9;
	v9 =	vmul.u32 $0x41, v12;
	v7 =	vld [tilespmem:s1+$0x0]  }
0x5cc: {  	v4 =	vld.idx.msk [tilespmem:v4+s16+$0x0], $0xffff  }
0x5cd: {  	v9 =	vadd.s32 v8, v9;
	v11 =	vmul.u32 $0x41, v13;
	v8 =	vld [tilespmem:s29+$0x0]  }
0x5ce: {  	s29 =	sadd.s32 $0x400, s29;
	v5 =	vld.idx.msk [tilespmem:v5+s16+$0x0], $0xffff  }
0x5cf: {  	_ = 	snop  }
0x5d0: {  	v6 =	vmul.u32 $0x41, v6;
	v7 =	vmul.u32 $0x41, v7  }
0x5d1: {  	v2 =	vadd.f32 v3, v2;
	v3 =	vld [tilespmem:s30+$0xFFFFFF90]  }
0x5d2: {  	v12 =	vld [tilespmem:s0+$0xFFFFFFA0];
	v1 =	vadd.s32 v1, v6;
	v6 =	vadd.s32 v8, v7  }
0x5d3: {  	v13 =	vld [tilespmem:s0+$0xFFFFFFB0]  }
0x5d4: {  	v14 =	vld [tilespmem:s0+$0xFFFFFFC0]  }
0x5d5: {  	v61 =	vld [tilespmem:s30+$0xFFFFFFC0]  }
0x5d6: {  	v15 =	vld [tilespmem:s0+$0xFFFFFFD0]  }
0x5d7: {  	v0 =	vadd.s32 v0, v11;
	v11 =	vld.idx.msk [tilespmem:v6+s16+$0x0], $0xffff  }
0x5d8: {  	v6 =	vld [tilespmem:s0+$0xFFFFFF90]  }
0x5d9: {  	v62 =	vld [tilespmem:s30+$0xFFFFFFD0]  }
0x5da: {  	v7 =	vld.idx.msk [tilespmem:v10+s16+$0x0], $0xffff  }
0x5db: {  	v2 =	vadd.f32 v4, v2;
	v4 =	vld [tilespmem:s30+$0xFFFFFFA0]  }
0x5dc: {  	v8 =	vld.idx.msk [tilespmem:v9+s16+$0x0], $0xffff  }
0x5dd: {  	v2 =	vadd.f32 v5, v2;
	v9 =	vld.idx.msk [tilespmem:v0+s16+$0x0], $0xffff;
	v5 =	vmul.u32 $0x41, v6  }
0x5de: {  	v6 =	vld [tilespmem:s30+$0xFFFFFFB0]  }
0x5df: {  	v16 =	vld [tilespmem:s0+$0xFFFFFFE0];
	v2 =	vadd.f32 v7, v2;
	v3 =	vadd.s32 v3, v5;
	v5 =	vmul.u32 $0x41, v12  }
0x5e0: {  	v10 =	vld.idx.msk [tilespmem:v1+s16+$0x0], $0xffff  }
0x5e1: {  	v0 =	vld [tilespmem:s30+$0xFFFFFFE0];
	v2 =	vadd.f32 v8, v2;
	v4 =	vadd.s32 v4, v5;
	v5 =	vmul.u32 $0x41, v13  }
0x5e2: {  	v1 =	vld [tilespmem:s30+$0xFFFFFFF0]  }
0x5e3: {  	v7 =	vld [tilespmem:s0+$0x0];
	v2 =	vadd.f32 v9, v2;
	v9 =	vmul.u32 $0x41, v14;
	v5 =	vadd.s32 v6, v5  }
0x5e4: {  	v6 =	vld [tilespmem:s0+$0xFFFFFFF0]  }
0x5e5: {  	v63 =	vmul.u32 $0x41, v15;
	v2 =	vadd.f32 v10, v2;
	v10 =	vadd.s32 v61, v9;
	v3 =	vld.idx.msk [tilespmem:v3+s16+$0x0], $0xffff  }
0x5e6: {  	v8 =	vld [tilespmem:s30+$0x0]  }
0x5e7: {  	v9 =	vadd.s32 v62, v63;
	v2 =	vadd.f32 v11, v2;
	v11 =	vmul.u32 $0x41, v16;
	v4 =	vld.idx.msk [tilespmem:v4+s16+$0x0], $0xffff  }
0x5e8: {  	s28 =	simm.s32 $0x0;
	s29 =	simm.s32 $0x15F0;
	v5 =	vld.idx.msk [tilespmem:v5+s16+$0x0], $0xffff  }
.LBB2_28:
0x5e9: {  	v12 =	vld [tilespmem:s29+$0xFFFFFFF0];
	v11 =	vadd.s32 v0, v11;
	v6 =	vmul.u32 $0x41, v6  }
0x5ea: {  	v2 =	vadd.f32 v3, v2;
	v3 =	vld.idx.msk [tilespmem:v10+s16+$0x0], $0xffff  }
0x5eb: {  	v10 =	vmul.u32 $0x41, v7;
	v0 =	vld [tilespmem:s29+$0xFFFFFFE0];
	v6 =	vadd.s32 v1, v6  }
0x5ec: {  	v2 =	vadd.f32 v4, v2;
	v4 =	vld.idx.msk [tilespmem:v9+s16+$0x0], $0xffff  }
0x5ed: {  	v8 =	vadd.s32 v8, v10;
	v7 =	vld [tilespmem:s29+$0xFFFFFF90]  }
0x5ee: {  	s0 =	sadd.s32 $0x400, s0;
	v2 =	vadd.f32 v5, v2;
	v5 =	vld.idx.msk [tilespmem:v11+s16+$0x0], $0xffff;
	v1 =	vmov v12  }
0x5ef: {  	v9 =	vld [tilespmem:s0+$0xFFFFFF90]  }
0x5f0: {  	s28 =	sadd.s32 $0x8, s28;
	v2 =	vadd.f32 v3, v2;
	v3 =	vld.idx.msk [tilespmem:v6+s16+$0x0], $0xffff  }
0x5f1: {  	p0 =	slt.u32 s28, $0x18;
	v6 =	vld [tilespmem:s0+$0xFFFFFFA0]  }
0x5f2: {  	v2 =	vadd.f32 v4, v2;
	v4 =	vld.idx.msk [tilespmem:v8+s16+$0x0], $0xffff  }
0x5f3: {  	v8 =	vld [tilespmem:s29+$0xFFFFFFA0]  }
0x5f4: {  	v2 =	vadd.f32 v5, v2;
	v10 =	vld [tilespmem:s0+$0xFFFFFFB0]  }
0x5f5: {  	v5 =	vmul.u32 $0x41, v9;
	v9 =	vld [tilespmem:s29+$0xFFFFFFB0]  }
0x5f6: {  	v2 =	vadd.f32 v3, v2;
	v11 =	vld [tilespmem:s0+$0xFFFFFFC0]  }
0x5f7: {  	v3 =	vadd.s32 v7, v5;
	v5 =	vmul.u32 $0x41, v6;
	v7 =	vld [tilespmem:s29+$0xFFFFFFC0]  }
0x5f8: {  	s30 =	simm.s32 $0x1270;
	s1 =	simm.s32 $0x270;
	v2 =	vadd.f32 v4, v2;
	v12 =	vld [tilespmem:s0+$0xFFFFFFD0]  }
0x5f9: {  	v4 =	vadd.s32 v8, v5;
	v5 =	vmul.u32 $0x41, v10;
	v8 =	vld [tilespmem:s29+$0xFFFFFFD0]  }
0x5fa: {  	v13 =	vld [tilespmem:s0+$0xFFFFFFE0]  }
0x5fb: {  	v5 =	vadd.s32 v9, v5;
	v9 =	vmul.u32 $0x41, v11;
	v6 =	vld [tilespmem:s0+$0xFFFFFFF0]  }
.Ltmp13:
0x5fc: {  	v3 =	vld.idx.msk [tilespmem:v3+s16+$0x0], $0xffff;
	(pc) =	sbr.rel @p0 .LBB2_28-.Ltmp13, $4  }
0x5fd: {  	v10 =	vadd.s32 v7, v9;
	v9 =	vmul.u32 $0x41, v12;
	v7 =	vld [tilespmem:s0+$0x0]  }
0x5fe: {  	v4 =	vld.idx.msk [tilespmem:v4+s16+$0x0], $0xffff  }
0x5ff: {  	v9 =	vadd.s32 v8, v9;
	v11 =	vmul.u32 $0x41, v13;
	v8 =	vld [tilespmem:s29+$0x0]  }
0x600: {  	s29 =	sadd.s32 $0x400, s29;
	v5 =	vld.idx.msk [tilespmem:v5+s16+$0x0], $0xffff  }
0x601: {  	_ = 	snop  }
0x602: {  	v6 =	vmul.u32 $0x41, v6;
	v7 =	vmul.u32 $0x41, v7  }
0x603: {  	v2 =	vadd.f32 v3, v2;
	v3 =	vld [tilespmem:s30+$0xFFFFFF90]  }
0x604: {  	v12 =	vld [tilespmem:s1+$0xFFFFFFA0];
	v1 =	vadd.s32 v1, v6;
	v6 =	vadd.s32 v8, v7  }
0x605: {  	v13 =	vld [tilespmem:s1+$0xFFFFFFB0]  }
0x606: {  	v14 =	vld [tilespmem:s1+$0xFFFFFFC0]  }
0x607: {  	v61 =	vld [tilespmem:s30+$0xFFFFFFC0]  }
0x608: {  	v15 =	vld [tilespmem:s1+$0xFFFFFFD0]  }
0x609: {  	v0 =	vadd.s32 v0, v11;
	v11 =	vld.idx.msk [tilespmem:v6+s16+$0x0], $0xffff  }
0x60a: {  	v6 =	vld [tilespmem:s1+$0xFFFFFF90]  }
0x60b: {  	v62 =	vld [tilespmem:s30+$0xFFFFFFD0]  }
0x60c: {  	v7 =	vld.idx.msk [tilespmem:v10+s16+$0x0], $0xffff  }
0x60d: {  	v2 =	vadd.f32 v4, v2;
	v4 =	vld [tilespmem:s30+$0xFFFFFFA0]  }
0x60e: {  	v8 =	vld.idx.msk [tilespmem:v9+s16+$0x0], $0xffff  }
0x60f: {  	v2 =	vadd.f32 v5, v2;
	v9 =	vld.idx.msk [tilespmem:v0+s16+$0x0], $0xffff;
	v5 =	vmul.u32 $0x41, v6  }
0x610: {  	v6 =	vld [tilespmem:s30+$0xFFFFFFB0]  }
0x611: {  	v16 =	vld [tilespmem:s1+$0xFFFFFFE0];
	v2 =	vadd.f32 v7, v2;
	v3 =	vadd.s32 v3, v5;
	v5 =	vmul.u32 $0x41, v12  }
0x612: {  	v10 =	vld.idx.msk [tilespmem:v1+s16+$0x0], $0xffff  }
0x613: {  	v0 =	vld [tilespmem:s30+$0xFFFFFFE0];
	v2 =	vadd.f32 v8, v2;
	v4 =	vadd.s32 v4, v5;
	v5 =	vmul.u32 $0x41, v13  }
0x614: {  	v1 =	vld [tilespmem:s30+$0xFFFFFFF0]  }
0x615: {  	v7 =	vld [tilespmem:s1+$0x0];
	v2 =	vadd.f32 v9, v2;
	v9 =	vmul.u32 $0x41, v14;
	v5 =	vadd.s32 v6, v5  }
0x616: {  	v6 =	vld [tilespmem:s1+$0xFFFFFFF0]  }
0x617: {  	v63 =	vmul.u32 $0x41, v15;
	v2 =	vadd.f32 v10, v2;
	v10 =	vadd.s32 v61, v9;
	v3 =	vld.idx.msk [tilespmem:v3+s16+$0x0], $0xffff  }
0x618: {  	v8 =	vld [tilespmem:s30+$0x0]  }
0x619: {  	v9 =	vadd.s32 v62, v63;
	v2 =	vadd.f32 v11, v2;
	v11 =	vmul.u32 $0x41, v16;
	v4 =	vld.idx.msk [tilespmem:v4+s16+$0x0], $0xffff  }
0x61a: {  	s28 =	simm.s32 $0x0;
	s29 =	simm.s32 $0x1670;
	v5 =	vld.idx.msk [tilespmem:v5+s16+$0x0], $0xffff  }
.LBB2_30:
0x61b: {  	v12 =	vld [tilespmem:s29+$0xFFFFFFF0];
	v11 =	vadd.s32 v0, v11;
	v6 =	vmul.u32 $0x41, v6  }
0x61c: {  	v2 =	vadd.f32 v3, v2;
	v3 =	vld.idx.msk [tilespmem:v10+s16+$0x0], $0xffff  }
0x61d: {  	v10 =	vmul.u32 $0x41, v7;
	v0 =	vld [tilespmem:s29+$0xFFFFFFE0];
	v6 =	vadd.s32 v1, v6  }
0x61e: {  	v2 =	vadd.f32 v4, v2;
	v4 =	vld.idx.msk [tilespmem:v9+s16+$0x0], $0xffff  }
0x61f: {  	v8 =	vadd.s32 v8, v10;
	v7 =	vld [tilespmem:s29+$0xFFFFFF90]  }
0x620: {  	s1 =	sadd.s32 $0x400, s1;
	v2 =	vadd.f32 v5, v2;
	v5 =	vld.idx.msk [tilespmem:v11+s16+$0x0], $0xffff;
	v1 =	vmov v12  }
0x621: {  	v9 =	vld [tilespmem:s1+$0xFFFFFF90]  }
0x622: {  	s28 =	sadd.s32 $0x8, s28;
	v2 =	vadd.f32 v3, v2;
	v3 =	vld.idx.msk [tilespmem:v6+s16+$0x0], $0xffff  }
0x623: {  	p0 =	slt.u32 s28, $0x18;
	v6 =	vld [tilespmem:s1+$0xFFFFFFA0]  }
0x624: {  	v2 =	vadd.f32 v4, v2;
	v4 =	vld.idx.msk [tilespmem:v8+s16+$0x0], $0xffff  }
0x625: {  	v8 =	vld [tilespmem:s29+$0xFFFFFFA0]  }
0x626: {  	v2 =	vadd.f32 v5, v2;
	v10 =	vld [tilespmem:s1+$0xFFFFFFB0]  }
0x627: {  	v5 =	vmul.u32 $0x41, v9;
	v9 =	vld [tilespmem:s29+$0xFFFFFFB0]  }
0x628: {  	v2 =	vadd.f32 v3, v2;
	v11 =	vld [tilespmem:s1+$0xFFFFFFC0]  }
0x629: {  	v3 =	vadd.s32 v7, v5;
	v5 =	vmul.u32 $0x41, v6;
	v7 =	vld [tilespmem:s29+$0xFFFFFFC0]  }
0x62a: {  	s30 =	simm.s32 $0x12F0;
	s0 =	simm.s32 $0x2F0;
	v2 =	vadd.f32 v4, v2;
	v12 =	vld [tilespmem:s1+$0xFFFFFFD0]  }
0x62b: {  	v4 =	vadd.s32 v8, v5;
	v5 =	vmul.u32 $0x41, v10;
	v8 =	vld [tilespmem:s29+$0xFFFFFFD0]  }
0x62c: {  	v13 =	vld [tilespmem:s1+$0xFFFFFFE0]  }
0x62d: {  	v5 =	vadd.s32 v9, v5;
	v9 =	vmul.u32 $0x41, v11;
	v6 =	vld [tilespmem:s1+$0xFFFFFFF0]  }
.Ltmp14:
0x62e: {  	v3 =	vld.idx.msk [tilespmem:v3+s16+$0x0], $0xffff;
	(pc) =	sbr.rel @p0 .LBB2_30-.Ltmp14, $4  }
0x62f: {  	v10 =	vadd.s32 v7, v9;
	v9 =	vmul.u32 $0x41, v12;
	v7 =	vld [tilespmem:s1+$0x0]  }
0x630: {  	v4 =	vld.idx.msk [tilespmem:v4+s16+$0x0], $0xffff  }
0x631: {  	v9 =	vadd.s32 v8, v9;
	v11 =	vmul.u32 $0x41, v13;
	v8 =	vld [tilespmem:s29+$0x0]  }
0x632: {  	s29 =	sadd.s32 $0x400, s29;
	v5 =	vld.idx.msk [tilespmem:v5+s16+$0x0], $0xffff  }
0x633: {  	_ = 	snop  }
0x634: {  	v6 =	vmul.u32 $0x41, v6;
	v7 =	vmul.u32 $0x41, v7  }
0x635: {  	v2 =	vadd.f32 v3, v2;
	v3 =	vld [tilespmem:s30+$0xFFFFFF90]  }
0x636: {  	v12 =	vld [tilespmem:s0+$0xFFFFFFA0];
	v1 =	vadd.s32 v1, v6;
	v6 =	vadd.s32 v8, v7  }
0x637: {  	v13 =	vld [tilespmem:s0+$0xFFFFFFB0]  }
0x638: {  	v14 =	vld [tilespmem:s0+$0xFFFFFFC0]  }
0x639: {  	v61 =	vld [tilespmem:s30+$0xFFFFFFC0]  }
0x63a: {  	v15 =	vld [tilespmem:s0+$0xFFFFFFD0]  }
0x63b: {  	v0 =	vadd.s32 v0, v11;
	v11 =	vld.idx.msk [tilespmem:v6+s16+$0x0], $0xffff  }
0x63c: {  	v6 =	vld [tilespmem:s0+$0xFFFFFF90]  }
0x63d: {  	v62 =	vld [tilespmem:s30+$0xFFFFFFD0]  }
0x63e: {  	v7 =	vld.idx.msk [tilespmem:v10+s16+$0x0], $0xffff  }
0x63f: {  	v2 =	vadd.f32 v4, v2;
	v4 =	vld [tilespmem:s30+$0xFFFFFFA0]  }
0x640: {  	v8 =	vld.idx.msk [tilespmem:v9+s16+$0x0], $0xffff  }
0x641: {  	v2 =	vadd.f32 v5, v2;
	v9 =	vld.idx.msk [tilespmem:v0+s16+$0x0], $0xffff;
	v5 =	vmul.u32 $0x41, v6  }
0x642: {  	v6 =	vld [tilespmem:s30+$0xFFFFFFB0]  }
0x643: {  	v16 =	vld [tilespmem:s0+$0xFFFFFFE0];
	v2 =	vadd.f32 v7, v2;
	v3 =	vadd.s32 v3, v5;
	v5 =	vmul.u32 $0x41, v12  }
0x644: {  	v10 =	vld.idx.msk [tilespmem:v1+s16+$0x0], $0xffff  }
0x645: {  	v0 =	vld [tilespmem:s30+$0xFFFFFFE0];
	v2 =	vadd.f32 v8, v2;
	v4 =	vadd.s32 v4, v5;
	v5 =	vmul.u32 $0x41, v13  }
0x646: {  	v1 =	vld [tilespmem:s30+$0xFFFFFFF0]  }
0x647: {  	v7 =	vld [tilespmem:s0+$0x0];
	v2 =	vadd.f32 v9, v2;
	v9 =	vmul.u32 $0x41, v14;
	v5 =	vadd.s32 v6, v5  }
0x648: {  	v6 =	vld [tilespmem:s0+$0xFFFFFFF0]  }
0x649: {  	v63 =	vmul.u32 $0x41, v15;
	v2 =	vadd.f32 v10, v2;
	v10 =	vadd.s32 v61, v9;
	v3 =	vld.idx.msk [tilespmem:v3+s16+$0x0], $0xffff  }
0x64a: {  	v8 =	vld [tilespmem:s30+$0x0]  }
0x64b: {  	v9 =	vadd.s32 v62, v63;
	v2 =	vadd.f32 v11, v2;
	v11 =	vmul.u32 $0x41, v16;
	v4 =	vld.idx.msk [tilespmem:v4+s16+$0x0], $0xffff  }
0x64c: {  	s28 =	simm.s32 $0x0;
	s29 =	simm.s32 $0x16F0;
	v5 =	vld.idx.msk [tilespmem:v5+s16+$0x0], $0xffff  }
.LBB2_32:
0x64d: {  	v12 =	vld [tilespmem:s29+$0xFFFFFFF0];
	v11 =	vadd.s32 v0, v11;
	v6 =	vmul.u32 $0x41, v6  }
0x64e: {  	v2 =	vadd.f32 v3, v2;
	v3 =	vld.idx.msk [tilespmem:v10+s16+$0x0], $0xffff  }
0x64f: {  	v10 =	vmul.u32 $0x41, v7;
	v0 =	vld [tilespmem:s29+$0xFFFFFFE0];
	v6 =	vadd.s32 v1, v6  }
0x650: {  	v2 =	vadd.f32 v4, v2;
	v4 =	vld.idx.msk [tilespmem:v9+s16+$0x0], $0xffff  }
0x651: {  	v8 =	vadd.s32 v8, v10;
	v7 =	vld [tilespmem:s29+$0xFFFFFF90]  }
0x652: {  	s0 =	sadd.s32 $0x400, s0;
	v2 =	vadd.f32 v5, v2;
	v5 =	vld.idx.msk [tilespmem:v11+s16+$0x0], $0xffff;
	v1 =	vmov v12  }
0x653: {  	v9 =	vld [tilespmem:s0+$0xFFFFFF90]  }
0x654: {  	s28 =	sadd.s32 $0x8, s28;
	v2 =	vadd.f32 v3, v2;
	v3 =	vld.idx.msk [tilespmem:v6+s16+$0x0], $0xffff  }
0x655: {  	p0 =	slt.u32 s28, $0x18;
	v6 =	vld [tilespmem:s0+$0xFFFFFFA0]  }
0x656: {  	v2 =	vadd.f32 v4, v2;
	v4 =	vld.idx.msk [tilespmem:v8+s16+$0x0], $0xffff  }
0x657: {  	v8 =	vld [tilespmem:s29+$0xFFFFFFA0]  }
0x658: {  	v2 =	vadd.f32 v5, v2;
	v10 =	vld [tilespmem:s0+$0xFFFFFFB0]  }
0x659: {  	v5 =	vmul.u32 $0x41, v9;
	v9 =	vld [tilespmem:s29+$0xFFFFFFB0]  }
0x65a: {  	v2 =	vadd.f32 v3, v2;
	v11 =	vld [tilespmem:s0+$0xFFFFFFC0]  }
0x65b: {  	v3 =	vadd.s32 v7, v5;
	v5 =	vmul.u32 $0x41, v6;
	v7 =	vld [tilespmem:s29+$0xFFFFFFC0]  }
0x65c: {  	s30 =	simm.s32 $0x1370;
	s1 =	simm.s32 $0x370;
	v2 =	vadd.f32 v4, v2;
	v12 =	vld [tilespmem:s0+$0xFFFFFFD0]  }
0x65d: {  	v4 =	vadd.s32 v8, v5;
	v5 =	vmul.u32 $0x41, v10;
	v8 =	vld [tilespmem:s29+$0xFFFFFFD0]  }
0x65e: {  	v13 =	vld [tilespmem:s0+$0xFFFFFFE0]  }
0x65f: {  	v5 =	vadd.s32 v9, v5;
	v9 =	vmul.u32 $0x41, v11;
	v6 =	vld [tilespmem:s0+$0xFFFFFFF0]  }
.Ltmp15:
0x660: {  	v3 =	vld.idx.msk [tilespmem:v3+s16+$0x0], $0xffff;
	(pc) =	sbr.rel @p0 .LBB2_32-.Ltmp15, $4  }
0x661: {  	v10 =	vadd.s32 v7, v9;
	v9 =	vmul.u32 $0x41, v12;
	v7 =	vld [tilespmem:s0+$0x0]  }
0x662: {  	v4 =	vld.idx.msk [tilespmem:v4+s16+$0x0], $0xffff  }
0x663: {  	v9 =	vadd.s32 v8, v9;
	v11 =	vmul.u32 $0x41, v13;
	v8 =	vld [tilespmem:s29+$0x0]  }
0x664: {  	s29 =	sadd.s32 $0x400, s29;
	v5 =	vld.idx.msk [tilespmem:v5+s16+$0x0], $0xffff  }
0x665: {  	_ = 	snop  }
0x666: {  	v6 =	vmul.u32 $0x41, v6;
	v7 =	vmul.u32 $0x41, v7  }
0x667: {  	v2 =	vadd.f32 v3, v2;
	v3 =	vld [tilespmem:s30+$0xFFFFFF90]  }
0x668: {  	v12 =	vld [tilespmem:s1+$0xFFFFFFA0];
	v1 =	vadd.s32 v1, v6;
	v6 =	vadd.s32 v8, v7  }
0x669: {  	v13 =	vld [tilespmem:s1+$0xFFFFFFB0]  }
0x66a: {  	v14 =	vld [tilespmem:s1+$0xFFFFFFC0]  }
0x66b: {  	v61 =	vld [tilespmem:s30+$0xFFFFFFC0]  }
0x66c: {  	v15 =	vld [tilespmem:s1+$0xFFFFFFD0]  }
0x66d: {  	v0 =	vadd.s32 v0, v11;
	v11 =	vld.idx.msk [tilespmem:v6+s16+$0x0], $0xffff  }
0x66e: {  	v6 =	vld [tilespmem:s1+$0xFFFFFF90]  }
0x66f: {  	v62 =	vld [tilespmem:s30+$0xFFFFFFD0]  }
0x670: {  	v7 =	vld.idx.msk [tilespmem:v10+s16+$0x0], $0xffff  }
0x671: {  	v2 =	vadd.f32 v4, v2;
	v4 =	vld [tilespmem:s30+$0xFFFFFFA0]  }
0x672: {  	v8 =	vld.idx.msk [tilespmem:v9+s16+$0x0], $0xffff  }
0x673: {  	v2 =	vadd.f32 v5, v2;
	v9 =	vld.idx.msk [tilespmem:v0+s16+$0x0], $0xffff;
	v5 =	vmul.u32 $0x41, v6  }
0x674: {  	v6 =	vld [tilespmem:s30+$0xFFFFFFB0]  }
0x675: {  	v16 =	vld [tilespmem:s1+$0xFFFFFFE0];
	v2 =	vadd.f32 v7, v2;
	v3 =	vadd.s32 v3, v5;
	v5 =	vmul.u32 $0x41, v12  }
0x676: {  	v10 =	vld.idx.msk [tilespmem:v1+s16+$0x0], $0xffff  }
0x677: {  	v0 =	vld [tilespmem:s30+$0xFFFFFFE0];
	v2 =	vadd.f32 v8, v2;
	v4 =	vadd.s32 v4, v5;
	v5 =	vmul.u32 $0x41, v13  }
0x678: {  	v1 =	vld [tilespmem:s30+$0xFFFFFFF0]  }
0x679: {  	v7 =	vld [tilespmem:s1+$0x0];
	v2 =	vadd.f32 v9, v2;
	v9 =	vmul.u32 $0x41, v14;
	v5 =	vadd.s32 v6, v5  }
0x67a: {  	v6 =	vld [tilespmem:s1+$0xFFFFFFF0]  }
0x67b: {  	v63 =	vmul.u32 $0x41, v15;
	v2 =	vadd.f32 v10, v2;
	v10 =	vadd.s32 v61, v9;
	v3 =	vld.idx.msk [tilespmem:v3+s16+$0x0], $0xffff  }
0x67c: {  	v8 =	vld [tilespmem:s30+$0x0]  }
0x67d: {  	v9 =	vadd.s32 v62, v63;
	v2 =	vadd.f32 v11, v2;
	v11 =	vmul.u32 $0x41, v16;
	v4 =	vld.idx.msk [tilespmem:v4+s16+$0x0], $0xffff  }
0x67e: {  	s28 =	simm.s32 $0x0;
	s29 =	simm.s32 $0x1770;
	v5 =	vld.idx.msk [tilespmem:v5+s16+$0x0], $0xffff  }
.LBB2_34:
0x67f: {  	v12 =	vld [tilespmem:s29+$0xFFFFFFF0];
	v11 =	vadd.s32 v0, v11;
	v6 =	vmul.u32 $0x41, v6  }
0x680: {  	v2 =	vadd.f32 v3, v2;
	v3 =	vld.idx.msk [tilespmem:v10+s16+$0x0], $0xffff  }
0x681: {  	v10 =	vmul.u32 $0x41, v7;
	v0 =	vld [tilespmem:s29+$0xFFFFFFE0];
	v6 =	vadd.s32 v1, v6  }
0x682: {  	v2 =	vadd.f32 v4, v2;
	v4 =	vld.idx.msk [tilespmem:v9+s16+$0x0], $0xffff  }
0x683: {  	v8 =	vadd.s32 v8, v10;
	v7 =	vld [tilespmem:s29+$0xFFFFFF90]  }
0x684: {  	s1 =	sadd.s32 $0x400, s1;
	v2 =	vadd.f32 v5, v2;
	v5 =	vld.idx.msk [tilespmem:v11+s16+$0x0], $0xffff;
	v1 =	vmov v12  }
0x685: {  	v9 =	vld [tilespmem:s1+$0xFFFFFF90]  }
0x686: {  	s28 =	sadd.s32 $0x8, s28;
	v2 =	vadd.f32 v3, v2;
	v3 =	vld.idx.msk [tilespmem:v6+s16+$0x0], $0xffff  }
0x687: {  	p0 =	slt.u32 s28, $0x18;
	v6 =	vld [tilespmem:s1+$0xFFFFFFA0]  }
0x688: {  	v2 =	vadd.f32 v4, v2;
	v4 =	vld.idx.msk [tilespmem:v8+s16+$0x0], $0xffff  }
0x689: {  	v8 =	vld [tilespmem:s29+$0xFFFFFFA0]  }
0x68a: {  	v2 =	vadd.f32 v5, v2;
	v10 =	vld [tilespmem:s1+$0xFFFFFFB0]  }
0x68b: {  	v5 =	vmul.u32 $0x41, v9;
	v9 =	vld [tilespmem:s29+$0xFFFFFFB0]  }
0x68c: {  	v2 =	vadd.f32 v3, v2;
	v11 =	vld [tilespmem:s1+$0xFFFFFFC0]  }
0x68d: {  	v3 =	vadd.s32 v7, v5;
	v5 =	vmul.u32 $0x41, v6;
	v7 =	vld [tilespmem:s29+$0xFFFFFFC0]  }
0x68e: {  	s30 =	simm.s32 $0x13F0;
	s0 =	simm.s32 $0x3F0;
	v2 =	vadd.f32 v4, v2;
	v12 =	vld [tilespmem:s1+$0xFFFFFFD0]  }
0x68f: {  	v4 =	vadd.s32 v8, v5;
	v5 =	vmul.u32 $0x41, v10;
	v8 =	vld [tilespmem:s29+$0xFFFFFFD0]  }
0x690: {  	v13 =	vld [tilespmem:s1+$0xFFFFFFE0]  }
0x691: {  	v5 =	vadd.s32 v9, v5;
	v9 =	vmul.u32 $0x41, v11;
	v6 =	vld [tilespmem:s1+$0xFFFFFFF0]  }
.Ltmp16:
0x692: {  	v3 =	vld.idx.msk [tilespmem:v3+s16+$0x0], $0xffff;
	(pc) =	sbr.rel @p0 .LBB2_34-.Ltmp16, $4  }
0x693: {  	v10 =	vadd.s32 v7, v9;
	v9 =	vmul.u32 $0x41, v12;
	v7 =	vld [tilespmem:s1+$0x0]  }
0x694: {  	v4 =	vld.idx.msk [tilespmem:v4+s16+$0x0], $0xffff  }
0x695: {  	v9 =	vadd.s32 v8, v9;
	v11 =	vmul.u32 $0x41, v13;
	v8 =	vld [tilespmem:s29+$0x0]  }
0x696: {  	s29 =	sadd.s32 $0x400, s29;
	v5 =	vld.idx.msk [tilespmem:v5+s16+$0x0], $0xffff  }
0x697: {  	_ = 	snop  }
0x698: {  	v6 =	vmul.u32 $0x41, v6;
	v7 =	vmul.u32 $0x41, v7  }
0x699: {  	v2 =	vadd.f32 v3, v2;
	v3 =	vld [tilespmem:s30+$0xFFFFFF90]  }
0x69a: {  	v12 =	vld [tilespmem:s0+$0xFFFFFFA0];
	v1 =	vadd.s32 v1, v6;
	v6 =	vadd.s32 v8, v7  }
0x69b: {  	v13 =	vld [tilespmem:s0+$0xFFFFFFB0]  }
0x69c: {  	v14 =	vld [tilespmem:s0+$0xFFFFFFC0]  }
0x69d: {  	v61 =	vld [tilespmem:s30+$0xFFFFFFC0]  }
0x69e: {  	v0 =	vadd.s32 v0, v11;
	v7 =	vld.idx.msk [tilespmem:v10+s16+$0x0], $0xffff  }
0x69f: {  	v11 =	vld.idx.msk [tilespmem:v6+s16+$0x0], $0xffff  }
0x6a0: {  	v6 =	vld [tilespmem:s0+$0xFFFFFF90]  }
0x6a1: {  	v2 =	vadd.f32 v4, v2;
	v4 =	vld [tilespmem:s30+$0xFFFFFFA0]  }
0x6a2: {  	v8 =	vld.idx.msk [tilespmem:v9+s16+$0x0], $0xffff  }
0x6a3: {  	v2 =	vadd.f32 v5, v2;
	v9 =	vld.idx.msk [tilespmem:v0+s16+$0x0], $0xffff  }
0x6a4: {  	v10 =	vld.idx.msk [tilespmem:v1+s16+$0x0], $0xffff  }
0x6a5: {  	v2 =	vadd.f32 v7, v2;
	v7 =	vld [tilespmem:s0+$0xFFFFFFD0];
	v5 =	vmul.u32 $0x41, v6  }
0x6a6: {  	v6 =	vld [tilespmem:s30+$0xFFFFFFB0]  }
0x6a7: {  	v62 =	vld [tilespmem:s30+$0xFFFFFFD0];
	v2 =	vadd.f32 v8, v2;
	v3 =	vadd.s32 v3, v5;
	v5 =	vmul.u32 $0x41, v12  }
0x6a8: {  	v15 =	vld [tilespmem:s0+$0xFFFFFFE0]  }
0x6a9: {  	v0 =	vld [tilespmem:s30+$0xFFFFFFE0];
	v2 =	vadd.f32 v9, v2;
	v8 =	vadd.s32 v4, v5;
	v4 =	vmul.u32 $0x41, v13  }
0x6aa: {  	v1 =	vld [tilespmem:s30+$0xFFFFFFF0];
	v63 =	vmul.u32 $0x41, v7  }
0x6ab: {  	v7 =	vld [tilespmem:s30+$0x0];
	v2 =	vadd.f32 v10, v2;
	v10 =	vmul.u32 $0x41, v14;
	v9 =	vadd.s32 v6, v4  }
0x6ac: {  	v4 =	vld [tilespmem:s0+$0xFFFFFFF0]  }
0x6ad: {  	v10 =	vadd.s32 v61, v10;
	v5 =	vld.idx.msk [tilespmem:v3+s16+$0x0], $0xffff  }
0x6ae: {  	v3 =	vld [tilespmem:s0+$0x0]  }
0x6af: {  	v2 =	vadd.f32 v11, v2;
	v11 =	vmul.u32 $0x41, v15;
	v6 =	vld.idx.msk [tilespmem:v8+s16+$0x0], $0xffff;
	v8 =	vadd.s32 v62, v63  }
0x6b0: {  	s1 =	simm.s32 $0x0;
	s28 =	simm.s32 $0x17F0;
	v9 =	vld.idx.msk [tilespmem:v9+s16+$0x0], $0xffff  }
.LBB2_36:
0x6b1: {  	v12 =	vld [tilespmem:s28+$0xFFFFFFF0];
	v11 =	vadd.s32 v0, v11;
	v4 =	vmul.u32 $0x41, v4  }
0x6b2: {  	v2 =	vadd.f32 v5, v2;
	v5 =	vld.idx.msk [tilespmem:v10+s16+$0x0], $0xffff  }
0x6b3: {  	v10 =	vmul.u32 $0x41, v3;
	v0 =	vld [tilespmem:s28+$0xFFFFFFE0];
	v4 =	vadd.s32 v1, v4  }
0x6b4: {  	v2 =	vadd.f32 v6, v2;
	v3 =	vld.idx.msk [tilespmem:v8+s16+$0x0], $0xffff  }
0x6b5: {  	v7 =	vadd.s32 v7, v10;
	v6 =	vld [tilespmem:s28+$0xFFFFFF90]  }
0x6b6: {  	s0 =	sadd.s32 $0x400, s0;
	v2 =	vadd.f32 v9, v2;
	v8 =	vld.idx.msk [tilespmem:v11+s16+$0x0], $0xffff;
	v1 =	vmov v12  }
0x6b7: {  	v9 =	vld [tilespmem:s0+$0xFFFFFF90]  }
0x6b8: {  	s1 =	sadd.s32 $0x8, s1;
	v2 =	vadd.f32 v5, v2;
	v4 =	vld.idx.msk [tilespmem:v4+s16+$0x0], $0xffff  }
0x6b9: {  	p0 =	slt.u32 s1, $0x18;
	v5 =	vld [tilespmem:s0+$0xFFFFFFA0]  }
0x6ba: {  	v2 =	vadd.f32 v3, v2;
	v3 =	vld.idx.msk [tilespmem:v7+s16+$0x0], $0xffff  }
0x6bb: {  	v7 =	vld [tilespmem:s28+$0xFFFFFFA0]  }
0x6bc: {  	v2 =	vadd.f32 v8, v2;
	v10 =	vld [tilespmem:s0+$0xFFFFFFB0]  }
0x6bd: {  	v8 =	vmul.u32 $0x41, v9;
	v9 =	vld [tilespmem:s28+$0xFFFFFFB0]  }
0x6be: {  	v2 =	vadd.f32 v4, v2;
	v11 =	vld [tilespmem:s0+$0xFFFFFFC0]  }
0x6bf: {  	v6 =	vadd.s32 v6, v8;
	v4 =	vmul.u32 $0x41, v5;
	v8 =	vld [tilespmem:s28+$0xFFFFFFC0]  }
0x6c0: {  	v2 =	vadd.f32 v3, v2;
	v12 =	vld [tilespmem:s0+$0xFFFFFFD0]  }
0x6c1: {  	v7 =	vadd.s32 v7, v4;
	v3 =	vmul.u32 $0x41, v10;
	v13 =	vld [tilespmem:s28+$0xFFFFFFD0]  }
0x6c2: {  	v14 =	vld [tilespmem:s0+$0xFFFFFFE0]  }
0x6c3: {  	v9 =	vadd.s32 v9, v3;
	v3 =	vmul.u32 $0x41, v11;
	v4 =	vld [tilespmem:s0+$0xFFFFFFF0]  }
.Ltmp17:
0x6c4: {  	v5 =	vld.idx.msk [tilespmem:v6+s16+$0x0], $0xffff;
	(pc) =	sbr.rel @p0 .LBB2_36-.Ltmp17, $4  }
0x6c5: {  	v10 =	vadd.s32 v8, v3;
	v8 =	vmul.u32 $0x41, v12;
	v3 =	vld [tilespmem:s0+$0x0]  }
0x6c6: {  	v6 =	vld.idx.msk [tilespmem:v7+s16+$0x0], $0xffff  }
0x6c7: {  	v8 =	vadd.s32 v13, v8;
	v11 =	vmul.u32 $0x41, v14;
	v7 =	vld [tilespmem:s28+$0x0]  }
0x6c8: {  	s28 =	sadd.s32 $0x400, s28;
	v9 =	vld.idx.msk [tilespmem:v9+s16+$0x0], $0xffff  }
0x6c9: {  	_ =	sdelay $0x2  }
0x6ca: {  	v0 =	vadd.s32 v0, v11;
	v4 =	vmul.u32 $0x41, v4;
	v2 =	vadd.f32 v5, v2  }
0x6cb: {  	v62 =	vld.idx.msk [tilespmem:v10+s16+$0x0], $0xffff  }
0x6cc: {  	v3 =	vmul.u32 $0x41, v3;
	v1 =	vadd.s32 v1, v4;
	v2 =	vadd.f32 v6, v2  }
0x6cd: {  	v63 =	vld.idx.msk [tilespmem:v8+s16+$0x0], $0xffff  }
0x6ce: {  	v3 =	vadd.s32 v7, v3;
	v2 =	vadd.f32 v9, v2  }
0x6cf: {  	v0 =	vld.idx.msk [tilespmem:v0+s16+$0x0], $0xffff  }
0x6d0: {  	v2 =	vadd.f32 v62, v2  }
0x6d1: {  	v1 =	vld.idx.msk [tilespmem:v1+s16+$0x0], $0xffff  }
0x6d2: {  	v2 =	vadd.f32 v63, v2  }
0x6d3: {  	v3 =	vld.idx.msk [tilespmem:v3+s16+$0x0], $0xffff  }
0x6d4: {  	v0 =	vadd.f32 v0, v2;
	_ =	sdelay $0x1  }
0x6d5: {  	v0 =	vadd.f32 v1, v0;
	_ =	sdelay $0x1  }
0x6d6: {  	v0 =	vadd.f32 v3, v0;
	_ =	sdelay $0x1  }
0x6d7: {  	v0 =	vmul.f32 $7.629394530e-06, v0;
	_ =	sdelay $0x1  }
0x6d8: {  	s0 =	simm.s32 $0x1E200;
	[tilespmem:$0x1E200] =	vst v0  }
0x6d9: {  	[hbm4b:s12+s2] =	stream.linear.scatter [tilespmem:s0], [sflag:$0x5], $0x80, $0x38;
	[tilespmem:$0x1E280] =	vst v63  }
0x6da: {  	_ =	swait.ge [sflag:s25], $0x80  }
0x6db: {  	[sflag:s25] =	ssyncset.done $0x0  }
0x6dc: {  	s26 =	sadd.s32 $0x1, s26;
	[sflag:s25] =	ssyncadd.s32 $0xFFFFFF80  }
0x6dd: {  	p0 =	sne.s32 s26, s13;
	_ =	swait.ge [sflag:s17], $0xD000  }
.Ltmp18:
0x6de: {  	[sflag:s17] =	ssyncset.done $0x0;
	(pc) =	sbr.rel @p0 .LBB2_1-.Ltmp18, $4  }
0x6df: {  	[sflag:s17] =	ssyncadd.s32 $0xFFFF3000  }
0x6e0: {  	_ =	swait.ge [sflag:s18], $0xD000  }
0x6e1: {  	[sflag:s18] =	ssyncset.done $0x0  }
0x6e2: {  	[sflag:s18] =	ssyncadd.s32 $0xFFFF3000  }
0x6e3: {  	_ =	sfence.sel $0x180000  }
0x6e4: {  	[bflag:$0x0] =	sbarrier.arrive $0xFFFF  }
0x6e5: {  	_ =	strace $0x90000047  }
0x6e6: {  	s0 =	stileid.u32;
	[bflag:$0x2] =	sbarrier.arrive $0xFFFF  }
0x6e7: {  	p0 =	sne.s32 s0, $0x0;
	s0 =	rddreg [dreg:$0x4]  }
0x6e8: {  	s0 =	sadd.s32 @!p0 $0x100000, s0  }
0x6e9: {  	[sflag:s0] =	ssyncadd.tile.s32 @!p0 $0x1;
	_ =	shalt  }
.Lfunc_end2:
_tile_overlayer_lowered:
.L_overlay_start_2:
0x6ea: {  	(tag) =	ssettag $0x2  }
0x6eb: {  	s0 =	rddreg [dreg:$0x0];
	s2 =	stileid.u32  }
0x6ec: {  	s1 =	rddreg [dreg:$0x1];
	p0 =	sne.s32 s2, $0x0  }
0x6ed: {  	s3 =	rddreg [dreg:$0x2];
	[bflag:$0x3] =	sbarrier.arrive $0xFFFF;
	s2 =	simm.s32 @!p0 $0x1C05  }
0x6ee: {  	[timem:s3], [sflag:s2] =	dma.local @!p0 [hbm:s0], s1  }
0x6ef: {  	s0 =	simm.s32 @!p0 $0x5  }
0x6f0: {  	_ =	swait.ge @!p0 [sflag:s0], s1  }
0x6f1: {  	s1 =	ssub.s32 @!p0 $0x0, s1;
	[sflag:s0] =	ssyncset.done @!p0 $0x0  }
0x6f2: {  	[sflag:s0] =	ssyncadd.s32 @!p0 s1  }
0x6f3: {  	[bflag:$0x3] =	sbarrier.arrive $0xFFFF  }
0x6f4: {  	_ =	shalt  }

</sc_bundles>
